<compile_context>
chip_gen: v7x
topology: tpu7x:2x2x1
jax: 0.10.2.dev20260603
libtpu: 0.0.44.dev20260713+nightly
codegen_flags: <defaults>
</compile_context>

<pallas_src>
import functools

import jax
import jax.numpy as jnp
from jax import lax
from jax.experimental import pallas as pl
from jax.experimental.pallas import tpu as pltpu
from jax.experimental.pallas import tpu_sc as plsc

N = 10000
E = 160000
D = 128
NB = 32
S = 4
NCORES = 2
NSUB = 16
NW = NCORES * NSUB
EPT = E // NW
C = 25
NCH = EPT // C
DEPTH = 2
RPT = N // NSUB
ZR = 25
INV_T = 0.1
NVR = D // 16
SDMASK = 0x3FFF
ETMASK = 0x7FF


def _cast(x):
    return x.astype(jnp.int32) if x.dtype != jnp.int32 else x


_GDN = lax.GatherDimensionNumbers(
    offset_dims=(), collapsed_slice_dims=(0,), start_index_map=(0,))


def _vperm(x, idx):
    return lax.gather(x, idx[:, None], _GDN, slice_sizes=(1,),
                      mode=lax.GatherScatterMode.PROMISE_IN_BOUNDS)


def _edge_pass_body(h_hbm, pkr_hbm, wt_hbm, out_hbm,
                    pk_v, et_i, hs_v, w_v, msg_v, agg, *sems):
    sem_h = sems[:DEPTH]
    sem_w = sems[DEPTH:2 * DEPTH]
    sem_s = sems[2 * DEPTH:]
    c = lax.axis_index("c")
    s = lax.axis_index("s")
    wid = c * NSUB + s
    rbase = s * RPT

    def zrow(j, carry):
        zero = jnp.zeros((16,), jnp.float32)
        for v in range(NVR):
            msg_v[0][j, pl.ds(16 * v, 16)] = zero
        return carry
    lax.fori_loop(0, ZR, zrow, 0)
    for t in range(RPT // ZR):
        pltpu.async_copy(msg_v[0].at[pl.ds(0, ZR)],
                         agg.at[pl.ds(rbase + t * ZR, ZR)], sem_s[0])
    for t in range(RPT // ZR):
        pltpu.make_async_copy(msg_v[0].at[pl.ds(0, ZR)],
                              agg.at[pl.ds(rbase + t * ZR, ZR)],
                              sem_s[0]).wait()

    pltpu.sync_copy(pkr_hbm.at[wid], pk_v)
    plsc.subcore_barrier()

    iota = lax.iota(jnp.int32, 16)
    pat_a = (iota // S) * 2
    pats = (pat_a, pat_a + 1)

    def prep(g, r):
        for k in (0, C - 16):
            ev = pk_v[2 * NCH + g, pl.ds(k, 16)]
            et_i[r][pl.ds(k, 16)] = ev & ETMASK

    def gathers(g, r):
        return (
            pltpu.make_async_copy(h_hbm.at[pk_v.at[g]], hs_v[r], sem_h[r]),
            pltpu.make_async_copy(wt_hbm.at[et_i[r]], w_v[r], sem_w[r]),
        )

    def compute(g, r):
        def edge(le, ecarry):
            lev = jnp.full((16,), le, jnp.int32)
            en_i = plsc.load_gather(pk_v, [jnp.full((16,), 2 * NCH + g,
                                                    jnp.int32), lev])
            en = plsc.bitcast(en_i & jnp.int32(~ETMASK), jnp.float32)
            msk = msg_v[r]
            for u in range(NVR // 2):
                hab = hs_v[r][le, pl.ds(32 * u, 32)]
                eab = plsc.unpack(hab, format=plsc.PackFormat.INTERLEAVED)
                acc_a = None
                acc_b = None
                for i in range(S):
                    wab = w_v[r][le, pl.ds(32 * (S * i + u), 32)]
                    wa, wb = plsc.unpack(
                        wab, format=plsc.PackFormat.INTERLEAVED)
                    hsrc = eab[i % 2]
                    p = pats[i // 2]
                    ta = _vperm(hsrc, p) * wa
                    tb = _vperm(hsrc, p + 8) * wb
                    acc_a = ta if acc_a is None else acc_a + ta
                    acc_b = tb if acc_b is None else acc_b + tb
                msk[le, pl.ds(32 * u, 16)] = acc_a * en
                msk[le, pl.ds(32 * u + 16, 16)] = acc_b * en
            return ecarry
        lax.fori_loop(0, C, edge, 0)

    def scatter_start(g, r):
        pltpu.async_copy(msg_v[r], agg.at[pk_v.at[NCH + g]], sem_s[r],
                         add=True)

    def scatter_wait(g, r):
        pltpu.make_async_copy(msg_v[r], agg.at[pk_v.at[NCH + g]],
                              sem_s[r]).wait()

    for r in range(DEPTH):
        prep(jnp.int32(r), r)
        for cp in gathers(jnp.int32(r), r):
            cp.start()

    def piter(t, carry):
        g0 = DEPTH * t
        for r in range(DEPTH):
            g = g0 + r
            for cp in gathers(g, r):
                cp.wait()

            @pl.when(t > 0)
            def _():
                scatter_wait(g - DEPTH, r)
            compute(g, r)
            scatter_start(g, r)
            gn = jnp.minimum(g + DEPTH, NCH - 1)
            prep(gn, r)
            for cp in gathers(gn, r):
                cp.start()
        return carry
    lax.fori_loop(0, NCH // DEPTH, piter, 0)

    for r in range(DEPTH):
        for cp in gathers(jnp.int32(NCH - 1), r):
            cp.wait()
        scatter_wait(jnp.int32(NCH - DEPTH + r), r)

    plsc.subcore_barrier()
    pltpu.sync_copy(agg.at[pl.ds(rbase, RPT)],
                    out_hbm.at[c, pl.ds(rbase, RPT)])


_edge_pass = functools.partial(
    pl.kernel,
    mesh=plsc.VectorSubcoreMesh(core_axis_name="c", subcore_axis_name="s"),
    out_type=jax.ShapeDtypeStruct((NCORES, N, D), jnp.float32),
    scratch_types=(
        [pltpu.VMEM((3 * NCH, C), jnp.int32)]
        + [[pltpu.VMEM((C,), jnp.int32) for _ in range(DEPTH)]]
        + [[pltpu.VMEM((C, D), jnp.bfloat16) for _ in range(DEPTH)]]
        + [[pltpu.VMEM((C, S * D), jnp.bfloat16) for _ in range(DEPTH)]]
        + [[pltpu.VMEM((C, D), jnp.float32) for _ in range(DEPTH)]]
        + [pltpu.VMEM_SHARED((N, D), jnp.float32)]
        + [pltpu.SemaphoreType.DMA] * (3 * DEPTH)
    ),
    compiler_params=pltpu.CompilerParams(needs_layout_passes=False,
                                         use_tc_tiling_on_sc=False),
)(_edge_pass_body)


def _epi_body(act, emit_bf, agg_ref, nn_ref, td_ref, prev_ref, h_ref, tw_ref,
              lw_ref, out_ref, bf_ref=None):
    agg = agg_ref[0] + agg_ref[1]
    nn = nn_ref[...]
    td = td_ref[...]
    t = jnp.dot(prev_ref[...], tw_ref[...], preferred_element_type=jnp.float32)
    l = jnp.dot(h_ref[...], lw_ref[...], preferred_element_type=jnp.float32)
    r = agg * nn + t * jnp.exp(td * (-INV_T)) + l
    if act:
        r = jnp.maximum(r, 0.0)
    out_ref[...] = r
    if emit_bf:
        bf_ref[...] = r.astype(jnp.bfloat16)


def _epilogue(agg, nn, td, prev, h, tw, lw, act, emit_bf):
    R = 2000
    grid = (N // R,)
    out_shape = [jax.ShapeDtypeStruct((N, D), jnp.float32)]
    out_specs = [pl.BlockSpec((R, D), lambda i: (i, 0))]
    if emit_bf:
        out_shape.append(jax.ShapeDtypeStruct((N, D), jnp.bfloat16))
        out_specs.append(pl.BlockSpec((R, D), lambda i: (i, 0)))
    res = pl.pallas_call(
        functools.partial(_epi_body, act, emit_bf),
        grid=grid,
        in_specs=[
            pl.BlockSpec((NCORES, R, D), lambda i: (0, i, 0)),
            pl.BlockSpec((R, 1), lambda i: (i, 0)),
            pl.BlockSpec((R, 1), lambda i: (i, 0)),
            pl.BlockSpec((R, D), lambda i: (i, 0)),
            pl.BlockSpec((R, D), lambda i: (i, 0)),
            pl.BlockSpec((D, D), lambda i: (0, 0)),
            pl.BlockSpec((D, D), lambda i: (0, 0)),
        ],
        out_specs=out_specs,
        out_shape=out_shape,
    )(agg, nn, td, prev, h, tw, lw)
    return res if emit_bf else res[0]


def _wprep(w):
    wt = w.reshape(-1, NB, S, S).transpose(0, 2, 1, 3)
    wt = wt.reshape(-1, S, S, 2, 16).transpose(0, 1, 2, 4, 3)
    return wt.reshape(-1, NB * S * S).astype(jnp.bfloat16)


def kernel(x, edge_index, edge_type, edge_norm, node_norm,
           first_prev_graph_embeds, second_prev_graph_embeds,
           time_diff_tensor, W1, loop_w1, time_w1, W2, loop_w2, time_w2):
    src = _cast(edge_index[0])
    dst = _cast(edge_index[1])
    et = _cast(edge_type)
    en_bits = lax.bitcast_convert_type(edge_norm[:, 0], jnp.int32)
    nn = node_norm
    td = time_diff_tensor
    w1t = _wprep(W1)
    w2t = _wprep(W2)
    pk_ee = (en_bits & ~ETMASK) | et
    pkr = jnp.concatenate(
        [f.reshape(NW, NCH, C) for f in (src, dst, pk_ee)], axis=1)
    x_bf = x.astype(jnp.bfloat16)

    agg1 = _edge_pass(x_bf, pkr, w1t)
    h1, h1_bf = _epilogue(agg1, nn, td, first_prev_graph_embeds, x, time_w1,
                          loop_w1, act=False, emit_bf=True)
    agg2 = _edge_pass(h1_bf, pkr, w2t)
    h2 = _epilogue(agg2, nn, td, second_prev_graph_embeds, h1, time_w2,
                   loop_w2, act=True, emit_bf=False)
    return (h1, h2)

# --- scband reference (transcript-rebuilt; emitter-appended) ---
"""Pipeline reference for scband-drgcn-61332132987262 (READ-ONLY COPY).

The authoritative reference and input builder live on the scoring server;
editing this copy changes nothing except your own understanding.
"""

import jax, jax.numpy as jnp
import numpy as np

N = 10000
E = 160000
D_IN = 128
D_H = 128
NUM_RELS = 200
NREL2 = 2 * NUM_RELS
NB = 32
SI1 = D_IN // NB
SO1 = D_H // NB
SI2 = D_H // NB
SO2 = D_H // NB
INV_T = 0.1


def setup_inputs(seed: int = 0) -> dict:
    key = jax.random.key(seed)
    ks = jax.random.split(key, 14)
    x = jax.random.normal(ks[0], (N, D_IN), dtype=jnp.float32)
    edge_index = jax.random.randint(ks[1], (2, E), 0, N, dtype=jnp.int32)
    edge_type = jax.random.randint(ks[2], (E,), 0, NREL2, dtype=jnp.int32)
    edge_norm = jax.random.uniform(ks[3], (E, 1), dtype=jnp.float32)
    node_norm = jax.random.uniform(ks[4], (N, 1), dtype=jnp.float32)
    first_prev = jax.random.normal(ks[5], (N, D_IN), dtype=jnp.float32)
    second_prev = jax.random.normal(ks[6], (N, D_H), dtype=jnp.float32)
    time_diff = jax.random.uniform(ks[7], (N, 1), dtype=jnp.float32) * 5.0
    W1 = jax.random.normal(ks[8], (NREL2, NB * SI1 * SO1), dtype=jnp.float32) * 0.05
    loop_w1 = jax.random.normal(ks[9], (D_IN, D_H), dtype=jnp.float32) * 0.05
    time_w1 = jax.random.normal(ks[10], (D_IN, D_H), dtype=jnp.float32) * 0.05
    W2 = jax.random.normal(ks[11], (NREL2, NB * SI2 * SO2), dtype=jnp.float32) * 0.05
    loop_w2 = jax.random.normal(ks[12], (D_H, D_H), dtype=jnp.float32) * 0.05
    time_w2 = jax.random.normal(ks[13], (D_H, D_H), dtype=jnp.float32) * 0.05
    return {
        "x": x, "edge_index": edge_index, "edge_type": edge_type,
        "edge_norm": edge_norm, "node_norm": node_norm,
        "first_prev_graph_embeds": first_prev, "second_prev_graph_embeds": second_prev,
        "time_diff_tensor": time_diff,
        "W1": W1, "loop_w1": loop_w1, "time_w1": time_w1,
        "W2": W2, "loop_w2": loop_w2, "time_w2": time_w2,
    }


def _layer(h, prev, W, loop_w, time_w, src, dst, etype, enorm, nnorm, tdiff, si, so, act):
    # self-loop message (dropout is identity in eval / p=0.0)
    loop_msg = h @ loop_w
    # DRGCNBlockLayer.msg_func: per-edge relation-specific block-diagonal transform
    w = jnp.take(W, etype, axis=0).reshape(-1, si, so)          # [E*NB, si, so]
    node = jnp.take(h, src, axis=0).reshape(-1, 1, si)          # [E*NB, 1, si]
    msg = jnp.matmul(node, w).reshape(E, -1)                    # [E, out_feat]
    msg = msg * enorm
    # fn.sum(msg, out='h'): scatter-add to destination nodes
    agg = jax.ops.segment_sum(msg, dst, num_segments=N)         # [N, out_feat]
    # apply_func: h * node norm
    node_repr = agg * nnorm
    # temporal smoothing term
    node_repr = node_repr + (prev @ time_w) * jnp.exp(-tdiff * INV_T)
    # self loop (bias is None)
    node_repr = node_repr + loop_msg
    if act:
        node_repr = jax.nn.relu(node_repr)
    return node_repr


def reference(x, edge_index, edge_type, edge_norm, node_norm,
              first_prev_graph_embeds, second_prev_graph_embeds, time_diff_tensor,
              W1, loop_w1, time_w1, W2, loop_w2, time_w2):
    src = edge_index[0]
    dst = edge_index[1]
    h1 = _layer(x, first_prev_graph_embeds, W1, loop_w1, time_w1,
                src, dst, edge_type, edge_norm, node_norm, time_diff_tensor,
                SI1, SO1, False)
    h2 = _layer(h1, second_prev_graph_embeds, W2, loop_w2, time_w2,
                src, dst, edge_type, edge_norm, node_norm, time_diff_tensor,
                SI2, SO2, True)
    return (h1, h2)

if __name__ == "__main__":
    import jax
    _d = setup_inputs()
    print(jax.jit(kernel)(*tuple(_d.values())))

</pallas_src>

<mosaic_0001>
#map = affine_map<(d0, d1) -> (0, 0)>
#map1 = affine_map<(d0, d1) -> (0, 0, 0)>
module attributes {stable_mosaic.version = 14 : i64} {
  func.func @_edge_pass_body(%arg0: i32, %arg1: i32, %arg2: memref<10000x128xbf16, #tpu.memory_space<hbm>>, %arg3: memref<32x600x25xi32, #tpu.memory_space<hbm>>, %arg4: memref<400x512xbf16, #tpu.memory_space<hbm>>, %arg5: memref<2x10000x128xf32, #tpu.memory_space<hbm>>, %arg6: memref<600x25xi32, #tpu.memory_space<vmem>>, %arg7: memref<25xi32, #tpu.memory_space<vmem>>, %arg8: memref<25xi32, #tpu.memory_space<vmem>>, %arg9: memref<25x128xbf16, #tpu.memory_space<vmem>>, %arg10: memref<25x128xbf16, #tpu.memory_space<vmem>>, %arg11: memref<25x512xbf16, #tpu.memory_space<vmem>>, %arg12: memref<25x512xbf16, #tpu.memory_space<vmem>>, %arg13: memref<25x128xf32, #tpu.memory_space<vmem>>, %arg14: memref<25x128xf32, #tpu.memory_space<vmem>>, %arg15: memref<10000x128xf32, #tpu.memory_space<vmem_shared>>, %arg16: memref<!tpu.dma_semaphore, #tpu.memory_space<semaphore_mem>>, %arg17: memref<!tpu.dma_semaphore, #tpu.memory_space<semaphore_mem>>, %arg18: memref<!tpu.dma_semaphore, #tpu.memory_space<semaphore_mem>>, %arg19: memref<!tpu.dma_semaphore, #tpu.memory_space<semaphore_mem>>, %arg20: memref<!tpu.dma_semaphore, #tpu.memory_space<semaphore_mem>>, %arg21: memref<!tpu.dma_semaphore, #tpu.memory_space<semaphore_mem>>) attributes {dimension_semantics = [#tpu.dimension_semantics<core_parallel>, #tpu.dimension_semantics<subcore_parallel>], iteration_bounds = array<i64: 2, 16>, scalar_prefetch = 0 : i64, scratch_operands = 16 : i64, tpu.core_type = #tpu.core_type<sc_vector_subcore>, window_params = [{transform_indices = #map}, {transform_indices = #map1}, {transform_indices = #map}, {transform_indices = #map1}]} {
    %mul3A = arith.constant 16 : i32
    %mul3A_0 = arith.muli %arg0, %mul3A : i32
    %add3A = arith.addi %mul3A_0, %arg1 : i32
    %mul3A_1 = arith.constant 625 : i32
    %mul3A_2 = arith.muli %arg1, %mul3A_1 : i32
    %scan3A = arith.constant 0 : i32
    %scan3A_3 = arith.constant 0 : i32
    %scan3A_4 = arith.constant 25 : i32
    %scan3A_5 = arith.addi %scan3A_3, %scan3A_4 : i32
    %scan3A_6 = arith.constant 1 : i32
    scf.for %scan3A_742 = %scan3A_3 to %scan3A_5 step %scan3A_6  : i32 {
      %broadcast_in_dim3A = arith.constant 0.000000e+00 : f32
      %broadcast_in_dim3A_743 = vector.broadcast %broadcast_in_dim3A : f32 to vector<16xf32>
      %swap3A_744 = arith.index_cast %scan3A_742 : i32 to index
      %swap3A_745 = arith.constant 0 : index
      %swap3A_746 = tpu.vector_load %arg13[%swap3A_744, %swap3A_745] {strides = array<i32>} : memref<25x128xf32, #tpu.memory_space<vmem>>, vector<16xf32>,
      tpu.vector_store %arg13[%swap3A_744, %swap3A_745], %broadcast_in_dim3A_743 {strides = array<i32>} : memref<25x128xf32, #tpu.memory_space<vmem>>, vector<16xf32>,
      %swap3A_747 = arith.index_cast %scan3A_742 : i32 to index
      %swap3A_748 = arith.constant 16 : index
      %swap3A_749 = tpu.vector_load %arg13[%swap3A_747, %swap3A_748] {strides = array<i32>} : memref<25x128xf32, #tpu.memory_space<vmem>>, vector<16xf32>,
      tpu.vector_store %arg13[%swap3A_747, %swap3A_748], %broadcast_in_dim3A_743 {strides = array<i32>} : memref<25x128xf32, #tpu.memory_space<vmem>>, vector<16xf32>,
      %swap3A_750 = arith.index_cast %scan3A_742 : i32 to index
      %swap3A_751 = arith.constant 32 : index
      %swap3A_752 = tpu.vector_load %arg13[%swap3A_750, %swap3A_751] {strides = array<i32>} : memref<25x128xf32, #tpu.memory_space<vmem>>, vector<16xf32>,
      tpu.vector_store %arg13[%swap3A_750, %swap3A_751], %broadcast_in_dim3A_743 {strides = array<i32>} : memref<25x128xf32, #tpu.memory_space<vmem>>, vector<16xf32>,
      %swap3A_753 = arith.index_cast %scan3A_742 : i32 to index
      %swap3A_754 = arith.constant 48 : index
      %swap3A_755 = tpu.vector_load %arg13[%swap3A_753, %swap3A_754] {strides = array<i32>} : memref<25x128xf32, #tpu.memory_space<vmem>>, vector<16xf32>,
      tpu.vector_store %arg13[%swap3A_753, %swap3A_754], %broadcast_in_dim3A_743 {strides = array<i32>} : memref<25x128xf32, #tpu.memory_space<vmem>>, vector<16xf32>,
      %swap3A_756 = arith.index_cast %scan3A_742 : i32 to index
      %swap3A_757 = arith.constant 64 : index
      %swap3A_758 = tpu.vector_load %arg13[%swap3A_756, %swap3A_757] {strides = array<i32>} : memref<25x128xf32, #tpu.memory_space<vmem>>, vector<16xf32>,
      tpu.vector_store %arg13[%swap3A_756, %swap3A_757], %broadcast_in_dim3A_743 {strides = array<i32>} : memref<25x128xf32, #tpu.memory_space<vmem>>, vector<16xf32>,
      %swap3A_759 = arith.index_cast %scan3A_742 : i32 to index
      %swap3A_760 = arith.constant 80 : index
      %swap3A_761 = tpu.vector_load %arg13[%swap3A_759, %swap3A_760] {strides = array<i32>} : memref<25x128xf32, #tpu.memory_space<vmem>>, vector<16xf32>,
      tpu.vector_store %arg13[%swap3A_759, %swap3A_760], %broadcast_in_dim3A_743 {strides = array<i32>} : memref<25x128xf32, #tpu.memory_space<vmem>>, vector<16xf32>,
      %swap3A_762 = arith.index_cast %scan3A_742 : i32 to index
      %swap3A_763 = arith.constant 96 : index
      %swap3A_764 = tpu.vector_load %arg13[%swap3A_762, %swap3A_763] {strides = array<i32>} : memref<25x128xf32, #tpu.memory_space<vmem>>, vector<16xf32>,
      tpu.vector_store %arg13[%swap3A_762, %swap3A_763], %broadcast_in_dim3A_743 {strides = array<i32>} : memref<25x128xf32, #tpu.memory_space<vmem>>, vector<16xf32>,
      %swap3A_765 = arith.index_cast %scan3A_742 : i32 to index
      %swap3A_766 = arith.constant 112 : index
      %swap3A_767 = tpu.vector_load %arg13[%swap3A_765, %swap3A_766] {strides = array<i32>} : memref<25x128xf32, #tpu.memory_space<vmem>>, vector<16xf32>,
      tpu.vector_store %arg13[%swap3A_765, %swap3A_766], %broadcast_in_dim3A_743 {strides = array<i32>} : memref<25x128xf32, #tpu.memory_space<vmem>>, vector<16xf32>,
    }
    %scan3A_7 = arith.constant 25 : i32
    %add3A_8 = arith.constant 0 : i32
    %add3A_9 = arith.addi %mul3A_2, %add3A_8 : i32
    %dma_start3A = arith.constant 0 : i32
    %dma_start3A_10 = arith.constant 0 : i32
    %dma_start3A_11 = tpu.memref_slice %arg13[%dma_start3A, %dma_start3A_10] : memref<25x128xf32, #tpu.memory_space<vmem>> -> memref<25x128xf32, #tpu.memory_space<vmem>>
    %dma_start3A_12 = arith.constant 0 : i32
    %dma_start3A_13 = tpu.memref_slice %arg15[%add3A_9, %dma_start3A_12] : memref<10000x128xf32, #tpu.memory_space<vmem_shared>> -> memref<25x128xf32, #tpu.memory_space<vmem_shared>>
    %dma_start3A_14 = arith.constant 0 : i32
    %dma_start3A_15 = tpu.memref_slice %arg15[%add3A_9, %dma_start3A_14] : memref<10000x128xf32, #tpu.memory_space<vmem_shared>> -> memref<25x128xf32, #tpu.memory_space<vmem_shared>>
    %dma_start3A_16 = arith.constant 0 : i32
    %dma_start3A_17 = arith.constant 0 : i32
    %dma_start3A_18 = tpu.memref_slice %arg13[%dma_start3A_16, %dma_start3A_17] : memref<25x128xf32, #tpu.memory_space<vmem>> -> memref<25x128xf32, #tpu.memory_space<vmem>>
    tpu.enqueue_dma source(%dma_start3A_18 : memref<25x128xf32, #tpu.memory_space<vmem>>) target(%dma_start3A_15 : memref<25x128xf32, #tpu.memory_space<vmem_shared>>) target_semaphore(%arg20 : memref<!tpu.dma_semaphore, #tpu.memory_space<semaphore_mem>>)
    %add3A_19 = arith.constant 25 : i32
    %add3A_20 = arith.addi %mul3A_2, %add3A_19 : i32
    %dma_start3A_21 = arith.constant 0 : i32
    %dma_start3A_22 = arith.constant 0 : i32
    %dma_start3A_23 = tpu.memref_slice %arg13[%dma_start3A_21, %dma_start3A_22] : memref<25x128xf32, #tpu.memory_space<vmem>> -> memref<25x128xf32, #tpu.memory_space<vmem>>
    %dma_start3A_24 = arith.constant 0 : i32
    %dma_start3A_25 = tpu.memref_slice %arg15[%add3A_20, %dma_start3A_24] : memref<10000x128xf32, #tpu.memory_space<vmem_shared>> -> memref<25x128xf32, #tpu.memory_space<vmem_shared>>
    %dma_start3A_26 = arith.constant 0 : i32
    %dma_start3A_27 = tpu.memref_slice %arg15[%add3A_20, %dma_start3A_26] : memref<10000x128xf32, #tpu.memory_space<vmem_shared>> -> memref<25x128xf32, #tpu.memory_space<vmem_shared>>
    %dma_start3A_28 = arith.constant 0 : i32
    %dma_start3A_29 = arith.constant 0 : i32
    %dma_start3A_30 = tpu.memref_slice %arg13[%dma_start3A_28, %dma_start3A_29] : memref<25x128xf32, #tpu.memory_space<vmem>> -> memref<25x128xf32, #tpu.memory_space<vmem>>
    tpu.enqueue_dma source(%dma_start3A_30 : memref<25x128xf32, #tpu.memory_space<vmem>>) target(%dma_start3A_27 : memref<25x128xf32, #tpu.memory_space<vmem_shared>>) target_semaphore(%arg20 : memref<!tpu.dma_semaphore, #tpu.memory_space<semaphore_mem>>)
    %add3A_31 = arith.constant 50 : i32
    %add3A_32 = arith.addi %mul3A_2, %add3A_31 : i32
    %dma_start3A_33 = arith.constant 0 : i32
    %dma_start3A_34 = arith.constant 0 : i32
    %dma_start3A_35 = tpu.memref_slice %arg13[%dma_start3A_33, %dma_start3A_34] : memref<25x128xf32, #tpu.memory_space<vmem>> -> memref<25x128xf32, #tpu.memory_space<vmem>>
    %dma_start3A_36 = arith.constant 0 : i32
    %dma_start3A_37 = tpu.memref_slice %arg15[%add3A_32, %dma_start3A_36] : memref<10000x128xf32, #tpu.memory_space<vmem_shared>> -> memref<25x128xf32, #tpu.memory_space<vmem_shared>>
    %dma_start3A_38 = arith.constant 0 : i32
    %dma_start3A_39 = tpu.memref_slice %arg15[%add3A_32, %dma_start3A_38] : memref<10000x128xf32, #tpu.memory_space<vmem_shared>> -> memref<25x128xf32, #tpu.memory_space<vmem_shared>>
    %dma_start3A_40 = arith.constant 0 : i32
    %dma_start3A_41 = arith.constant 0 : i32
    %dma_start3A_42 = tpu.memref_slice %arg13[%dma_start3A_40, %dma_start3A_41] : memref<25x128xf32, #tpu.memory_space<vmem>> -> memref<25x128xf32, #tpu.memory_space<vmem>>
    tpu.enqueue_dma source(%dma_start3A_42 : memref<25x128xf32, #tpu.memory_space<vmem>>) target(%dma_start3A_39 : memref<25x128xf32, #tpu.memory_space<vmem_shared>>) target_semaphore(%arg20 : memref<!tpu.dma_semaphore, #tpu.memory_space<semaphore_mem>>)
    %add3A_43 = arith.constant 75 : i32
    %add3A_44 = arith.addi %mul3A_2, %add3A_43 : i32
    %dma_start3A_45 = arith.constant 0 : i32
    %dma_start3A_46 = arith.constant 0 : i32
    %dma_start3A_47 = tpu.memref_slice %arg13[%dma_start3A_45, %dma_start3A_46] : memref<25x128xf32, #tpu.memory_space<vmem>> -> memref<25x128xf32, #tpu.memory_space<vmem>>
    %dma_start3A_48 = arith.constant 0 : i32
    %dma_start3A_49 = tpu.memref_slice %arg15[%add3A_44, %dma_start3A_48] : memref<10000x128xf32, #tpu.memory_space<vmem_shared>> -> memref<25x128xf32, #tpu.memory_space<vmem_shared>>
    %dma_start3A_50 = arith.constant 0 : i32
    %dma_start3A_51 = tpu.memref_slice %arg15[%add3A_44, %dma_start3A_50] : memref<10000x128xf32, #tpu.memory_space<vmem_shared>> -> memref<25x128xf32, #tpu.memory_space<vmem_shared>>
    %dma_start3A_52 = arith.constant 0 : i32
    %dma_start3A_53 = arith.constant 0 : i32
    %dma_start3A_54 = tpu.memref_slice %arg13[%dma_start3A_52, %dma_start3A_53] : memref<25x128xf32, #tpu.memory_space<vmem>> -> memref<25x128xf32, #tpu.memory_space<vmem>>
    tpu.enqueue_dma source(%dma_start3A_54 : memref<25x128xf32, #tpu.memory_space<vmem>>) target(%dma_start3A_51 : memref<25x128xf32, #tpu.memory_space<vmem_shared>>) target_semaphore(%arg20 : memref<!tpu.dma_semaphore, #tpu.memory_space<semaphore_mem>>)
    %add3A_55 = arith.constant 100 : i32
    %add3A_56 = arith.addi %mul3A_2, %add3A_55 : i32
    %dma_start3A_57 = arith.constant 0 : i32
    %dma_start3A_58 = arith.constant 0 : i32
    %dma_start3A_59 = tpu.memref_slice %arg13[%dma_start3A_57, %dma_start3A_58] : memref<25x128xf32, #tpu.memory_space<vmem>> -> memref<25x128xf32, #tpu.memory_space<vmem>>
    %dma_start3A_60 = arith.constant 0 : i32
    %dma_start3A_61 = tpu.memref_slice %arg15[%add3A_56, %dma_start3A_60] : memref<10000x128xf32, #tpu.memory_space<vmem_shared>> -> memref<25x128xf32, #tpu.memory_space<vmem_shared>>
    %dma_start3A_62 = arith.constant 0 : i32
    %dma_start3A_63 = tpu.memref_slice %arg15[%add3A_56, %dma_start3A_62] : memref<10000x128xf32, #tpu.memory_space<vmem_shared>> -> memref<25x128xf32, #tpu.memory_space<vmem_shared>>
    %dma_start3A_64 = arith.constant 0 : i32
    %dma_start3A_65 = arith.constant 0 : i32
    %dma_start3A_66 = tpu.memref_slice %arg13[%dma_start3A_64, %dma_start3A_65] : memref<25x128xf32, #tpu.memory_space<vmem>> -> memref<25x128xf32, #tpu.memory_space<vmem>>
    tpu.enqueue_dma source(%dma_start3A_66 : memref<25x128xf32, #tpu.memory_space<vmem>>) target(%dma_start3A_63 : memref<25x128xf32, #tpu.memory_space<vmem_shared>>) target_semaphore(%arg20 : memref<!tpu.dma_semaphore, #tpu.memory_space<semaphore_mem>>)
    %add3A_67 = arith.constant 125 : i32
    %add3A_68 = arith.addi %mul3A_2, %add3A_67 : i32
    %dma_start3A_69 = arith.constant 0 : i32
    %dma_start3A_70 = arith.constant 0 : i32
    %dma_start3A_71 = tpu.memref_slice %arg13[%dma_start3A_69, %dma_start3A_70] : memref<25x128xf32, #tpu.memory_space<vmem>> -> memref<25x128xf32, #tpu.memory_space<vmem>>
    %dma_start3A_72 = arith.constant 0 : i32
    %dma_start3A_73 = tpu.memref_slice %arg15[%add3A_68, %dma_start3A_72] : memref<10000x128xf32, #tpu.memory_space<vmem_shared>> -> memref<25x128xf32, #tpu.memory_space<vmem_shared>>
    %dma_start3A_74 = arith.constant 0 : i32
    %dma_start3A_75 = tpu.memref_slice %arg15[%add3A_68, %dma_start3A_74] : memref<10000x128xf32, #tpu.memory_space<vmem_shared>> -> memref<25x128xf32, #tpu.memory_space<vmem_shared>>
    %dma_start3A_76 = arith.constant 0 : i32
    %dma_start3A_77 = arith.constant 0 : i32
    %dma_start3A_78 = tpu.memref_slice %arg13[%dma_start3A_76, %dma_start3A_77] : memref<25x128xf32, #tpu.memory_space<vmem>> -> memref<25x128xf32, #tpu.memory_space<vmem>>
    tpu.enqueue_dma source(%dma_start3A_78 : memref<25x128xf32, #tpu.memory_space<vmem>>) target(%dma_start3A_75 : memref<25x128xf32, #tpu.memory_space<vmem_shared>>) target_semaphore(%arg20 : memref<!tpu.dma_semaphore, #tpu.memory_space<semaphore_mem>>)
    %add3A_79 = arith.constant 150 : i32
    %add3A_80 = arith.addi %mul3A_2, %add3A_79 : i32
    %dma_start3A_81 = arith.constant 0 : i32
    %dma_start3A_82 = arith.constant 0 : i32
    %dma_start3A_83 = tpu.memref_slice %arg13[%dma_start3A_81, %dma_start3A_82] : memref<25x128xf32, #tpu.memory_space<vmem>> -> memref<25x128xf32, #tpu.memory_space<vmem>>
    %dma_start3A_84 = arith.constant 0 : i32
    %dma_start3A_85 = tpu.memref_slice %arg15[%add3A_80, %dma_start3A_84] : memref<10000x128xf32, #tpu.memory_space<vmem_shared>> -> memref<25x128xf32, #tpu.memory_space<vmem_shared>>
    %dma_start3A_86 = arith.constant 0 : i32
    %dma_start3A_87 = tpu.memref_slice %arg15[%add3A_80, %dma_start3A_86] : memref<10000x128xf32, #tpu.memory_space<vmem_shared>> -> memref<25x128xf32, #tpu.memory_space<vmem_shared>>
    %dma_start3A_88 = arith.constant 0 : i32
    %dma_start3A_89 = arith.constant 0 : i32
    %dma_start3A_90 = tpu.memref_slice %arg13[%dma_start3A_88, %dma_start3A_89] : memref<25x128xf32, #tpu.memory_space<vmem>> -> memref<25x128xf32, #tpu.memory_space<vmem>>
    tpu.enqueue_dma source(%dma_start3A_90 : memref<25x128xf32, #tpu.memory_space<vmem>>) target(%dma_start3A_87 : memref<25x128xf32, #tpu.memory_space<vmem_shared>>) target_semaphore(%arg20 : memref<!tpu.dma_semaphore, #tpu.memory_space<semaphore_mem>>)
    %add3A_91 = arith.constant 175 : i32
    %add3A_92 = arith.addi %mul3A_2, %add3A_91 : i32
    %dma_start3A_93 = arith.constant 0 : i32
    %dma_start3A_94 = arith.constant 0 : i32
    %dma_start3A_95 = tpu.memref_slice %arg13[%dma_start3A_93, %dma_start3A_94] : memref<25x128xf32, #tpu.memory_space<vmem>> -> memref<25x128xf32, #tpu.memory_space<vmem>>
    %dma_start3A_96 = arith.constant 0 : i32
    %dma_start3A_97 = tpu.memref_slice %arg15[%add3A_92, %dma_start3A_96] : memref<10000x128xf32, #tpu.memory_space<vmem_shared>> -> memref<25x128xf32, #tpu.memory_space<vmem_shared>>
    %dma_start3A_98 = arith.constant 0 : i32
    %dma_start3A_99 = tpu.memref_slice %arg15[%add3A_92, %dma_start3A_98] : memref<10000x128xf32, #tpu.memory_space<vmem_shared>> -> memref<25x128xf32, #tpu.memory_space<vmem_shared>>
    %dma_start3A_100 = arith.constant 0 : i32
    %dma_start3A_101 = arith.constant 0 : i32
    %dma_start3A_102 = tpu.memref_slice %arg13[%dma_start3A_100, %dma_start3A_101] : memref<25x128xf32, #tpu.memory_space<vmem>> -> memref<25x128xf32, #tpu.memory_space<vmem>>
    tpu.enqueue_dma source(%dma_start3A_102 : memref<25x128xf32, #tpu.memory_space<vmem>>) target(%dma_start3A_99 : memref<25x128xf32, #tpu.memory_space<vmem_shared>>) target_semaphore(%arg20 : memref<!tpu.dma_semaphore, #tpu.memory_space<semaphore_mem>>)
    %add3A_103 = arith.constant 200 : i32
    %add3A_104 = arith.addi %mul3A_2, %add3A_103 : i32
    %dma_start3A_105 = arith.constant 0 : i32
    %dma_start3A_106 = arith.constant 0 : i32
    %dma_start3A_107 = tpu.memref_slice %arg13[%dma_start3A_105, %dma_start3A_106] : memref<25x128xf32, #tpu.memory_space<vmem>> -> memref<25x128xf32, #tpu.memory_space<vmem>>
    %dma_start3A_108 = arith.constant 0 : i32
    %dma_start3A_109 = tpu.memref_slice %arg15[%add3A_104, %dma_start3A_108] : memref<10000x128xf32, #tpu.memory_space<vmem_shared>> -> memref<25x128xf32, #tpu.memory_space<vmem_shared>>
    %dma_start3A_110 = arith.constant 0 : i32
    %dma_start3A_111 = tpu.memref_slice %arg15[%add3A_104, %dma_start3A_110] : memref<10000x128xf32, #tpu.memory_space<vmem_shared>> -> memref<25x128xf32, #tpu.memory_space<vmem_shared>>
    %dma_start3A_112 = arith.constant 0 : i32
    %dma_start3A_113 = arith.constant 0 : i32
    %dma_start3A_114 = tpu.memref_slice %arg13[%dma_start3A_112, %dma_start3A_113] : memref<25x128xf32, #tpu.memory_space<vmem>> -> memref<25x128xf32, #tpu.memory_space<vmem>>
    tpu.enqueue_dma source(%dma_start3A_114 : memref<25x128xf32, #tpu.memory_space<vmem>>) target(%dma_start3A_111 : memref<25x128xf32, #tpu.memory_space<vmem_shared>>) target_semaphore(%arg20 : memref<!tpu.dma_semaphore, #tpu.memory_space<semaphore_mem>>)
    %add3A_115 = arith.constant 225 : i32
    %add3A_116 = arith.addi %mul3A_2, %add3A_115 : i32
    %dma_start3A_117 = arith.constant 0 : i32
    %dma_start3A_118 = arith.constant 0 : i32
    %dma_start3A_119 = tpu.memref_slice %arg13[%dma_start3A_117, %dma_start3A_118] : memref<25x128xf32, #tpu.memory_space<vmem>> -> memref<25x128xf32, #tpu.memory_space<vmem>>
    %dma_start3A_120 = arith.constant 0 : i32
    %dma_start3A_121 = tpu.memref_slice %arg15[%add3A_116, %dma_start3A_120] : memref<10000x128xf32, #tpu.memory_space<vmem_shared>> -> memref<25x128xf32, #tpu.memory_space<vmem_shared>>
    %dma_start3A_122 = arith.constant 0 : i32
    %dma_start3A_123 = tpu.memref_slice %arg15[%add3A_116, %dma_start3A_122] : memref<10000x128xf32, #tpu.memory_space<vmem_shared>> -> memref<25x128xf32, #tpu.memory_space<vmem_shared>>
    %dma_start3A_124 = arith.constant 0 : i32
    %dma_start3A_125 = arith.constant 0 : i32
    %dma_start3A_126 = tpu.memref_slice %arg13[%dma_start3A_124, %dma_start3A_125] : memref<25x128xf32, #tpu.memory_space<vmem>> -> memref<25x128xf32, #tpu.memory_space<vmem>>
    tpu.enqueue_dma source(%dma_start3A_126 : memref<25x128xf32, #tpu.memory_space<vmem>>) target(%dma_start3A_123 : memref<25x128xf32, #tpu.memory_space<vmem_shared>>) target_semaphore(%arg20 : memref<!tpu.dma_semaphore, #tpu.memory_space<semaphore_mem>>)
    %add3A_127 = arith.constant 250 : i32
    %add3A_128 = arith.addi %mul3A_2, %add3A_127 : i32
    %dma_start3A_129 = arith.constant 0 : i32
    %dma_start3A_130 = arith.constant 0 : i32
    %dma_start3A_131 = tpu.memref_slice %arg13[%dma_start3A_129, %dma_start3A_130] : memref<25x128xf32, #tpu.memory_space<vmem>> -> memref<25x128xf32, #tpu.memory_space<vmem>>
    %dma_start3A_132 = arith.constant 0 : i32
    %dma_start3A_133 = tpu.memref_slice %arg15[%add3A_128, %dma_start3A_132] : memref<10000x128xf32, #tpu.memory_space<vmem_shared>> -> memref<25x128xf32, #tpu.memory_space<vmem_shared>>
    %dma_start3A_134 = arith.constant 0 : i32
    %dma_start3A_135 = tpu.memref_slice %arg15[%add3A_128, %dma_start3A_134] : memref<10000x128xf32, #tpu.memory_space<vmem_shared>> -> memref<25x128xf32, #tpu.memory_space<vmem_shared>>
    %dma_start3A_136 = arith.constant 0 : i32
    %dma_start3A_137 = arith.constant 0 : i32
    %dma_start3A_138 = tpu.memref_slice %arg13[%dma_start3A_136, %dma_start3A_137] : memref<25x128xf32, #tpu.memory_space<vmem>> -> memref<25x128xf32, #tpu.memory_space<vmem>>
    tpu.enqueue_dma source(%dma_start3A_138 : memref<25x128xf32, #tpu.memory_space<vmem>>) target(%dma_start3A_135 : memref<25x128xf32, #tpu.memory_space<vmem_shared>>) target_semaphore(%arg20 : memref<!tpu.dma_semaphore, #tpu.memory_space<semaphore_mem>>)
    %add3A_139 = arith.constant 275 : i32
    %add3A_140 = arith.addi %mul3A_2, %add3A_139 : i32
    %dma_start3A_141 = arith.constant 0 : i32
    %dma_start3A_142 = arith.constant 0 : i32
    %dma_start3A_143 = tpu.memref_slice %arg13[%dma_start3A_141, %dma_start3A_142] : memref<25x128xf32, #tpu.memory_space<vmem>> -> memref<25x128xf32, #tpu.memory_space<vmem>>
    %dma_start3A_144 = arith.constant 0 : i32
    %dma_start3A_145 = tpu.memref_slice %arg15[%add3A_140, %dma_start3A_144] : memref<10000x128xf32, #tpu.memory_space<vmem_shared>> -> memref<25x128xf32, #tpu.memory_space<vmem_shared>>
    %dma_start3A_146 = arith.constant 0 : i32
    %dma_start3A_147 = tpu.memref_slice %arg15[%add3A_140, %dma_start3A_146] : memref<10000x128xf32, #tpu.memory_space<vmem_shared>> -> memref<25x128xf32, #tpu.memory_space<vmem_shared>>
    %dma_start3A_148 = arith.constant 0 : i32
    %dma_start3A_149 = arith.constant 0 : i32
    %dma_start3A_150 = tpu.memref_slice %arg13[%dma_start3A_148, %dma_start3A_149] : memref<25x128xf32, #tpu.memory_space<vmem>> -> memref<25x128xf32, #tpu.memory_space<vmem>>
    tpu.enqueue_dma source(%dma_start3A_150 : memref<25x128xf32, #tpu.memory_space<vmem>>) target(%dma_start3A_147 : memref<25x128xf32, #tpu.memory_space<vmem_shared>>) target_semaphore(%arg20 : memref<!tpu.dma_semaphore, #tpu.memory_space<semaphore_mem>>)
    %add3A_151 = arith.constant 300 : i32
    %add3A_152 = arith.addi %mul3A_2, %add3A_151 : i32
    %dma_start3A_153 = arith.constant 0 : i32
    %dma_start3A_154 = arith.constant 0 : i32
    %dma_start3A_155 = tpu.memref_slice %arg13[%dma_start3A_153, %dma_start3A_154] : memref<25x128xf32, #tpu.memory_space<vmem>> -> memref<25x128xf32, #tpu.memory_space<vmem>>
    %dma_start3A_156 = arith.constant 0 : i32
    %dma_start3A_157 = tpu.memref_slice %arg15[%add3A_152, %dma_start3A_156] : memref<10000x128xf32, #tpu.memory_space<vmem_shared>> -> memref<25x128xf32, #tpu.memory_space<vmem_shared>>
    %dma_start3A_158 = arith.constant 0 : i32
    %dma_start3A_159 = tpu.memref_slice %arg15[%add3A_152, %dma_start3A_158] : memref<10000x128xf32, #tpu.memory_space<vmem_shared>> -> memref<25x128xf32, #tpu.memory_space<vmem_shared>>
    %dma_start3A_160 = arith.constant 0 : i32
    %dma_start3A_161 = arith.constant 0 : i32
    %dma_start3A_162 = tpu.memref_slice %arg13[%dma_start3A_160, %dma_start3A_161] : memref<25x128xf32, #tpu.memory_space<vmem>> -> memref<25x128xf32, #tpu.memory_space<vmem>>
    tpu.enqueue_dma source(%dma_start3A_162 : memref<25x128xf32, #tpu.memory_space<vmem>>) target(%dma_start3A_159 : memref<25x128xf32, #tpu.memory_space<vmem_shared>>) target_semaphore(%arg20 : memref<!tpu.dma_semaphore, #tpu.memory_space<semaphore_mem>>)
    %add3A_163 = arith.constant 325 : i32
    %add3A_164 = arith.addi %mul3A_2, %add3A_163 : i32
    %dma_start3A_165 = arith.constant 0 : i32
    %dma_start3A_166 = arith.constant 0 : i32
    %dma_start3A_167 = tpu.memref_slice %arg13[%dma_start3A_165, %dma_start3A_166] : memref<25x128xf32, #tpu.memory_space<vmem>> -> memref<25x128xf32, #tpu.memory_space<vmem>>
    %dma_start3A_168 = arith.constant 0 : i32
    %dma_start3A_169 = tpu.memref_slice %arg15[%add3A_164, %dma_start3A_168] : memref<10000x128xf32, #tpu.memory_space<vmem_shared>> -> memref<25x128xf32, #tpu.memory_space<vmem_shared>>
    %dma_start3A_170 = arith.constant 0 : i32
    %dma_start3A_171 = tpu.memref_slice %arg15[%add3A_164, %dma_start3A_170] : memref<10000x128xf32, #tpu.memory_space<vmem_shared>> -> memref<25x128xf32, #tpu.memory_space<vmem_shared>>
    %dma_start3A_172 = arith.constant 0 : i32
    %dma_start3A_173 = arith.constant 0 : i32
    %dma_start3A_174 = tpu.memref_slice %arg13[%dma_start3A_172, %dma_start3A_173] : memref<25x128xf32, #tpu.memory_space<vmem>> -> memref<25x128xf32, #tpu.memory_space<vmem>>
    tpu.enqueue_dma source(%dma_start3A_174 : memref<25x128xf32, #tpu.memory_space<vmem>>) target(%dma_start3A_171 : memref<25x128xf32, #tpu.memory_space<vmem_shared>>) target_semaphore(%arg20 : memref<!tpu.dma_semaphore, #tpu.memory_space<semaphore_mem>>)
    %add3A_175 = arith.constant 350 : i32
    %add3A_176 = arith.addi %mul3A_2, %add3A_175 : i32
    %dma_start3A_177 = arith.constant 0 : i32
    %dma_start3A_178 = arith.constant 0 : i32
    %dma_start3A_179 = tpu.memref_slice %arg13[%dma_start3A_177, %dma_start3A_178] : memref<25x128xf32, #tpu.memory_space<vmem>> -> memref<25x128xf32, #tpu.memory_space<vmem>>
    %dma_start3A_180 = arith.constant 0 : i32
    %dma_start3A_181 = tpu.memref_slice %arg15[%add3A_176, %dma_start3A_180] : memref<10000x128xf32, #tpu.memory_space<vmem_shared>> -> memref<25x128xf32, #tpu.memory_space<vmem_shared>>
    %dma_start3A_182 = arith.constant 0 : i32
    %dma_start3A_183 = tpu.memref_slice %arg15[%add3A_176, %dma_start3A_182] : memref<10000x128xf32, #tpu.memory_space<vmem_shared>> -> memref<25x128xf32, #tpu.memory_space<vmem_shared>>
    %dma_start3A_184 = arith.constant 0 : i32
    %dma_start3A_185 = arith.constant 0 : i32
    %dma_start3A_186 = tpu.memref_slice %arg13[%dma_start3A_184, %dma_start3A_185] : memref<25x128xf32, #tpu.memory_space<vmem>> -> memref<25x128xf32, #tpu.memory_space<vmem>>
    tpu.enqueue_dma source(%dma_start3A_186 : memref<25x128xf32, #tpu.memory_space<vmem>>) target(%dma_start3A_183 : memref<25x128xf32, #tpu.memory_space<vmem_shared>>) target_semaphore(%arg20 : memref<!tpu.dma_semaphore, #tpu.memory_space<semaphore_mem>>)
    %add3A_187 = arith.constant 375 : i32
    %add3A_188 = arith.addi %mul3A_2, %add3A_187 : i32
    %dma_start3A_189 = arith.constant 0 : i32
    %dma_start3A_190 = arith.constant 0 : i32
    %dma_start3A_191 = tpu.memref_slice %arg13[%dma_start3A_189, %dma_start3A_190] : memref<25x128xf32, #tpu.memory_space<vmem>> -> memref<25x128xf32, #tpu.memory_space<vmem>>
    %dma_start3A_192 = arith.constant 0 : i32
    %dma_start3A_193 = tpu.memref_slice %arg15[%add3A_188, %dma_start3A_192] : memref<10000x128xf32, #tpu.memory_space<vmem_shared>> -> memref<25x128xf32, #tpu.memory_space<vmem_shared>>
    %dma_start3A_194 = arith.constant 0 : i32
    %dma_start3A_195 = tpu.memref_slice %arg15[%add3A_188, %dma_start3A_194] : memref<10000x128xf32, #tpu.memory_space<vmem_shared>> -> memref<25x128xf32, #tpu.memory_space<vmem_shared>>
    %dma_start3A_196 = arith.constant 0 : i32
    %dma_start3A_197 = arith.constant 0 : i32
    %dma_start3A_198 = tpu.memref_slice %arg13[%dma_start3A_196, %dma_start3A_197] : memref<25x128xf32, #tpu.memory_space<vmem>> -> memref<25x128xf32, #tpu.memory_space<vmem>>
    tpu.enqueue_dma source(%dma_start3A_198 : memref<25x128xf32, #tpu.memory_space<vmem>>) target(%dma_start3A_195 : memref<25x128xf32, #tpu.memory_space<vmem_shared>>) target_semaphore(%arg20 : memref<!tpu.dma_semaphore, #tpu.memory_space<semaphore_mem>>)
    %add3A_199 = arith.constant 400 : i32
    %add3A_200 = arith.addi %mul3A_2, %add3A_199 : i32
    %dma_start3A_201 = arith.constant 0 : i32
    %dma_start3A_202 = arith.constant 0 : i32
    %dma_start3A_203 = tpu.memref_slice %arg13[%dma_start3A_201, %dma_start3A_202] : memref<25x128xf32, #tpu.memory_space<vmem>> -> memref<25x128xf32, #tpu.memory_space<vmem>>
    %dma_start3A_204 = arith.constant 0 : i32
    %dma_start3A_205 = tpu.memref_slice %arg15[%add3A_200, %dma_start3A_204] : memref<10000x128xf32, #tpu.memory_space<vmem_shared>> -> memref<25x128xf32, #tpu.memory_space<vmem_shared>>
    %dma_start3A_206 = arith.constant 0 : i32
    %dma_start3A_207 = tpu.memref_slice %arg15[%add3A_200, %dma_start3A_206] : memref<10000x128xf32, #tpu.memory_space<vmem_shared>> -> memref<25x128xf32, #tpu.memory_space<vmem_shared>>
    %dma_start3A_208 = arith.constant 0 : i32
    %dma_start3A_209 = arith.constant 0 : i32
    %dma_start3A_210 = tpu.memref_slice %arg13[%dma_start3A_208, %dma_start3A_209] : memref<25x128xf32, #tpu.memory_space<vmem>> -> memref<25x128xf32, #tpu.memory_space<vmem>>
    tpu.enqueue_dma source(%dma_start3A_210 : memref<25x128xf32, #tpu.memory_space<vmem>>) target(%dma_start3A_207 : memref<25x128xf32, #tpu.memory_space<vmem_shared>>) target_semaphore(%arg20 : memref<!tpu.dma_semaphore, #tpu.memory_space<semaphore_mem>>)
    %add3A_211 = arith.constant 425 : i32
    %add3A_212 = arith.addi %mul3A_2, %add3A_211 : i32
    %dma_start3A_213 = arith.constant 0 : i32
    %dma_start3A_214 = arith.constant 0 : i32
    %dma_start3A_215 = tpu.memref_slice %arg13[%dma_start3A_213, %dma_start3A_214] : memref<25x128xf32, #tpu.memory_space<vmem>> -> memref<25x128xf32, #tpu.memory_space<vmem>>
    %dma_start3A_216 = arith.constant 0 : i32
    %dma_start3A_217 = tpu.memref_slice %arg15[%add3A_212, %dma_start3A_216] : memref<10000x128xf32, #tpu.memory_space<vmem_shared>> -> memref<25x128xf32, #tpu.memory_space<vmem_shared>>
    %dma_start3A_218 = arith.constant 0 : i32
    %dma_start3A_219 = tpu.memref_slice %arg15[%add3A_212, %dma_start3A_218] : memref<10000x128xf32, #tpu.memory_space<vmem_shared>> -> memref<25x128xf32, #tpu.memory_space<vmem_shared>>
    %dma_start3A_220 = arith.constant 0 : i32
    %dma_start3A_221 = arith.constant 0 : i32
    %dma_start3A_222 = tpu.memref_slice %arg13[%dma_start3A_220, %dma_start3A_221] : memref<25x128xf32, #tpu.memory_space<vmem>> -> memref<25x128xf32, #tpu.memory_space<vmem>>
    tpu.enqueue_dma source(%dma_start3A_222 : memref<25x128xf32, #tpu.memory_space<vmem>>) target(%dma_start3A_219 : memref<25x128xf32, #tpu.memory_space<vmem_shared>>) target_semaphore(%arg20 : memref<!tpu.dma_semaphore, #tpu.memory_space<semaphore_mem>>)
    %add3A_223 = arith.constant 450 : i32
    %add3A_224 = arith.addi %mul3A_2, %add3A_223 : i32
    %dma_start3A_225 = arith.constant 0 : i32
    %dma_start3A_226 = arith.constant 0 : i32
    %dma_start3A_227 = tpu.memref_slice %arg13[%dma_start3A_225, %dma_start3A_226] : memref<25x128xf32, #tpu.memory_space<vmem>> -> memref<25x128xf32, #tpu.memory_space<vmem>>
    %dma_start3A_228 = arith.constant 0 : i32
    %dma_start3A_229 = tpu.memref_slice %arg15[%add3A_224, %dma_start3A_228] : memref<10000x128xf32, #tpu.memory_space<vmem_shared>> -> memref<25x128xf32, #tpu.memory_space<vmem_shared>>
    %dma_start3A_230 = arith.constant 0 : i32
    %dma_start3A_231 = tpu.memref_slice %arg15[%add3A_224, %dma_start3A_230] : memref<10000x128xf32, #tpu.memory_space<vmem_shared>> -> memref<25x128xf32, #tpu.memory_space<vmem_shared>>
    %dma_start3A_232 = arith.constant 0 : i32
    %dma_start3A_233 = arith.constant 0 : i32
    %dma_start3A_234 = tpu.memref_slice %arg13[%dma_start3A_232, %dma_start3A_233] : memref<25x128xf32, #tpu.memory_space<vmem>> -> memref<25x128xf32, #tpu.memory_space<vmem>>
    tpu.enqueue_dma source(%dma_start3A_234 : memref<25x128xf32, #tpu.memory_space<vmem>>) target(%dma_start3A_231 : memref<25x128xf32, #tpu.memory_space<vmem_shared>>) target_semaphore(%arg20 : memref<!tpu.dma_semaphore, #tpu.memory_space<semaphore_mem>>)
    %add3A_235 = arith.constant 475 : i32
    %add3A_236 = arith.addi %mul3A_2, %add3A_235 : i32
    %dma_start3A_237 = arith.constant 0 : i32
    %dma_start3A_238 = arith.constant 0 : i32
    %dma_start3A_239 = tpu.memref_slice %arg13[%dma_start3A_237, %dma_start3A_238] : memref<25x128xf32, #tpu.memory_space<vmem>> -> memref<25x128xf32, #tpu.memory_space<vmem>>
    %dma_start3A_240 = arith.constant 0 : i32
    %dma_start3A_241 = tpu.memref_slice %arg15[%add3A_236, %dma_start3A_240] : memref<10000x128xf32, #tpu.memory_space<vmem_shared>> -> memref<25x128xf32, #tpu.memory_space<vmem_shared>>
    %dma_start3A_242 = arith.constant 0 : i32
    %dma_start3A_243 = tpu.memref_slice %arg15[%add3A_236, %dma_start3A_242] : memref<10000x128xf32, #tpu.memory_space<vmem_shared>> -> memref<25x128xf32, #tpu.memory_space<vmem_shared>>
    %dma_start3A_244 = arith.constant 0 : i32
    %dma_start3A_245 = arith.constant 0 : i32
    %dma_start3A_246 = tpu.memref_slice %arg13[%dma_start3A_244, %dma_start3A_245] : memref<25x128xf32, #tpu.memory_space<vmem>> -> memref<25x128xf32, #tpu.memory_space<vmem>>
    tpu.enqueue_dma source(%dma_start3A_246 : memref<25x128xf32, #tpu.memory_space<vmem>>) target(%dma_start3A_243 : memref<25x128xf32, #tpu.memory_space<vmem_shared>>) target_semaphore(%arg20 : memref<!tpu.dma_semaphore, #tpu.memory_space<semaphore_mem>>)
    %add3A_247 = arith.constant 500 : i32
    %add3A_248 = arith.addi %mul3A_2, %add3A_247 : i32
    %dma_start3A_249 = arith.constant 0 : i32
    %dma_start3A_250 = arith.constant 0 : i32
    %dma_start3A_251 = tpu.memref_slice %arg13[%dma_start3A_249, %dma_start3A_250] : memref<25x128xf32, #tpu.memory_space<vmem>> -> memref<25x128xf32, #tpu.memory_space<vmem>>
    %dma_start3A_252 = arith.constant 0 : i32
    %dma_start3A_253 = tpu.memref_slice %arg15[%add3A_248, %dma_start3A_252] : memref<10000x128xf32, #tpu.memory_space<vmem_shared>> -> memref<25x128xf32, #tpu.memory_space<vmem_shared>>
    %dma_start3A_254 = arith.constant 0 : i32
    %dma_start3A_255 = tpu.memref_slice %arg15[%add3A_248, %dma_start3A_254] : memref<10000x128xf32, #tpu.memory_space<vmem_shared>> -> memref<25x128xf32, #tpu.memory_space<vmem_shared>>
    %dma_start3A_256 = arith.constant 0 : i32
    %dma_start3A_257 = arith.constant 0 : i32
    %dma_start3A_258 = tpu.memref_slice %arg13[%dma_start3A_256, %dma_start3A_257] : memref<25x128xf32, #tpu.memory_space<vmem>> -> memref<25x128xf32, #tpu.memory_space<vmem>>
    tpu.enqueue_dma source(%dma_start3A_258 : memref<25x128xf32, #tpu.memory_space<vmem>>) target(%dma_start3A_255 : memref<25x128xf32, #tpu.memory_space<vmem_shared>>) target_semaphore(%arg20 : memref<!tpu.dma_semaphore, #tpu.memory_space<semaphore_mem>>)
    %add3A_259 = arith.constant 525 : i32
    %add3A_260 = arith.addi %mul3A_2, %add3A_259 : i32
    %dma_start3A_261 = arith.constant 0 : i32
    %dma_start3A_262 = arith.constant 0 : i32
    %dma_start3A_263 = tpu.memref_slice %arg13[%dma_start3A_261, %dma_start3A_262] : memref<25x128xf32, #tpu.memory_space<vmem>> -> memref<25x128xf32, #tpu.memory_space<vmem>>
    %dma_start3A_264 = arith.constant 0 : i32
    %dma_start3A_265 = tpu.memref_slice %arg15[%add3A_260, %dma_start3A_264] : memref<10000x128xf32, #tpu.memory_space<vmem_shared>> -> memref<25x128xf32, #tpu.memory_space<vmem_shared>>
    %dma_start3A_266 = arith.constant 0 : i32
    %dma_start3A_267 = tpu.memref_slice %arg15[%add3A_260, %dma_start3A_266] : memref<10000x128xf32, #tpu.memory_space<vmem_shared>> -> memref<25x128xf32, #tpu.memory_space<vmem_shared>>
    %dma_start3A_268 = arith.constant 0 : i32
    %dma_start3A_269 = arith.constant 0 : i32
    %dma_start3A_270 = tpu.memref_slice %arg13[%dma_start3A_268, %dma_start3A_269] : memref<25x128xf32, #tpu.memory_space<vmem>> -> memref<25x128xf32, #tpu.memory_space<vmem>>
    tpu.enqueue_dma source(%dma_start3A_270 : memref<25x128xf32, #tpu.memory_space<vmem>>) target(%dma_start3A_267 : memref<25x128xf32, #tpu.memory_space<vmem_shared>>) target_semaphore(%arg20 : memref<!tpu.dma_semaphore, #tpu.memory_space<semaphore_mem>>)
    %add3A_271 = arith.constant 550 : i32
    %add3A_272 = arith.addi %mul3A_2, %add3A_271 : i32
    %dma_start3A_273 = arith.constant 0 : i32
    %dma_start3A_274 = arith.constant 0 : i32
    %dma_start3A_275 = tpu.memref_slice %arg13[%dma_start3A_273, %dma_start3A_274] : memref<25x128xf32, #tpu.memory_space<vmem>> -> memref<25x128xf32, #tpu.memory_space<vmem>>
    %dma_start3A_276 = arith.constant 0 : i32
    %dma_start3A_277 = tpu.memref_slice %arg15[%add3A_272, %dma_start3A_276] : memref<10000x128xf32, #tpu.memory_space<vmem_shared>> -> memref<25x128xf32, #tpu.memory_space<vmem_shared>>
    %dma_start3A_278 = arith.constant 0 : i32
    %dma_start3A_279 = tpu.memref_slice %arg15[%add3A_272, %dma_start3A_278] : memref<10000x128xf32, #tpu.memory_space<vmem_shared>> -> memref<25x128xf32, #tpu.memory_space<vmem_shared>>
    %dma_start3A_280 = arith.constant 0 : i32
    %dma_start3A_281 = arith.constant 0 : i32
    %dma_start3A_282 = tpu.memref_slice %arg13[%dma_start3A_280, %dma_start3A_281] : memref<25x128xf32, #tpu.memory_space<vmem>> -> memref<25x128xf32, #tpu.memory_space<vmem>>
    tpu.enqueue_dma source(%dma_start3A_282 : memref<25x128xf32, #tpu.memory_space<vmem>>) target(%dma_start3A_279 : memref<25x128xf32, #tpu.memory_space<vmem_shared>>) target_semaphore(%arg20 : memref<!tpu.dma_semaphore, #tpu.memory_space<semaphore_mem>>)
    %add3A_283 = arith.constant 575 : i32
    %add3A_284 = arith.addi %mul3A_2, %add3A_283 : i32
    %dma_start3A_285 = arith.constant 0 : i32
    %dma_start3A_286 = arith.constant 0 : i32
    %dma_start3A_287 = tpu.memref_slice %arg13[%dma_start3A_285, %dma_start3A_286] : memref<25x128xf32, #tpu.memory_space<vmem>> -> memref<25x128xf32, #tpu.memory_space<vmem>>
    %dma_start3A_288 = arith.constant 0 : i32
    %dma_start3A_289 = tpu.memref_slice %arg15[%add3A_284, %dma_start3A_288] : memref<10000x128xf32, #tpu.memory_space<vmem_shared>> -> memref<25x128xf32, #tpu.memory_space<vmem_shared>>
    %dma_start3A_290 = arith.constant 0 : i32
    %dma_start3A_291 = tpu.memref_slice %arg15[%add3A_284, %dma_start3A_290] : memref<10000x128xf32, #tpu.memory_space<vmem_shared>> -> memref<25x128xf32, #tpu.memory_space<vmem_shared>>
    %dma_start3A_292 = arith.constant 0 : i32
    %dma_start3A_293 = arith.constant 0 : i32
    %dma_start3A_294 = tpu.memref_slice %arg13[%dma_start3A_292, %dma_start3A_293] : memref<25x128xf32, #tpu.memory_space<vmem>> -> memref<25x128xf32, #tpu.memory_space<vmem>>
    tpu.enqueue_dma source(%dma_start3A_294 : memref<25x128xf32, #tpu.memory_space<vmem>>) target(%dma_start3A_291 : memref<25x128xf32, #tpu.memory_space<vmem_shared>>) target_semaphore(%arg20 : memref<!tpu.dma_semaphore, #tpu.memory_space<semaphore_mem>>)
    %add3A_295 = arith.constant 600 : i32
    %add3A_296 = arith.addi %mul3A_2, %add3A_295 : i32
    %dma_start3A_297 = arith.constant 0 : i32
    %dma_start3A_298 = arith.constant 0 : i32
    %dma_start3A_299 = tpu.memref_slice %arg13[%dma_start3A_297, %dma_start3A_298] : memref<25x128xf32, #tpu.memory_space<vmem>> -> memref<25x128xf32, #tpu.memory_space<vmem>>
    %dma_start3A_300 = arith.constant 0 : i32
    %dma_start3A_301 = tpu.memref_slice %arg15[%add3A_296, %dma_start3A_300] : memref<10000x128xf32, #tpu.memory_space<vmem_shared>> -> memref<25x128xf32, #tpu.memory_space<vmem_shared>>
    %dma_start3A_302 = arith.constant 0 : i32
    %dma_start3A_303 = tpu.memref_slice %arg15[%add3A_296, %dma_start3A_302] : memref<10000x128xf32, #tpu.memory_space<vmem_shared>> -> memref<25x128xf32, #tpu.memory_space<vmem_shared>>
    %dma_start3A_304 = arith.constant 0 : i32
    %dma_start3A_305 = arith.constant 0 : i32
    %dma_start3A_306 = tpu.memref_slice %arg13[%dma_start3A_304, %dma_start3A_305] : memref<25x128xf32, #tpu.memory_space<vmem>> -> memref<25x128xf32, #tpu.memory_space<vmem>>
    tpu.enqueue_dma source(%dma_start3A_306 : memref<25x128xf32, #tpu.memory_space<vmem>>) target(%dma_start3A_303 : memref<25x128xf32, #tpu.memory_space<vmem_shared>>) target_semaphore(%arg20 : memref<!tpu.dma_semaphore, #tpu.memory_space<semaphore_mem>>)
    %add3A_307 = arith.constant 0 : i32
    %add3A_308 = arith.addi %mul3A_2, %add3A_307 : i32
    %dma_wait3A = arith.constant 0 : i32
    %dma_wait3A_309 = arith.constant 0 : i32
    %dma_wait3A_310 = tpu.memref_slice %arg13[%dma_wait3A, %dma_wait3A_309] : memref<25x128xf32, #tpu.memory_space<vmem>> -> memref<25x128xf32, #tpu.memory_space<vmem>>
    %dma_wait3A_311 = arith.constant 0 : i32
    %dma_wait3A_312 = tpu.memref_slice %arg15[%add3A_308, %dma_wait3A_311] : memref<10000x128xf32, #tpu.memory_space<vmem_shared>> -> memref<25x128xf32, #tpu.memory_space<vmem_shared>>
    %dma_wait3A_313 = arith.constant 0 : i32
    %dma_wait3A_314 = tpu.memref_slice %arg15[%add3A_308, %dma_wait3A_313] : memref<10000x128xf32, #tpu.memory_space<vmem_shared>> -> memref<25x128xf32, #tpu.memory_space<vmem_shared>>
    %dma_wait3A_315 = arith.constant 0 : i32
    %dma_wait3A_316 = arith.constant 0 : i32
    %dma_wait3A_317 = tpu.memref_slice %arg13[%dma_wait3A_315, %dma_wait3A_316] : memref<25x128xf32, #tpu.memory_space<vmem>> -> memref<25x128xf32, #tpu.memory_space<vmem>>
    tpu.wait_dma2 semaphore(%arg20 : memref<!tpu.dma_semaphore, #tpu.memory_space<semaphore_mem>>) src(%dma_wait3A_317 : memref<25x128xf32, #tpu.memory_space<vmem>>) dst(%dma_wait3A_314 : memref<25x128xf32, #tpu.memory_space<vmem_shared>>)
    %add3A_318 = arith.constant 25 : i32
    %add3A_319 = arith.addi %mul3A_2, %add3A_318 : i32
    %dma_wait3A_320 = arith.constant 0 : i32
    %dma_wait3A_321 = arith.constant 0 : i32
    %dma_wait3A_322 = tpu.memref_slice %arg13[%dma_wait3A_320, %dma_wait3A_321] : memref<25x128xf32, #tpu.memory_space<vmem>> -> memref<25x128xf32, #tpu.memory_space<vmem>>
    %dma_wait3A_323 = arith.constant 0 : i32
    %dma_wait3A_324 = tpu.memref_slice %arg15[%add3A_319, %dma_wait3A_323] : memref<10000x128xf32, #tpu.memory_space<vmem_shared>> -> memref<25x128xf32, #tpu.memory_space<vmem_shared>>
    %dma_wait3A_325 = arith.constant 0 : i32
    %dma_wait3A_326 = tpu.memref_slice %arg15[%add3A_319, %dma_wait3A_325] : memref<10000x128xf32, #tpu.memory_space<vmem_shared>> -> memref<25x128xf32, #tpu.memory_space<vmem_shared>>
    %dma_wait3A_327 = arith.constant 0 : i32
    %dma_wait3A_328 = arith.constant 0 : i32
    %dma_wait3A_329 = tpu.memref_slice %arg13[%dma_wait3A_327, %dma_wait3A_328] : memref<25x128xf32, #tpu.memory_space<vmem>> -> memref<25x128xf32, #tpu.memory_space<vmem>>
    tpu.wait_dma2 semaphore(%arg20 : memref<!tpu.dma_semaphore, #tpu.memory_space<semaphore_mem>>) src(%dma_wait3A_329 : memref<25x128xf32, #tpu.memory_space<vmem>>) dst(%dma_wait3A_326 : memref<25x128xf32, #tpu.memory_space<vmem_shared>>)
    %add3A_330 = arith.constant 50 : i32
    %add3A_331 = arith.addi %mul3A_2, %add3A_330 : i32
    %dma_wait3A_332 = arith.constant 0 : i32
    %dma_wait3A_333 = arith.constant 0 : i32
    %dma_wait3A_334 = tpu.memref_slice %arg13[%dma_wait3A_332, %dma_wait3A_333] : memref<25x128xf32, #tpu.memory_space<vmem>> -> memref<25x128xf32, #tpu.memory_space<vmem>>
    %dma_wait3A_335 = arith.constant 0 : i32
    %dma_wait3A_336 = tpu.memref_slice %arg15[%add3A_331, %dma_wait3A_335] : memref<10000x128xf32, #tpu.memory_space<vmem_shared>> -> memref<25x128xf32, #tpu.memory_space<vmem_shared>>
    %dma_wait3A_337 = arith.constant 0 : i32
    %dma_wait3A_338 = tpu.memref_slice %arg15[%add3A_331, %dma_wait3A_337] : memref<10000x128xf32, #tpu.memory_space<vmem_shared>> -> memref<25x128xf32, #tpu.memory_space<vmem_shared>>
    %dma_wait3A_339 = arith.constant 0 : i32
    %dma_wait3A_340 = arith.constant 0 : i32
    %dma_wait3A_341 = tpu.memref_slice %arg13[%dma_wait3A_339, %dma_wait3A_340] : memref<25x128xf32, #tpu.memory_space<vmem>> -> memref<25x128xf32, #tpu.memory_space<vmem>>
    tpu.wait_dma2 semaphore(%arg20 : memref<!tpu.dma_semaphore, #tpu.memory_space<semaphore_mem>>) src(%dma_wait3A_341 : memref<25x128xf32, #tpu.memory_space<vmem>>) dst(%dma_wait3A_338 : memref<25x128xf32, #tpu.memory_space<vmem_shared>>)
    %add3A_342 = arith.constant 75 : i32
    %add3A_343 = arith.addi %mul3A_2, %add3A_342 : i32
    %dma_wait3A_344 = arith.constant 0 : i32
    %dma_wait3A_345 = arith.constant 0 : i32
    %dma_wait3A_346 = tpu.memref_slice %arg13[%dma_wait3A_344, %dma_wait3A_345] : memref<25x128xf32, #tpu.memory_space<vmem>> -> memref<25x128xf32, #tpu.memory_space<vmem>>
    %dma_wait3A_347 = arith.constant 0 : i32
    %dma_wait3A_348 = tpu.memref_slice %arg15[%add3A_343, %dma_wait3A_347] : memref<10000x128xf32, #tpu.memory_space<vmem_shared>> -> memref<25x128xf32, #tpu.memory_space<vmem_shared>>
    %dma_wait3A_349 = arith.constant 0 : i32
    %dma_wait3A_350 = tpu.memref_slice %arg15[%add3A_343, %dma_wait3A_349] : memref<10000x128xf32, #tpu.memory_space<vmem_shared>> -> memref<25x128xf32, #tpu.memory_space<vmem_shared>>
    %dma_wait3A_351 = arith.constant 0 : i32
    %dma_wait3A_352 = arith.constant 0 : i32
    %dma_wait3A_353 = tpu.memref_slice %arg13[%dma_wait3A_351, %dma_wait3A_352] : memref<25x128xf32, #tpu.memory_space<vmem>> -> memref<25x128xf32, #tpu.memory_space<vmem>>
    tpu.wait_dma2 semaphore(%arg20 : memref<!tpu.dma_semaphore, #tpu.memory_space<semaphore_mem>>) src(%dma_wait3A_353 : memref<25x128xf32, #tpu.memory_space<vmem>>) dst(%dma_wait3A_350 : memref<25x128xf32, #tpu.memory_space<vmem_shared>>)
    %add3A_354 = arith.constant 100 : i32
    %add3A_355 = arith.addi %mul3A_2, %add3A_354 : i32
    %dma_wait3A_356 = arith.constant 0 : i32
    %dma_wait3A_357 = arith.constant 0 : i32
    %dma_wait3A_358 = tpu.memref_slice %arg13[%dma_wait3A_356, %dma_wait3A_357] : memref<25x128xf32, #tpu.memory_space<vmem>> -> memref<25x128xf32, #tpu.memory_space<vmem>>
    %dma_wait3A_359 = arith.constant 0 : i32
    %dma_wait3A_360 = tpu.memref_slice %arg15[%add3A_355, %dma_wait3A_359] : memref<10000x128xf32, #tpu.memory_space<vmem_shared>> -> memref<25x128xf32, #tpu.memory_space<vmem_shared>>
    %dma_wait3A_361 = arith.constant 0 : i32
    %dma_wait3A_362 = tpu.memref_slice %arg15[%add3A_355, %dma_wait3A_361] : memref<10000x128xf32, #tpu.memory_space<vmem_shared>> -> memref<25x128xf32, #tpu.memory_space<vmem_shared>>
    %dma_wait3A_363 = arith.constant 0 : i32
    %dma_wait3A_364 = arith.constant 0 : i32
    %dma_wait3A_365 = tpu.memref_slice %arg13[%dma_wait3A_363, %dma_wait3A_364] : memref<25x128xf32, #tpu.memory_space<vmem>> -> memref<25x128xf32, #tpu.memory_space<vmem>>
    tpu.wait_dma2 semaphore(%arg20 : memref<!tpu.dma_semaphore, #tpu.memory_space<semaphore_mem>>) src(%dma_wait3A_365 : memref<25x128xf32, #tpu.memory_space<vmem>>) dst(%dma_wait3A_362 : memref<25x128xf32, #tpu.memory_space<vmem_shared>>)
    %add3A_366 = arith.constant 125 : i32
    %add3A_367 = arith.addi %mul3A_2, %add3A_366 : i32
    %dma_wait3A_368 = arith.constant 0 : i32
    %dma_wait3A_369 = arith.constant 0 : i32
    %dma_wait3A_370 = tpu.memref_slice %arg13[%dma_wait3A_368, %dma_wait3A_369] : memref<25x128xf32, #tpu.memory_space<vmem>> -> memref<25x128xf32, #tpu.memory_space<vmem>>
    %dma_wait3A_371 = arith.constant 0 : i32
    %dma_wait3A_372 = tpu.memref_slice %arg15[%add3A_367, %dma_wait3A_371] : memref<10000x128xf32, #tpu.memory_space<vmem_shared>> -> memref<25x128xf32, #tpu.memory_space<vmem_shared>>
    %dma_wait3A_373 = arith.constant 0 : i32
    %dma_wait3A_374 = tpu.memref_slice %arg15[%add3A_367, %dma_wait3A_373] : memref<10000x128xf32, #tpu.memory_space<vmem_shared>> -> memref<25x128xf32, #tpu.memory_space<vmem_shared>>
    %dma_wait3A_375 = arith.constant 0 : i32
    %dma_wait3A_376 = arith.constant 0 : i32
    %dma_wait3A_377 = tpu.memref_slice %arg13[%dma_wait3A_375, %dma_wait3A_376] : memref<25x128xf32, #tpu.memory_space<vmem>> -> memref<25x128xf32, #tpu.memory_space<vmem>>
    tpu.wait_dma2 semaphore(%arg20 : memref<!tpu.dma_semaphore, #tpu.memory_space<semaphore_mem>>) src(%dma_wait3A_377 : memref<25x128xf32, #tpu.memory_space<vmem>>) dst(%dma_wait3A_374 : memref<25x128xf32, #tpu.memory_space<vmem_shared>>)
    %add3A_378 = arith.constant 150 : i32
    %add3A_379 = arith.addi %mul3A_2, %add3A_378 : i32
    %dma_wait3A_380 = arith.constant 0 : i32
    %dma_wait3A_381 = arith.constant 0 : i32
    %dma_wait3A_382 = tpu.memref_slice %arg13[%dma_wait3A_380, %dma_wait3A_381] : memref<25x128xf32, #tpu.memory_space<vmem>> -> memref<25x128xf32, #tpu.memory_space<vmem>>
    %dma_wait3A_383 = arith.constant 0 : i32
    %dma_wait3A_384 = tpu.memref_slice %arg15[%add3A_379, %dma_wait3A_383] : memref<10000x128xf32, #tpu.memory_space<vmem_shared>> -> memref<25x128xf32, #tpu.memory_space<vmem_shared>>
    %dma_wait3A_385 = arith.constant 0 : i32
    %dma_wait3A_386 = tpu.memref_slice %arg15[%add3A_379, %dma_wait3A_385] : memref<10000x128xf32, #tpu.memory_space<vmem_shared>> -> memref<25x128xf32, #tpu.memory_space<vmem_shared>>
    %dma_wait3A_387 = arith.constant 0 : i32
    %dma_wait3A_388 = arith.constant 0 : i32
    %dma_wait3A_389 = tpu.memref_slice %arg13[%dma_wait3A_387, %dma_wait3A_388] : memref<25x128xf32, #tpu.memory_space<vmem>> -> memref<25x128xf32, #tpu.memory_space<vmem>>
    tpu.wait_dma2 semaphore(%arg20 : memref<!tpu.dma_semaphore, #tpu.memory_space<semaphore_mem>>) src(%dma_wait3A_389 : memref<25x128xf32, #tpu.memory_space<vmem>>) dst(%dma_wait3A_386 : memref<25x128xf32, #tpu.memory_space<vmem_shared>>)
    %add3A_390 = arith.constant 175 : i32
    %add3A_391 = arith.addi %mul3A_2, %add3A_390 : i32
    %dma_wait3A_392 = arith.constant 0 : i32
    %dma_wait3A_393 = arith.constant 0 : i32
    %dma_wait3A_394 = tpu.memref_slice %arg13[%dma_wait3A_392, %dma_wait3A_393] : memref<25x128xf32, #tpu.memory_space<vmem>> -> memref<25x128xf32, #tpu.memory_space<vmem>>
    %dma_wait3A_395 = arith.constant 0 : i32
    %dma_wait3A_396 = tpu.memref_slice %arg15[%add3A_391, %dma_wait3A_395] : memref<10000x128xf32, #tpu.memory_space<vmem_shared>> -> memref<25x128xf32, #tpu.memory_space<vmem_shared>>
    %dma_wait3A_397 = arith.constant 0 : i32
    %dma_wait3A_398 = tpu.memref_slice %arg15[%add3A_391, %dma_wait3A_397] : memref<10000x128xf32, #tpu.memory_space<vmem_shared>> -> memref<25x128xf32, #tpu.memory_space<vmem_shared>>
    %dma_wait3A_399 = arith.constant 0 : i32
    %dma_wait3A_400 = arith.constant 0 : i32
    %dma_wait3A_401 = tpu.memref_slice %arg13[%dma_wait3A_399, %dma_wait3A_400] : memref<25x128xf32, #tpu.memory_space<vmem>> -> memref<25x128xf32, #tpu.memory_space<vmem>>
    tpu.wait_dma2 semaphore(%arg20 : memref<!tpu.dma_semaphore, #tpu.memory_space<semaphore_mem>>) src(%dma_wait3A_401 : memref<25x128xf32, #tpu.memory_space<vmem>>) dst(%dma_wait3A_398 : memref<25x128xf32, #tpu.memory_space<vmem_shared>>)
    %add3A_402 = arith.constant 200 : i32
    %add3A_403 = arith.addi %mul3A_2, %add3A_402 : i32
    %dma_wait3A_404 = arith.constant 0 : i32
    %dma_wait3A_405 = arith.constant 0 : i32
    %dma_wait3A_406 = tpu.memref_slice %arg13[%dma_wait3A_404, %dma_wait3A_405] : memref<25x128xf32, #tpu.memory_space<vmem>> -> memref<25x128xf32, #tpu.memory_space<vmem>>
    %dma_wait3A_407 = arith.constant 0 : i32
    %dma_wait3A_408 = tpu.memref_slice %arg15[%add3A_403, %dma_wait3A_407] : memref<10000x128xf32, #tpu.memory_space<vmem_shared>> -> memref<25x128xf32, #tpu.memory_space<vmem_shared>>
    %dma_wait3A_409 = arith.constant 0 : i32
    %dma_wait3A_410 = tpu.memref_slice %arg15[%add3A_403, %dma_wait3A_409] : memref<10000x128xf32, #tpu.memory_space<vmem_shared>> -> memref<25x128xf32, #tpu.memory_space<vmem_shared>>
    %dma_wait3A_411 = arith.constant 0 : i32
    %dma_wait3A_412 = arith.constant 0 : i32
    %dma_wait3A_413 = tpu.memref_slice %arg13[%dma_wait3A_411, %dma_wait3A_412] : memref<25x128xf32, #tpu.memory_space<vmem>> -> memref<25x128xf32, #tpu.memory_space<vmem>>
    tpu.wait_dma2 semaphore(%arg20 : memref<!tpu.dma_semaphore, #tpu.memory_space<semaphore_mem>>) src(%dma_wait3A_413 : memref<25x128xf32, #tpu.memory_space<vmem>>) dst(%dma_wait3A_410 : memref<25x128xf32, #tpu.memory_space<vmem_shared>>)
    %add3A_414 = arith.constant 225 : i32
    %add3A_415 = arith.addi %mul3A_2, %add3A_414 : i32
    %dma_wait3A_416 = arith.constant 0 : i32
    %dma_wait3A_417 = arith.constant 0 : i32
    %dma_wait3A_418 = tpu.memref_slice %arg13[%dma_wait3A_416, %dma_wait3A_417] : memref<25x128xf32, #tpu.memory_space<vmem>> -> memref<25x128xf32, #tpu.memory_space<vmem>>
    %dma_wait3A_419 = arith.constant 0 : i32
    %dma_wait3A_420 = tpu.memref_slice %arg15[%add3A_415, %dma_wait3A_419] : memref<10000x128xf32, #tpu.memory_space<vmem_shared>> -> memref<25x128xf32, #tpu.memory_space<vmem_shared>>
    %dma_wait3A_421 = arith.constant 0 : i32
    %dma_wait3A_422 = tpu.memref_slice %arg15[%add3A_415, %dma_wait3A_421] : memref<10000x128xf32, #tpu.memory_space<vmem_shared>> -> memref<25x128xf32, #tpu.memory_space<vmem_shared>>
    %dma_wait3A_423 = arith.constant 0 : i32
    %dma_wait3A_424 = arith.constant 0 : i32
    %dma_wait3A_425 = tpu.memref_slice %arg13[%dma_wait3A_423, %dma_wait3A_424] : memref<25x128xf32, #tpu.memory_space<vmem>> -> memref<25x128xf32, #tpu.memory_space<vmem>>
    tpu.wait_dma2 semaphore(%arg20 : memref<!tpu.dma_semaphore, #tpu.memory_space<semaphore_mem>>) src(%dma_wait3A_425 : memref<25x128xf32, #tpu.memory_space<vmem>>) dst(%dma_wait3A_422 : memref<25x128xf32, #tpu.memory_space<vmem_shared>>)
    %add3A_426 = arith.constant 250 : i32
    %add3A_427 = arith.addi %mul3A_2, %add3A_426 : i32
    %dma_wait3A_428 = arith.constant 0 : i32
    %dma_wait3A_429 = arith.constant 0 : i32
    %dma_wait3A_430 = tpu.memref_slice %arg13[%dma_wait3A_428, %dma_wait3A_429] : memref<25x128xf32, #tpu.memory_space<vmem>> -> memref<25x128xf32, #tpu.memory_space<vmem>>
    %dma_wait3A_431 = arith.constant 0 : i32
    %dma_wait3A_432 = tpu.memref_slice %arg15[%add3A_427, %dma_wait3A_431] : memref<10000x128xf32, #tpu.memory_space<vmem_shared>> -> memref<25x128xf32, #tpu.memory_space<vmem_shared>>
    %dma_wait3A_433 = arith.constant 0 : i32
    %dma_wait3A_434 = tpu.memref_slice %arg15[%add3A_427, %dma_wait3A_433] : memref<10000x128xf32, #tpu.memory_space<vmem_shared>> -> memref<25x128xf32, #tpu.memory_space<vmem_shared>>
    %dma_wait3A_435 = arith.constant 0 : i32
    %dma_wait3A_436 = arith.constant 0 : i32
    %dma_wait3A_437 = tpu.memref_slice %arg13[%dma_wait3A_435, %dma_wait3A_436] : memref<25x128xf32, #tpu.memory_space<vmem>> -> memref<25x128xf32, #tpu.memory_space<vmem>>
    tpu.wait_dma2 semaphore(%arg20 : memref<!tpu.dma_semaphore, #tpu.memory_space<semaphore_mem>>) src(%dma_wait3A_437 : memref<25x128xf32, #tpu.memory_space<vmem>>) dst(%dma_wait3A_434 : memref<25x128xf32, #tpu.memory_space<vmem_shared>>)
    %add3A_438 = arith.constant 275 : i32
    %add3A_439 = arith.addi %mul3A_2, %add3A_438 : i32
    %dma_wait3A_440 = arith.constant 0 : i32
    %dma_wait3A_441 = arith.constant 0 : i32
    %dma_wait3A_442 = tpu.memref_slice %arg13[%dma_wait3A_440, %dma_wait3A_441] : memref<25x128xf32, #tpu.memory_space<vmem>> -> memref<25x128xf32, #tpu.memory_space<vmem>>
    %dma_wait3A_443 = arith.constant 0 : i32
    %dma_wait3A_444 = tpu.memref_slice %arg15[%add3A_439, %dma_wait3A_443] : memref<10000x128xf32, #tpu.memory_space<vmem_shared>> -> memref<25x128xf32, #tpu.memory_space<vmem_shared>>
    %dma_wait3A_445 = arith.constant 0 : i32
    %dma_wait3A_446 = tpu.memref_slice %arg15[%add3A_439, %dma_wait3A_445] : memref<10000x128xf32, #tpu.memory_space<vmem_shared>> -> memref<25x128xf32, #tpu.memory_space<vmem_shared>>
    %dma_wait3A_447 = arith.constant 0 : i32
    %dma_wait3A_448 = arith.constant 0 : i32
    %dma_wait3A_449 = tpu.memref_slice %arg13[%dma_wait3A_447, %dma_wait3A_448] : memref<25x128xf32, #tpu.memory_space<vmem>> -> memref<25x128xf32, #tpu.memory_space<vmem>>
    tpu.wait_dma2 semaphore(%arg20 : memref<!tpu.dma_semaphore, #tpu.memory_space<semaphore_mem>>) src(%dma_wait3A_449 : memref<25x128xf32, #tpu.memory_space<vmem>>) dst(%dma_wait3A_446 : memref<25x128xf32, #tpu.memory_space<vmem_shared>>)
    %add3A_450 = arith.constant 300 : i32
    %add3A_451 = arith.addi %mul3A_2, %add3A_450 : i32
    %dma_wait3A_452 = arith.constant 0 : i32
    %dma_wait3A_453 = arith.constant 0 : i32
    %dma_wait3A_454 = tpu.memref_slice %arg13[%dma_wait3A_452, %dma_wait3A_453] : memref<25x128xf32, #tpu.memory_space<vmem>> -> memref<25x128xf32, #tpu.memory_space<vmem>>
    %dma_wait3A_455 = arith.constant 0 : i32
    %dma_wait3A_456 = tpu.memref_slice %arg15[%add3A_451, %dma_wait3A_455] : memref<10000x128xf32, #tpu.memory_space<vmem_shared>> -> memref<25x128xf32, #tpu.memory_space<vmem_shared>>
    %dma_wait3A_457 = arith.constant 0 : i32
    %dma_wait3A_458 = tpu.memref_slice %arg15[%add3A_451, %dma_wait3A_457] : memref<10000x128xf32, #tpu.memory_space<vmem_shared>> -> memref<25x128xf32, #tpu.memory_space<vmem_shared>>
    %dma_wait3A_459 = arith.constant 0 : i32
    %dma_wait3A_460 = arith.constant 0 : i32
    %dma_wait3A_461 = tpu.memref_slice %arg13[%dma_wait3A_459, %dma_wait3A_460] : memref<25x128xf32, #tpu.memory_space<vmem>> -> memref<25x128xf32, #tpu.memory_space<vmem>>
    tpu.wait_dma2 semaphore(%arg20 : memref<!tpu.dma_semaphore, #tpu.memory_space<semaphore_mem>>) src(%dma_wait3A_461 : memref<25x128xf32, #tpu.memory_space<vmem>>) dst(%dma_wait3A_458 : memref<25x128xf32, #tpu.memory_space<vmem_shared>>)
    %add3A_462 = arith.constant 325 : i32
    %add3A_463 = arith.addi %mul3A_2, %add3A_462 : i32
    %dma_wait3A_464 = arith.constant 0 : i32
    %dma_wait3A_465 = arith.constant 0 : i32
    %dma_wait3A_466 = tpu.memref_slice %arg13[%dma_wait3A_464, %dma_wait3A_465] : memref<25x128xf32, #tpu.memory_space<vmem>> -> memref<25x128xf32, #tpu.memory_space<vmem>>
    %dma_wait3A_467 = arith.constant 0 : i32
    %dma_wait3A_468 = tpu.memref_slice %arg15[%add3A_463, %dma_wait3A_467] : memref<10000x128xf32, #tpu.memory_space<vmem_shared>> -> memref<25x128xf32, #tpu.memory_space<vmem_shared>>
    %dma_wait3A_469 = arith.constant 0 : i32
    %dma_wait3A_470 = tpu.memref_slice %arg15[%add3A_463, %dma_wait3A_469] : memref<10000x128xf32, #tpu.memory_space<vmem_shared>> -> memref<25x128xf32, #tpu.memory_space<vmem_shared>>
    %dma_wait3A_471 = arith.constant 0 : i32
    %dma_wait3A_472 = arith.constant 0 : i32
    %dma_wait3A_473 = tpu.memref_slice %arg13[%dma_wait3A_471, %dma_wait3A_472] : memref<25x128xf32, #tpu.memory_space<vmem>> -> memref<25x128xf32, #tpu.memory_space<vmem>>
    tpu.wait_dma2 semaphore(%arg20 : memref<!tpu.dma_semaphore, #tpu.memory_space<semaphore_mem>>) src(%dma_wait3A_473 : memref<25x128xf32, #tpu.memory_space<vmem>>) dst(%dma_wait3A_470 : memref<25x128xf32, #tpu.memory_space<vmem_shared>>)
    %add3A_474 = arith.constant 350 : i32
    %add3A_475 = arith.addi %mul3A_2, %add3A_474 : i32
    %dma_wait3A_476 = arith.constant 0 : i32
    %dma_wait3A_477 = arith.constant 0 : i32
    %dma_wait3A_478 = tpu.memref_slice %arg13[%dma_wait3A_476, %dma_wait3A_477] : memref<25x128xf32, #tpu.memory_space<vmem>> -> memref<25x128xf32, #tpu.memory_space<vmem>>
    %dma_wait3A_479 = arith.constant 0 : i32
    %dma_wait3A_480 = tpu.memref_slice %arg15[%add3A_475, %dma_wait3A_479] : memref<10000x128xf32, #tpu.memory_space<vmem_shared>> -> memref<25x128xf32, #tpu.memory_space<vmem_shared>>
    %dma_wait3A_481 = arith.constant 0 : i32
    %dma_wait3A_482 = tpu.memref_slice %arg15[%add3A_475, %dma_wait3A_481] : memref<10000x128xf32, #tpu.memory_space<vmem_shared>> -> memref<25x128xf32, #tpu.memory_space<vmem_shared>>
    %dma_wait3A_483 = arith.constant 0 : i32
    %dma_wait3A_484 = arith.constant 0 : i32
    %dma_wait3A_485 = tpu.memref_slice %arg13[%dma_wait3A_483, %dma_wait3A_484] : memref<25x128xf32, #tpu.memory_space<vmem>> -> memref<25x128xf32, #tpu.memory_space<vmem>>
    tpu.wait_dma2 semaphore(%arg20 : memref<!tpu.dma_semaphore, #tpu.memory_space<semaphore_mem>>) src(%dma_wait3A_485 : memref<25x128xf32, #tpu.memory_space<vmem>>) dst(%dma_wait3A_482 : memref<25x128xf32, #tpu.memory_space<vmem_shared>>)
    %add3A_486 = arith.constant 375 : i32
    %add3A_487 = arith.addi %mul3A_2, %add3A_486 : i32
    %dma_wait3A_488 = arith.constant 0 : i32
    %dma_wait3A_489 = arith.constant 0 : i32
    %dma_wait3A_490 = tpu.memref_slice %arg13[%dma_wait3A_488, %dma_wait3A_489] : memref<25x128xf32, #tpu.memory_space<vmem>> -> memref<25x128xf32, #tpu.memory_space<vmem>>
    %dma_wait3A_491 = arith.constant 0 : i32
    %dma_wait3A_492 = tpu.memref_slice %arg15[%add3A_487, %dma_wait3A_491] : memref<10000x128xf32, #tpu.memory_space<vmem_shared>> -> memref<25x128xf32, #tpu.memory_space<vmem_shared>>
    %dma_wait3A_493 = arith.constant 0 : i32
    %dma_wait3A_494 = tpu.memref_slice %arg15[%add3A_487, %dma_wait3A_493] : memref<10000x128xf32, #tpu.memory_space<vmem_shared>> -> memref<25x128xf32, #tpu.memory_space<vmem_shared>>
    %dma_wait3A_495 = arith.constant 0 : i32
    %dma_wait3A_496 = arith.constant 0 : i32
    %dma_wait3A_497 = tpu.memref_slice %arg13[%dma_wait3A_495, %dma_wait3A_496] : memref<25x128xf32, #tpu.memory_space<vmem>> -> memref<25x128xf32, #tpu.memory_space<vmem>>
    tpu.wait_dma2 semaphore(%arg20 : memref<!tpu.dma_semaphore, #tpu.memory_space<semaphore_mem>>) src(%dma_wait3A_497 : memref<25x128xf32, #tpu.memory_space<vmem>>) dst(%dma_wait3A_494 : memref<25x128xf32, #tpu.memory_space<vmem_shared>>)
    %add3A_498 = arith.constant 400 : i32
    %add3A_499 = arith.addi %mul3A_2, %add3A_498 : i32
    %dma_wait3A_500 = arith.constant 0 : i32
    %dma_wait3A_501 = arith.constant 0 : i32
    %dma_wait3A_502 = tpu.memref_slice %arg13[%dma_wait3A_500, %dma_wait3A_501] : memref<25x128xf32, #tpu.memory_space<vmem>> -> memref<25x128xf32, #tpu.memory_space<vmem>>
    %dma_wait3A_503 = arith.constant 0 : i32
    %dma_wait3A_504 = tpu.memref_slice %arg15[%add3A_499, %dma_wait3A_503] : memref<10000x128xf32, #tpu.memory_space<vmem_shared>> -> memref<25x128xf32, #tpu.memory_space<vmem_shared>>
    %dma_wait3A_505 = arith.constant 0 : i32
    %dma_wait3A_506 = tpu.memref_slice %arg15[%add3A_499, %dma_wait3A_505] : memref<10000x128xf32, #tpu.memory_space<vmem_shared>> -> memref<25x128xf32, #tpu.memory_space<vmem_shared>>
    %dma_wait3A_507 = arith.constant 0 : i32
    %dma_wait3A_508 = arith.constant 0 : i32
    %dma_wait3A_509 = tpu.memref_slice %arg13[%dma_wait3A_507, %dma_wait3A_508] : memref<25x128xf32, #tpu.memory_space<vmem>> -> memref<25x128xf32, #tpu.memory_space<vmem>>
    tpu.wait_dma2 semaphore(%arg20 : memref<!tpu.dma_semaphore, #tpu.memory_space<semaphore_mem>>) src(%dma_wait3A_509 : memref<25x128xf32, #tpu.memory_space<vmem>>) dst(%dma_wait3A_506 : memref<25x128xf32, #tpu.memory_space<vmem_shared>>)
    %add3A_510 = arith.constant 425 : i32
    %add3A_511 = arith.addi %mul3A_2, %add3A_510 : i32
    %dma_wait3A_512 = arith.constant 0 : i32
    %dma_wait3A_513 = arith.constant 0 : i32
    %dma_wait3A_514 = tpu.memref_slice %arg13[%dma_wait3A_512, %dma_wait3A_513] : memref<25x128xf32, #tpu.memory_space<vmem>> -> memref<25x128xf32, #tpu.memory_space<vmem>>
    %dma_wait3A_515 = arith.constant 0 : i32
    %dma_wait3A_516 = tpu.memref_slice %arg15[%add3A_511, %dma_wait3A_515] : memref<10000x128xf32, #tpu.memory_space<vmem_shared>> -> memref<25x128xf32, #tpu.memory_space<vmem_shared>>
    %dma_wait3A_517 = arith.constant 0 : i32
    %dma_wait3A_518 = tpu.memref_slice %arg15[%add3A_511, %dma_wait3A_517] : memref<10000x128xf32, #tpu.memory_space<vmem_shared>> -> memref<25x128xf32, #tpu.memory_space<vmem_shared>>
    %dma_wait3A_519 = arith.constant 0 : i32
    %dma_wait3A_520 = arith.constant 0 : i32
    %dma_wait3A_521 = tpu.memref_slice %arg13[%dma_wait3A_519, %dma_wait3A_520] : memref<25x128xf32, #tpu.memory_space<vmem>> -> memref<25x128xf32, #tpu.memory_space<vmem>>
    tpu.wait_dma2 semaphore(%arg20 : memref<!tpu.dma_semaphore, #tpu.memory_space<semaphore_mem>>) src(%dma_wait3A_521 : memref<25x128xf32, #tpu.memory_space<vmem>>) dst(%dma_wait3A_518 : memref<25x128xf32, #tpu.memory_space<vmem_shared>>)
    %add3A_522 = arith.constant 450 : i32
    %add3A_523 = arith.addi %mul3A_2, %add3A_522 : i32
    %dma_wait3A_524 = arith.constant 0 : i32
    %dma_wait3A_525 = arith.constant 0 : i32
    %dma_wait3A_526 = tpu.memref_slice %arg13[%dma_wait3A_524, %dma_wait3A_525] : memref<25x128xf32, #tpu.memory_space<vmem>> -> memref<25x128xf32, #tpu.memory_space<vmem>>
    %dma_wait3A_527 = arith.constant 0 : i32
    %dma_wait3A_528 = tpu.memref_slice %arg15[%add3A_523, %dma_wait3A_527] : memref<10000x128xf32, #tpu.memory_space<vmem_shared>> -> memref<25x128xf32, #tpu.memory_space<vmem_shared>>
    %dma_wait3A_529 = arith.constant 0 : i32
    %dma_wait3A_530 = tpu.memref_slice %arg15[%add3A_523, %dma_wait3A_529] : memref<10000x128xf32, #tpu.memory_space<vmem_shared>> -> memref<25x128xf32, #tpu.memory_space<vmem_shared>>
    %dma_wait3A_531 = arith.constant 0 : i32
    %dma_wait3A_532 = arith.constant 0 : i32
    %dma_wait3A_533 = tpu.memref_slice %arg13[%dma_wait3A_531, %dma_wait3A_532] : memref<25x128xf32, #tpu.memory_space<vmem>> -> memref<25x128xf32, #tpu.memory_space<vmem>>
    tpu.wait_dma2 semaphore(%arg20 : memref<!tpu.dma_semaphore, #tpu.memory_space<semaphore_mem>>) src(%dma_wait3A_533 : memref<25x128xf32, #tpu.memory_space<vmem>>) dst(%dma_wait3A_530 : memref<25x128xf32, #tpu.memory_space<vmem_shared>>)
    %add3A_534 = arith.constant 475 : i32
    %add3A_535 = arith.addi %mul3A_2, %add3A_534 : i32
    %dma_wait3A_536 = arith.constant 0 : i32
    %dma_wait3A_537 = arith.constant 0 : i32
    %dma_wait3A_538 = tpu.memref_slice %arg13[%dma_wait3A_536, %dma_wait3A_537] : memref<25x128xf32, #tpu.memory_space<vmem>> -> memref<25x128xf32, #tpu.memory_space<vmem>>
    %dma_wait3A_539 = arith.constant 0 : i32
    %dma_wait3A_540 = tpu.memref_slice %arg15[%add3A_535, %dma_wait3A_539] : memref<10000x128xf32, #tpu.memory_space<vmem_shared>> -> memref<25x128xf32, #tpu.memory_space<vmem_shared>>
    %dma_wait3A_541 = arith.constant 0 : i32
    %dma_wait3A_542 = tpu.memref_slice %arg15[%add3A_535, %dma_wait3A_541] : memref<10000x128xf32, #tpu.memory_space<vmem_shared>> -> memref<25x128xf32, #tpu.memory_space<vmem_shared>>
    %dma_wait3A_543 = arith.constant 0 : i32
    %dma_wait3A_544 = arith.constant 0 : i32
    %dma_wait3A_545 = tpu.memref_slice %arg13[%dma_wait3A_543, %dma_wait3A_544] : memref<25x128xf32, #tpu.memory_space<vmem>> -> memref<25x128xf32, #tpu.memory_space<vmem>>
    tpu.wait_dma2 semaphore(%arg20 : memref<!tpu.dma_semaphore, #tpu.memory_space<semaphore_mem>>) src(%dma_wait3A_545 : memref<25x128xf32, #tpu.memory_space<vmem>>) dst(%dma_wait3A_542 : memref<25x128xf32, #tpu.memory_space<vmem_shared>>)
    %add3A_546 = arith.constant 500 : i32
    %add3A_547 = arith.addi %mul3A_2, %add3A_546 : i32
    %dma_wait3A_548 = arith.constant 0 : i32
    %dma_wait3A_549 = arith.constant 0 : i32
    %dma_wait3A_550 = tpu.memref_slice %arg13[%dma_wait3A_548, %dma_wait3A_549] : memref<25x128xf32, #tpu.memory_space<vmem>> -> memref<25x128xf32, #tpu.memory_space<vmem>>
    %dma_wait3A_551 = arith.constant 0 : i32
    %dma_wait3A_552 = tpu.memref_slice %arg15[%add3A_547, %dma_wait3A_551] : memref<10000x128xf32, #tpu.memory_space<vmem_shared>> -> memref<25x128xf32, #tpu.memory_space<vmem_shared>>
    %dma_wait3A_553 = arith.constant 0 : i32
    %dma_wait3A_554 = tpu.memref_slice %arg15[%add3A_547, %dma_wait3A_553] : memref<10000x128xf32, #tpu.memory_space<vmem_shared>> -> memref<25x128xf32, #tpu.memory_space<vmem_shared>>
    %dma_wait3A_555 = arith.constant 0 : i32
    %dma_wait3A_556 = arith.constant 0 : i32
    %dma_wait3A_557 = tpu.memref_slice %arg13[%dma_wait3A_555, %dma_wait3A_556] : memref<25x128xf32, #tpu.memory_space<vmem>> -> memref<25x128xf32, #tpu.memory_space<vmem>>
    tpu.wait_dma2 semaphore(%arg20 : memref<!tpu.dma_semaphore, #tpu.memory_space<semaphore_mem>>) src(%dma_wait3A_557 : memref<25x128xf32, #tpu.memory_space<vmem>>) dst(%dma_wait3A_554 : memref<25x128xf32, #tpu.memory_space<vmem_shared>>)
    %add3A_558 = arith.constant 525 : i32
    %add3A_559 = arith.addi %mul3A_2, %add3A_558 : i32
    %dma_wait3A_560 = arith.constant 0 : i32
    %dma_wait3A_561 = arith.constant 0 : i32
    %dma_wait3A_562 = tpu.memref_slice %arg13[%dma_wait3A_560, %dma_wait3A_561] : memref<25x128xf32, #tpu.memory_space<vmem>> -> memref<25x128xf32, #tpu.memory_space<vmem>>
    %dma_wait3A_563 = arith.constant 0 : i32
    %dma_wait3A_564 = tpu.memref_slice %arg15[%add3A_559, %dma_wait3A_563] : memref<10000x128xf32, #tpu.memory_space<vmem_shared>> -> memref<25x128xf32, #tpu.memory_space<vmem_shared>>
    %dma_wait3A_565 = arith.constant 0 : i32
    %dma_wait3A_566 = tpu.memref_slice %arg15[%add3A_559, %dma_wait3A_565] : memref<10000x128xf32, #tpu.memory_space<vmem_shared>> -> memref<25x128xf32, #tpu.memory_space<vmem_shared>>
    %dma_wait3A_567 = arith.constant 0 : i32
    %dma_wait3A_568 = arith.constant 0 : i32
    %dma_wait3A_569 = tpu.memref_slice %arg13[%dma_wait3A_567, %dma_wait3A_568] : memref<25x128xf32, #tpu.memory_space<vmem>> -> memref<25x128xf32, #tpu.memory_space<vmem>>
    tpu.wait_dma2 semaphore(%arg20 : memref<!tpu.dma_semaphore, #tpu.memory_space<semaphore_mem>>) src(%dma_wait3A_569 : memref<25x128xf32, #tpu.memory_space<vmem>>) dst(%dma_wait3A_566 : memref<25x128xf32, #tpu.memory_space<vmem_shared>>)
    %add3A_570 = arith.constant 550 : i32
    %add3A_571 = arith.addi %mul3A_2, %add3A_570 : i32
    %dma_wait3A_572 = arith.constant 0 : i32
    %dma_wait3A_573 = arith.constant 0 : i32
    %dma_wait3A_574 = tpu.memref_slice %arg13[%dma_wait3A_572, %dma_wait3A_573] : memref<25x128xf32, #tpu.memory_space<vmem>> -> memref<25x128xf32, #tpu.memory_space<vmem>>
    %dma_wait3A_575 = arith.constant 0 : i32
    %dma_wait3A_576 = tpu.memref_slice %arg15[%add3A_571, %dma_wait3A_575] : memref<10000x128xf32, #tpu.memory_space<vmem_shared>> -> memref<25x128xf32, #tpu.memory_space<vmem_shared>>
    %dma_wait3A_577 = arith.constant 0 : i32
    %dma_wait3A_578 = tpu.memref_slice %arg15[%add3A_571, %dma_wait3A_577] : memref<10000x128xf32, #tpu.memory_space<vmem_shared>> -> memref<25x128xf32, #tpu.memory_space<vmem_shared>>
    %dma_wait3A_579 = arith.constant 0 : i32
    %dma_wait3A_580 = arith.constant 0 : i32
    %dma_wait3A_581 = tpu.memref_slice %arg13[%dma_wait3A_579, %dma_wait3A_580] : memref<25x128xf32, #tpu.memory_space<vmem>> -> memref<25x128xf32, #tpu.memory_space<vmem>>
    tpu.wait_dma2 semaphore(%arg20 : memref<!tpu.dma_semaphore, #tpu.memory_space<semaphore_mem>>) src(%dma_wait3A_581 : memref<25x128xf32, #tpu.memory_space<vmem>>) dst(%dma_wait3A_578 : memref<25x128xf32, #tpu.memory_space<vmem_shared>>)
    %add3A_582 = arith.constant 575 : i32
    %add3A_583 = arith.addi %mul3A_2, %add3A_582 : i32
    %dma_wait3A_584 = arith.constant 0 : i32
    %dma_wait3A_585 = arith.constant 0 : i32
    %dma_wait3A_586 = tpu.memref_slice %arg13[%dma_wait3A_584, %dma_wait3A_585] : memref<25x128xf32, #tpu.memory_space<vmem>> -> memref<25x128xf32, #tpu.memory_space<vmem>>
    %dma_wait3A_587 = arith.constant 0 : i32
    %dma_wait3A_588 = tpu.memref_slice %arg15[%add3A_583, %dma_wait3A_587] : memref<10000x128xf32, #tpu.memory_space<vmem_shared>> -> memref<25x128xf32, #tpu.memory_space<vmem_shared>>
    %dma_wait3A_589 = arith.constant 0 : i32
    %dma_wait3A_590 = tpu.memref_slice %arg15[%add3A_583, %dma_wait3A_589] : memref<10000x128xf32, #tpu.memory_space<vmem_shared>> -> memref<25x128xf32, #tpu.memory_space<vmem_shared>>
    %dma_wait3A_591 = arith.constant 0 : i32
    %dma_wait3A_592 = arith.constant 0 : i32
    %dma_wait3A_593 = tpu.memref_slice %arg13[%dma_wait3A_591, %dma_wait3A_592] : memref<25x128xf32, #tpu.memory_space<vmem>> -> memref<25x128xf32, #tpu.memory_space<vmem>>
    tpu.wait_dma2 semaphore(%arg20 : memref<!tpu.dma_semaphore, #tpu.memory_space<semaphore_mem>>) src(%dma_wait3A_593 : memref<25x128xf32, #tpu.memory_space<vmem>>) dst(%dma_wait3A_590 : memref<25x128xf32, #tpu.memory_space<vmem_shared>>)
    %add3A_594 = arith.constant 600 : i32
    %add3A_595 = arith.addi %mul3A_2, %add3A_594 : i32
    %dma_wait3A_596 = arith.constant 0 : i32
    %dma_wait3A_597 = arith.constant 0 : i32
    %dma_wait3A_598 = tpu.memref_slice %arg13[%dma_wait3A_596, %dma_wait3A_597] : memref<25x128xf32, #tpu.memory_space<vmem>> -> memref<25x128xf32, #tpu.memory_space<vmem>>
    %dma_wait3A_599 = arith.constant 0 : i32
    %dma_wait3A_600 = tpu.memref_slice %arg15[%add3A_595, %dma_wait3A_599] : memref<10000x128xf32, #tpu.memory_space<vmem_shared>> -> memref<25x128xf32, #tpu.memory_space<vmem_shared>>
    %dma_wait3A_601 = arith.constant 0 : i32
    %dma_wait3A_602 = tpu.memref_slice %arg15[%add3A_595, %dma_wait3A_601] : memref<10000x128xf32, #tpu.memory_space<vmem_shared>> -> memref<25x128xf32, #tpu.memory_space<vmem_shared>>
    %dma_wait3A_603 = arith.constant 0 : i32
    %dma_wait3A_604 = arith.constant 0 : i32
    %dma_wait3A_605 = tpu.memref_slice %arg13[%dma_wait3A_603, %dma_wait3A_604] : memref<25x128xf32, #tpu.memory_space<vmem>> -> memref<25x128xf32, #tpu.memory_space<vmem>>
    tpu.wait_dma2 semaphore(%arg20 : memref<!tpu.dma_semaphore, #tpu.memory_space<semaphore_mem>>) src(%dma_wait3A_605 : memref<25x128xf32, #tpu.memory_space<vmem>>) dst(%dma_wait3A_602 : memref<25x128xf32, #tpu.memory_space<vmem_shared>>)
    "tpu.region"() ({
      %run_scoped3A = tpu.sem_alloc : memref<!tpu.dma_semaphore, #tpu.memory_space<semaphore_mem>>
      %dma_start3A_742 = arith.constant 0 : i32
      %dma_start3A_743 = arith.constant 0 : i32
      %dma_start3A_744 = tpu.memref_slice %arg3[%add3A, %dma_start3A_742, %dma_start3A_743] : memref<32x600x25xi32, #tpu.memory_space<hbm>> -> memref<1x600x25xi32, #tpu.memory_space<hbm>>
      %dma_start3A_745 = tpu.memref_squeeze %dma_start3A_744 : memref<1x600x25xi32, #tpu.memory_space<hbm>> -> memref<600x25xi32, #tpu.memory_space<hbm>>
      %dma_start3A_746 = arith.constant 0 : i32
      %dma_start3A_747 = arith.constant 0 : i32
      %dma_start3A_748 = tpu.memref_slice %arg3[%add3A, %dma_start3A_746, %dma_start3A_747] : memref<32x600x25xi32, #tpu.memory_space<hbm>> -> memref<1x600x25xi32, #tpu.memory_space<hbm>>
      %dma_start3A_749 = tpu.memref_squeeze %dma_start3A_748 : memref<1x600x25xi32, #tpu.memory_space<hbm>> -> memref<600x25xi32, #tpu.memory_space<hbm>>
      tpu.enqueue_dma source(%dma_start3A_749 : memref<600x25xi32, #tpu.memory_space<hbm>>) target(%arg6 : memref<600x25xi32, #tpu.memory_space<vmem>>) target_semaphore(%run_scoped3A : memref<!tpu.dma_semaphore, #tpu.memory_space<semaphore_mem>>)
      %dma_wait3A_750 = arith.constant 0 : i32
      %dma_wait3A_751 = arith.constant 0 : i32
      %dma_wait3A_752 = tpu.memref_slice %arg3[%add3A, %dma_wait3A_750, %dma_wait3A_751] : memref<32x600x25xi32, #tpu.memory_space<hbm>> -> memref<1x600x25xi32, #tpu.memory_space<hbm>>
      %dma_wait3A_753 = tpu.memref_squeeze %dma_wait3A_752 : memref<1x600x25xi32, #tpu.memory_space<hbm>> -> memref<600x25xi32, #tpu.memory_space<hbm>>
      %dma_wait3A_754 = arith.constant 0 : i32
      %dma_wait3A_755 = arith.constant 0 : i32
      %dma_wait3A_756 = tpu.memref_slice %arg3[%add3A, %dma_wait3A_754, %dma_wait3A_755] : memref<32x600x25xi32, #tpu.memory_space<hbm>> -> memref<1x600x25xi32, #tpu.memory_space<hbm>>
      %dma_wait3A_757 = tpu.memref_squeeze %dma_wait3A_756 : memref<1x600x25xi32, #tpu.memory_space<hbm>> -> memref<600x25xi32, #tpu.memory_space<hbm>>
      tpu.wait_dma2 semaphore(%run_scoped3A : memref<!tpu.dma_semaphore, #tpu.memory_space<semaphore_mem>>) src(%dma_wait3A_757 : memref<600x25xi32, #tpu.memory_space<hbm>>) dst(%arg6 : memref<600x25xi32, #tpu.memory_space<vmem>>)
      tpu.yield
    }) : () -> ()
    %barrier3A = arith.constant 0 : index
    tpu.barrier barrier_id(%barrier3A)
    %iota3A = tpu.iota {dimensions = array<i32: 0>} : vector<16xi32>
    %jit3A = arith.constant 4 : i32
    %div3A = vector.broadcast %jit3A : i32 to vector<16xi32>
    %div3A_606 = arith.divsi %iota3A, %div3A : vector<16xi32>
    %sign3A = arith.constant 0 : i32
    %sign3A_607 = vector.broadcast %sign3A : i32 to vector<16xi32>
    %sign3A_608 = arith.cmpi sgt, %iota3A, %sign3A_607 : vector<16xi32>
    %sign3A_609 = arith.extui %sign3A_608 : vector<16xi1> to vector<16xi32>
    %sign3A_610 = arith.constant 0 : i32
    %sign3A_611 = vector.broadcast %sign3A_610 : i32 to vector<16xi32>
    %sign3A_612 = arith.cmpi slt, %iota3A, %sign3A_611 : vector<16xi32>
    %sign3A_613 = arith.extui %sign3A_612 : vector<16xi1> to vector<16xi32>
    %sign3A_614 = arith.subi %sign3A_609, %sign3A_613 : vector<16xi32>
    %sign3A_615 = arith.constant 0 : i32
    %sign3A_616 = arith.cmpi sgt, %jit3A, %sign3A_615 : i32
    %sign3A_617 = arith.extui %sign3A_616 : i1 to i32
    %sign3A_618 = arith.constant 0 : i32
    %sign3A_619 = arith.cmpi slt, %jit3A, %sign3A_618 : i32
    %sign3A_620 = arith.extui %sign3A_619 : i1 to i32
    %sign3A_621 = arith.subi %sign3A_617, %sign3A_620 : i32
    %ne3A = vector.broadcast %sign3A_621 : i32 to vector<16xi32>
    %ne3A_622 = arith.cmpi ne, %sign3A_614, %ne3A : vector<16xi32>
    %rem3A = vector.broadcast %jit3A : i32 to vector<16xi32>
    %rem3A_623 = arith.remsi %iota3A, %rem3A : vector<16xi32>
    %ne3A_624 = arith.constant 0 : i32
    %ne3A_625 = vector.broadcast %ne3A_624 : i32 to vector<16xi32>
    %ne3A_626 = arith.cmpi ne, %rem3A_623, %ne3A_625 : vector<16xi32>
    %and3A = arith.andi %ne3A_622, %ne3A_626 : vector<16xi1>
    %sub3A = arith.constant 1 : i32
    %sub3A_627 = vector.broadcast %sub3A : i32 to vector<16xi32>
    %sub3A_628 = arith.subi %div3A_606, %sub3A_627 : vector<16xi32>
    %select_n3A = arith.select %and3A, %sub3A_628, %div3A_606 : vector<16xi1>, vector<16xi32>
    %mul3A_629 = arith.constant 2 : i32
    %mul3A_630 = vector.broadcast %mul3A_629 : i32 to vector<16xi32>
    %mul3A_631 = arith.muli %select_n3A, %mul3A_630 : vector<16xi32>
    %add3A_632 = arith.constant 1 : i32
    %add3A_633 = vector.broadcast %add3A_632 : i32 to vector<16xi32>
    %add3A_634 = arith.addi %mul3A_631, %add3A_633 : vector<16xi32>
    %add3A_635 = arith.constant 400 : i32
    %add3A_636 = arith.constant 0 : i32
    %add3A_637 = arith.addi %add3A_635, %add3A_636 : i32
    %get3A = arith.index_cast %add3A_637 : i32 to index
    %get3A_638 = arith.constant 0 : index
    %get3A_639 = tpu.vector_load %arg6[%get3A, %get3A_638] {strides = array<i32>} : memref<600x25xi32, #tpu.memory_space<vmem>>, vector<16xi32>,
    %and3A_640 = arith.constant 2047 : i32
    %and3A_641 = vector.broadcast %and3A_640 : i32 to vector<16xi32>
    %and3A_642 = arith.andi %get3A_639, %and3A_641 : vector<16xi32>
    %swap3A = arith.constant 0 : index
    %swap3A_643 = tpu.vector_load %arg7[%swap3A] {strides = array<i32>} : memref<25xi32, #tpu.memory_space<vmem>>, vector<16xi32>,
    tpu.vector_store %arg7[%swap3A], %and3A_642 {strides = array<i32>} : memref<25xi32, #tpu.memory_space<vmem>>, vector<16xi32>,
    %add3A_644 = arith.constant 400 : i32
    %add3A_645 = arith.constant 0 : i32
    %add3A_646 = arith.addi %add3A_644, %add3A_645 : i32
    %get3A_647 = arith.index_cast %add3A_646 : i32 to index
    %get3A_648 = arith.constant 9 : index
    %get3A_649 = tpu.vector_load %arg6[%get3A_647, %get3A_648] {strides = array<i32>} : memref<600x25xi32, #tpu.memory_space<vmem>>, vector<16xi32>,
    %and3A_650 = arith.constant 2047 : i32
    %and3A_651 = vector.broadcast %and3A_650 : i32 to vector<16xi32>
    %and3A_652 = arith.andi %get3A_649, %and3A_651 : vector<16xi32>
    %swap3A_653 = arith.constant 9 : index
    %swap3A_654 = tpu.vector_load %arg7[%swap3A_653] {strides = array<i32>} : memref<25xi32, #tpu.memory_space<vmem>>, vector<16xi32>,
    tpu.vector_store %arg7[%swap3A_653], %and3A_652 {strides = array<i32>} : memref<25xi32, #tpu.memory_space<vmem>>, vector<16xi32>,
    %dma_start3A_655 = arith.constant 0 : i32
    %dma_start3A_656 = arith.constant 0 : i32
    %dma_start3A_657 = tpu.memref_slice %arg6[%dma_start3A_655, %dma_start3A_656] : memref<600x25xi32, #tpu.memory_space<vmem>> -> memref<1x25xi32, #tpu.memory_space<vmem>>
    %dma_start3A_658 = tpu.memref_squeeze %dma_start3A_657 : memref<1x25xi32, #tpu.memory_space<vmem>> -> memref<25xi32, #tpu.memory_space<vmem>>
    %dma_start3A_659 = arith.constant 0 : i32
    %dma_start3A_660 = arith.constant 0 : i32
    %dma_start3A_661 = tpu.memref_slice %arg2[%dma_start3A_659, %dma_start3A_660] : memref<10000x128xbf16, #tpu.memory_space<hbm>> -> memref<10000x128xbf16, #tpu.memory_space<hbm>>
    tpu.enqueue_indirect_dma source(%dma_start3A_661 : memref<10000x128xbf16, #tpu.memory_space<hbm>>) target(%arg9 : memref<25x128xbf16, #tpu.memory_space<vmem>>) offsets(%dma_start3A_658 : memref<25xi32, #tpu.memory_space<vmem>>) semaphore(%arg16 : memref<!tpu.dma_semaphore, #tpu.memory_space<semaphore_mem>>)
    %dma_start3A_662 = arith.constant 0 : i32
    %dma_start3A_663 = arith.constant 0 : i32
    %dma_start3A_664 = tpu.memref_slice %arg4[%dma_start3A_662, %dma_start3A_663] : memref<400x512xbf16, #tpu.memory_space<hbm>> -> memref<400x512xbf16, #tpu.memory_space<hbm>>
    tpu.enqueue_indirect_dma source(%dma_start3A_664 : memref<400x512xbf16, #tpu.memory_space<hbm>>) target(%arg11 : memref<25x512xbf16, #tpu.memory_space<vmem>>) offsets(%arg7 : memref<25xi32, #tpu.memory_space<vmem>>) semaphore(%arg18 : memref<!tpu.dma_semaphore, #tpu.memory_space<semaphore_mem>>)
    %add3A_665 = arith.constant 400 : i32
    %add3A_666 = arith.constant 1 : i32
    %add3A_667 = arith.addi %add3A_665, %add3A_666 : i32
    %get3A_668 = arith.index_cast %add3A_667 : i32 to index
    %get3A_669 = arith.constant 0 : index
    %get3A_670 = tpu.vector_load %arg6[%get3A_668, %get3A_669] {strides = array<i32>} : memref<600x25xi32, #tpu.memory_space<vmem>>, vector<16xi32>,
    %and3A_671 = arith.constant 2047 : i32
    %and3A_672 = vector.broadcast %and3A_671 : i32 to vector<16xi32>
    %and3A_673 = arith.andi %get3A_670, %and3A_672 : vector<16xi32>
    %swap3A_674 = arith.constant 0 : index
    %swap3A_675 = tpu.vector_load %arg8[%swap3A_674] {strides = array<i32>} : memref<25xi32, #tpu.memory_space<vmem>>, vector<16xi32>,
    tpu.vector_store %arg8[%swap3A_674], %and3A_673 {strides = array<i32>} : memref<25xi32, #tpu.memory_space<vmem>>, vector<16xi32>,
    %add3A_676 = arith.constant 400 : i32
    %add3A_677 = arith.constant 1 : i32
    %add3A_678 = arith.addi %add3A_676, %add3A_677 : i32
    %get3A_679 = arith.index_cast %add3A_678 : i32 to index
    %get3A_680 = arith.constant 9 : index
    %get3A_681 = tpu.vector_load %arg6[%get3A_679, %get3A_680] {strides = array<i32>} : memref<600x25xi32, #tpu.memory_space<vmem>>, vector<16xi32>,
    %and3A_682 = arith.constant 2047 : i32
    %and3A_683 = vector.broadcast %and3A_682 : i32 to vector<16xi32>
    %and3A_684 = arith.andi %get3A_681, %and3A_683 : vector<16xi32>
    %swap3A_685 = arith.constant 9 : index
    %swap3A_686 = tpu.vector_load %arg8[%swap3A_685] {strides = array<i32>} : memref<25xi32, #tpu.memory_space<vmem>>, vector<16xi32>,
    tpu.vector_store %arg8[%swap3A_685], %and3A_684 {strides = array<i32>} : memref<25xi32, #tpu.memory_space<vmem>>, vector<16xi32>,
    %dma_start3A_687 = arith.constant 1 : i32
    %dma_start3A_688 = arith.constant 0 : i32
    %dma_start3A_689 = tpu.memref_slice %arg6[%dma_start3A_687, %dma_start3A_688] : memref<600x25xi32, #tpu.memory_space<vmem>> -> memref<1x25xi32, #tpu.memory_space<vmem>>
    %dma_start3A_690 = tpu.memref_squeeze %dma_start3A_689 : memref<1x25xi32, #tpu.memory_space<vmem>> -> memref<25xi32, #tpu.memory_space<vmem>>
    %dma_start3A_691 = arith.constant 0 : i32
    %dma_start3A_692 = arith.constant 0 : i32
    %dma_start3A_693 = tpu.memref_slice %arg2[%dma_start3A_691, %dma_start3A_692] : memref<10000x128xbf16, #tpu.memory_space<hbm>> -> memref<10000x128xbf16, #tpu.memory_space<hbm>>
    tpu.enqueue_indirect_dma source(%dma_start3A_693 : memref<10000x128xbf16, #tpu.memory_space<hbm>>) target(%arg10 : memref<25x128xbf16, #tpu.memory_space<vmem>>) offsets(%dma_start3A_690 : memref<25xi32, #tpu.memory_space<vmem>>) semaphore(%arg17 : memref<!tpu.dma_semaphore, #tpu.memory_space<semaphore_mem>>)
    %dma_start3A_694 = arith.constant 0 : i32
    %dma_start3A_695 = arith.constant 0 : i32
    %dma_start3A_696 = tpu.memref_slice %arg4[%dma_start3A_694, %dma_start3A_695] : memref<400x512xbf16, #tpu.memory_space<hbm>> -> memref<400x512xbf16, #tpu.memory_space<hbm>>
    tpu.enqueue_indirect_dma source(%dma_start3A_696 : memref<400x512xbf16, #tpu.memory_space<hbm>>) target(%arg12 : memref<25x512xbf16, #tpu.memory_space<vmem>>) offsets(%arg8 : memref<25xi32, #tpu.memory_space<vmem>>) semaphore(%arg19 : memref<!tpu.dma_semaphore, #tpu.memory_space<semaphore_mem>>)
    %scan3A_697 = arith.constant 0 : i32
    %scan3A_698 = arith.constant 0 : i32
    %scan3A_699 = arith.constant 100 : i32
    %scan3A_700 = arith.addi %scan3A_698, %scan3A_699 : i32
    %scan3A_701 = arith.constant 1 : i32
    scf.for %scan3A_742 = %scan3A_698 to %scan3A_700 step %scan3A_701  : i32 {
      %mul3A_743 = arith.constant 2 : i32
      %mul3A_744 = arith.muli %mul3A_743, %scan3A_742 : i32
      %add3A_745 = arith.constant 0 : i32
      %add3A_746 = arith.addi %mul3A_744, %add3A_745 : i32
      %dma_wait3A_747 = arith.constant 0 : i32
      %dma_wait3A_748 = tpu.memref_slice %arg6[%add3A_746, %dma_wait3A_747] : memref<600x25xi32, #tpu.memory_space<vmem>> -> memref<1x25xi32, #tpu.memory_space<vmem>>
      %dma_wait3A_749 = tpu.memref_squeeze %dma_wait3A_748 : memref<1x25xi32, #tpu.memory_space<vmem>> -> memref<25xi32, #tpu.memory_space<vmem>>
      %dma_wait3A_750 = arith.constant 0 : i32
      %dma_wait3A_751 = arith.constant 0 : i32
      %dma_wait3A_752 = tpu.memref_slice %arg2[%dma_wait3A_750, %dma_wait3A_751] : memref<10000x128xbf16, #tpu.memory_space<hbm>> -> memref<10000x128xbf16, #tpu.memory_space<hbm>>
      tpu.wait_indirect_dma semaphore(%arg16 : memref<!tpu.dma_semaphore, #tpu.memory_space<semaphore_mem>>) src(%dma_wait3A_752 : memref<10000x128xbf16, #tpu.memory_space<hbm>>) dst(%arg9 : memref<25x128xbf16, #tpu.memory_space<vmem>>)
      %dma_wait3A_753 = arith.constant 0 : i32
      %dma_wait3A_754 = arith.constant 0 : i32
      %dma_wait3A_755 = tpu.memref_slice %arg4[%dma_wait3A_753, %dma_wait3A_754] : memref<400x512xbf16, #tpu.memory_space<hbm>> -> memref<400x512xbf16, #tpu.memory_space<hbm>>
      tpu.wait_indirect_dma semaphore(%arg18 : memref<!tpu.dma_semaphore, #tpu.memory_space<semaphore_mem>>) src(%dma_wait3A_755 : memref<400x512xbf16, #tpu.memory_space<hbm>>) dst(%arg11 : memref<25x512xbf16, #tpu.memory_space<vmem>>)
      %gt3A = arith.constant 0 : i32
      %gt3A_756 = arith.cmpi sgt, %scan3A_742, %gt3A : i32
      %convert_element_type3A = arith.extui %gt3A_756 : i1 to i32
      %cond3A = arith.constant 0 : i32
      %cond3A_757 = arith.cmpi ne, %convert_element_type3A, %cond3A : i32
      scf.if %cond3A_757 {
        %sub3A_867 = arith.constant 2 : i32
        %sub3A_868 = arith.subi %add3A_746, %sub3A_867 : i32
        %add3A_869 = arith.constant 200 : i32
        %add3A_870 = arith.addi %add3A_869, %sub3A_868 : i32
        %dma_wait3A_871 = arith.constant 0 : i32
        %dma_wait3A_872 = tpu.memref_slice %arg6[%add3A_870, %dma_wait3A_871] : memref<600x25xi32, #tpu.memory_space<vmem>> -> memref<1x25xi32, #tpu.memory_space<vmem>>
        %dma_wait3A_873 = tpu.memref_squeeze %dma_wait3A_872 : memref<1x25xi32, #tpu.memory_space<vmem>> -> memref<25xi32, #tpu.memory_space<vmem>>
        %dma_wait3A_874 = arith.constant 0 : i32
        %dma_wait3A_875 = arith.constant 0 : i32
        %dma_wait3A_876 = tpu.memref_slice %arg15[%dma_wait3A_874, %dma_wait3A_875] : memref<10000x128xf32, #tpu.memory_space<vmem_shared>> -> memref<10000x128xf32, #tpu.memory_space<vmem_shared>>
        tpu.wait_indirect_dma semaphore(%arg20 : memref<!tpu.dma_semaphore, #tpu.memory_space<semaphore_mem>>) src(%arg13 : memref<25x128xf32, #tpu.memory_space<vmem>>) dst(%dma_wait3A_876 : memref<10000x128xf32, #tpu.memory_space<vmem_shared>>)
      } else {
      }
      %scan3A_758 = arith.constant 0 : i32
      %scan3A_759 = arith.constant 0 : i32
      %scan3A_760 = arith.constant 25 : i32
      %scan3A_761 = arith.addi %scan3A_759, %scan3A_760 : i32
      %scan3A_762 = arith.constant 1 : i32
      scf.for %scan3A_867 = %scan3A_759 to %scan3A_761 step %scan3A_762  : i32 {
        %broadcast_in_dim3A = vector.broadcast %scan3A_867 : i32 to vector<16xi32>
        %add3A_868 = arith.constant 400 : i32
        %add3A_869 = arith.addi %add3A_868, %add3A_746 : i32
        %broadcast_in_dim3A_870 = vector.broadcast %add3A_869 : i32 to vector<16xi32>
        %gather3A = tpu.vector_load_idx %arg6[%broadcast_in_dim3A_870, %broadcast_in_dim3A] : memref<600x25xi32, #tpu.memory_space<vmem>>[vector<16xi32>, vector<16xi32>], vector<16xi32>,
        %and3A_871 = arith.constant -2048 : i32
        %and3A_872 = vector.broadcast %and3A_871 : i32 to vector<16xi32>
        %and3A_873 = arith.andi %gather3A, %and3A_872 : vector<16xi32>
        %bitcast3A = vector.bitcast %and3A_873 : vector<16xi32> to vector<16xf32>
        %get3A_874 = arith.index_cast %scan3A_867 : i32 to index
        %get3A_875 = arith.constant 0 : index
        %get3A_876 = tpu.vector_load %arg9[%get3A_874, %get3A_875] {strides = array<i32>} : memref<25x128xbf16, #tpu.memory_space<vmem>>, vector<32xbf16>,
        %unpack3A = tpu.unpack_subelements %get3A_876, 0 {pack_format = #tpu.pack_format<interleaved>} : vector<32xbf16> -> vector<16xf32>
        %unpack3A_877 = tpu.unpack_subelements %get3A_876, 1 {pack_format = #tpu.pack_format<interleaved>} : vector<32xbf16> -> vector<16xf32>
        %get3A_878 = arith.index_cast %scan3A_867 : i32 to index
        %get3A_879 = arith.constant 0 : index
        %get3A_880 = tpu.vector_load %arg11[%get3A_878, %get3A_879] {strides = array<i32>} : memref<25x512xbf16, #tpu.memory_space<vmem>>, vector<32xbf16>,
        %unpack3A_881 = tpu.unpack_subelements %get3A_880, 0 {pack_format = #tpu.pack_format<interleaved>} : vector<32xbf16> -> vector<16xf32>
        %unpack3A_882 = tpu.unpack_subelements %get3A_880, 1 {pack_format = #tpu.pack_format<interleaved>} : vector<32xbf16> -> vector<16xf32>
        %broadcast_in_dim3A_883 = vector.shape_cast %mul3A_631 : vector<16xi32> to vector<16x1xi32>
        %gather3A_884 = vector.shape_cast %broadcast_in_dim3A_883 : vector<16x1xi32> to vector<16xi32>
        %gather3A_885 = tpu.dynamic_gather %unpack3A[%gather3A_884] in [0] : vector<16xf32>, vector<16xi32> -> vector<16xf32>
        %mul3A_886 = arith.mulf %gather3A_885, %unpack3A_881 : vector<16xf32>
        %add3A_887 = arith.constant 8 : i32
        %add3A_888 = vector.broadcast %add3A_887 : i32 to vector<16xi32>
        %add3A_889 = arith.addi %mul3A_631, %add3A_888 : vector<16xi32>
        %broadcast_in_dim3A_890 = vector.shape_cast %add3A_889 : vector<16xi32> to vector<16x1xi32>
        %gather3A_891 = vector.shape_cast %broadcast_in_dim3A_890 : vector<16x1xi32> to vector<16xi32>
        %gather3A_892 = tpu.dynamic_gather %unpack3A[%gather3A_891] in [0] : vector<16xf32>, vector<16xi32> -> vector<16xf32>
        %mul3A_893 = arith.mulf %gather3A_892, %unpack3A_882 : vector<16xf32>
        %get3A_894 = arith.index_cast %scan3A_867 : i32 to index
        %get3A_895 = arith.constant 128 : index
        %get3A_896 = tpu.vector_load %arg11[%get3A_894, %get3A_895] {strides = array<i32>} : memref<25x512xbf16, #tpu.memory_space<vmem>>, vector<32xbf16>,
        %unpack3A_897 = tpu.unpack_subelements %get3A_896, 0 {pack_format = #tpu.pack_format<interleaved>} : vector<32xbf16> -> vector<16xf32>
        %unpack3A_898 = tpu.unpack_subelements %get3A_896, 1 {pack_format = #tpu.pack_format<interleaved>} : vector<32xbf16> -> vector<16xf32>
        %broadcast_in_dim3A_899 = vector.shape_cast %mul3A_631 : vector<16xi32> to vector<16x1xi32>
        %gather3A_900 = vector.shape_cast %broadcast_in_dim3A_899 : vector<16x1xi32> to vector<16xi32>
        %gather3A_901 = tpu.dynamic_gather %unpack3A_877[%gather3A_900] in [0] : vector<16xf32>, vector<16xi32> -> vector<16xf32>
        %mul3A_902 = arith.mulf %gather3A_901, %unpack3A_897 : vector<16xf32>
        %add3A_903 = arith.constant 8 : i32
        %add3A_904 = vector.broadcast %add3A_903 : i32 to vector<16xi32>
        %add3A_905 = arith.addi %mul3A_631, %add3A_904 : vector<16xi32>
        %broadcast_in_dim3A_906 = vector.shape_cast %add3A_905 : vector<16xi32> to vector<16x1xi32>
        %gather3A_907 = vector.shape_cast %broadcast_in_dim3A_906 : vector<16x1xi32> to vector<16xi32>
        %gather3A_908 = tpu.dynamic_gather %unpack3A_877[%gather3A_907] in [0] : vector<16xf32>, vector<16xi32> -> vector<16xf32>
        %mul3A_909 = arith.mulf %gather3A_908, %unpack3A_898 : vector<16xf32>
        %add3A_910 = arith.addf %mul3A_886, %mul3A_902 : vector<16xf32>
        %add3A_911 = arith.addf %mul3A_893, %mul3A_909 : vector<16xf32>
        %get3A_912 = arith.index_cast %scan3A_867 : i32 to index
        %get3A_913 = arith.constant 256 : index
        %get3A_914 = tpu.vector_load %arg11[%get3A_912, %get3A_913] {strides = array<i32>} : memref<25x512xbf16, #tpu.memory_space<vmem>>, vector<32xbf16>,
        %unpack3A_915 = tpu.unpack_subelements %get3A_914, 0 {pack_format = #tpu.pack_format<interleaved>} : vector<32xbf16> -> vector<16xf32>
        %unpack3A_916 = tpu.unpack_subelements %get3A_914, 1 {pack_format = #tpu.pack_format<interleaved>} : vector<32xbf16> -> vector<16xf32>
        %broadcast_in_dim3A_917 = vector.shape_cast %add3A_634 : vector<16xi32> to vector<16x1xi32>
        %gather3A_918 = vector.shape_cast %broadcast_in_dim3A_917 : vector<16x1xi32> to vector<16xi32>
        %gather3A_919 = tpu.dynamic_gather %unpack3A[%gather3A_918] in [0] : vector<16xf32>, vector<16xi32> -> vector<16xf32>
        %mul3A_920 = arith.mulf %gather3A_919, %unpack3A_915 : vector<16xf32>
        %add3A_921 = arith.constant 8 : i32
        %add3A_922 = vector.broadcast %add3A_921 : i32 to vector<16xi32>
        %add3A_923 = arith.addi %add3A_634, %add3A_922 : vector<16xi32>
        %broadcast_in_dim3A_924 = vector.shape_cast %add3A_923 : vector<16xi32> to vector<16x1xi32>
        %gather3A_925 = vector.shape_cast %broadcast_in_dim3A_924 : vector<16x1xi32> to vector<16xi32>
        %gather3A_926 = tpu.dynamic_gather %unpack3A[%gather3A_925] in [0] : vector<16xf32>, vector<16xi32> -> vector<16xf32>
        %mul3A_927 = arith.mulf %gather3A_926, %unpack3A_916 : vector<16xf32>
        %add3A_928 = arith.addf %add3A_910, %mul3A_920 : vector<16xf32>
        %add3A_929 = arith.addf %add3A_911, %mul3A_927 : vector<16xf32>
        %get3A_930 = arith.index_cast %scan3A_867 : i32 to index
        %get3A_931 = arith.constant 384 : index
        %get3A_932 = tpu.vector_load %arg11[%get3A_930, %get3A_931] {strides = array<i32>} : memref<25x512xbf16, #tpu.memory_space<vmem>>, vector<32xbf16>,
        %unpack3A_933 = tpu.unpack_subelements %get3A_932, 0 {pack_format = #tpu.pack_format<interleaved>} : vector<32xbf16> -> vector<16xf32>
        %unpack3A_934 = tpu.unpack_subelements %get3A_932, 1 {pack_format = #tpu.pack_format<interleaved>} : vector<32xbf16> -> vector<16xf32>
        %broadcast_in_dim3A_935 = vector.shape_cast %add3A_634 : vector<16xi32> to vector<16x1xi32>
        %gather3A_936 = vector.shape_cast %broadcast_in_dim3A_935 : vector<16x1xi32> to vector<16xi32>
        %gather3A_937 = tpu.dynamic_gather %unpack3A_877[%gather3A_936] in [0] : vector<16xf32>, vector<16xi32> -> vector<16xf32>
        %mul3A_938 = arith.mulf %gather3A_937, %unpack3A_933 : vector<16xf32>
        %add3A_939 = arith.constant 8 : i32
        %add3A_940 = vector.broadcast %add3A_939 : i32 to vector<16xi32>
        %add3A_941 = arith.addi %add3A_634, %add3A_940 : vector<16xi32>
        %broadcast_in_dim3A_942 = vector.shape_cast %add3A_941 : vector<16xi32> to vector<16x1xi32>
        %gather3A_943 = vector.shape_cast %broadcast_in_dim3A_942 : vector<16x1xi32> to vector<16xi32>
        %gather3A_944 = tpu.dynamic_gather %unpack3A_877[%gather3A_943] in [0] : vector<16xf32>, vector<16xi32> -> vector<16xf32>
        %mul3A_945 = arith.mulf %gather3A_944, %unpack3A_934 : vector<16xf32>
        %add3A_946 = arith.addf %add3A_928, %mul3A_938 : vector<16xf32>
        %add3A_947 = arith.addf %add3A_929, %mul3A_945 : vector<16xf32>
        %mul3A_948 = arith.mulf %add3A_946, %bitcast3A : vector<16xf32>
        %swap3A_949 = arith.index_cast %scan3A_867 : i32 to index
        %swap3A_950 = arith.constant 0 : index
        %swap3A_951 = tpu.vector_load %arg13[%swap3A_949, %swap3A_950] {strides = array<i32>} : memref<25x128xf32, #tpu.memory_space<vmem>>, vector<16xf32>,
        tpu.vector_store %arg13[%swap3A_949, %swap3A_950], %mul3A_948 {strides = array<i32>} : memref<25x128xf32, #tpu.memory_space<vmem>>, vector<16xf32>,
        %mul3A_952 = arith.mulf %add3A_947, %bitcast3A : vector<16xf32>
        %swap3A_953 = arith.index_cast %scan3A_867 : i32 to index
        %swap3A_954 = arith.constant 16 : index
        %swap3A_955 = tpu.vector_load %arg13[%swap3A_953, %swap3A_954] {strides = array<i32>} : memref<25x128xf32, #tpu.memory_space<vmem>>, vector<16xf32>,
        tpu.vector_store %arg13[%swap3A_953, %swap3A_954], %mul3A_952 {strides = array<i32>} : memref<25x128xf32, #tpu.memory_space<vmem>>, vector<16xf32>,
        %get3A_956 = arith.index_cast %scan3A_867 : i32 to index
        %get3A_957 = arith.constant 32 : index
        %get3A_958 = tpu.vector_load %arg9[%get3A_956, %get3A_957] {strides = array<i32>} : memref<25x128xbf16, #tpu.memory_space<vmem>>, vector<32xbf16>,
        %unpack3A_959 = tpu.unpack_subelements %get3A_958, 0 {pack_format = #tpu.pack_format<interleaved>} : vector<32xbf16> -> vector<16xf32>
        %unpack3A_960 = tpu.unpack_subelements %get3A_958, 1 {pack_format = #tpu.pack_format<interleaved>} : vector<32xbf16> -> vector<16xf32>
        %get3A_961 = arith.index_cast %scan3A_867 : i32 to index
        %get3A_962 = arith.constant 32 : index
        %get3A_963 = tpu.vector_load %arg11[%get3A_961, %get3A_962] {strides = array<i32>} : memref<25x512xbf16, #tpu.memory_space<vmem>>, vector<32xbf16>,
        %unpack3A_964 = tpu.unpack_subelements %get3A_963, 0 {pack_format = #tpu.pack_format<interleaved>} : vector<32xbf16> -> vector<16xf32>
        %unpack3A_965 = tpu.unpack_subelements %get3A_963, 1 {pack_format = #tpu.pack_format<interleaved>} : vector<32xbf16> -> vector<16xf32>
        %broadcast_in_dim3A_966 = vector.shape_cast %mul3A_631 : vector<16xi32> to vector<16x1xi32>
        %gather3A_967 = vector.shape_cast %broadcast_in_dim3A_966 : vector<16x1xi32> to vector<16xi32>
        %gather3A_968 = tpu.dynamic_gather %unpack3A_959[%gather3A_967] in [0] : vector<16xf32>, vector<16xi32> -> vector<16xf32>
        %mul3A_969 = arith.mulf %gather3A_968, %unpack3A_964 : vector<16xf32>
        %add3A_970 = arith.constant 8 : i32
        %add3A_971 = vector.broadcast %add3A_970 : i32 to vector<16xi32>
        %add3A_972 = arith.addi %mul3A_631, %add3A_971 : vector<16xi32>
        %broadcast_in_dim3A_973 = vector.shape_cast %add3A_972 : vector<16xi32> to vector<16x1xi32>
        %gather3A_974 = vector.shape_cast %broadcast_in_dim3A_973 : vector<16x1xi32> to vector<16xi32>
        %gather3A_975 = tpu.dynamic_gather %unpack3A_959[%gather3A_974] in [0] : vector<16xf32>, vector<16xi32> -> vector<16xf32>
        %mul3A_976 = arith.mulf %gather3A_975, %unpack3A_965 : vector<16xf32>
        %get3A_977 = arith.index_cast %scan3A_867 : i32 to index
        %get3A_978 = arith.constant 160 : index
        %get3A_979 = tpu.vector_load %arg11[%get3A_977, %get3A_978] {strides = array<i32>} : memref<25x512xbf16, #tpu.memory_space<vmem>>, vector<32xbf16>,
        %unpack3A_980 = tpu.unpack_subelements %get3A_979, 0 {pack_format = #tpu.pack_format<interleaved>} : vector<32xbf16> -> vector<16xf32>
        %unpack3A_981 = tpu.unpack_subelements %get3A_979, 1 {pack_format = #tpu.pack_format<interleaved>} : vector<32xbf16> -> vector<16xf32>
        %broadcast_in_dim3A_982 = vector.shape_cast %mul3A_631 : vector<16xi32> to vector<16x1xi32>
        %gather3A_983 = vector.shape_cast %broadcast_in_dim3A_982 : vector<16x1xi32> to vector<16xi32>
        %gather3A_984 = tpu.dynamic_gather %unpack3A_960[%gather3A_983] in [0] : vector<16xf32>, vector<16xi32> -> vector<16xf32>
        %mul3A_985 = arith.mulf %gather3A_984, %unpack3A_980 : vector<16xf32>
        %add3A_986 = arith.constant 8 : i32
        %add3A_987 = vector.broadcast %add3A_986 : i32 to vector<16xi32>
        %add3A_988 = arith.addi %mul3A_631, %add3A_987 : vector<16xi32>
        %broadcast_in_dim3A_989 = vector.shape_cast %add3A_988 : vector<16xi32> to vector<16x1xi32>
        %gather3A_990 = vector.shape_cast %broadcast_in_dim3A_989 : vector<16x1xi32> to vector<16xi32>
        %gather3A_991 = tpu.dynamic_gather %unpack3A_960[%gather3A_990] in [0] : vector<16xf32>, vector<16xi32> -> vector<16xf32>
        %mul3A_992 = arith.mulf %gather3A_991, %unpack3A_981 : vector<16xf32>
        %add3A_993 = arith.addf %mul3A_969, %mul3A_985 : vector<16xf32>
        %add3A_994 = arith.addf %mul3A_976, %mul3A_992 : vector<16xf32>
        %get3A_995 = arith.index_cast %scan3A_867 : i32 to index
        %get3A_996 = arith.constant 288 : index
        %get3A_997 = tpu.vector_load %arg11[%get3A_995, %get3A_996] {strides = array<i32>} : memref<25x512xbf16, #tpu.memory_space<vmem>>, vector<32xbf16>,
        %unpack3A_998 = tpu.unpack_subelements %get3A_997, 0 {pack_format = #tpu.pack_format<interleaved>} : vector<32xbf16> -> vector<16xf32>
        %unpack3A_999 = tpu.unpack_subelements %get3A_997, 1 {pack_format = #tpu.pack_format<interleaved>} : vector<32xbf16> -> vector<16xf32>
        %broadcast_in_dim3A_1000 = vector.shape_cast %add3A_634 : vector<16xi32> to vector<16x1xi32>
        %gather3A_1001 = vector.shape_cast %broadcast_in_dim3A_1000 : vector<16x1xi32> to vector<16xi32>
        %gather3A_1002 = tpu.dynamic_gather %unpack3A_959[%gather3A_1001] in [0] : vector<16xf32>, vector<16xi32> -> vector<16xf32>
        %mul3A_1003 = arith.mulf %gather3A_1002, %unpack3A_998 : vector<16xf32>
        %add3A_1004 = arith.constant 8 : i32
        %add3A_1005 = vector.broadcast %add3A_1004 : i32 to vector<16xi32>
        %add3A_1006 = arith.addi %add3A_634, %add3A_1005 : vector<16xi32>
        %broadcast_in_dim3A_1007 = vector.shape_cast %add3A_1006 : vector<16xi32> to vector<16x1xi32>
        %gather3A_1008 = vector.shape_cast %broadcast_in_dim3A_1007 : vector<16x1xi32> to vector<16xi32>
        %gather3A_1009 = tpu.dynamic_gather %unpack3A_959[%gather3A_1008] in [0] : vector<16xf32>, vector<16xi32> -> vector<16xf32>
        %mul3A_1010 = arith.mulf %gather3A_1009, %unpack3A_999 : vector<16xf32>
        %add3A_1011 = arith.addf %add3A_993, %mul3A_1003 : vector<16xf32>
        %add3A_1012 = arith.addf %add3A_994, %mul3A_1010 : vector<16xf32>
        %get3A_1013 = arith.index_cast %scan3A_867 : i32 to index
        %get3A_1014 = arith.constant 416 : index
        %get3A_1015 = tpu.vector_load %arg11[%get3A_1013, %get3A_1014] {strides = array<i32>} : memref<25x512xbf16, #tpu.memory_space<vmem>>, vector<32xbf16>,
        %unpack3A_1016 = tpu.unpack_subelements %get3A_1015, 0 {pack_format = #tpu.pack_format<interleaved>} : vector<32xbf16> -> vector<16xf32>
        %unpack3A_1017 = tpu.unpack_subelements %get3A_1015, 1 {pack_format = #tpu.pack_format<interleaved>} : vector<32xbf16> -> vector<16xf32>
        %broadcast_in_dim3A_1018 = vector.shape_cast %add3A_634 : vector<16xi32> to vector<16x1xi32>
        %gather3A_1019 = vector.shape_cast %broadcast_in_dim3A_1018 : vector<16x1xi32> to vector<16xi32>
        %gather3A_1020 = tpu.dynamic_gather %unpack3A_960[%gather3A_1019] in [0] : vector<16xf32>, vector<16xi32> -> vector<16xf32>
        %mul3A_1021 = arith.mulf %gather3A_1020, %unpack3A_1016 : vector<16xf32>
        %add3A_1022 = arith.constant 8 : i32
        %add3A_1023 = vector.broadcast %add3A_1022 : i32 to vector<16xi32>
        %add3A_1024 = arith.addi %add3A_634, %add3A_1023 : vector<16xi32>
        %broadcast_in_dim3A_1025 = vector.shape_cast %add3A_1024 : vector<16xi32> to vector<16x1xi32>
        %gather3A_1026 = vector.shape_cast %broadcast_in_dim3A_1025 : vector<16x1xi32> to vector<16xi32>
        %gather3A_1027 = tpu.dynamic_gather %unpack3A_960[%gather3A_1026] in [0] : vector<16xf32>, vector<16xi32> -> vector<16xf32>
        %mul3A_1028 = arith.mulf %gather3A_1027, %unpack3A_1017 : vector<16xf32>
        %add3A_1029 = arith.addf %add3A_1011, %mul3A_1021 : vector<16xf32>
        %add3A_1030 = arith.addf %add3A_1012, %mul3A_1028 : vector<16xf32>
        %mul3A_1031 = arith.mulf %add3A_1029, %bitcast3A : vector<16xf32>
        %swap3A_1032 = arith.index_cast %scan3A_867 : i32 to index
        %swap3A_1033 = arith.constant 32 : index
        %swap3A_1034 = tpu.vector_load %arg13[%swap3A_1032, %swap3A_1033] {strides = array<i32>} : memref<25x128xf32, #tpu.memory_space<vmem>>, vector<16xf32>,
        tpu.vector_store %arg13[%swap3A_1032, %swap3A_1033], %mul3A_1031 {strides = array<i32>} : memref<25x128xf32, #tpu.memory_space<vmem>>, vector<16xf32>,
        %mul3A_1035 = arith.mulf %add3A_1030, %bitcast3A : vector<16xf32>
        %swap3A_1036 = arith.index_cast %scan3A_867 : i32 to index
        %swap3A_1037 = arith.constant 48 : index
        %swap3A_1038 = tpu.vector_load %arg13[%swap3A_1036, %swap3A_1037] {strides = array<i32>} : memref<25x128xf32, #tpu.memory_space<vmem>>, vector<16xf32>,
        tpu.vector_store %arg13[%swap3A_1036, %swap3A_1037], %mul3A_1035 {strides = array<i32>} : memref<25x128xf32, #tpu.memory_space<vmem>>, vector<16xf32>,
        %get3A_1039 = arith.index_cast %scan3A_867 : i32 to index
        %get3A_1040 = arith.constant 64 : index
        %get3A_1041 = tpu.vector_load %arg9[%get3A_1039, %get3A_1040] {strides = array<i32>} : memref<25x128xbf16, #tpu.memory_space<vmem>>, vector<32xbf16>,
        %unpack3A_1042 = tpu.unpack_subelements %get3A_1041, 0 {pack_format = #tpu.pack_format<interleaved>} : vector<32xbf16> -> vector<16xf32>
        %unpack3A_1043 = tpu.unpack_subelements %get3A_1041, 1 {pack_format = #tpu.pack_format<interleaved>} : vector<32xbf16> -> vector<16xf32>
        %get3A_1044 = arith.index_cast %scan3A_867 : i32 to index
        %get3A_1045 = arith.constant 64 : index
        %get3A_1046 = tpu.vector_load %arg11[%get3A_1044, %get3A_1045] {strides = array<i32>} : memref<25x512xbf16, #tpu.memory_space<vmem>>, vector<32xbf16>,
        %unpack3A_1047 = tpu.unpack_subelements %get3A_1046, 0 {pack_format = #tpu.pack_format<interleaved>} : vector<32xbf16> -> vector<16xf32>
        %unpack3A_1048 = tpu.unpack_subelements %get3A_1046, 1 {pack_format = #tpu.pack_format<interleaved>} : vector<32xbf16> -> vector<16xf32>
        %broadcast_in_dim3A_1049 = vector.shape_cast %mul3A_631 : vector<16xi32> to vector<16x1xi32>
        %gather3A_1050 = vector.shape_cast %broadcast_in_dim3A_1049 : vector<16x1xi32> to vector<16xi32>
        %gather3A_1051 = tpu.dynamic_gather %unpack3A_1042[%gather3A_1050] in [0] : vector<16xf32>, vector<16xi32> -> vector<16xf32>
        %mul3A_1052 = arith.mulf %gather3A_1051, %unpack3A_1047 : vector<16xf32>
        %add3A_1053 = arith.constant 8 : i32
        %add3A_1054 = vector.broadcast %add3A_1053 : i32 to vector<16xi32>
        %add3A_1055 = arith.addi %mul3A_631, %add3A_1054 : vector<16xi32>
        %broadcast_in_dim3A_1056 = vector.shape_cast %add3A_1055 : vector<16xi32> to vector<16x1xi32>
        %gather3A_1057 = vector.shape_cast %broadcast_in_dim3A_1056 : vector<16x1xi32> to vector<16xi32>
        %gather3A_1058 = tpu.dynamic_gather %unpack3A_1042[%gather3A_1057] in [0] : vector<16xf32>, vector<16xi32> -> vector<16xf32>
        %mul3A_1059 = arith.mulf %gather3A_1058, %unpack3A_1048 : vector<16xf32>
        %get3A_1060 = arith.index_cast %scan3A_867 : i32 to index
        %get3A_1061 = arith.constant 192 : index
        %get3A_1062 = tpu.vector_load %arg11[%get3A_1060, %get3A_1061] {strides = array<i32>} : memref<25x512xbf16, #tpu.memory_space<vmem>>, vector<32xbf16>,
        %unpack3A_1063 = tpu.unpack_subelements %get3A_1062, 0 {pack_format = #tpu.pack_format<interleaved>} : vector<32xbf16> -> vector<16xf32>
        %unpack3A_1064 = tpu.unpack_subelements %get3A_1062, 1 {pack_format = #tpu.pack_format<interleaved>} : vector<32xbf16> -> vector<16xf32>
        %broadcast_in_dim3A_1065 = vector.shape_cast %mul3A_631 : vector<16xi32> to vector<16x1xi32>
        %gather3A_1066 = vector.shape_cast %broadcast_in_dim3A_1065 : vector<16x1xi32> to vector<16xi32>
        %gather3A_1067 = tpu.dynamic_gather %unpack3A_1043[%gather3A_1066] in [0] : vector<16xf32>, vector<16xi32> -> vector<16xf32>
        %mul3A_1068 = arith.mulf %gather3A_1067, %unpack3A_1063 : vector<16xf32>
        %add3A_1069 = arith.constant 8 : i32
        %add3A_1070 = vector.broadcast %add3A_1069 : i32 to vector<16xi32>
        %add3A_1071 = arith.addi %mul3A_631, %add3A_1070 : vector<16xi32>
        %broadcast_in_dim3A_1072 = vector.shape_cast %add3A_1071 : vector<16xi32> to vector<16x1xi32>
        %gather3A_1073 = vector.shape_cast %broadcast_in_dim3A_1072 : vector<16x1xi32> to vector<16xi32>
        %gather3A_1074 = tpu.dynamic_gather %unpack3A_1043[%gather3A_1073] in [0] : vector<16xf32>, vector<16xi32> -> vector<16xf32>
        %mul3A_1075 = arith.mulf %gather3A_1074, %unpack3A_1064 : vector<16xf32>
        %add3A_1076 = arith.addf %mul3A_1052, %mul3A_1068 : vector<16xf32>
        %add3A_1077 = arith.addf %mul3A_1059, %mul3A_1075 : vector<16xf32>
        %get3A_1078 = arith.index_cast %scan3A_867 : i32 to index
        %get3A_1079 = arith.constant 320 : index
        %get3A_1080 = tpu.vector_load %arg11[%get3A_1078, %get3A_1079] {strides = array<i32>} : memref<25x512xbf16, #tpu.memory_space<vmem>>, vector<32xbf16>,
        %unpack3A_1081 = tpu.unpack_subelements %get3A_1080, 0 {pack_format = #tpu.pack_format<interleaved>} : vector<32xbf16> -> vector<16xf32>
        %unpack3A_1082 = tpu.unpack_subelements %get3A_1080, 1 {pack_format = #tpu.pack_format<interleaved>} : vector<32xbf16> -> vector<16xf32>
        %broadcast_in_dim3A_1083 = vector.shape_cast %add3A_634 : vector<16xi32> to vector<16x1xi32>
        %gather3A_1084 = vector.shape_cast %broadcast_in_dim3A_1083 : vector<16x1xi32> to vector<16xi32>
        %gather3A_1085 = tpu.dynamic_gather %unpack3A_1042[%gather3A_1084] in [0] : vector<16xf32>, vector<16xi32> -> vector<16xf32>
        %mul3A_1086 = arith.mulf %gather3A_1085, %unpack3A_1081 : vector<16xf32>
        %add3A_1087 = arith.constant 8 : i32
        %add3A_1088 = vector.broadcast %add3A_1087 : i32 to vector<16xi32>
        %add3A_1089 = arith.addi %add3A_634, %add3A_1088 : vector<16xi32>
        %broadcast_in_dim3A_1090 = vector.shape_cast %add3A_1089 : vector<16xi32> to vector<16x1xi32>
        %gather3A_1091 = vector.shape_cast %broadcast_in_dim3A_1090 : vector<16x1xi32> to vector<16xi32>
        %gather3A_1092 = tpu.dynamic_gather %unpack3A_1042[%gather3A_1091] in [0] : vector<16xf32>, vector<16xi32> -> vector<16xf32>
        %mul3A_1093 = arith.mulf %gather3A_1092, %unpack3A_1082 : vector<16xf32>
        %add3A_1094 = arith.addf %add3A_1076, %mul3A_1086 : vector<16xf32>
        %add3A_1095 = arith.addf %add3A_1077, %mul3A_1093 : vector<16xf32>
        %get3A_1096 = arith.index_cast %scan3A_867 : i32 to index
        %get3A_1097 = arith.constant 448 : index
        %get3A_1098 = tpu.vector_load %arg11[%get3A_1096, %get3A_1097] {strides = array<i32>} : memref<25x512xbf16, #tpu.memory_space<vmem>>, vector<32xbf16>,
        %unpack3A_1099 = tpu.unpack_subelements %get3A_1098, 0 {pack_format = #tpu.pack_format<interleaved>} : vector<32xbf16> -> vector<16xf32>
        %unpack3A_1100 = tpu.unpack_subelements %get3A_1098, 1 {pack_format = #tpu.pack_format<interleaved>} : vector<32xbf16> -> vector<16xf32>
        %broadcast_in_dim3A_1101 = vector.shape_cast %add3A_634 : vector<16xi32> to vector<16x1xi32>
        %gather3A_1102 = vector.shape_cast %broadcast_in_dim3A_1101 : vector<16x1xi32> to vector<16xi32>
        %gather3A_1103 = tpu.dynamic_gather %unpack3A_1043[%gather3A_1102] in [0] : vector<16xf32>, vector<16xi32> -> vector<16xf32>
        %mul3A_1104 = arith.mulf %gather3A_1103, %unpack3A_1099 : vector<16xf32>
        %add3A_1105 = arith.constant 8 : i32
        %add3A_1106 = vector.broadcast %add3A_1105 : i32 to vector<16xi32>
        %add3A_1107 = arith.addi %add3A_634, %add3A_1106 : vector<16xi32>
        %broadcast_in_dim3A_1108 = vector.shape_cast %add3A_1107 : vector<16xi32> to vector<16x1xi32>
        %gather3A_1109 = vector.shape_cast %broadcast_in_dim3A_1108 : vector<16x1xi32> to vector<16xi32>
        %gather3A_1110 = tpu.dynamic_gather %unpack3A_1043[%gather3A_1109] in [0] : vector<16xf32>, vector<16xi32> -> vector<16xf32>
        %mul3A_1111 = arith.mulf %gather3A_1110, %unpack3A_1100 : vector<16xf32>
        %add3A_1112 = arith.addf %add3A_1094, %mul3A_1104 : vector<16xf32>
        %add3A_1113 = arith.addf %add3A_1095, %mul3A_1111 : vector<16xf32>
        %mul3A_1114 = arith.mulf %add3A_1112, %bitcast3A : vector<16xf32>
        %swap3A_1115 = arith.index_cast %scan3A_867 : i32 to index
        %swap3A_1116 = arith.constant 64 : index
        %swap3A_1117 = tpu.vector_load %arg13[%swap3A_1115, %swap3A_1116] {strides = array<i32>} : memref<25x128xf32, #tpu.memory_space<vmem>>, vector<16xf32>,
        tpu.vector_store %arg13[%swap3A_1115, %swap3A_1116], %mul3A_1114 {strides = array<i32>} : memref<25x128xf32, #tpu.memory_space<vmem>>, vector<16xf32>,
        %mul3A_1118 = arith.mulf %add3A_1113, %bitcast3A : vector<16xf32>
        %swap3A_1119 = arith.index_cast %scan3A_867 : i32 to index
        %swap3A_1120 = arith.constant 80 : index
        %swap3A_1121 = tpu.vector_load %arg13[%swap3A_1119, %swap3A_1120] {strides = array<i32>} : memref<25x128xf32, #tpu.memory_space<vmem>>, vector<16xf32>,
        tpu.vector_store %arg13[%swap3A_1119, %swap3A_1120], %mul3A_1118 {strides = array<i32>} : memref<25x128xf32, #tpu.memory_space<vmem>>, vector<16xf32>,
        %get3A_1122 = arith.index_cast %scan3A_867 : i32 to index
        %get3A_1123 = arith.constant 96 : index
        %get3A_1124 = tpu.vector_load %arg9[%get3A_1122, %get3A_1123] {strides = array<i32>} : memref<25x128xbf16, #tpu.memory_space<vmem>>, vector<32xbf16>,
        %unpack3A_1125 = tpu.unpack_subelements %get3A_1124, 0 {pack_format = #tpu.pack_format<interleaved>} : vector<32xbf16> -> vector<16xf32>
        %unpack3A_1126 = tpu.unpack_subelements %get3A_1124, 1 {pack_format = #tpu.pack_format<interleaved>} : vector<32xbf16> -> vector<16xf32>
        %get3A_1127 = arith.index_cast %scan3A_867 : i32 to index
        %get3A_1128 = arith.constant 96 : index
        %get3A_1129 = tpu.vector_load %arg11[%get3A_1127, %get3A_1128] {strides = array<i32>} : memref<25x512xbf16, #tpu.memory_space<vmem>>, vector<32xbf16>,
        %unpack3A_1130 = tpu.unpack_subelements %get3A_1129, 0 {pack_format = #tpu.pack_format<interleaved>} : vector<32xbf16> -> vector<16xf32>
        %unpack3A_1131 = tpu.unpack_subelements %get3A_1129, 1 {pack_format = #tpu.pack_format<interleaved>} : vector<32xbf16> -> vector<16xf32>
        %broadcast_in_dim3A_1132 = vector.shape_cast %mul3A_631 : vector<16xi32> to vector<16x1xi32>
        %gather3A_1133 = vector.shape_cast %broadcast_in_dim3A_1132 : vector<16x1xi32> to vector<16xi32>
        %gather3A_1134 = tpu.dynamic_gather %unpack3A_1125[%gather3A_1133] in [0] : vector<16xf32>, vector<16xi32> -> vector<16xf32>
        %mul3A_1135 = arith.mulf %gather3A_1134, %unpack3A_1130 : vector<16xf32>
        %add3A_1136 = arith.constant 8 : i32
        %add3A_1137 = vector.broadcast %add3A_1136 : i32 to vector<16xi32>
        %add3A_1138 = arith.addi %mul3A_631, %add3A_1137 : vector<16xi32>
        %broadcast_in_dim3A_1139 = vector.shape_cast %add3A_1138 : vector<16xi32> to vector<16x1xi32>
        %gather3A_1140 = vector.shape_cast %broadcast_in_dim3A_1139 : vector<16x1xi32> to vector<16xi32>
        %gather3A_1141 = tpu.dynamic_gather %unpack3A_1125[%gather3A_1140] in [0] : vector<16xf32>, vector<16xi32> -> vector<16xf32>
        %mul3A_1142 = arith.mulf %gather3A_1141, %unpack3A_1131 : vector<16xf32>
        %get3A_1143 = arith.index_cast %scan3A_867 : i32 to index
        %get3A_1144 = arith.constant 224 : index
        %get3A_1145 = tpu.vector_load %arg11[%get3A_1143, %get3A_1144] {strides = array<i32>} : memref<25x512xbf16, #tpu.memory_space<vmem>>, vector<32xbf16>,
        %unpack3A_1146 = tpu.unpack_subelements %get3A_1145, 0 {pack_format = #tpu.pack_format<interleaved>} : vector<32xbf16> -> vector<16xf32>
        %unpack3A_1147 = tpu.unpack_subelements %get3A_1145, 1 {pack_format = #tpu.pack_format<interleaved>} : vector<32xbf16> -> vector<16xf32>
        %broadcast_in_dim3A_1148 = vector.shape_cast %mul3A_631 : vector<16xi32> to vector<16x1xi32>
        %gather3A_1149 = vector.shape_cast %broadcast_in_dim3A_1148 : vector<16x1xi32> to vector<16xi32>
        %gather3A_1150 = tpu.dynamic_gather %unpack3A_1126[%gather3A_1149] in [0] : vector<16xf32>, vector<16xi32> -> vector<16xf32>
        %mul3A_1151 = arith.mulf %gather3A_1150, %unpack3A_1146 : vector<16xf32>
        %add3A_1152 = arith.constant 8 : i32
        %add3A_1153 = vector.broadcast %add3A_1152 : i32 to vector<16xi32>
        %add3A_1154 = arith.addi %mul3A_631, %add3A_1153 : vector<16xi32>
        %broadcast_in_dim3A_1155 = vector.shape_cast %add3A_1154 : vector<16xi32> to vector<16x1xi32>
        %gather3A_1156 = vector.shape_cast %broadcast_in_dim3A_1155 : vector<16x1xi32> to vector<16xi32>
        %gather3A_1157 = tpu.dynamic_gather %unpack3A_1126[%gather3A_1156] in [0] : vector<16xf32>, vector<16xi32> -> vector<16xf32>
        %mul3A_1158 = arith.mulf %gather3A_1157, %unpack3A_1147 : vector<16xf32>
        %add3A_1159 = arith.addf %mul3A_1135, %mul3A_1151 : vector<16xf32>
        %add3A_1160 = arith.addf %mul3A_1142, %mul3A_1158 : vector<16xf32>
        %get3A_1161 = arith.index_cast %scan3A_867 : i32 to index
        %get3A_1162 = arith.constant 352 : index
        %get3A_1163 = tpu.vector_load %arg11[%get3A_1161, %get3A_1162] {strides = array<i32>} : memref<25x512xbf16, #tpu.memory_space<vmem>>, vector<32xbf16>,
        %unpack3A_1164 = tpu.unpack_subelements %get3A_1163, 0 {pack_format = #tpu.pack_format<interleaved>} : vector<32xbf16> -> vector<16xf32>
        %unpack3A_1165 = tpu.unpack_subelements %get3A_1163, 1 {pack_format = #tpu.pack_format<interleaved>} : vector<32xbf16> -> vector<16xf32>
        %broadcast_in_dim3A_1166 = vector.shape_cast %add3A_634 : vector<16xi32> to vector<16x1xi32>
        %gather3A_1167 = vector.shape_cast %broadcast_in_dim3A_1166 : vector<16x1xi32> to vector<16xi32>
        %gather3A_1168 = tpu.dynamic_gather %unpack3A_1125[%gather3A_1167] in [0] : vector<16xf32>, vector<16xi32> -> vector<16xf32>
        %mul3A_1169 = arith.mulf %gather3A_1168, %unpack3A_1164 : vector<16xf32>
        %add3A_1170 = arith.constant 8 : i32
        %add3A_1171 = vector.broadcast %add3A_1170 : i32 to vector<16xi32>
        %add3A_1172 = arith.addi %add3A_634, %add3A_1171 : vector<16xi32>
        %broadcast_in_dim3A_1173 = vector.shape_cast %add3A_1172 : vector<16xi32> to vector<16x1xi32>
        %gather3A_1174 = vector.shape_cast %broadcast_in_dim3A_1173 : vector<16x1xi32> to vector<16xi32>
        %gather3A_1175 = tpu.dynamic_gather %unpack3A_1125[%gather3A_1174] in [0] : vector<16xf32>, vector<16xi32> -> vector<16xf32>
        %mul3A_1176 = arith.mulf %gather3A_1175, %unpack3A_1165 : vector<16xf32>
        %add3A_1177 = arith.addf %add3A_1159, %mul3A_1169 : vector<16xf32>
        %add3A_1178 = arith.addf %add3A_1160, %mul3A_1176 : vector<16xf32>
        %get3A_1179 = arith.index_cast %scan3A_867 : i32 to index
        %get3A_1180 = arith.constant 480 : index
        %get3A_1181 = tpu.vector_load %arg11[%get3A_1179, %get3A_1180] {strides = array<i32>} : memref<25x512xbf16, #tpu.memory_space<vmem>>, vector<32xbf16>,
        %unpack3A_1182 = tpu.unpack_subelements %get3A_1181, 0 {pack_format = #tpu.pack_format<interleaved>} : vector<32xbf16> -> vector<16xf32>
        %unpack3A_1183 = tpu.unpack_subelements %get3A_1181, 1 {pack_format = #tpu.pack_format<interleaved>} : vector<32xbf16> -> vector<16xf32>
        %broadcast_in_dim3A_1184 = vector.shape_cast %add3A_634 : vector<16xi32> to vector<16x1xi32>
        %gather3A_1185 = vector.shape_cast %broadcast_in_dim3A_1184 : vector<16x1xi32> to vector<16xi32>
        %gather3A_1186 = tpu.dynamic_gather %unpack3A_1126[%gather3A_1185] in [0] : vector<16xf32>, vector<16xi32> -> vector<16xf32>
        %mul3A_1187 = arith.mulf %gather3A_1186, %unpack3A_1182 : vector<16xf32>
        %add3A_1188 = arith.constant 8 : i32
        %add3A_1189 = vector.broadcast %add3A_1188 : i32 to vector<16xi32>
        %add3A_1190 = arith.addi %add3A_634, %add3A_1189 : vector<16xi32>
        %broadcast_in_dim3A_1191 = vector.shape_cast %add3A_1190 : vector<16xi32> to vector<16x1xi32>
        %gather3A_1192 = vector.shape_cast %broadcast_in_dim3A_1191 : vector<16x1xi32> to vector<16xi32>
        %gather3A_1193 = tpu.dynamic_gather %unpack3A_1126[%gather3A_1192] in [0] : vector<16xf32>, vector<16xi32> -> vector<16xf32>
        %mul3A_1194 = arith.mulf %gather3A_1193, %unpack3A_1183 : vector<16xf32>
        %add3A_1195 = arith.addf %add3A_1177, %mul3A_1187 : vector<16xf32>
        %add3A_1196 = arith.addf %add3A_1178, %mul3A_1194 : vector<16xf32>
        %mul3A_1197 = arith.mulf %add3A_1195, %bitcast3A : vector<16xf32>
        %swap3A_1198 = arith.index_cast %scan3A_867 : i32 to index
        %swap3A_1199 = arith.constant 96 : index
        %swap3A_1200 = tpu.vector_load %arg13[%swap3A_1198, %swap3A_1199] {strides = array<i32>} : memref<25x128xf32, #tpu.memory_space<vmem>>, vector<16xf32>,
        tpu.vector_store %arg13[%swap3A_1198, %swap3A_1199], %mul3A_1197 {strides = array<i32>} : memref<25x128xf32, #tpu.memory_space<vmem>>, vector<16xf32>,
        %mul3A_1201 = arith.mulf %add3A_1196, %bitcast3A : vector<16xf32>
        %swap3A_1202 = arith.index_cast %scan3A_867 : i32 to index
        %swap3A_1203 = arith.constant 112 : index
        %swap3A_1204 = tpu.vector_load %arg13[%swap3A_1202, %swap3A_1203] {strides = array<i32>} : memref<25x128xf32, #tpu.memory_space<vmem>>, vector<16xf32>,
        tpu.vector_store %arg13[%swap3A_1202, %swap3A_1203], %mul3A_1201 {strides = array<i32>} : memref<25x128xf32, #tpu.memory_space<vmem>>, vector<16xf32>,
      }
      %scan3A_763 = arith.constant 25 : i32
      %add3A_764 = arith.constant 200 : i32
      %add3A_765 = arith.addi %add3A_764, %add3A_746 : i32
      %dma_start3A_766 = arith.constant 0 : i32
      %dma_start3A_767 = tpu.memref_slice %arg6[%add3A_765, %dma_start3A_766] : memref<600x25xi32, #tpu.memory_space<vmem>> -> memref<1x25xi32, #tpu.memory_space<vmem>>
      %dma_start3A_768 = tpu.memref_squeeze %dma_start3A_767 : memref<1x25xi32, #tpu.memory_space<vmem>> -> memref<25xi32, #tpu.memory_space<vmem>>
      %dma_start3A_769 = arith.constant 0 : i32
      %dma_start3A_770 = arith.constant 0 : i32
      %dma_start3A_771 = tpu.memref_slice %arg15[%dma_start3A_769, %dma_start3A_770] : memref<10000x128xf32, #tpu.memory_space<vmem_shared>> -> memref<10000x128xf32, #tpu.memory_space<vmem_shared>>
      tpu.enqueue_indirect_dma source(%arg13 : memref<25x128xf32, #tpu.memory_space<vmem>>) target(%dma_start3A_771 : memref<10000x128xf32, #tpu.memory_space<vmem_shared>>) offsets(%dma_start3A_768 : memref<25xi32, #tpu.memory_space<vmem>>) semaphore(%arg20 : memref<!tpu.dma_semaphore, #tpu.memory_space<semaphore_mem>>) {add = true}
      %add3A_772 = arith.constant 2 : i32
      %add3A_773 = arith.addi %add3A_746, %add3A_772 : i32
      %min3A = arith.constant 199 : i32
      %min3A_774 = arith.minsi %add3A_773, %min3A : i32
      %add3A_775 = arith.constant 400 : i32
      %add3A_776 = arith.addi %add3A_775, %min3A_774 : i32
      %get3A_777 = arith.index_cast %add3A_776 : i32 to index
      %get3A_778 = arith.constant 0 : index
      %get3A_779 = tpu.vector_load %arg6[%get3A_777, %get3A_778] {strides = array<i32>} : memref<600x25xi32, #tpu.memory_space<vmem>>, vector<16xi32>,
      %and3A_780 = arith.constant 2047 : i32
      %and3A_781 = vector.broadcast %and3A_780 : i32 to vector<16xi32>
      %and3A_782 = arith.andi %get3A_779, %and3A_781 : vector<16xi32>
      %swap3A_783 = arith.constant 0 : index
      %swap3A_784 = tpu.vector_load %arg7[%swap3A_783] {strides = array<i32>} : memref<25xi32, #tpu.memory_space<vmem>>, vector<16xi32>,
      tpu.vector_store %arg7[%swap3A_783], %and3A_782 {strides = array<i32>} : memref<25xi32, #tpu.memory_space<vmem>>, vector<16xi32>,
      %add3A_785 = arith.constant 400 : i32
      %add3A_786 = arith.addi %add3A_785, %min3A_774 : i32
      %get3A_787 = arith.index_cast %add3A_786 : i32 to index
      %get3A_788 = arith.constant 9 : index
      %get3A_789 = tpu.vector_load %arg6[%get3A_787, %get3A_788] {strides = array<i32>} : memref<600x25xi32, #tpu.memory_space<vmem>>, vector<16xi32>,
      %and3A_790 = arith.constant 2047 : i32
      %and3A_791 = vector.broadcast %and3A_790 : i32 to vector<16xi32>
      %and3A_792 = arith.andi %get3A_789, %and3A_791 : vector<16xi32>
      %swap3A_793 = arith.constant 9 : index
      %swap3A_794 = tpu.vector_load %arg7[%swap3A_793] {strides = array<i32>} : memref<25xi32, #tpu.memory_space<vmem>>, vector<16xi32>,
      tpu.vector_store %arg7[%swap3A_793], %and3A_792 {strides = array<i32>} : memref<25xi32, #tpu.memory_space<vmem>>, vector<16xi32>,
      %dma_start3A_795 = arith.constant 0 : i32
      %dma_start3A_796 = tpu.memref_slice %arg6[%min3A_774, %dma_start3A_795] : memref<600x25xi32, #tpu.memory_space<vmem>> -> memref<1x25xi32, #tpu.memory_space<vmem>>
      %dma_start3A_797 = tpu.memref_squeeze %dma_start3A_796 : memref<1x25xi32, #tpu.memory_space<vmem>> -> memref<25xi32, #tpu.memory_space<vmem>>
      %dma_start3A_798 = arith.constant 0 : i32
      %dma_start3A_799 = arith.constant 0 : i32
      %dma_start3A_800 = tpu.memref_slice %arg2[%dma_start3A_798, %dma_start3A_799] : memref<10000x128xbf16, #tpu.memory_space<hbm>> -> memref<10000x128xbf16, #tpu.memory_space<hbm>>
      tpu.enqueue_indirect_dma source(%dma_start3A_800 : memref<10000x128xbf16, #tpu.memory_space<hbm>>) target(%arg9 : memref<25x128xbf16, #tpu.memory_space<vmem>>) offsets(%dma_start3A_797 : memref<25xi32, #tpu.memory_space<vmem>>) semaphore(%arg16 : memref<!tpu.dma_semaphore, #tpu.memory_space<semaphore_mem>>)
      %dma_start3A_801 = arith.constant 0 : i32
      %dma_start3A_802 = arith.constant 0 : i32
      %dma_start3A_803 = tpu.memref_slice %arg4[%dma_start3A_801, %dma_start3A_802] : memref<400x512xbf16, #tpu.memory_space<hbm>> -> memref<400x512xbf16, #tpu.memory_space<hbm>>
      tpu.enqueue_indirect_dma source(%dma_start3A_803 : memref<400x512xbf16, #tpu.memory_space<hbm>>) target(%arg11 : memref<25x512xbf16, #tpu.memory_space<vmem>>) offsets(%arg7 : memref<25xi32, #tpu.memory_space<vmem>>) semaphore(%arg18 : memref<!tpu.dma_semaphore, #tpu.memory_space<semaphore_mem>>)
      %add3A_804 = arith.constant 1 : i32
      %add3A_805 = arith.addi %mul3A_744, %add3A_804 : i32
      %dma_wait3A_806 = arith.constant 0 : i32
      %dma_wait3A_807 = tpu.memref_slice %arg6[%add3A_805, %dma_wait3A_806] : memref<600x25xi32, #tpu.memory_space<vmem>> -> memref<1x25xi32, #tpu.memory_space<vmem>>
      %dma_wait3A_808 = tpu.memref_squeeze %dma_wait3A_807 : memref<1x25xi32, #tpu.memory_space<vmem>> -> memref<25xi32, #tpu.memory_space<vmem>>
      %dma_wait3A_809 = arith.constant 0 : i32
      %dma_wait3A_810 = arith.constant 0 : i32
      %dma_wait3A_811 = tpu.memref_slice %arg2[%dma_wait3A_809, %dma_wait3A_810] : memref<10000x128xbf16, #tpu.memory_space<hbm>> -> memref<10000x128xbf16, #tpu.memory_space<hbm>>
      tpu.wait_indirect_dma semaphore(%arg17 : memref<!tpu.dma_semaphore, #tpu.memory_space<semaphore_mem>>) src(%dma_wait3A_811 : memref<10000x128xbf16, #tpu.memory_space<hbm>>) dst(%arg10 : memref<25x128xbf16, #tpu.memory_space<vmem>>)
      %dma_wait3A_812 = arith.constant 0 : i32
      %dma_wait3A_813 = arith.constant 0 : i32
      %dma_wait3A_814 = tpu.memref_slice %arg4[%dma_wait3A_812, %dma_wait3A_813] : memref<400x512xbf16, #tpu.memory_space<hbm>> -> memref<400x512xbf16, #tpu.memory_space<hbm>>
      tpu.wait_indirect_dma semaphore(%arg19 : memref<!tpu.dma_semaphore, #tpu.memory_space<semaphore_mem>>) src(%dma_wait3A_814 : memref<400x512xbf16, #tpu.memory_space<hbm>>) dst(%arg12 : memref<25x512xbf16, #tpu.memory_space<vmem>>)
      %gt3A_815 = arith.constant 0 : i32
      %gt3A_816 = arith.cmpi sgt, %scan3A_742, %gt3A_815 : i32
      %convert_element_type3A_817 = arith.extui %gt3A_816 : i1 to i32
      %cond3A_818 = arith.constant 0 : i32
      %cond3A_819 = arith.cmpi ne, %convert_element_type3A_817, %cond3A_818 : i32
      scf.if %cond3A_819 {
        %sub3A_867 = arith.constant 2 : i32
        %sub3A_868 = arith.subi %add3A_805, %sub3A_867 : i32
        %add3A_869 = arith.constant 200 : i32
        %add3A_870 = arith.addi %add3A_869, %sub3A_868 : i32
        %dma_wait3A_871 = arith.constant 0 : i32
        %dma_wait3A_872 = tpu.memref_slice %arg6[%add3A_870, %dma_wait3A_871] : memref<600x25xi32, #tpu.memory_space<vmem>> -> memref<1x25xi32, #tpu.memory_space<vmem>>
        %dma_wait3A_873 = tpu.memref_squeeze %dma_wait3A_872 : memref<1x25xi32, #tpu.memory_space<vmem>> -> memref<25xi32, #tpu.memory_space<vmem>>
        %dma_wait3A_874 = arith.constant 0 : i32
        %dma_wait3A_875 = arith.constant 0 : i32
        %dma_wait3A_876 = tpu.memref_slice %arg15[%dma_wait3A_874, %dma_wait3A_875] : memref<10000x128xf32, #tpu.memory_space<vmem_shared>> -> memref<10000x128xf32, #tpu.memory_space<vmem_shared>>
        tpu.wait_indirect_dma semaphore(%arg21 : memref<!tpu.dma_semaphore, #tpu.memory_space<semaphore_mem>>) src(%arg14 : memref<25x128xf32, #tpu.memory_space<vmem>>) dst(%dma_wait3A_876 : memref<10000x128xf32, #tpu.memory_space<vmem_shared>>)
      } else {
      }
      %scan3A_820 = arith.constant 0 : i32
      %scan3A_821 = arith.constant 0 : i32
      %scan3A_822 = arith.constant 25 : i32
      %scan3A_823 = arith.addi %scan3A_821, %scan3A_822 : i32
      %scan3A_824 = arith.constant 1 : i32
      scf.for %scan3A_867 = %scan3A_821 to %scan3A_823 step %scan3A_824  : i32 {
        %broadcast_in_dim3A = vector.broadcast %scan3A_867 : i32 to vector<16xi32>
        %add3A_868 = arith.constant 400 : i32
        %add3A_869 = arith.addi %add3A_868, %add3A_805 : i32
        %broadcast_in_dim3A_870 = vector.broadcast %add3A_869 : i32 to vector<16xi32>
        %gather3A = tpu.vector_load_idx %arg6[%broadcast_in_dim3A_870, %broadcast_in_dim3A] : memref<600x25xi32, #tpu.memory_space<vmem>>[vector<16xi32>, vector<16xi32>], vector<16xi32>,
        %and3A_871 = arith.constant -2048 : i32
        %and3A_872 = vector.broadcast %and3A_871 : i32 to vector<16xi32>
        %and3A_873 = arith.andi %gather3A, %and3A_872 : vector<16xi32>
        %bitcast3A = vector.bitcast %and3A_873 : vector<16xi32> to vector<16xf32>
        %get3A_874 = arith.index_cast %scan3A_867 : i32 to index
        %get3A_875 = arith.constant 0 : index
        %get3A_876 = tpu.vector_load %arg10[%get3A_874, %get3A_875] {strides = array<i32>} : memref<25x128xbf16, #tpu.memory_space<vmem>>, vector<32xbf16>,
        %unpack3A = tpu.unpack_subelements %get3A_876, 0 {pack_format = #tpu.pack_format<interleaved>} : vector<32xbf16> -> vector<16xf32>
        %unpack3A_877 = tpu.unpack_subelements %get3A_876, 1 {pack_format = #tpu.pack_format<interleaved>} : vector<32xbf16> -> vector<16xf32>
        %get3A_878 = arith.index_cast %scan3A_867 : i32 to index
        %get3A_879 = arith.constant 0 : index
        %get3A_880 = tpu.vector_load %arg12[%get3A_878, %get3A_879] {strides = array<i32>} : memref<25x512xbf16, #tpu.memory_space<vmem>>, vector<32xbf16>,
        %unpack3A_881 = tpu.unpack_subelements %get3A_880, 0 {pack_format = #tpu.pack_format<interleaved>} : vector<32xbf16> -> vector<16xf32>
        %unpack3A_882 = tpu.unpack_subelements %get3A_880, 1 {pack_format = #tpu.pack_format<interleaved>} : vector<32xbf16> -> vector<16xf32>
        %broadcast_in_dim3A_883 = vector.shape_cast %mul3A_631 : vector<16xi32> to vector<16x1xi32>
        %gather3A_884 = vector.shape_cast %broadcast_in_dim3A_883 : vector<16x1xi32> to vector<16xi32>
        %gather3A_885 = tpu.dynamic_gather %unpack3A[%gather3A_884] in [0] : vector<16xf32>, vector<16xi32> -> vector<16xf32>
        %mul3A_886 = arith.mulf %gather3A_885, %unpack3A_881 : vector<16xf32>
        %add3A_887 = arith.constant 8 : i32
        %add3A_888 = vector.broadcast %add3A_887 : i32 to vector<16xi32>
        %add3A_889 = arith.addi %mul3A_631, %add3A_888 : vector<16xi32>
        %broadcast_in_dim3A_890 = vector.shape_cast %add3A_889 : vector<16xi32> to vector<16x1xi32>
        %gather3A_891 = vector.shape_cast %broadcast_in_dim3A_890 : vector<16x1xi32> to vector<16xi32>
        %gather3A_892 = tpu.dynamic_gather %unpack3A[%gather3A_891] in [0] : vector<16xf32>, vector<16xi32> -> vector<16xf32>
        %mul3A_893 = arith.mulf %gather3A_892, %unpack3A_882 : vector<16xf32>
        %get3A_894 = arith.index_cast %scan3A_867 : i32 to index
        %get3A_895 = arith.constant 128 : index
        %get3A_896 = tpu.vector_load %arg12[%get3A_894, %get3A_895] {strides = array<i32>} : memref<25x512xbf16, #tpu.memory_space<vmem>>, vector<32xbf16>,
        %unpack3A_897 = tpu.unpack_subelements %get3A_896, 0 {pack_format = #tpu.pack_format<interleaved>} : vector<32xbf16> -> vector<16xf32>
        %unpack3A_898 = tpu.unpack_subelements %get3A_896, 1 {pack_format = #tpu.pack_format<interleaved>} : vector<32xbf16> -> vector<16xf32>
        %broadcast_in_dim3A_899 = vector.shape_cast %mul3A_631 : vector<16xi32> to vector<16x1xi32>
        %gather3A_900 = vector.shape_cast %broadcast_in_dim3A_899 : vector<16x1xi32> to vector<16xi32>
        %gather3A_901 = tpu.dynamic_gather %unpack3A_877[%gather3A_900] in [0] : vector<16xf32>, vector<16xi32> -> vector<16xf32>
        %mul3A_902 = arith.mulf %gather3A_901, %unpack3A_897 : vector<16xf32>
        %add3A_903 = arith.constant 8 : i32
        %add3A_904 = vector.broadcast %add3A_903 : i32 to vector<16xi32>
        %add3A_905 = arith.addi %mul3A_631, %add3A_904 : vector<16xi32>
        %broadcast_in_dim3A_906 = vector.shape_cast %add3A_905 : vector<16xi32> to vector<16x1xi32>
        %gather3A_907 = vector.shape_cast %broadcast_in_dim3A_906 : vector<16x1xi32> to vector<16xi32>
        %gather3A_908 = tpu.dynamic_gather %unpack3A_877[%gather3A_907] in [0] : vector<16xf32>, vector<16xi32> -> vector<16xf32>
        %mul3A_909 = arith.mulf %gather3A_908, %unpack3A_898 : vector<16xf32>
        %add3A_910 = arith.addf %mul3A_886, %mul3A_902 : vector<16xf32>
        %add3A_911 = arith.addf %mul3A_893, %mul3A_909 : vector<16xf32>
        %get3A_912 = arith.index_cast %scan3A_867 : i32 to index
        %get3A_913 = arith.constant 256 : index
        %get3A_914 = tpu.vector_load %arg12[%get3A_912, %get3A_913] {strides = array<i32>} : memref<25x512xbf16, #tpu.memory_space<vmem>>, vector<32xbf16>,
        %unpack3A_915 = tpu.unpack_subelements %get3A_914, 0 {pack_format = #tpu.pack_format<interleaved>} : vector<32xbf16> -> vector<16xf32>
        %unpack3A_916 = tpu.unpack_subelements %get3A_914, 1 {pack_format = #tpu.pack_format<interleaved>} : vector<32xbf16> -> vector<16xf32>
        %broadcast_in_dim3A_917 = vector.shape_cast %add3A_634 : vector<16xi32> to vector<16x1xi32>
        %gather3A_918 = vector.shape_cast %broadcast_in_dim3A_917 : vector<16x1xi32> to vector<16xi32>
        %gather3A_919 = tpu.dynamic_gather %unpack3A[%gather3A_918] in [0] : vector<16xf32>, vector<16xi32> -> vector<16xf32>
        %mul3A_920 = arith.mulf %gather3A_919, %unpack3A_915 : vector<16xf32>
        %add3A_921 = arith.constant 8 : i32
        %add3A_922 = vector.broadcast %add3A_921 : i32 to vector<16xi32>
        %add3A_923 = arith.addi %add3A_634, %add3A_922 : vector<16xi32>
        %broadcast_in_dim3A_924 = vector.shape_cast %add3A_923 : vector<16xi32> to vector<16x1xi32>
        %gather3A_925 = vector.shape_cast %broadcast_in_dim3A_924 : vector<16x1xi32> to vector<16xi32>
        %gather3A_926 = tpu.dynamic_gather %unpack3A[%gather3A_925] in [0] : vector<16xf32>, vector<16xi32> -> vector<16xf32>
        %mul3A_927 = arith.mulf %gather3A_926, %unpack3A_916 : vector<16xf32>
        %add3A_928 = arith.addf %add3A_910, %mul3A_920 : vector<16xf32>
        %add3A_929 = arith.addf %add3A_911, %mul3A_927 : vector<16xf32>
        %get3A_930 = arith.index_cast %scan3A_867 : i32 to index
        %get3A_931 = arith.constant 384 : index
        %get3A_932 = tpu.vector_load %arg12[%get3A_930, %get3A_931] {strides = array<i32>} : memref<25x512xbf16, #tpu.memory_space<vmem>>, vector<32xbf16>,
        %unpack3A_933 = tpu.unpack_subelements %get3A_932, 0 {pack_format = #tpu.pack_format<interleaved>} : vector<32xbf16> -> vector<16xf32>
        %unpack3A_934 = tpu.unpack_subelements %get3A_932, 1 {pack_format = #tpu.pack_format<interleaved>} : vector<32xbf16> -> vector<16xf32>
        %broadcast_in_dim3A_935 = vector.shape_cast %add3A_634 : vector<16xi32> to vector<16x1xi32>
        %gather3A_936 = vector.shape_cast %broadcast_in_dim3A_935 : vector<16x1xi32> to vector<16xi32>
        %gather3A_937 = tpu.dynamic_gather %unpack3A_877[%gather3A_936] in [0] : vector<16xf32>, vector<16xi32> -> vector<16xf32>
        %mul3A_938 = arith.mulf %gather3A_937, %unpack3A_933 : vector<16xf32>
        %add3A_939 = arith.constant 8 : i32
        %add3A_940 = vector.broadcast %add3A_939 : i32 to vector<16xi32>
        %add3A_941 = arith.addi %add3A_634, %add3A_940 : vector<16xi32>
        %broadcast_in_dim3A_942 = vector.shape_cast %add3A_941 : vector<16xi32> to vector<16x1xi32>
        %gather3A_943 = vector.shape_cast %broadcast_in_dim3A_942 : vector<16x1xi32> to vector<16xi32>
        %gather3A_944 = tpu.dynamic_gather %unpack3A_877[%gather3A_943] in [0] : vector<16xf32>, vector<16xi32> -> vector<16xf32>
        %mul3A_945 = arith.mulf %gather3A_944, %unpack3A_934 : vector<16xf32>
        %add3A_946 = arith.addf %add3A_928, %mul3A_938 : vector<16xf32>
        %add3A_947 = arith.addf %add3A_929, %mul3A_945 : vector<16xf32>
        %mul3A_948 = arith.mulf %add3A_946, %bitcast3A : vector<16xf32>
        %swap3A_949 = arith.index_cast %scan3A_867 : i32 to index
        %swap3A_950 = arith.constant 0 : index
        %swap3A_951 = tpu.vector_load %arg14[%swap3A_949, %swap3A_950] {strides = array<i32>} : memref<25x128xf32, #tpu.memory_space<vmem>>, vector<16xf32>,
        tpu.vector_store %arg14[%swap3A_949, %swap3A_950], %mul3A_948 {strides = array<i32>} : memref<25x128xf32, #tpu.memory_space<vmem>>, vector<16xf32>,
        %mul3A_952 = arith.mulf %add3A_947, %bitcast3A : vector<16xf32>
        %swap3A_953 = arith.index_cast %scan3A_867 : i32 to index
        %swap3A_954 = arith.constant 16 : index
        %swap3A_955 = tpu.vector_load %arg14[%swap3A_953, %swap3A_954] {strides = array<i32>} : memref<25x128xf32, #tpu.memory_space<vmem>>, vector<16xf32>,
        tpu.vector_store %arg14[%swap3A_953, %swap3A_954], %mul3A_952 {strides = array<i32>} : memref<25x128xf32, #tpu.memory_space<vmem>>, vector<16xf32>,
        %get3A_956 = arith.index_cast %scan3A_867 : i32 to index
        %get3A_957 = arith.constant 32 : index
        %get3A_958 = tpu.vector_load %arg10[%get3A_956, %get3A_957] {strides = array<i32>} : memref<25x128xbf16, #tpu.memory_space<vmem>>, vector<32xbf16>,
        %unpack3A_959 = tpu.unpack_subelements %get3A_958, 0 {pack_format = #tpu.pack_format<interleaved>} : vector<32xbf16> -> vector<16xf32>
        %unpack3A_960 = tpu.unpack_subelements %get3A_958, 1 {pack_format = #tpu.pack_format<interleaved>} : vector<32xbf16> -> vector<16xf32>
        %get3A_961 = arith.index_cast %scan3A_867 : i32 to index
        %get3A_962 = arith.constant 32 : index
        %get3A_963 = tpu.vector_load %arg12[%get3A_961, %get3A_962] {strides = array<i32>} : memref<25x512xbf16, #tpu.memory_space<vmem>>, vector<32xbf16>,
        %unpack3A_964 = tpu.unpack_subelements %get3A_963, 0 {pack_format = #tpu.pack_format<interleaved>} : vector<32xbf16> -> vector<16xf32>
        %unpack3A_965 = tpu.unpack_subelements %get3A_963, 1 {pack_format = #tpu.pack_format<interleaved>} : vector<32xbf16> -> vector<16xf32>
        %broadcast_in_dim3A_966 = vector.shape_cast %mul3A_631 : vector<16xi32> to vector<16x1xi32>
        %gather3A_967 = vector.shape_cast %broadcast_in_dim3A_966 : vector<16x1xi32> to vector<16xi32>
        %gather3A_968 = tpu.dynamic_gather %unpack3A_959[%gather3A_967] in [0] : vector<16xf32>, vector<16xi32> -> vector<16xf32>
        %mul3A_969 = arith.mulf %gather3A_968, %unpack3A_964 : vector<16xf32>
        %add3A_970 = arith.constant 8 : i32
        %add3A_971 = vector.broadcast %add3A_970 : i32 to vector<16xi32>
        %add3A_972 = arith.addi %mul3A_631, %add3A_971 : vector<16xi32>
        %broadcast_in_dim3A_973 = vector.shape_cast %add3A_972 : vector<16xi32> to vector<16x1xi32>
        %gather3A_974 = vector.shape_cast %broadcast_in_dim3A_973 : vector<16x1xi32> to vector<16xi32>
        %gather3A_975 = tpu.dynamic_gather %unpack3A_959[%gather3A_974] in [0] : vector<16xf32>, vector<16xi32> -> vector<16xf32>
        %mul3A_976 = arith.mulf %gather3A_975, %unpack3A_965 : vector<16xf32>
        %get3A_977 = arith.index_cast %scan3A_867 : i32 to index
        %get3A_978 = arith.constant 160 : index
        %get3A_979 = tpu.vector_load %arg12[%get3A_977, %get3A_978] {strides = array<i32>} : memref<25x512xbf16, #tpu.memory_space<vmem>>, vector<32xbf16>,
        %unpack3A_980 = tpu.unpack_subelements %get3A_979, 0 {pack_format = #tpu.pack_format<interleaved>} : vector<32xbf16> -> vector<16xf32>
        %unpack3A_981 = tpu.unpack_subelements %get3A_979, 1 {pack_format = #tpu.pack_format<interleaved>} : vector<32xbf16> -> vector<16xf32>
        %broadcast_in_dim3A_982 = vector.shape_cast %mul3A_631 : vector<16xi32> to vector<16x1xi32>
        %gather3A_983 = vector.shape_cast %broadcast_in_dim3A_982 : vector<16x1xi32> to vector<16xi32>
        %gather3A_984 = tpu.dynamic_gather %unpack3A_960[%gather3A_983] in [0] : vector<16xf32>, vector<16xi32> -> vector<16xf32>
        %mul3A_985 = arith.mulf %gather3A_984, %unpack3A_980 : vector<16xf32>
        %add3A_986 = arith.constant 8 : i32
        %add3A_987 = vector.broadcast %add3A_986 : i32 to vector<16xi32>
        %add3A_988 = arith.addi %mul3A_631, %add3A_987 : vector<16xi32>
        %broadcast_in_dim3A_989 = vector.shape_cast %add3A_988 : vector<16xi32> to vector<16x1xi32>
        %gather3A_990 = vector.shape_cast %broadcast_in_dim3A_989 : vector<16x1xi32> to vector<16xi32>
        %gather3A_991 = tpu.dynamic_gather %unpack3A_960[%gather3A_990] in [0] : vector<16xf32>, vector<16xi32> -> vector<16xf32>
        %mul3A_992 = arith.mulf %gather3A_991, %unpack3A_981 : vector<16xf32>
        %add3A_993 = arith.addf %mul3A_969, %mul3A_985 : vector<16xf32>
        %add3A_994 = arith.addf %mul3A_976, %mul3A_992 : vector<16xf32>
        %get3A_995 = arith.index_cast %scan3A_867 : i32 to index
        %get3A_996 = arith.constant 288 : index
        %get3A_997 = tpu.vector_load %arg12[%get3A_995, %get3A_996] {strides = array<i32>} : memref<25x512xbf16, #tpu.memory_space<vmem>>, vector<32xbf16>,
        %unpack3A_998 = tpu.unpack_subelements %get3A_997, 0 {pack_format = #tpu.pack_format<interleaved>} : vector<32xbf16> -> vector<16xf32>
        %unpack3A_999 = tpu.unpack_subelements %get3A_997, 1 {pack_format = #tpu.pack_format<interleaved>} : vector<32xbf16> -> vector<16xf32>
        %broadcast_in_dim3A_1000 = vector.shape_cast %add3A_634 : vector<16xi32> to vector<16x1xi32>
        %gather3A_1001 = vector.shape_cast %broadcast_in_dim3A_1000 : vector<16x1xi32> to vector<16xi32>
        %gather3A_1002 = tpu.dynamic_gather %unpack3A_959[%gather3A_1001] in [0] : vector<16xf32>, vector<16xi32> -> vector<16xf32>
        %mul3A_1003 = arith.mulf %gather3A_1002, %unpack3A_998 : vector<16xf32>
        %add3A_1004 = arith.constant 8 : i32
        %add3A_1005 = vector.broadcast %add3A_1004 : i32 to vector<16xi32>
        %add3A_1006 = arith.addi %add3A_634, %add3A_1005 : vector<16xi32>
        %broadcast_in_dim3A_1007 = vector.shape_cast %add3A_1006 : vector<16xi32> to vector<16x1xi32>
        %gather3A_1008 = vector.shape_cast %broadcast_in_dim3A_1007 : vector<16x1xi32> to vector<16xi32>
        %gather3A_1009 = tpu.dynamic_gather %unpack3A_959[%gather3A_1008] in [0] : vector<16xf32>, vector<16xi32> -> vector<16xf32>
        %mul3A_1010 = arith.mulf %gather3A_1009, %unpack3A_999 : vector<16xf32>
        %add3A_1011 = arith.addf %add3A_993, %mul3A_1003 : vector<16xf32>
        %add3A_1012 = arith.addf %add3A_994, %mul3A_1010 : vector<16xf32>
        %get3A_1013 = arith.index_cast %scan3A_867 : i32 to index
        %get3A_1014 = arith.constant 416 : index
        %get3A_1015 = tpu.vector_load %arg12[%get3A_1013, %get3A_1014] {strides = array<i32>} : memref<25x512xbf16, #tpu.memory_space<vmem>>, vector<32xbf16>,
        %unpack3A_1016 = tpu.unpack_subelements %get3A_1015, 0 {pack_format = #tpu.pack_format<interleaved>} : vector<32xbf16> -> vector<16xf32>
        %unpack3A_1017 = tpu.unpack_subelements %get3A_1015, 1 {pack_format = #tpu.pack_format<interleaved>} : vector<32xbf16> -> vector<16xf32>
        %broadcast_in_dim3A_1018 = vector.shape_cast %add3A_634 : vector<16xi32> to vector<16x1xi32>
        %gather3A_1019 = vector.shape_cast %broadcast_in_dim3A_1018 : vector<16x1xi32> to vector<16xi32>
        %gather3A_1020 = tpu.dynamic_gather %unpack3A_960[%gather3A_1019] in [0] : vector<16xf32>, vector<16xi32> -> vector<16xf32>
        %mul3A_1021 = arith.mulf %gather3A_1020, %unpack3A_1016 : vector<16xf32>
        %add3A_1022 = arith.constant 8 : i32
        %add3A_1023 = vector.broadcast %add3A_1022 : i32 to vector<16xi32>
        %add3A_1024 = arith.addi %add3A_634, %add3A_1023 : vector<16xi32>
        %broadcast_in_dim3A_1025 = vector.shape_cast %add3A_1024 : vector<16xi32> to vector<16x1xi32>
        %gather3A_1026 = vector.shape_cast %broadcast_in_dim3A_1025 : vector<16x1xi32> to vector<16xi32>
        %gather3A_1027 = tpu.dynamic_gather %unpack3A_960[%gather3A_1026] in [0] : vector<16xf32>, vector<16xi32> -> vector<16xf32>
        %mul3A_1028 = arith.mulf %gather3A_1027, %unpack3A_1017 : vector<16xf32>
        %add3A_1029 = arith.addf %add3A_1011, %mul3A_1021 : vector<16xf32>
        %add3A_1030 = arith.addf %add3A_1012, %mul3A_1028 : vector<16xf32>
        %mul3A_1031 = arith.mulf %add3A_1029, %bitcast3A : vector<16xf32>
        %swap3A_1032 = arith.index_cast %scan3A_867 : i32 to index
        %swap3A_1033 = arith.constant 32 : index
        %swap3A_1034 = tpu.vector_load %arg14[%swap3A_1032, %swap3A_1033] {strides = array<i32>} : memref<25x128xf32, #tpu.memory_space<vmem>>, vector<16xf32>,
        tpu.vector_store %arg14[%swap3A_1032, %swap3A_1033], %mul3A_1031 {strides = array<i32>} : memref<25x128xf32, #tpu.memory_space<vmem>>, vector<16xf32>,
        %mul3A_1035 = arith.mulf %add3A_1030, %bitcast3A : vector<16xf32>
        %swap3A_1036 = arith.index_cast %scan3A_867 : i32 to index
        %swap3A_1037 = arith.constant 48 : index
        %swap3A_1038 = tpu.vector_load %arg14[%swap3A_1036, %swap3A_1037] {strides = array<i32>} : memref<25x128xf32, #tpu.memory_space<vmem>>, vector<16xf32>,
        tpu.vector_store %arg14[%swap3A_1036, %swap3A_1037], %mul3A_1035 {strides = array<i32>} : memref<25x128xf32, #tpu.memory_space<vmem>>, vector<16xf32>,
        %get3A_1039 = arith.index_cast %scan3A_867 : i32 to index
        %get3A_1040 = arith.constant 64 : index
        %get3A_1041 = tpu.vector_load %arg10[%get3A_1039, %get3A_1040] {strides = array<i32>} : memref<25x128xbf16, #tpu.memory_space<vmem>>, vector<32xbf16>,
        %unpack3A_1042 = tpu.unpack_subelements %get3A_1041, 0 {pack_format = #tpu.pack_format<interleaved>} : vector<32xbf16> -> vector<16xf32>
        %unpack3A_1043 = tpu.unpack_subelements %get3A_1041, 1 {pack_format = #tpu.pack_format<interleaved>} : vector<32xbf16> -> vector<16xf32>
        %get3A_1044 = arith.index_cast %scan3A_867 : i32 to index
        %get3A_1045 = arith.constant 64 : index
        %get3A_1046 = tpu.vector_load %arg12[%get3A_1044, %get3A_1045] {strides = array<i32>} : memref<25x512xbf16, #tpu.memory_space<vmem>>, vector<32xbf16>,
        %unpack3A_1047 = tpu.unpack_subelements %get3A_1046, 0 {pack_format = #tpu.pack_format<interleaved>} : vector<32xbf16> -> vector<16xf32>
        %unpack3A_1048 = tpu.unpack_subelements %get3A_1046, 1 {pack_format = #tpu.pack_format<interleaved>} : vector<32xbf16> -> vector<16xf32>
        %broadcast_in_dim3A_1049 = vector.shape_cast %mul3A_631 : vector<16xi32> to vector<16x1xi32>
        %gather3A_1050 = vector.shape_cast %broadcast_in_dim3A_1049 : vector<16x1xi32> to vector<16xi32>
        %gather3A_1051 = tpu.dynamic_gather %unpack3A_1042[%gather3A_1050] in [0] : vector<16xf32>, vector<16xi32> -> vector<16xf32>
        %mul3A_1052 = arith.mulf %gather3A_1051, %unpack3A_1047 : vector<16xf32>
        %add3A_1053 = arith.constant 8 : i32
        %add3A_1054 = vector.broadcast %add3A_1053 : i32 to vector<16xi32>
        %add3A_1055 = arith.addi %mul3A_631, %add3A_1054 : vector<16xi32>
        %broadcast_in_dim3A_1056 = vector.shape_cast %add3A_1055 : vector<16xi32> to vector<16x1xi32>
        %gather3A_1057 = vector.shape_cast %broadcast_in_dim3A_1056 : vector<16x1xi32> to vector<16xi32>
        %gather3A_1058 = tpu.dynamic_gather %unpack3A_1042[%gather3A_1057] in [0] : vector<16xf32>, vector<16xi32> -> vector<16xf32>
        %mul3A_1059 = arith.mulf %gather3A_1058, %unpack3A_1048 : vector<16xf32>
        %get3A_1060 = arith.index_cast %scan3A_867 : i32 to index
        %get3A_1061 = arith.constant 192 : index
        %get3A_1062 = tpu.vector_load %arg12[%get3A_1060, %get3A_1061] {strides = array<i32>} : memref<25x512xbf16, #tpu.memory_space<vmem>>, vector<32xbf16>,
        %unpack3A_1063 = tpu.unpack_subelements %get3A_1062, 0 {pack_format = #tpu.pack_format<interleaved>} : vector<32xbf16> -> vector<16xf32>
        %unpack3A_1064 = tpu.unpack_subelements %get3A_1062, 1 {pack_format = #tpu.pack_format<interleaved>} : vector<32xbf16> -> vector<16xf32>
        %broadcast_in_dim3A_1065 = vector.shape_cast %mul3A_631 : vector<16xi32> to vector<16x1xi32>
        %gather3A_1066 = vector.shape_cast %broadcast_in_dim3A_1065 : vector<16x1xi32> to vector<16xi32>
        %gather3A_1067 = tpu.dynamic_gather %unpack3A_1043[%gather3A_1066] in [0] : vector<16xf32>, vector<16xi32> -> vector<16xf32>
        %mul3A_1068 = arith.mulf %gather3A_1067, %unpack3A_1063 : vector<16xf32>
        %add3A_1069 = arith.constant 8 : i32
        %add3A_1070 = vector.broadcast %add3A_1069 : i32 to vector<16xi32>
        %add3A_1071 = arith.addi %mul3A_631, %add3A_1070 : vector<16xi32>
        %broadcast_in_dim3A_1072 = vector.shape_cast %add3A_1071 : vector<16xi32> to vector<16x1xi32>
        %gather3A_1073 = vector.shape_cast %broadcast_in_dim3A_1072 : vector<16x1xi32> to vector<16xi32>
        %gather3A_1074 = tpu.dynamic_gather %unpack3A_1043[%gather3A_1073] in [0] : vector<16xf32>, vector<16xi32> -> vector<16xf32>
        %mul3A_1075 = arith.mulf %gather3A_1074, %unpack3A_1064 : vector<16xf32>
        %add3A_1076 = arith.addf %mul3A_1052, %mul3A_1068 : vector<16xf32>
        %add3A_1077 = arith.addf %mul3A_1059, %mul3A_1075 : vector<16xf32>
        %get3A_1078 = arith.index_cast %scan3A_867 : i32 to index
        %get3A_1079 = arith.constant 320 : index
        %get3A_1080 = tpu.vector_load %arg12[%get3A_1078, %get3A_1079] {strides = array<i32>} : memref<25x512xbf16, #tpu.memory_space<vmem>>, vector<32xbf16>,
        %unpack3A_1081 = tpu.unpack_subelements %get3A_1080, 0 {pack_format = #tpu.pack_format<interleaved>} : vector<32xbf16> -> vector<16xf32>
        %unpack3A_1082 = tpu.unpack_subelements %get3A_1080, 1 {pack_format = #tpu.pack_format<interleaved>} : vector<32xbf16> -> vector<16xf32>
        %broadcast_in_dim3A_1083 = vector.shape_cast %add3A_634 : vector<16xi32> to vector<16x1xi32>
        %gather3A_1084 = vector.shape_cast %broadcast_in_dim3A_1083 : vector<16x1xi32> to vector<16xi32>
        %gather3A_1085 = tpu.dynamic_gather %unpack3A_1042[%gather3A_1084] in [0] : vector<16xf32>, vector<16xi32> -> vector<16xf32>
        %mul3A_1086 = arith.mulf %gather3A_1085, %unpack3A_1081 : vector<16xf32>
        %add3A_1087 = arith.constant 8 : i32
        %add3A_1088 = vector.broadcast %add3A_1087 : i32 to vector<16xi32>
        %add3A_1089 = arith.addi %add3A_634, %add3A_1088 : vector<16xi32>
        %broadcast_in_dim3A_1090 = vector.shape_cast %add3A_1089 : vector<16xi32> to vector<16x1xi32>
        %gather3A_1091 = vector.shape_cast %broadcast_in_dim3A_1090 : vector<16x1xi32> to vector<16xi32>
        %gather3A_1092 = tpu.dynamic_gather %unpack3A_1042[%gather3A_1091] in [0] : vector<16xf32>, vector<16xi32> -> vector<16xf32>
        %mul3A_1093 = arith.mulf %gather3A_1092, %unpack3A_1082 : vector<16xf32>
        %add3A_1094 = arith.addf %add3A_1076, %mul3A_1086 : vector<16xf32>
        %add3A_1095 = arith.addf %add3A_1077, %mul3A_1093 : vector<16xf32>
        %get3A_1096 = arith.index_cast %scan3A_867 : i32 to index
        %get3A_1097 = arith.constant 448 : index
        %get3A_1098 = tpu.vector_load %arg12[%get3A_1096, %get3A_1097] {strides = array<i32>} : memref<25x512xbf16, #tpu.memory_space<vmem>>, vector<32xbf16>,
        %unpack3A_1099 = tpu.unpack_subelements %get3A_1098, 0 {pack_format = #tpu.pack_format<interleaved>} : vector<32xbf16> -> vector<16xf32>
        %unpack3A_1100 = tpu.unpack_subelements %get3A_1098, 1 {pack_format = #tpu.pack_format<interleaved>} : vector<32xbf16> -> vector<16xf32>
        %broadcast_in_dim3A_1101 = vector.shape_cast %add3A_634 : vector<16xi32> to vector<16x1xi32>
        %gather3A_1102 = vector.shape_cast %broadcast_in_dim3A_1101 : vector<16x1xi32> to vector<16xi32>
        %gather3A_1103 = tpu.dynamic_gather %unpack3A_1043[%gather3A_1102] in [0] : vector<16xf32>, vector<16xi32> -> vector<16xf32>
        %mul3A_1104 = arith.mulf %gather3A_1103, %unpack3A_1099 : vector<16xf32>
        %add3A_1105 = arith.constant 8 : i32
        %add3A_1106 = vector.broadcast %add3A_1105 : i32 to vector<16xi32>
        %add3A_1107 = arith.addi %add3A_634, %add3A_1106 : vector<16xi32>
        %broadcast_in_dim3A_1108 = vector.shape_cast %add3A_1107 : vector<16xi32> to vector<16x1xi32>
        %gather3A_1109 = vector.shape_cast %broadcast_in_dim3A_1108 : vector<16x1xi32> to vector<16xi32>
        %gather3A_1110 = tpu.dynamic_gather %unpack3A_1043[%gather3A_1109] in [0] : vector<16xf32>, vector<16xi32> -> vector<16xf32>
        %mul3A_1111 = arith.mulf %gather3A_1110, %unpack3A_1100 : vector<16xf32>
        %add3A_1112 = arith.addf %add3A_1094, %mul3A_1104 : vector<16xf32>
        %add3A_1113 = arith.addf %add3A_1095, %mul3A_1111 : vector<16xf32>
        %mul3A_1114 = arith.mulf %add3A_1112, %bitcast3A : vector<16xf32>
        %swap3A_1115 = arith.index_cast %scan3A_867 : i32 to index
        %swap3A_1116 = arith.constant 64 : index
        %swap3A_1117 = tpu.vector_load %arg14[%swap3A_1115, %swap3A_1116] {strides = array<i32>} : memref<25x128xf32, #tpu.memory_space<vmem>>, vector<16xf32>,
        tpu.vector_store %arg14[%swap3A_1115, %swap3A_1116], %mul3A_1114 {strides = array<i32>} : memref<25x128xf32, #tpu.memory_space<vmem>>, vector<16xf32>,
        %mul3A_1118 = arith.mulf %add3A_1113, %bitcast3A : vector<16xf32>
        %swap3A_1119 = arith.index_cast %scan3A_867 : i32 to index
        %swap3A_1120 = arith.constant 80 : index
        %swap3A_1121 = tpu.vector_load %arg14[%swap3A_1119, %swap3A_1120] {strides = array<i32>} : memref<25x128xf32, #tpu.memory_space<vmem>>, vector<16xf32>,
        tpu.vector_store %arg14[%swap3A_1119, %swap3A_1120], %mul3A_1118 {strides = array<i32>} : memref<25x128xf32, #tpu.memory_space<vmem>>, vector<16xf32>,
        %get3A_1122 = arith.index_cast %scan3A_867 : i32 to index
        %get3A_1123 = arith.constant 96 : index
        %get3A_1124 = tpu.vector_load %arg10[%get3A_1122, %get3A_1123] {strides = array<i32>} : memref<25x128xbf16, #tpu.memory_space<vmem>>, vector<32xbf16>,
        %unpack3A_1125 = tpu.unpack_subelements %get3A_1124, 0 {pack_format = #tpu.pack_format<interleaved>} : vector<32xbf16> -> vector<16xf32>
        %unpack3A_1126 = tpu.unpack_subelements %get3A_1124, 1 {pack_format = #tpu.pack_format<interleaved>} : vector<32xbf16> -> vector<16xf32>
        %get3A_1127 = arith.index_cast %scan3A_867 : i32 to index
        %get3A_1128 = arith.constant 96 : index
        %get3A_1129 = tpu.vector_load %arg12[%get3A_1127, %get3A_1128] {strides = array<i32>} : memref<25x512xbf16, #tpu.memory_space<vmem>>, vector<32xbf16>,
        %unpack3A_1130 = tpu.unpack_subelements %get3A_1129, 0 {pack_format = #tpu.pack_format<interleaved>} : vector<32xbf16> -> vector<16xf32>
        %unpack3A_1131 = tpu.unpack_subelements %get3A_1129, 1 {pack_format = #tpu.pack_format<interleaved>} : vector<32xbf16> -> vector<16xf32>
        %broadcast_in_dim3A_1132 = vector.shape_cast %mul3A_631 : vector<16xi32> to vector<16x1xi32>
        %gather3A_1133 = vector.shape_cast %broadcast_in_dim3A_1132 : vector<16x1xi32> to vector<16xi32>
        %gather3A_1134 = tpu.dynamic_gather %unpack3A_1125[%gather3A_1133] in [0] : vector<16xf32>, vector<16xi32> -> vector<16xf32>
        %mul3A_1135 = arith.mulf %gather3A_1134, %unpack3A_1130 : vector<16xf32>
        %add3A_1136 = arith.constant 8 : i32
        %add3A_1137 = vector.broadcast %add3A_1136 : i32 to vector<16xi32>
        %add3A_1138 = arith.addi %mul3A_631, %add3A_1137 : vector<16xi32>
        %broadcast_in_dim3A_1139 = vector.shape_cast %add3A_1138 : vector<16xi32> to vector<16x1xi32>
        %gather3A_1140 = vector.shape_cast %broadcast_in_dim3A_1139 : vector<16x1xi32> to vector<16xi32>
        %gather3A_1141 = tpu.dynamic_gather %unpack3A_1125[%gather3A_1140] in [0] : vector<16xf32>, vector<16xi32> -> vector<16xf32>
        %mul3A_1142 = arith.mulf %gather3A_1141, %unpack3A_1131 : vector<16xf32>
        %get3A_1143 = arith.index_cast %scan3A_867 : i32 to index
        %get3A_1144 = arith.constant 224 : index
        %get3A_1145 = tpu.vector_load %arg12[%get3A_1143, %get3A_1144] {strides = array<i32>} : memref<25x512xbf16, #tpu.memory_space<vmem>>, vector<32xbf16>,
        %unpack3A_1146 = tpu.unpack_subelements %get3A_1145, 0 {pack_format = #tpu.pack_format<interleaved>} : vector<32xbf16> -> vector<16xf32>
        %unpack3A_1147 = tpu.unpack_subelements %get3A_1145, 1 {pack_format = #tpu.pack_format<interleaved>} : vector<32xbf16> -> vector<16xf32>
        %broadcast_in_dim3A_1148 = vector.shape_cast %mul3A_631 : vector<16xi32> to vector<16x1xi32>
        %gather3A_1149 = vector.shape_cast %broadcast_in_dim3A_1148 : vector<16x1xi32> to vector<16xi32>
        %gather3A_1150 = tpu.dynamic_gather %unpack3A_1126[%gather3A_1149] in [0] : vector<16xf32>, vector<16xi32> -> vector<16xf32>
        %mul3A_1151 = arith.mulf %gather3A_1150, %unpack3A_1146 : vector<16xf32>
        %add3A_1152 = arith.constant 8 : i32
        %add3A_1153 = vector.broadcast %add3A_1152 : i32 to vector<16xi32>
        %add3A_1154 = arith.addi %mul3A_631, %add3A_1153 : vector<16xi32>
        %broadcast_in_dim3A_1155 = vector.shape_cast %add3A_1154 : vector<16xi32> to vector<16x1xi32>
        %gather3A_1156 = vector.shape_cast %broadcast_in_dim3A_1155 : vector<16x1xi32> to vector<16xi32>
        %gather3A_1157 = tpu.dynamic_gather %unpack3A_1126[%gather3A_1156] in [0] : vector<16xf32>, vector<16xi32> -> vector<16xf32>
        %mul3A_1158 = arith.mulf %gather3A_1157, %unpack3A_1147 : vector<16xf32>
        %add3A_1159 = arith.addf %mul3A_1135, %mul3A_1151 : vector<16xf32>
        %add3A_1160 = arith.addf %mul3A_1142, %mul3A_1158 : vector<16xf32>
        %get3A_1161 = arith.index_cast %scan3A_867 : i32 to index
        %get3A_1162 = arith.constant 352 : index
        %get3A_1163 = tpu.vector_load %arg12[%get3A_1161, %get3A_1162] {strides = array<i32>} : memref<25x512xbf16, #tpu.memory_space<vmem>>, vector<32xbf16>,
        %unpack3A_1164 = tpu.unpack_subelements %get3A_1163, 0 {pack_format = #tpu.pack_format<interleaved>} : vector<32xbf16> -> vector<16xf32>
        %unpack3A_1165 = tpu.unpack_subelements %get3A_1163, 1 {pack_format = #tpu.pack_format<interleaved>} : vector<32xbf16> -> vector<16xf32>
        %broadcast_in_dim3A_1166 = vector.shape_cast %add3A_634 : vector<16xi32> to vector<16x1xi32>
        %gather3A_1167 = vector.shape_cast %broadcast_in_dim3A_1166 : vector<16x1xi32> to vector<16xi32>
        %gather3A_1168 = tpu.dynamic_gather %unpack3A_1125[%gather3A_1167] in [0] : vector<16xf32>, vector<16xi32> -> vector<16xf32>
        %mul3A_1169 = arith.mulf %gather3A_1168, %unpack3A_1164 : vector<16xf32>
        %add3A_1170 = arith.constant 8 : i32
        %add3A_1171 = vector.broadcast %add3A_1170 : i32 to vector<16xi32>
        %add3A_1172 = arith.addi %add3A_634, %add3A_1171 : vector<16xi32>
        %broadcast_in_dim3A_1173 = vector.shape_cast %add3A_1172 : vector<16xi32> to vector<16x1xi32>
        %gather3A_1174 = vector.shape_cast %broadcast_in_dim3A_1173 : vector<16x1xi32> to vector<16xi32>
        %gather3A_1175 = tpu.dynamic_gather %unpack3A_1125[%gather3A_1174] in [0] : vector<16xf32>, vector<16xi32> -> vector<16xf32>
        %mul3A_1176 = arith.mulf %gather3A_1175, %unpack3A_1165 : vector<16xf32>
        %add3A_1177 = arith.addf %add3A_1159, %mul3A_1169 : vector<16xf32>
        %add3A_1178 = arith.addf %add3A_1160, %mul3A_1176 : vector<16xf32>
        %get3A_1179 = arith.index_cast %scan3A_867 : i32 to index
        %get3A_1180 = arith.constant 480 : index
        %get3A_1181 = tpu.vector_load %arg12[%get3A_1179, %get3A_1180] {strides = array<i32>} : memref<25x512xbf16, #tpu.memory_space<vmem>>, vector<32xbf16>,
        %unpack3A_1182 = tpu.unpack_subelements %get3A_1181, 0 {pack_format = #tpu.pack_format<interleaved>} : vector<32xbf16> -> vector<16xf32>
        %unpack3A_1183 = tpu.unpack_subelements %get3A_1181, 1 {pack_format = #tpu.pack_format<interleaved>} : vector<32xbf16> -> vector<16xf32>
        %broadcast_in_dim3A_1184 = vector.shape_cast %add3A_634 : vector<16xi32> to vector<16x1xi32>
        %gather3A_1185 = vector.shape_cast %broadcast_in_dim3A_1184 : vector<16x1xi32> to vector<16xi32>
        %gather3A_1186 = tpu.dynamic_gather %unpack3A_1126[%gather3A_1185] in [0] : vector<16xf32>, vector<16xi32> -> vector<16xf32>
        %mul3A_1187 = arith.mulf %gather3A_1186, %unpack3A_1182 : vector<16xf32>
        %add3A_1188 = arith.constant 8 : i32
        %add3A_1189 = vector.broadcast %add3A_1188 : i32 to vector<16xi32>
        %add3A_1190 = arith.addi %add3A_634, %add3A_1189 : vector<16xi32>
        %broadcast_in_dim3A_1191 = vector.shape_cast %add3A_1190 : vector<16xi32> to vector<16x1xi32>
        %gather3A_1192 = vector.shape_cast %broadcast_in_dim3A_1191 : vector<16x1xi32> to vector<16xi32>
        %gather3A_1193 = tpu.dynamic_gather %unpack3A_1126[%gather3A_1192] in [0] : vector<16xf32>, vector<16xi32> -> vector<16xf32>
        %mul3A_1194 = arith.mulf %gather3A_1193, %unpack3A_1183 : vector<16xf32>
        %add3A_1195 = arith.addf %add3A_1177, %mul3A_1187 : vector<16xf32>
        %add3A_1196 = arith.addf %add3A_1178, %mul3A_1194 : vector<16xf32>
        %mul3A_1197 = arith.mulf %add3A_1195, %bitcast3A : vector<16xf32>
        %swap3A_1198 = arith.index_cast %scan3A_867 : i32 to index
        %swap3A_1199 = arith.constant 96 : index
        %swap3A_1200 = tpu.vector_load %arg14[%swap3A_1198, %swap3A_1199] {strides = array<i32>} : memref<25x128xf32, #tpu.memory_space<vmem>>, vector<16xf32>,
        tpu.vector_store %arg14[%swap3A_1198, %swap3A_1199], %mul3A_1197 {strides = array<i32>} : memref<25x128xf32, #tpu.memory_space<vmem>>, vector<16xf32>,
        %mul3A_1201 = arith.mulf %add3A_1196, %bitcast3A : vector<16xf32>
        %swap3A_1202 = arith.index_cast %scan3A_867 : i32 to index
        %swap3A_1203 = arith.constant 112 : index
        %swap3A_1204 = tpu.vector_load %arg14[%swap3A_1202, %swap3A_1203] {strides = array<i32>} : memref<25x128xf32, #tpu.memory_space<vmem>>, vector<16xf32>,
        tpu.vector_store %arg14[%swap3A_1202, %swap3A_1203], %mul3A_1201 {strides = array<i32>} : memref<25x128xf32, #tpu.memory_space<vmem>>, vector<16xf32>,
      }
      %scan3A_825 = arith.constant 25 : i32
      %add3A_826 = arith.constant 200 : i32
      %add3A_827 = arith.addi %add3A_826, %add3A_805 : i32
      %dma_start3A_828 = arith.constant 0 : i32
      %dma_start3A_829 = tpu.memref_slice %arg6[%add3A_827, %dma_start3A_828] : memref<600x25xi32, #tpu.memory_space<vmem>> -> memref<1x25xi32, #tpu.memory_space<vmem>>
      %dma_start3A_830 = tpu.memref_squeeze %dma_start3A_829 : memref<1x25xi32, #tpu.memory_space<vmem>> -> memref<25xi32, #tpu.memory_space<vmem>>
      %dma_start3A_831 = arith.constant 0 : i32
      %dma_start3A_832 = arith.constant 0 : i32
      %dma_start3A_833 = tpu.memref_slice %arg15[%dma_start3A_831, %dma_start3A_832] : memref<10000x128xf32, #tpu.memory_space<vmem_shared>> -> memref<10000x128xf32, #tpu.memory_space<vmem_shared>>
      tpu.enqueue_indirect_dma source(%arg14 : memref<25x128xf32, #tpu.memory_space<vmem>>) target(%dma_start3A_833 : memref<10000x128xf32, #tpu.memory_space<vmem_shared>>) offsets(%dma_start3A_830 : memref<25xi32, #tpu.memory_space<vmem>>) semaphore(%arg21 : memref<!tpu.dma_semaphore, #tpu.memory_space<semaphore_mem>>) {add = true}
      %add3A_834 = arith.constant 2 : i32
      %add3A_835 = arith.addi %add3A_805, %add3A_834 : i32
      %min3A_836 = arith.constant 199 : i32
      %min3A_837 = arith.minsi %add3A_835, %min3A_836 : i32
      %add3A_838 = arith.constant 400 : i32
      %add3A_839 = arith.addi %add3A_838, %min3A_837 : i32
      %get3A_840 = arith.index_cast %add3A_839 : i32 to index
      %get3A_841 = arith.constant 0 : index
      %get3A_842 = tpu.vector_load %arg6[%get3A_840, %get3A_841] {strides = array<i32>} : memref<600x25xi32, #tpu.memory_space<vmem>>, vector<16xi32>,
      %and3A_843 = arith.constant 2047 : i32
      %and3A_844 = vector.broadcast %and3A_843 : i32 to vector<16xi32>
      %and3A_845 = arith.andi %get3A_842, %and3A_844 : vector<16xi32>
      %swap3A_846 = arith.constant 0 : index
      %swap3A_847 = tpu.vector_load %arg8[%swap3A_846] {strides = array<i32>} : memref<25xi32, #tpu.memory_space<vmem>>, vector<16xi32>,
      tpu.vector_store %arg8[%swap3A_846], %and3A_845 {strides = array<i32>} : memref<25xi32, #tpu.memory_space<vmem>>, vector<16xi32>,
      %add3A_848 = arith.constant 400 : i32
      %add3A_849 = arith.addi %add3A_848, %min3A_837 : i32
      %get3A_850 = arith.index_cast %add3A_849 : i32 to index
      %get3A_851 = arith.constant 9 : index
      %get3A_852 = tpu.vector_load %arg6[%get3A_850, %get3A_851] {strides = array<i32>} : memref<600x25xi32, #tpu.memory_space<vmem>>, vector<16xi32>,
      %and3A_853 = arith.constant 2047 : i32
      %and3A_854 = vector.broadcast %and3A_853 : i32 to vector<16xi32>
      %and3A_855 = arith.andi %get3A_852, %and3A_854 : vector<16xi32>
      %swap3A_856 = arith.constant 9 : index
      %swap3A_857 = tpu.vector_load %arg8[%swap3A_856] {strides = array<i32>} : memref<25xi32, #tpu.memory_space<vmem>>, vector<16xi32>,
      tpu.vector_store %arg8[%swap3A_856], %and3A_855 {strides = array<i32>} : memref<25xi32, #tpu.memory_space<vmem>>, vector<16xi32>,
      %dma_start3A_858 = arith.constant 0 : i32
      %dma_start3A_859 = tpu.memref_slice %arg6[%min3A_837, %dma_start3A_858] : memref<600x25xi32, #tpu.memory_space<vmem>> -> memref<1x25xi32, #tpu.memory_space<vmem>>
      %dma_start3A_860 = tpu.memref_squeeze %dma_start3A_859 : memref<1x25xi32, #tpu.memory_space<vmem>> -> memref<25xi32, #tpu.memory_space<vmem>>
      %dma_start3A_861 = arith.constant 0 : i32
      %dma_start3A_862 = arith.constant 0 : i32
      %dma_start3A_863 = tpu.memref_slice %arg2[%dma_start3A_861, %dma_start3A_862] : memref<10000x128xbf16, #tpu.memory_space<hbm>> -> memref<10000x128xbf16, #tpu.memory_space<hbm>>
      tpu.enqueue_indirect_dma source(%dma_start3A_863 : memref<10000x128xbf16, #tpu.memory_space<hbm>>) target(%arg10 : memref<25x128xbf16, #tpu.memory_space<vmem>>) offsets(%dma_start3A_860 : memref<25xi32, #tpu.memory_space<vmem>>) semaphore(%arg17 : memref<!tpu.dma_semaphore, #tpu.memory_space<semaphore_mem>>)
      %dma_start3A_864 = arith.constant 0 : i32
      %dma_start3A_865 = arith.constant 0 : i32
      %dma_start3A_866 = tpu.memref_slice %arg4[%dma_start3A_864, %dma_start3A_865] : memref<400x512xbf16, #tpu.memory_space<hbm>> -> memref<400x512xbf16, #tpu.memory_space<hbm>>
      tpu.enqueue_indirect_dma source(%dma_start3A_866 : memref<400x512xbf16, #tpu.memory_space<hbm>>) target(%arg12 : memref<25x512xbf16, #tpu.memory_space<vmem>>) offsets(%arg8 : memref<25xi32, #tpu.memory_space<vmem>>) semaphore(%arg19 : memref<!tpu.dma_semaphore, #tpu.memory_space<semaphore_mem>>)
    }
    %scan3A_702 = arith.constant 100 : i32
    %dma_wait3A_703 = arith.constant 199 : i32
    %dma_wait3A_704 = arith.constant 0 : i32
    %dma_wait3A_705 = tpu.memref_slice %arg6[%dma_wait3A_703, %dma_wait3A_704] : memref<600x25xi32, #tpu.memory_space<vmem>> -> memref<1x25xi32, #tpu.memory_space<vmem>>
    %dma_wait3A_706 = tpu.memref_squeeze %dma_wait3A_705 : memref<1x25xi32, #tpu.memory_space<vmem>> -> memref<25xi32, #tpu.memory_space<vmem>>
    %dma_wait3A_707 = arith.constant 0 : i32
    %dma_wait3A_708 = arith.constant 0 : i32
    %dma_wait3A_709 = tpu.memref_slice %arg2[%dma_wait3A_707, %dma_wait3A_708] : memref<10000x128xbf16, #tpu.memory_space<hbm>> -> memref<10000x128xbf16, #tpu.memory_space<hbm>>
    tpu.wait_indirect_dma semaphore(%arg16 : memref<!tpu.dma_semaphore, #tpu.memory_space<semaphore_mem>>) src(%dma_wait3A_709 : memref<10000x128xbf16, #tpu.memory_space<hbm>>) dst(%arg9 : memref<25x128xbf16, #tpu.memory_space<vmem>>)
    %dma_wait3A_710 = arith.constant 0 : i32
    %dma_wait3A_711 = arith.constant 0 : i32
    %dma_wait3A_712 = tpu.memref_slice %arg4[%dma_wait3A_710, %dma_wait3A_711] : memref<400x512xbf16, #tpu.memory_space<hbm>> -> memref<400x512xbf16, #tpu.memory_space<hbm>>
    tpu.wait_indirect_dma semaphore(%arg18 : memref<!tpu.dma_semaphore, #tpu.memory_space<semaphore_mem>>) src(%dma_wait3A_712 : memref<400x512xbf16, #tpu.memory_space<hbm>>) dst(%arg11 : memref<25x512xbf16, #tpu.memory_space<vmem>>)
    %add3A_713 = arith.constant 200 : i32
    %add3A_714 = arith.constant 198 : i32
    %add3A_715 = arith.addi %add3A_713, %add3A_714 : i32
    %dma_wait3A_716 = arith.constant 0 : i32
    %dma_wait3A_717 = tpu.memref_slice %arg6[%add3A_715, %dma_wait3A_716] : memref<600x25xi32, #tpu.memory_space<vmem>> -> memref<1x25xi32, #tpu.memory_space<vmem>>
    %dma_wait3A_718 = tpu.memref_squeeze %dma_wait3A_717 : memref<1x25xi32, #tpu.memory_space<vmem>> -> memref<25xi32, #tpu.memory_space<vmem>>
    %dma_wait3A_719 = arith.constant 0 : i32
    %dma_wait3A_720 = arith.constant 0 : i32
    %dma_wait3A_721 = tpu.memref_slice %arg15[%dma_wait3A_719, %dma_wait3A_720] : memref<10000x128xf32, #tpu.memory_space<vmem_shared>> -> memref<10000x128xf32, #tpu.memory_space<vmem_shared>>
    tpu.wait_indirect_dma semaphore(%arg20 : memref<!tpu.dma_semaphore, #tpu.memory_space<semaphore_mem>>) src(%arg13 : memref<25x128xf32, #tpu.memory_space<vmem>>) dst(%dma_wait3A_721 : memref<10000x128xf32, #tpu.memory_space<vmem_shared>>)
    %dma_wait3A_722 = arith.constant 199 : i32
    %dma_wait3A_723 = arith.constant 0 : i32
    %dma_wait3A_724 = tpu.memref_slice %arg6[%dma_wait3A_722, %dma_wait3A_723] : memref<600x25xi32, #tpu.memory_space<vmem>> -> memref<1x25xi32, #tpu.memory_space<vmem>>
    %dma_wait3A_725 = tpu.memref_squeeze %dma_wait3A_724 : memref<1x25xi32, #tpu.memory_space<vmem>> -> memref<25xi32, #tpu.memory_space<vmem>>
    %dma_wait3A_726 = arith.constant 0 : i32
    %dma_wait3A_727 = arith.constant 0 : i32
    %dma_wait3A_728 = tpu.memref_slice %arg2[%dma_wait3A_726, %dma_wait3A_727] : memref<10000x128xbf16, #tpu.memory_space<hbm>> -> memref<10000x128xbf16, #tpu.memory_space<hbm>>
    tpu.wait_indirect_dma semaphore(%arg17 : memref<!tpu.dma_semaphore, #tpu.memory_space<semaphore_mem>>) src(%dma_wait3A_728 : memref<10000x128xbf16, #tpu.memory_space<hbm>>) dst(%arg10 : memref<25x128xbf16, #tpu.memory_space<vmem>>)
    %dma_wait3A_729 = arith.constant 0 : i32
    %dma_wait3A_730 = arith.constant 0 : i32
    %dma_wait3A_731 = tpu.memref_slice %arg4[%dma_wait3A_729, %dma_wait3A_730] : memref<400x512xbf16, #tpu.memory_space<hbm>> -> memref<400x512xbf16, #tpu.memory_space<hbm>>
    tpu.wait_indirect_dma semaphore(%arg19 : memref<!tpu.dma_semaphore, #tpu.memory_space<semaphore_mem>>) src(%dma_wait3A_731 : memref<400x512xbf16, #tpu.memory_space<hbm>>) dst(%arg12 : memref<25x512xbf16, #tpu.memory_space<vmem>>)
    %add3A_732 = arith.constant 200 : i32
    %add3A_733 = arith.constant 199 : i32
    %add3A_734 = arith.addi %add3A_732, %add3A_733 : i32
    %dma_wait3A_735 = arith.constant 0 : i32
    %dma_wait3A_736 = tpu.memref_slice %arg6[%add3A_734, %dma_wait3A_735] : memref<600x25xi32, #tpu.memory_space<vmem>> -> memref<1x25xi32, #tpu.memory_space<vmem>>
    %dma_wait3A_737 = tpu.memref_squeeze %dma_wait3A_736 : memref<1x25xi32, #tpu.memory_space<vmem>> -> memref<25xi32, #tpu.memory_space<vmem>>
    %dma_wait3A_738 = arith.constant 0 : i32
    %dma_wait3A_739 = arith.constant 0 : i32
    %dma_wait3A_740 = tpu.memref_slice %arg15[%dma_wait3A_738, %dma_wait3A_739] : memref<10000x128xf32, #tpu.memory_space<vmem_shared>> -> memref<10000x128xf32, #tpu.memory_space<vmem_shared>>
    tpu.wait_indirect_dma semaphore(%arg21 : memref<!tpu.dma_semaphore, #tpu.memory_space<semaphore_mem>>) src(%arg14 : memref<25x128xf32, #tpu.memory_space<vmem>>) dst(%dma_wait3A_740 : memref<10000x128xf32, #tpu.memory_space<vmem_shared>>)
    %barrier3A_741 = arith.constant 0 : index
    tpu.barrier barrier_id(%barrier3A_741)
    "tpu.region"() ({
      %run_scoped3A = tpu.sem_alloc : memref<!tpu.dma_semaphore, #tpu.memory_space<semaphore_mem>>
      %dma_start3A_742 = arith.constant 0 : i32
      %dma_start3A_743 = tpu.memref_slice %arg5[%arg0, %mul3A_2, %dma_start3A_742] : memref<2x10000x128xf32, #tpu.memory_space<hbm>> -> memref<1x625x128xf32, #tpu.memory_space<hbm>>
      %dma_start3A_744 = tpu.memref_squeeze %dma_start3A_743 : memref<1x625x128xf32, #tpu.memory_space<hbm>> -> memref<625x128xf32, #tpu.memory_space<hbm>>
      %dma_start3A_745 = arith.constant 0 : i32
      %dma_start3A_746 = tpu.memref_slice %arg15[%mul3A_2, %dma_start3A_745] : memref<10000x128xf32, #tpu.memory_space<vmem_shared>> -> memref<625x128xf32, #tpu.memory_space<vmem_shared>>
      tpu.enqueue_dma source(%dma_start3A_746 : memref<625x128xf32, #tpu.memory_space<vmem_shared>>) target(%dma_start3A_744 : memref<625x128xf32, #tpu.memory_space<hbm>>) target_semaphore(%run_scoped3A : memref<!tpu.dma_semaphore, #tpu.memory_space<semaphore_mem>>)
      %dma_wait3A_747 = arith.constant 0 : i32
      %dma_wait3A_748 = tpu.memref_slice %arg5[%arg0, %mul3A_2, %dma_wait3A_747] : memref<2x10000x128xf32, #tpu.memory_space<hbm>> -> memref<1x625x128xf32, #tpu.memory_space<hbm>>
      %dma_wait3A_749 = tpu.memref_squeeze %dma_wait3A_748 : memref<1x625x128xf32, #tpu.memory_space<hbm>> -> memref<625x128xf32, #tpu.memory_space<hbm>>
      %dma_wait3A_750 = arith.constant 0 : i32
      %dma_wait3A_751 = tpu.memref_slice %arg15[%mul3A_2, %dma_wait3A_750] : memref<10000x128xf32, #tpu.memory_space<vmem_shared>> -> memref<625x128xf32, #tpu.memory_space<vmem_shared>>
      tpu.wait_dma2 semaphore(%run_scoped3A : memref<!tpu.dma_semaphore, #tpu.memory_space<semaphore_mem>>) src(%dma_wait3A_751 : memref<625x128xf32, #tpu.memory_space<vmem_shared>>) dst(%dma_wait3A_749 : memref<625x128xf32, #tpu.memory_space<hbm>>)
      tpu.yield
    }) : () -> ()
    return
  }
}

#map = affine_map<(d0, d1) -> (0, 0)>
#map1 = affine_map<(d0, d1) -> (0, 0, 0)>
module attributes {stable_mosaic.version = 14 : i64} {
  func.func @_edge_pass_body(%arg0: i32, %arg1: i32, %arg2: memref<10000x128xbf16, #tpu.memory_space<hbm>>, %arg3: memref<32x600x25xi32, #tpu.memory_space<hbm>>, %arg4: memref<400x512xbf16, #tpu.memory_space<hbm>>, %arg5: memref<2x10000x128xf32, #tpu.memory_space<hbm>>, %arg6: memref<600x25xi32, #tpu.memory_space<vmem>>, %arg7: memref<25xi32, #tpu.memory_space<vmem>>, %arg8: memref<25xi32, #tpu.memory_space<vmem>>, %arg9: memref<25x128xbf16, #tpu.memory_space<vmem>>, %arg10: memref<25x128xbf16, #tpu.memory_space<vmem>>, %arg11: memref<25x512xbf16, #tpu.memory_space<vmem>>, %arg12: memref<25x512xbf16, #tpu.memory_space<vmem>>, %arg13: memref<25x128xf32, #tpu.memory_space<vmem>>, %arg14: memref<25x128xf32, #tpu.memory_space<vmem>>, %arg15: memref<10000x128xf32, #tpu.memory_space<vmem_shared>>, %arg16: memref<!tpu.dma_semaphore, #tpu.memory_space<semaphore_mem>>, %arg17: memref<!tpu.dma_semaphore, #tpu.memory_space<semaphore_mem>>, %arg18: memref<!tpu.dma_semaphore, #tpu.memory_space<semaphore_mem>>, %arg19: memref<!tpu.dma_semaphore, #tpu.memory_space<semaphore_mem>>, %arg20: memref<!tpu.dma_semaphore, #tpu.memory_space<semaphore_mem>>, %arg21: memref<!tpu.dma_semaphore, #tpu.memory_space<semaphore_mem>>) attributes {dimension_semantics = [#tpu.dimension_semantics<core_parallel>, #tpu.dimension_semantics<subcore_parallel>], iteration_bounds = array<i64: 2, 16>, scalar_prefetch = 0 : i64, scratch_operands = 16 : i64, tpu.core_type = #tpu.core_type<sc_vector_subcore>, window_params = [{transform_indices = #map}, {transform_indices = #map1}, {transform_indices = #map}, {transform_indices = #map1}]} {
    %mul3A = arith.constant 16 : i32
    %mul3A_0 = arith.muli %arg0, %mul3A : i32
    %add3A = arith.addi %mul3A_0, %arg1 : i32
    %mul3A_1 = arith.constant 625 : i32
    %mul3A_2 = arith.muli %arg1, %mul3A_1 : i32
    %scan3A = arith.constant 0 : i32
    %scan3A_3 = arith.constant 0 : i32
    %scan3A_4 = arith.constant 25 : i32
    %scan3A_5 = arith.addi %scan3A_3, %scan3A_4 : i32
    %scan3A_6 = arith.constant 1 : i32
    scf.for %scan3A_742 = %scan3A_3 to %scan3A_5 step %scan3A_6  : i32 {
      %broadcast_in_dim3A = arith.constant 0.000000e+00 : f32
      %broadcast_in_dim3A_743 = vector.broadcast %broadcast_in_dim3A : f32 to vector<16xf32>
      %swap3A_744 = arith.index_cast %scan3A_742 : i32 to index
      %swap3A_745 = arith.constant 0 : index
      %swap3A_746 = tpu.vector_load %arg13[%swap3A_744, %swap3A_745] {strides = array<i32>} : memref<25x128xf32, #tpu.memory_space<vmem>>, vector<16xf32>,
      tpu.vector_store %arg13[%swap3A_744, %swap3A_745], %broadcast_in_dim3A_743 {strides = array<i32>} : memref<25x128xf32, #tpu.memory_space<vmem>>, vector<16xf32>,
      %swap3A_747 = arith.index_cast %scan3A_742 : i32 to index
      %swap3A_748 = arith.constant 16 : index
      %swap3A_749 = tpu.vector_load %arg13[%swap3A_747, %swap3A_748] {strides = array<i32>} : memref<25x128xf32, #tpu.memory_space<vmem>>, vector<16xf32>,
      tpu.vector_store %arg13[%swap3A_747, %swap3A_748], %broadcast_in_dim3A_743 {strides = array<i32>} : memref<25x128xf32, #tpu.memory_space<vmem>>, vector<16xf32>,
      %swap3A_750 = arith.index_cast %scan3A_742 : i32 to index
      %swap3A_751 = arith.constant 32 : index
      %swap3A_752 = tpu.vector_load %arg13[%swap3A_750, %swap3A_751] {strides = array<i32>} : memref<25x128xf32, #tpu.memory_space<vmem>>, vector<16xf32>,
      tpu.vector_store %arg13[%swap3A_750, %swap3A_751], %broadcast_in_dim3A_743 {strides = array<i32>} : memref<25x128xf32, #tpu.memory_space<vmem>>, vector<16xf32>,
      %swap3A_753 = arith.index_cast %scan3A_742 : i32 to index
      %swap3A_754 = arith.constant 48 : index
      %swap3A_755 = tpu.vector_load %arg13[%swap3A_753, %swap3A_754] {strides = array<i32>} : memref<25x128xf32, #tpu.memory_space<vmem>>, vector<16xf32>,
      tpu.vector_store %arg13[%swap3A_753, %swap3A_754], %broadcast_in_dim3A_743 {strides = array<i32>} : memref<25x128xf32, #tpu.memory_space<vmem>>, vector<16xf32>,
      %swap3A_756 = arith.index_cast %scan3A_742 : i32 to index
      %swap3A_757 = arith.constant 64 : index
      %swap3A_758 = tpu.vector_load %arg13[%swap3A_756, %swap3A_757] {strides = array<i32>} : memref<25x128xf32, #tpu.memory_space<vmem>>, vector<16xf32>,
      tpu.vector_store %arg13[%swap3A_756, %swap3A_757], %broadcast_in_dim3A_743 {strides = array<i32>} : memref<25x128xf32, #tpu.memory_space<vmem>>, vector<16xf32>,
      %swap3A_759 = arith.index_cast %scan3A_742 : i32 to index
      %swap3A_760 = arith.constant 80 : index
      %swap3A_761 = tpu.vector_load %arg13[%swap3A_759, %swap3A_760] {strides = array<i32>} : memref<25x128xf32, #tpu.memory_space<vmem>>, vector<16xf32>,
      tpu.vector_store %arg13[%swap3A_759, %swap3A_760], %broadcast_in_dim3A_743 {strides = array<i32>} : memref<25x128xf32, #tpu.memory_space<vmem>>, vector<16xf32>,
      %swap3A_762 = arith.index_cast %scan3A_742 : i32 to index
      %swap3A_763 = arith.constant 96 : index
      %swap3A_764 = tpu.vector_load %arg13[%swap3A_762, %swap3A_763] {strides = array<i32>} : memref<25x128xf32, #tpu.memory_space<vmem>>, vector<16xf32>,
      tpu.vector_store %arg13[%swap3A_762, %swap3A_763], %broadcast_in_dim3A_743 {strides = array<i32>} : memref<25x128xf32, #tpu.memory_space<vmem>>, vector<16xf32>,
      %swap3A_765 = arith.index_cast %scan3A_742 : i32 to index
      %swap3A_766 = arith.constant 112 : index
      %swap3A_767 = tpu.vector_load %arg13[%swap3A_765, %swap3A_766] {strides = array<i32>} : memref<25x128xf32, #tpu.memory_space<vmem>>, vector<16xf32>,
      tpu.vector_store %arg13[%swap3A_765, %swap3A_766], %broadcast_in_dim3A_743 {strides = array<i32>} : memref<25x128xf32, #tpu.memory_space<vmem>>, vector<16xf32>,
    }
    %scan3A_7 = arith.constant 25 : i32
    %add3A_8 = arith.constant 0 : i32
    %add3A_9 = arith.addi %mul3A_2, %add3A_8 : i32
    %dma_start3A = arith.constant 0 : i32
    %dma_start3A_10 = arith.constant 0 : i32
    %dma_start3A_11 = tpu.memref_slice %arg13[%dma_start3A, %dma_start3A_10] : memref<25x128xf32, #tpu.memory_space<vmem>> -> memref<25x128xf32, #tpu.memory_space<vmem>>
    %dma_start3A_12 = arith.constant 0 : i32
    %dma_start3A_13 = tpu.memref_slice %arg15[%add3A_9, %dma_start3A_12] : memref<10000x128xf32, #tpu.memory_space<vmem_shared>> -> memref<25x128xf32, #tpu.memory_space<vmem_shared>>
    %dma_start3A_14 = arith.constant 0 : i32
    %dma_start3A_15 = tpu.memref_slice %arg15[%add3A_9, %dma_start3A_14] : memref<10000x128xf32, #tpu.memory_space<vmem_shared>> -> memref<25x128xf32, #tpu.memory_space<vmem_shared>>
    %dma_start3A_16 = arith.constant 0 : i32
    %dma_start3A_17 = arith.constant 0 : i32
    %dma_start3A_18 = tpu.memref_slice %arg13[%dma_start3A_16, %dma_start3A_17] : memref<25x128xf32, #tpu.memory_space<vmem>> -> memref<25x128xf32, #tpu.memory_space<vmem>>
    tpu.enqueue_dma source(%dma_start3A_18 : memref<25x128xf32, #tpu.memory_space<vmem>>) target(%dma_start3A_15 : memref<25x128xf32, #tpu.memory_space<vmem_shared>>) target_semaphore(%arg20 : memref<!tpu.dma_semaphore, #tpu.memory_space<semaphore_mem>>)
    %add3A_19 = arith.constant 25 : i32
    %add3A_20 = arith.addi %mul3A_2, %add3A_19 : i32
    %dma_start3A_21 = arith.constant 0 : i32
    %dma_start3A_22 = arith.constant 0 : i32
    %dma_start3A_23 = tpu.memref_slice %arg13[%dma_start3A_21, %dma_start3A_22] : memref<25x128xf32, #tpu.memory_space<vmem>> -> memref<25x128xf32, #tpu.memory_space<vmem>>
    %dma_start3A_24 = arith.constant 0 : i32
    %dma_start3A_25 = tpu.memref_slice %arg15[%add3A_20, %dma_start3A_24] : memref<10000x128xf32, #tpu.memory_space<vmem_shared>> -> memref<25x128xf32, #tpu.memory_space<vmem_shared>>
    %dma_start3A_26 = arith.constant 0 : i32
    %dma_start3A_27 = tpu.memref_slice %arg15[%add3A_20, %dma_start3A_26] : memref<10000x128xf32, #tpu.memory_space<vmem_shared>> -> memref<25x128xf32, #tpu.memory_space<vmem_shared>>
    %dma_start3A_28 = arith.constant 0 : i32
    %dma_start3A_29 = arith.constant 0 : i32
    %dma_start3A_30 = tpu.memref_slice %arg13[%dma_start3A_28, %dma_start3A_29] : memref<25x128xf32, #tpu.memory_space<vmem>> -> memref<25x128xf32, #tpu.memory_space<vmem>>
    tpu.enqueue_dma source(%dma_start3A_30 : memref<25x128xf32, #tpu.memory_space<vmem>>) target(%dma_start3A_27 : memref<25x128xf32, #tpu.memory_space<vmem_shared>>) target_semaphore(%arg20 : memref<!tpu.dma_semaphore, #tpu.memory_space<semaphore_mem>>)
    %add3A_31 = arith.constant 50 : i32
    %add3A_32 = arith.addi %mul3A_2, %add3A_31 : i32
    %dma_start3A_33 = arith.constant 0 : i32
    %dma_start3A_34 = arith.constant 0 : i32
    %dma_start3A_35 = tpu.memref_slice %arg13[%dma_start3A_33, %dma_start3A_34] : memref<25x128xf32, #tpu.memory_space<vmem>> -> memref<25x128xf32, #tpu.memory_space<vmem>>
    %dma_start3A_36 = arith.constant 0 : i32
    %dma_start3A_37 = tpu.memref_slice %arg15[%add3A_32, %dma_start3A_36] : memref<10000x128xf32, #tpu.memory_space<vmem_shared>> -> memref<25x128xf32, #tpu.memory_space<vmem_shared>>
    %dma_start3A_38 = arith.constant 0 : i32
    %dma_start3A_39 = tpu.memref_slice %arg15[%add3A_32, %dma_start3A_38] : memref<10000x128xf32, #tpu.memory_space<vmem_shared>> -> memref<25x128xf32, #tpu.memory_space<vmem_shared>>
    %dma_start3A_40 = arith.constant 0 : i32
    %dma_start3A_41 = arith.constant 0 : i32
    %dma_start3A_42 = tpu.memref_slice %arg13[%dma_start3A_40, %dma_start3A_41] : memref<25x128xf32, #tpu.memory_space<vmem>> -> memref<25x128xf32, #tpu.memory_space<vmem>>
    tpu.enqueue_dma source(%dma_start3A_42 : memref<25x128xf32, #tpu.memory_space<vmem>>) target(%dma_start3A_39 : memref<25x128xf32, #tpu.memory_space<vmem_shared>>) target_semaphore(%arg20 : memref<!tpu.dma_semaphore, #tpu.memory_space<semaphore_mem>>)
    %add3A_43 = arith.constant 75 : i32
    %add3A_44 = arith.addi %mul3A_2, %add3A_43 : i32
    %dma_start3A_45 = arith.constant 0 : i32
    %dma_start3A_46 = arith.constant 0 : i32
    %dma_start3A_47 = tpu.memref_slice %arg13[%dma_start3A_45, %dma_start3A_46] : memref<25x128xf32, #tpu.memory_space<vmem>> -> memref<25x128xf32, #tpu.memory_space<vmem>>
    %dma_start3A_48 = arith.constant 0 : i32
    %dma_start3A_49 = tpu.memref_slice %arg15[%add3A_44, %dma_start3A_48] : memref<10000x128xf32, #tpu.memory_space<vmem_shared>> -> memref<25x128xf32, #tpu.memory_space<vmem_shared>>
    %dma_start3A_50 = arith.constant 0 : i32
    %dma_start3A_51 = tpu.memref_slice %arg15[%add3A_44, %dma_start3A_50] : memref<10000x128xf32, #tpu.memory_space<vmem_shared>> -> memref<25x128xf32, #tpu.memory_space<vmem_shared>>
    %dma_start3A_52 = arith.constant 0 : i32
    %dma_start3A_53 = arith.constant 0 : i32
    %dma_start3A_54 = tpu.memref_slice %arg13[%dma_start3A_52, %dma_start3A_53] : memref<25x128xf32, #tpu.memory_space<vmem>> -> memref<25x128xf32, #tpu.memory_space<vmem>>
    tpu.enqueue_dma source(%dma_start3A_54 : memref<25x128xf32, #tpu.memory_space<vmem>>) target(%dma_start3A_51 : memref<25x128xf32, #tpu.memory_space<vmem_shared>>) target_semaphore(%arg20 : memref<!tpu.dma_semaphore, #tpu.memory_space<semaphore_mem>>)
    %add3A_55 = arith.constant 100 : i32
    %add3A_56 = arith.addi %mul3A_2, %add3A_55 : i32
    %dma_start3A_57 = arith.constant 0 : i32
    %dma_start3A_58 = arith.constant 0 : i32
    %dma_start3A_59 = tpu.memref_slice %arg13[%dma_start3A_57, %dma_start3A_58] : memref<25x128xf32, #tpu.memory_space<vmem>> -> memref<25x128xf32, #tpu.memory_space<vmem>>
    %dma_start3A_60 = arith.constant 0 : i32
    %dma_start3A_61 = tpu.memref_slice %arg15[%add3A_56, %dma_start3A_60] : memref<10000x128xf32, #tpu.memory_space<vmem_shared>> -> memref<25x128xf32, #tpu.memory_space<vmem_shared>>
    %dma_start3A_62 = arith.constant 0 : i32
    %dma_start3A_63 = tpu.memref_slice %arg15[%add3A_56, %dma_start3A_62] : memref<10000x128xf32, #tpu.memory_space<vmem_shared>> -> memref<25x128xf32, #tpu.memory_space<vmem_shared>>
    %dma_start3A_64 = arith.constant 0 : i32
    %dma_start3A_65 = arith.constant 0 : i32
    %dma_start3A_66 = tpu.memref_slice %arg13[%dma_start3A_64, %dma_start3A_65] : memref<25x128xf32, #tpu.memory_space<vmem>> -> memref<25x128xf32, #tpu.memory_space<vmem>>
    tpu.enqueue_dma source(%dma_start3A_66 : memref<25x128xf32, #tpu.memory_space<vmem>>) target(%dma_start3A_63 : memref<25x128xf32, #tpu.memory_space<vmem_shared>>) target_semaphore(%arg20 : memref<!tpu.dma_semaphore, #tpu.memory_space<semaphore_mem>>)
    %add3A_67 = arith.constant 125 : i32
    %add3A_68 = arith.addi %mul3A_2, %add3A_67 : i32
    %dma_start3A_69 = arith.constant 0 : i32
    %dma_start3A_70 = arith.constant 0 : i32
    %dma_start3A_71 = tpu.memref_slice %arg13[%dma_start3A_69, %dma_start3A_70] : memref<25x128xf32, #tpu.memory_space<vmem>> -> memref<25x128xf32, #tpu.memory_space<vmem>>
    %dma_start3A_72 = arith.constant 0 : i32
    %dma_start3A_73 = tpu.memref_slice %arg15[%add3A_68, %dma_start3A_72] : memref<10000x128xf32, #tpu.memory_space<vmem_shared>> -> memref<25x128xf32, #tpu.memory_space<vmem_shared>>
    %dma_start3A_74 = arith.constant 0 : i32
    %dma_start3A_75 = tpu.memref_slice %arg15[%add3A_68, %dma_start3A_74] : memref<10000x128xf32, #tpu.memory_space<vmem_shared>> -> memref<25x128xf32, #tpu.memory_space<vmem_shared>>
    %dma_start3A_76 = arith.constant 0 : i32
    %dma_start3A_77 = arith.constant 0 : i32
    %dma_start3A_78 = tpu.memref_slice %arg13[%dma_start3A_76, %dma_start3A_77] : memref<25x128xf32, #tpu.memory_space<vmem>> -> memref<25x128xf32, #tpu.memory_space<vmem>>
    tpu.enqueue_dma source(%dma_start3A_78 : memref<25x128xf32, #tpu.memory_space<vmem>>) target(%dma_start3A_75 : memref<25x128xf32, #tpu.memory_space<vmem_shared>>) target_semaphore(%arg20 : memref<!tpu.dma_semaphore, #tpu.memory_space<semaphore_mem>>)
    %add3A_79 = arith.constant 150 : i32
    %add3A_80 = arith.addi %mul3A_2, %add3A_79 : i32
    %dma_start3A_81 = arith.constant 0 : i32
    %dma_start3A_82 = arith.constant 0 : i32
    %dma_start3A_83 = tpu.memref_slice %arg13[%dma_start3A_81, %dma_start3A_82] : memref<25x128xf32, #tpu.memory_space<vmem>> -> memref<25x128xf32, #tpu.memory_space<vmem>>
    %dma_start3A_84 = arith.constant 0 : i32
    %dma_start3A_85 = tpu.memref_slice %arg15[%add3A_80, %dma_start3A_84] : memref<10000x128xf32, #tpu.memory_space<vmem_shared>> -> memref<25x128xf32, #tpu.memory_space<vmem_shared>>
    %dma_start3A_86 = arith.constant 0 : i32
    %dma_start3A_87 = tpu.memref_slice %arg15[%add3A_80, %dma_start3A_86] : memref<10000x128xf32, #tpu.memory_space<vmem_shared>> -> memref<25x128xf32, #tpu.memory_space<vmem_shared>>
    %dma_start3A_88 = arith.constant 0 : i32
    %dma_start3A_89 = arith.constant 0 : i32
    %dma_start3A_90 = tpu.memref_slice %arg13[%dma_start3A_88, %dma_start3A_89] : memref<25x128xf32, #tpu.memory_space<vmem>> -> memref<25x128xf32, #tpu.memory_space<vmem>>
    tpu.enqueue_dma source(%dma_start3A_90 : memref<25x128xf32, #tpu.memory_space<vmem>>) target(%dma_start3A_87 : memref<25x128xf32, #tpu.memory_space<vmem_shared>>) target_semaphore(%arg20 : memref<!tpu.dma_semaphore, #tpu.memory_space<semaphore_mem>>)
    %add3A_91 = arith.constant 175 : i32
    %add3A_92 = arith.addi %mul3A_2, %add3A_91 : i32
    %dma_start3A_93 = arith.constant 0 : i32
    %dma_start3A_94 = arith.constant 0 : i32
    %dma_start3A_95 = tpu.memref_slice %arg13[%dma_start3A_93, %dma_start3A_94] : memref<25x128xf32, #tpu.memory_space<vmem>> -> memref<25x128xf32, #tpu.memory_space<vmem>>
    %dma_start3A_96 = arith.constant 0 : i32
    %dma_start3A_97 = tpu.memref_slice %arg15[%add3A_92, %dma_start3A_96] : memref<10000x128xf32, #tpu.memory_space<vmem_shared>> -> memref<25x128xf32, #tpu.memory_space<vmem_shared>>
    %dma_start3A_98 = arith.constant 0 : i32
    %dma_start3A_99 = tpu.memref_slice %arg15[%add3A_92, %dma_start3A_98] : memref<10000x128xf32, #tpu.memory_space<vmem_shared>> -> memref<25x128xf32, #tpu.memory_space<vmem_shared>>
    %dma_start3A_100 = arith.constant 0 : i32
    %dma_start3A_101 = arith.constant 0 : i32
    %dma_start3A_102 = tpu.memref_slice %arg13[%dma_start3A_100, %dma_start3A_101] : memref<25x128xf32, #tpu.memory_space<vmem>> -> memref<25x128xf32, #tpu.memory_space<vmem>>
    tpu.enqueue_dma source(%dma_start3A_102 : memref<25x128xf32, #tpu.memory_space<vmem>>) target(%dma_start3A_99 : memref<25x128xf32, #tpu.memory_space<vmem_shared>>) target_semaphore(%arg20 : memref<!tpu.dma_semaphore, #tpu.memory_space<semaphore_mem>>)
    %add3A_103 = arith.constant 200 : i32
    %add3A_104 = arith.addi %mul3A_2, %add3A_103 : i32
    %dma_start3A_105 = arith.constant 0 : i32
    %dma_start3A_106 = arith.constant 0 : i32
    %dma_start3A_107 = tpu.memref_slice %arg13[%dma_start3A_105, %dma_start3A_106] : memref<25x128xf32, #tpu.memory_space<vmem>> -> memref<25x128xf32, #tpu.memory_space<vmem>>
    %dma_start3A_108 = arith.constant 0 : i32
    %dma_start3A_109 = tpu.memref_slice %arg15[%add3A_104, %dma_start3A_108] : memref<10000x128xf32, #tpu.memory_space<vmem_shared>> -> memref<25x128xf32, #tpu.memory_space<vmem_shared>>
    %dma_start3A_110 = arith.constant 0 : i32
    %dma_start3A_111 = tpu.memref_slice %arg15[%add3A_104, %dma_start3A_110] : memref<10000x128xf32, #tpu.memory_space<vmem_shared>> -> memref<25x128xf32, #tpu.memory_space<vmem_shared>>
    %dma_start3A_112 = arith.constant 0 : i32
    %dma_start3A_113 = arith.constant 0 : i32
    %dma_start3A_114 = tpu.memref_slice %arg13[%dma_start3A_112, %dma_start3A_113] : memref<25x128xf32, #tpu.memory_space<vmem>> -> memref<25x128xf32, #tpu.memory_space<vmem>>
    tpu.enqueue_dma source(%dma_start3A_114 : memref<25x128xf32, #tpu.memory_space<vmem>>) target(%dma_start3A_111 : memref<25x128xf32, #tpu.memory_space<vmem_shared>>) target_semaphore(%arg20 : memref<!tpu.dma_semaphore, #tpu.memory_space<semaphore_mem>>)
    %add3A_115 = arith.constant 225 : i32
    %add3A_116 = arith.addi %mul3A_2, %add3A_115 : i32
    %dma_start3A_117 = arith.constant 0 : i32
    %dma_start3A_118 = arith.constant 0 : i32
    %dma_start3A_119 = tpu.memref_slice %arg13[%dma_start3A_117, %dma_start3A_118] : memref<25x128xf32, #tpu.memory_space<vmem>> -> memref<25x128xf32, #tpu.memory_space<vmem>>
    %dma_start3A_120 = arith.constant 0 : i32
    %dma_start3A_121 = tpu.memref_slice %arg15[%add3A_116, %dma_start3A_120] : memref<10000x128xf32, #tpu.memory_space<vmem_shared>> -> memref<25x128xf32, #tpu.memory_space<vmem_shared>>
    %dma_start3A_122 = arith.constant 0 : i32
    %dma_start3A_123 = tpu.memref_slice %arg15[%add3A_116, %dma_start3A_122] : memref<10000x128xf32, #tpu.memory_space<vmem_shared>> -> memref<25x128xf32, #tpu.memory_space<vmem_shared>>
    %dma_start3A_124 = arith.constant 0 : i32
    %dma_start3A_125 = arith.constant 0 : i32
    %dma_start3A_126 = tpu.memref_slice %arg13[%dma_start3A_124, %dma_start3A_125] : memref<25x128xf32, #tpu.memory_space<vmem>> -> memref<25x128xf32, #tpu.memory_space<vmem>>
    tpu.enqueue_dma source(%dma_start3A_126 : memref<25x128xf32, #tpu.memory_space<vmem>>) target(%dma_start3A_123 : memref<25x128xf32, #tpu.memory_space<vmem_shared>>) target_semaphore(%arg20 : memref<!tpu.dma_semaphore, #tpu.memory_space<semaphore_mem>>)
    %add3A_127 = arith.constant 250 : i32
    %add3A_128 = arith.addi %mul3A_2, %add3A_127 : i32
    %dma_start3A_129 = arith.constant 0 : i32
    %dma_start3A_130 = arith.constant 0 : i32
    %dma_start3A_131 = tpu.memref_slice %arg13[%dma_start3A_129, %dma_start3A_130] : memref<25x128xf32, #tpu.memory_space<vmem>> -> memref<25x128xf32, #tpu.memory_space<vmem>>
    %dma_start3A_132 = arith.constant 0 : i32
    %dma_start3A_133 = tpu.memref_slice %arg15[%add3A_128, %dma_start3A_132] : memref<10000x128xf32, #tpu.memory_space<vmem_shared>> -> memref<25x128xf32, #tpu.memory_space<vmem_shared>>
    %dma_start3A_134 = arith.constant 0 : i32
    %dma_start3A_135 = tpu.memref_slice %arg15[%add3A_128, %dma_start3A_134] : memref<10000x128xf32, #tpu.memory_space<vmem_shared>> -> memref<25x128xf32, #tpu.memory_space<vmem_shared>>
    %dma_start3A_136 = arith.constant 0 : i32
    %dma_start3A_137 = arith.constant 0 : i32
    %dma_start3A_138 = tpu.memref_slice %arg13[%dma_start3A_136, %dma_start3A_137] : memref<25x128xf32, #tpu.memory_space<vmem>> -> memref<25x128xf32, #tpu.memory_space<vmem>>
    tpu.enqueue_dma source(%dma_start3A_138 : memref<25x128xf32, #tpu.memory_space<vmem>>) target(%dma_start3A_135 : memref<25x128xf32, #tpu.memory_space<vmem_shared>>) target_semaphore(%arg20 : memref<!tpu.dma_semaphore, #tpu.memory_space<semaphore_mem>>)
    %add3A_139 = arith.constant 275 : i32
    %add3A_140 = arith.addi %mul3A_2, %add3A_139 : i32
    %dma_start3A_141 = arith.constant 0 : i32
    %dma_start3A_142 = arith.constant 0 : i32
    %dma_start3A_143 = tpu.memref_slice %arg13[%dma_start3A_141, %dma_start3A_142] : memref<25x128xf32, #tpu.memory_space<vmem>> -> memref<25x128xf32, #tpu.memory_space<vmem>>
    %dma_start3A_144 = arith.constant 0 : i32
    %dma_start3A_145 = tpu.memref_slice %arg15[%add3A_140, %dma_start3A_144] : memref<10000x128xf32, #tpu.memory_space<vmem_shared>> -> memref<25x128xf32, #tpu.memory_space<vmem_shared>>
    %dma_start3A_146 = arith.constant 0 : i32
    %dma_start3A_147 = tpu.memref_slice %arg15[%add3A_140, %dma_start3A_146] : memref<10000x128xf32, #tpu.memory_space<vmem_shared>> -> memref<25x128xf32, #tpu.memory_space<vmem_shared>>
    %dma_start3A_148 = arith.constant 0 : i32
    %dma_start3A_149 = arith.constant 0 : i32
    %dma_start3A_150 = tpu.memref_slice %arg13[%dma_start3A_148, %dma_start3A_149] : memref<25x128xf32, #tpu.memory_space<vmem>> -> memref<25x128xf32, #tpu.memory_space<vmem>>
    tpu.enqueue_dma source(%dma_start3A_150 : memref<25x128xf32, #tpu.memory_space<vmem>>) target(%dma_start3A_147 : memref<25x128xf32, #tpu.memory_space<vmem_shared>>) target_semaphore(%arg20 : memref<!tpu.dma_semaphore, #tpu.memory_space<semaphore_mem>>)
    %add3A_151 = arith.constant 300 : i32
    %add3A_152 = arith.addi %mul3A_2, %add3A_151 : i32
    %dma_start3A_153 = arith.constant 0 : i32
    %dma_start3A_154 = arith.constant 0 : i32
    %dma_start3A_155 = tpu.memref_slice %arg13[%dma_start3A_153, %dma_start3A_154] : memref<25x128xf32, #tpu.memory_space<vmem>> -> memref<25x128xf32, #tpu.memory_space<vmem>>
    %dma_start3A_156 = arith.constant 0 : i32
    %dma_start3A_157 = tpu.memref_slice %arg15[%add3A_152, %dma_start3A_156] : memref<10000x128xf32, #tpu.memory_space<vmem_shared>> -> memref<25x128xf32, #tpu.memory_space<vmem_shared>>
    %dma_start3A_158 = arith.constant 0 : i32
    %dma_start3A_159 = tpu.memref_slice %arg15[%add3A_152, %dma_start3A_158] : memref<10000x128xf32, #tpu.memory_space<vmem_shared>> -> memref<25x128xf32, #tpu.memory_space<vmem_shared>>
    %dma_start3A_160 = arith.constant 0 : i32
    %dma_start3A_161 = arith.constant 0 : i32
    %dma_start3A_162 = tpu.memref_slice %arg13[%dma_start3A_160, %dma_start3A_161] : memref<25x128xf32, #tpu.memory_space<vmem>> -> memref<25x128xf32, #tpu.memory_space<vmem>>
    tpu.enqueue_dma source(%dma_start3A_162 : memref<25x128xf32, #tpu.memory_space<vmem>>) target(%dma_start3A_159 : memref<25x128xf32, #tpu.memory_space<vmem_shared>>) target_semaphore(%arg20 : memref<!tpu.dma_semaphore, #tpu.memory_space<semaphore_mem>>)
    %add3A_163 = arith.constant 325 : i32
    %add3A_164 = arith.addi %mul3A_2, %add3A_163 : i32
    %dma_start3A_165 = arith.constant 0 : i32
    %dma_start3A_166 = arith.constant 0 : i32
    %dma_start3A_167 = tpu.memref_slice %arg13[%dma_start3A_165, %dma_start3A_166] : memref<25x128xf32, #tpu.memory_space<vmem>> -> memref<25x128xf32, #tpu.memory_space<vmem>>
    %dma_start3A_168 = arith.constant 0 : i32
    %dma_start3A_169 = tpu.memref_slice %arg15[%add3A_164, %dma_start3A_168] : memref<10000x128xf32, #tpu.memory_space<vmem_shared>> -> memref<25x128xf32, #tpu.memory_space<vmem_shared>>
    %dma_start3A_170 = arith.constant 0 : i32
    %dma_start3A_171 = tpu.memref_slice %arg15[%add3A_164, %dma_start3A_170] : memref<10000x128xf32, #tpu.memory_space<vmem_shared>> -> memref<25x128xf32, #tpu.memory_space<vmem_shared>>
    %dma_start3A_172 = arith.constant 0 : i32
    %dma_start3A_173 = arith.constant 0 : i32
    %dma_start3A_174 = tpu.memref_slice %arg13[%dma_start3A_172, %dma_start3A_173] : memref<25x128xf32, #tpu.memory_space<vmem>> -> memref<25x128xf32, #tpu.memory_space<vmem>>
    tpu.enqueue_dma source(%dma_start3A_174 : memref<25x128xf32, #tpu.memory_space<vmem>>) target(%dma_start3A_171 : memref<25x128xf32, #tpu.memory_space<vmem_shared>>) target_semaphore(%arg20 : memref<!tpu.dma_semaphore, #tpu.memory_space<semaphore_mem>>)
    %add3A_175 = arith.constant 350 : i32
    %add3A_176 = arith.addi %mul3A_2, %add3A_175 : i32
    %dma_start3A_177 = arith.constant 0 : i32
    %dma_start3A_178 = arith.constant 0 : i32
    %dma_start3A_179 = tpu.memref_slice %arg13[%dma_start3A_177, %dma_start3A_178] : memref<25x128xf32, #tpu.memory_space<vmem>> -> memref<25x128xf32, #tpu.memory_space<vmem>>
    %dma_start3A_180 = arith.constant 0 : i32
    %dma_start3A_181 = tpu.memref_slice %arg15[%add3A_176, %dma_start3A_180] : memref<10000x128xf32, #tpu.memory_space<vmem_shared>> -> memref<25x128xf32, #tpu.memory_space<vmem_shared>>
    %dma_start3A_182 = arith.constant 0 : i32
    %dma_start3A_183 = tpu.memref_slice %arg15[%add3A_176, %dma_start3A_182] : memref<10000x128xf32, #tpu.memory_space<vmem_shared>> -> memref<25x128xf32, #tpu.memory_space<vmem_shared>>
    %dma_start3A_184 = arith.constant 0 : i32
    %dma_start3A_185 = arith.constant 0 : i32
    %dma_start3A_186 = tpu.memref_slice %arg13[%dma_start3A_184, %dma_start3A_185] : memref<25x128xf32, #tpu.memory_space<vmem>> -> memref<25x128xf32, #tpu.memory_space<vmem>>
    tpu.enqueue_dma source(%dma_start3A_186 : memref<25x128xf32, #tpu.memory_space<vmem>>) target(%dma_start3A_183 : memref<25x128xf32, #tpu.memory_space<vmem_shared>>) target_semaphore(%arg20 : memref<!tpu.dma_semaphore, #tpu.memory_space<semaphore_mem>>)
    %add3A_187 = arith.constant 375 : i32
    %add3A_188 = arith.addi %mul3A_2, %add3A_187 : i32
    %dma_start3A_189 = arith.constant 0 : i32
    %dma_start3A_190 = arith.constant 0 : i32
    %dma_start3A_191 = tpu.memref_slice %arg13[%dma_start3A_189, %dma_start3A_190] : memref<25x128xf32, #tpu.memory_space<vmem>> -> memref<25x128xf32, #tpu.memory_space<vmem>>
    %dma_start3A_192 = arith.constant 0 : i32
    %dma_start3A_193 = tpu.memref_slice %arg15[%add3A_188, %dma_start3A_192] : memref<10000x128xf32, #tpu.memory_space<vmem_shared>> -> memref<25x128xf32, #tpu.memory_space<vmem_shared>>
    %dma_start3A_194 = arith.constant 0 : i32
    %dma_start3A_195 = tpu.memref_slice %arg15[%add3A_188, %dma_start3A_194] : memref<10000x128xf32, #tpu.memory_space<vmem_shared>> -> memref<25x128xf32, #tpu.memory_space<vmem_shared>>
    %dma_start3A_196 = arith.constant 0 : i32
    %dma_start3A_197 = arith.constant 0 : i32
    %dma_start3A_198 = tpu.memref_slice %arg13[%dma_start3A_196, %dma_start3A_197] : memref<25x128xf32, #tpu.memory_space<vmem>> -> memref<25x128xf32, #tpu.memory_space<vmem>>
    tpu.enqueue_dma source(%dma_start3A_198 : memref<25x128xf32, #tpu.memory_space<vmem>>) target(%dma_start3A_195 : memref<25x128xf32, #tpu.memory_space<vmem_shared>>) target_semaphore(%arg20 : memref<!tpu.dma_semaphore, #tpu.memory_space<semaphore_mem>>)
    %add3A_199 = arith.constant 400 : i32
    %add3A_200 = arith.addi %mul3A_2, %add3A_199 : i32
    %dma_start3A_201 = arith.constant 0 : i32
    %dma_start3A_202 = arith.constant 0 : i32
    %dma_start3A_203 = tpu.memref_slice %arg13[%dma_start3A_201, %dma_start3A_202] : memref<25x128xf32, #tpu.memory_space<vmem>> -> memref<25x128xf32, #tpu.memory_space<vmem>>
    %dma_start3A_204 = arith.constant 0 : i32
    %dma_start3A_205 = tpu.memref_slice %arg15[%add3A_200, %dma_start3A_204] : memref<10000x128xf32, #tpu.memory_space<vmem_shared>> -> memref<25x128xf32, #tpu.memory_space<vmem_shared>>
    %dma_start3A_206 = arith.constant 0 : i32
    %dma_start3A_207 = tpu.memref_slice %arg15[%add3A_200, %dma_start3A_206] : memref<10000x128xf32, #tpu.memory_space<vmem_shared>> -> memref<25x128xf32, #tpu.memory_space<vmem_shared>>
    %dma_start3A_208 = arith.constant 0 : i32
    %dma_start3A_209 = arith.constant 0 : i32
    %dma_start3A_210 = tpu.memref_slice %arg13[%dma_start3A_208, %dma_start3A_209] : memref<25x128xf32, #tpu.memory_space<vmem>> -> memref<25x128xf32, #tpu.memory_space<vmem>>
    tpu.enqueue_dma source(%dma_start3A_210 : memref<25x128xf32, #tpu.memory_space<vmem>>) target(%dma_start3A_207 : memref<25x128xf32, #tpu.memory_space<vmem_shared>>) target_semaphore(%arg20 : memref<!tpu.dma_semaphore, #tpu.memory_space<semaphore_mem>>)
    %add3A_211 = arith.constant 425 : i32
    %add3A_212 = arith.addi %mul3A_2, %add3A_211 : i32
    %dma_start3A_213 = arith.constant 0 : i32
    %dma_start3A_214 = arith.constant 0 : i32
    %dma_start3A_215 = tpu.memref_slice %arg13[%dma_start3A_213, %dma_start3A_214] : memref<25x128xf32, #tpu.memory_space<vmem>> -> memref<25x128xf32, #tpu.memory_space<vmem>>
    %dma_start3A_216 = arith.constant 0 : i32
    %dma_start3A_217 = tpu.memref_slice %arg15[%add3A_212, %dma_start3A_216] : memref<10000x128xf32, #tpu.memory_space<vmem_shared>> -> memref<25x128xf32, #tpu.memory_space<vmem_shared>>
    %dma_start3A_218 = arith.constant 0 : i32
    %dma_start3A_219 = tpu.memref_slice %arg15[%add3A_212, %dma_start3A_218] : memref<10000x128xf32, #tpu.memory_space<vmem_shared>> -> memref<25x128xf32, #tpu.memory_space<vmem_shared>>
    %dma_start3A_220 = arith.constant 0 : i32
    %dma_start3A_221 = arith.constant 0 : i32
    %dma_start3A_222 = tpu.memref_slice %arg13[%dma_start3A_220, %dma_start3A_221] : memref<25x128xf32, #tpu.memory_space<vmem>> -> memref<25x128xf32, #tpu.memory_space<vmem>>
    tpu.enqueue_dma source(%dma_start3A_222 : memref<25x128xf32, #tpu.memory_space<vmem>>) target(%dma_start3A_219 : memref<25x128xf32, #tpu.memory_space<vmem_shared>>) target_semaphore(%arg20 : memref<!tpu.dma_semaphore, #tpu.memory_space<semaphore_mem>>)
    %add3A_223 = arith.constant 450 : i32
    %add3A_224 = arith.addi %mul3A_2, %add3A_223 : i32
    %dma_start3A_225 = arith.constant 0 : i32
    %dma_start3A_226 = arith.constant 0 : i32
    %dma_start3A_227 = tpu.memref_slice %arg13[%dma_start3A_225, %dma_start3A_226] : memref<25x128xf32, #tpu.memory_space<vmem>> -> memref<25x128xf32, #tpu.memory_space<vmem>>
    %dma_start3A_228 = arith.constant 0 : i32
    %dma_start3A_229 = tpu.memref_slice %arg15[%add3A_224, %dma_start3A_228] : memref<10000x128xf32, #tpu.memory_space<vmem_shared>> -> memref<25x128xf32, #tpu.memory_space<vmem_shared>>
    %dma_start3A_230 = arith.constant 0 : i32
    %dma_start3A_231 = tpu.memref_slice %arg15[%add3A_224, %dma_start3A_230] : memref<10000x128xf32, #tpu.memory_space<vmem_shared>> -> memref<25x128xf32, #tpu.memory_space<vmem_shared>>
    %dma_start3A_232 = arith.constant 0 : i32
    %dma_start3A_233 = arith.constant 0 : i32
    %dma_start3A_234 = tpu.memref_slice %arg13[%dma_start3A_232, %dma_start3A_233] : memref<25x128xf32, #tpu.memory_space<vmem>> -> memref<25x128xf32, #tpu.memory_space<vmem>>
    tpu.enqueue_dma source(%dma_start3A_234 : memref<25x128xf32, #tpu.memory_space<vmem>>) target(%dma_start3A_231 : memref<25x128xf32, #tpu.memory_space<vmem_shared>>) target_semaphore(%arg20 : memref<!tpu.dma_semaphore, #tpu.memory_space<semaphore_mem>>)
    %add3A_235 = arith.constant 475 : i32
    %add3A_236 = arith.addi %mul3A_2, %add3A_235 : i32
    %dma_start3A_237 = arith.constant 0 : i32
    %dma_start3A_238 = arith.constant 0 : i32
    %dma_start3A_239 = tpu.memref_slice %arg13[%dma_start3A_237, %dma_start3A_238] : memref<25x128xf32, #tpu.memory_space<vmem>> -> memref<25x128xf32, #tpu.memory_space<vmem>>
    %dma_start3A_240 = arith.constant 0 : i32
    %dma_start3A_241 = tpu.memref_slice %arg15[%add3A_236, %dma_start3A_240] : memref<10000x128xf32, #tpu.memory_space<vmem_shared>> -> memref<25x128xf32, #tpu.memory_space<vmem_shared>>
    %dma_start3A_242 = arith.constant 0 : i32
    %dma_start3A_243 = tpu.memref_slice %arg15[%add3A_236, %dma_start3A_242] : memref<10000x128xf32, #tpu.memory_space<vmem_shared>> -> memref<25x128xf32, #tpu.memory_space<vmem_shared>>
    %dma_start3A_244 = arith.constant 0 : i32
    %dma_start3A_245 = arith.constant 0 : i32
    %dma_start3A_246 = tpu.memref_slice %arg13[%dma_start3A_244, %dma_start3A_245] : memref<25x128xf32, #tpu.memory_space<vmem>> -> memref<25x128xf32, #tpu.memory_space<vmem>>
    tpu.enqueue_dma source(%dma_start3A_246 : memref<25x128xf32, #tpu.memory_space<vmem>>) target(%dma_start3A_243 : memref<25x128xf32, #tpu.memory_space<vmem_shared>>) target_semaphore(%arg20 : memref<!tpu.dma_semaphore, #tpu.memory_space<semaphore_mem>>)
    %add3A_247 = arith.constant 500 : i32
    %add3A_248 = arith.addi %mul3A_2, %add3A_247 : i32
    %dma_start3A_249 = arith.constant 0 : i32
    %dma_start3A_250 = arith.constant 0 : i32
    %dma_start3A_251 = tpu.memref_slice %arg13[%dma_start3A_249, %dma_start3A_250] : memref<25x128xf32, #tpu.memory_space<vmem>> -> memref<25x128xf32, #tpu.memory_space<vmem>>
    %dma_start3A_252 = arith.constant 0 : i32
    %dma_start3A_253 = tpu.memref_slice %arg15[%add3A_248, %dma_start3A_252] : memref<10000x128xf32, #tpu.memory_space<vmem_shared>> -> memref<25x128xf32, #tpu.memory_space<vmem_shared>>
    %dma_start3A_254 = arith.constant 0 : i32
    %dma_start3A_255 = tpu.memref_slice %arg15[%add3A_248, %dma_start3A_254] : memref<10000x128xf32, #tpu.memory_space<vmem_shared>> -> memref<25x128xf32, #tpu.memory_space<vmem_shared>>
    %dma_start3A_256 = arith.constant 0 : i32
    %dma_start3A_257 = arith.constant 0 : i32
    %dma_start3A_258 = tpu.memref_slice %arg13[%dma_start3A_256, %dma_start3A_257] : memref<25x128xf32, #tpu.memory_space<vmem>> -> memref<25x128xf32, #tpu.memory_space<vmem>>
    tpu.enqueue_dma source(%dma_start3A_258 : memref<25x128xf32, #tpu.memory_space<vmem>>) target(%dma_start3A_255 : memref<25x128xf32, #tpu.memory_space<vmem_shared>>) target_semaphore(%arg20 : memref<!tpu.dma_semaphore, #tpu.memory_space<semaphore_mem>>)
    %add3A_259 = arith.constant 525 : i32
    %add3A_260 = arith.addi %mul3A_2, %add3A_259 : i32
    %dma_start3A_261 = arith.constant 0 : i32
    %dma_start3A_262 = arith.constant 0 : i32
    %dma_start3A_263 = tpu.memref_slice %arg13[%dma_start3A_261, %dma_start3A_262] : memref<25x128xf32, #tpu.memory_space<vmem>> -> memref<25x128xf32, #tpu.memory_space<vmem>>
    %dma_start3A_264 = arith.constant 0 : i32
    %dma_start3A_265 = tpu.memref_slice %arg15[%add3A_260, %dma_start3A_264] : memref<10000x128xf32, #tpu.memory_space<vmem_shared>> -> memref<25x128xf32, #tpu.memory_space<vmem_shared>>
    %dma_start3A_266 = arith.constant 0 : i32
    %dma_start3A_267 = tpu.memref_slice %arg15[%add3A_260, %dma_start3A_266] : memref<10000x128xf32, #tpu.memory_space<vmem_shared>> -> memref<25x128xf32, #tpu.memory_space<vmem_shared>>
    %dma_start3A_268 = arith.constant 0 : i32
    %dma_start3A_269 = arith.constant 0 : i32
    %dma_start3A_270 = tpu.memref_slice %arg13[%dma_start3A_268, %dma_start3A_269] : memref<25x128xf32, #tpu.memory_space<vmem>> -> memref<25x128xf32, #tpu.memory_space<vmem>>
    tpu.enqueue_dma source(%dma_start3A_270 : memref<25x128xf32, #tpu.memory_space<vmem>>) target(%dma_start3A_267 : memref<25x128xf32, #tpu.memory_space<vmem_shared>>) target_semaphore(%arg20 : memref<!tpu.dma_semaphore, #tpu.memory_space<semaphore_mem>>)
    %add3A_271 = arith.constant 550 : i32
    %add3A_272 = arith.addi %mul3A_2, %add3A_271 : i32
    %dma_start3A_273 = arith.constant 0 : i32
    %dma_start3A_274 = arith.constant 0 : i32
    %dma_start3A_275 = tpu.memref_slice %arg13[%dma_start3A_273, %dma_start3A_274] : memref<25x128xf32, #tpu.memory_space<vmem>> -> memref<25x128xf32, #tpu.memory_space<vmem>>
    %dma_start3A_276 = arith.constant 0 : i32
    %dma_start3A_277 = tpu.memref_slice %arg15[%add3A_272, %dma_start3A_276] : memref<10000x128xf32, #tpu.memory_space<vmem_shared>> -> memref<25x128xf32, #tpu.memory_space<vmem_shared>>
    %dma_start3A_278 = arith.constant 0 : i32
    %dma_start3A_279 = tpu.memref_slice %arg15[%add3A_272, %dma_start3A_278] : memref<10000x128xf32, #tpu.memory_space<vmem_shared>> -> memref<25x128xf32, #tpu.memory_space<vmem_shared>>
    %dma_start3A_280 = arith.constant 0 : i32
    %dma_start3A_281 = arith.constant 0 : i32
    %dma_start3A_282 = tpu.memref_slice %arg13[%dma_start3A_280, %dma_start3A_281] : memref<25x128xf32, #tpu.memory_space<vmem>> -> memref<25x128xf32, #tpu.memory_space<vmem>>
    tpu.enqueue_dma source(%dma_start3A_282 : memref<25x128xf32, #tpu.memory_space<vmem>>) target(%dma_start3A_279 : memref<25x128xf32, #tpu.memory_space<vmem_shared>>) target_semaphore(%arg20 : memref<!tpu.dma_semaphore, #tpu.memory_space<semaphore_mem>>)
    %add3A_283 = arith.constant 575 : i32
    %add3A_284 = arith.addi %mul3A_2, %add3A_283 : i32
    %dma_start3A_285 = arith.constant 0 : i32
    %dma_start3A_286 = arith.constant 0 : i32
    %dma_start3A_287 = tpu.memref_slice %arg13[%dma_start3A_285, %dma_start3A_286] : memref<25x128xf32, #tpu.memory_space<vmem>> -> memref<25x128xf32, #tpu.memory_space<vmem>>
    %dma_start3A_288 = arith.constant 0 : i32
    %dma_start3A_289 = tpu.memref_slice %arg15[%add3A_284, %dma_start3A_288] : memref<10000x128xf32, #tpu.memory_space<vmem_shared>> -> memref<25x128xf32, #tpu.memory_space<vmem_shared>>
    %dma_start3A_290 = arith.constant 0 : i32
    %dma_start3A_291 = tpu.memref_slice %arg15[%add3A_284, %dma_start3A_290] : memref<10000x128xf32, #tpu.memory_space<vmem_shared>> -> memref<25x128xf32, #tpu.memory_space<vmem_shared>>
    %dma_start3A_292 = arith.constant 0 : i32
    %dma_start3A_293 = arith.constant 0 : i32
    %dma_start3A_294 = tpu.memref_slice %arg13[%dma_start3A_292, %dma_start3A_293] : memref<25x128xf32, #tpu.memory_space<vmem>> -> memref<25x128xf32, #tpu.memory_space<vmem>>
    tpu.enqueue_dma source(%dma_start3A_294 : memref<25x128xf32, #tpu.memory_space<vmem>>) target(%dma_start3A_291 : memref<25x128xf32, #tpu.memory_space<vmem_shared>>) target_semaphore(%arg20 : memref<!tpu.dma_semaphore, #tpu.memory_space<semaphore_mem>>)
    %add3A_295 = arith.constant 600 : i32
    %add3A_296 = arith.addi %mul3A_2, %add3A_295 : i32
    %dma_start3A_297 = arith.constant 0 : i32
    %dma_start3A_298 = arith.constant 0 : i32
    %dma_start3A_299 = tpu.memref_slice %arg13[%dma_start3A_297, %dma_start3A_298] : memref<25x128xf32, #tpu.memory_space<vmem>> -> memref<25x128xf32, #tpu.memory_space<vmem>>
    %dma_start3A_300 = arith.constant 0 : i32
    %dma_start3A_301 = tpu.memref_slice %arg15[%add3A_296, %dma_start3A_300] : memref<10000x128xf32, #tpu.memory_space<vmem_shared>> -> memref<25x128xf32, #tpu.memory_space<vmem_shared>>
    %dma_start3A_302 = arith.constant 0 : i32
    %dma_start3A_303 = tpu.memref_slice %arg15[%add3A_296, %dma_start3A_302] : memref<10000x128xf32, #tpu.memory_space<vmem_shared>> -> memref<25x128xf32, #tpu.memory_space<vmem_shared>>
    %dma_start3A_304 = arith.constant 0 : i32
    %dma_start3A_305 = arith.constant 0 : i32
    %dma_start3A_306 = tpu.memref_slice %arg13[%dma_start3A_304, %dma_start3A_305] : memref<25x128xf32, #tpu.memory_space<vmem>> -> memref<25x128xf32, #tpu.memory_space<vmem>>
    tpu.enqueue_dma source(%dma_start3A_306 : memref<25x128xf32, #tpu.memory_space<vmem>>) target(%dma_start3A_303 : memref<25x128xf32, #tpu.memory_space<vmem_shared>>) target_semaphore(%arg20 : memref<!tpu.dma_semaphore, #tpu.memory_space<semaphore_mem>>)
    %add3A_307 = arith.constant 0 : i32
    %add3A_308 = arith.addi %mul3A_2, %add3A_307 : i32
    %dma_wait3A = arith.constant 0 : i32
    %dma_wait3A_309 = arith.constant 0 : i32
    %dma_wait3A_310 = tpu.memref_slice %arg13[%dma_wait3A, %dma_wait3A_309] : memref<25x128xf32, #tpu.memory_space<vmem>> -> memref<25x128xf32, #tpu.memory_space<vmem>>
    %dma_wait3A_311 = arith.constant 0 : i32
    %dma_wait3A_312 = tpu.memref_slice %arg15[%add3A_308, %dma_wait3A_311] : memref<10000x128xf32, #tpu.memory_space<vmem_shared>> -> memref<25x128xf32, #tpu.memory_space<vmem_shared>>
    %dma_wait3A_313 = arith.constant 0 : i32
    %dma_wait3A_314 = tpu.memref_slice %arg15[%add3A_308, %dma_wait3A_313] : memref<10000x128xf32, #tpu.memory_space<vmem_shared>> -> memref<25x128xf32, #tpu.memory_space<vmem_shared>>
    %dma_wait3A_315 = arith.constant 0 : i32
    %dma_wait3A_316 = arith.constant 0 : i32
    %dma_wait3A_317 = tpu.memref_slice %arg13[%dma_wait3A_315, %dma_wait3A_316] : memref<25x128xf32, #tpu.memory_space<vmem>> -> memref<25x128xf32, #tpu.memory_space<vmem>>
    tpu.wait_dma2 semaphore(%arg20 : memref<!tpu.dma_semaphore, #tpu.memory_space<semaphore_mem>>) src(%dma_wait3A_317 : memref<25x128xf32, #tpu.memory_space<vmem>>) dst(%dma_wait3A_314 : memref<25x128xf32, #tpu.memory_space<vmem_shared>>)
    %add3A_318 = arith.constant 25 : i32
    %add3A_319 = arith.addi %mul3A_2, %add3A_318 : i32
    %dma_wait3A_320 = arith.constant 0 : i32
    %dma_wait3A_321 = arith.constant 0 : i32
    %dma_wait3A_322 = tpu.memref_slice %arg13[%dma_wait3A_320, %dma_wait3A_321] : memref<25x128xf32, #tpu.memory_space<vmem>> -> memref<25x128xf32, #tpu.memory_space<vmem>>
    %dma_wait3A_323 = arith.constant 0 : i32
    %dma_wait3A_324 = tpu.memref_slice %arg15[%add3A_319, %dma_wait3A_323] : memref<10000x128xf32, #tpu.memory_space<vmem_shared>> -> memref<25x128xf32, #tpu.memory_space<vmem_shared>>
    %dma_wait3A_325 = arith.constant 0 : i32
    %dma_wait3A_326 = tpu.memref_slice %arg15[%add3A_319, %dma_wait3A_325] : memref<10000x128xf32, #tpu.memory_space<vmem_shared>> -> memref<25x128xf32, #tpu.memory_space<vmem_shared>>
    %dma_wait3A_327 = arith.constant 0 : i32
    %dma_wait3A_328 = arith.constant 0 : i32
    %dma_wait3A_329 = tpu.memref_slice %arg13[%dma_wait3A_327, %dma_wait3A_328] : memref<25x128xf32, #tpu.memory_space<vmem>> -> memref<25x128xf32, #tpu.memory_space<vmem>>
    tpu.wait_dma2 semaphore(%arg20 : memref<!tpu.dma_semaphore, #tpu.memory_space<semaphore_mem>>) src(%dma_wait3A_329 : memref<25x128xf32, #tpu.memory_space<vmem>>) dst(%dma_wait3A_326 : memref<25x128xf32, #tpu.memory_space<vmem_shared>>)
    %add3A_330 = arith.constant 50 : i32
    %add3A_331 = arith.addi %mul3A_2, %add3A_330 : i32
    %dma_wait3A_332 = arith.constant 0 : i32
    %dma_wait3A_333 = arith.constant 0 : i32
    %dma_wait3A_334 = tpu.memref_slice %arg13[%dma_wait3A_332, %dma_wait3A_333] : memref<25x128xf32, #tpu.memory_space<vmem>> -> memref<25x128xf32, #tpu.memory_space<vmem>>
    %dma_wait3A_335 = arith.constant 0 : i32
    %dma_wait3A_336 = tpu.memref_slice %arg15[%add3A_331, %dma_wait3A_335] : memref<10000x128xf32, #tpu.memory_space<vmem_shared>> -> memref<25x128xf32, #tpu.memory_space<vmem_shared>>
    %dma_wait3A_337 = arith.constant 0 : i32
    %dma_wait3A_338 = tpu.memref_slice %arg15[%add3A_331, %dma_wait3A_337] : memref<10000x128xf32, #tpu.memory_space<vmem_shared>> -> memref<25x128xf32, #tpu.memory_space<vmem_shared>>
    %dma_wait3A_339 = arith.constant 0 : i32
    %dma_wait3A_340 = arith.constant 0 : i32
    %dma_wait3A_341 = tpu.memref_slice %arg13[%dma_wait3A_339, %dma_wait3A_340] : memref<25x128xf32, #tpu.memory_space<vmem>> -> memref<25x128xf32, #tpu.memory_space<vmem>>
    tpu.wait_dma2 semaphore(%arg20 : memref<!tpu.dma_semaphore, #tpu.memory_space<semaphore_mem>>) src(%dma_wait3A_341 : memref<25x128xf32, #tpu.memory_space<vmem>>) dst(%dma_wait3A_338 : memref<25x128xf32, #tpu.memory_space<vmem_shared>>)
    %add3A_342 = arith.constant 75 : i32
    %add3A_343 = arith.addi %mul3A_2, %add3A_342 : i32
    %dma_wait3A_344 = arith.constant 0 : i32
    %dma_wait3A_345 = arith.constant 0 : i32
    %dma_wait3A_346 = tpu.memref_slice %arg13[%dma_wait3A_344, %dma_wait3A_345] : memref<25x128xf32, #tpu.memory_space<vmem>> -> memref<25x128xf32, #tpu.memory_space<vmem>>
    %dma_wait3A_347 = arith.constant 0 : i32
    %dma_wait3A_348 = tpu.memref_slice %arg15[%add3A_343, %dma_wait3A_347] : memref<10000x128xf32, #tpu.memory_space<vmem_shared>> -> memref<25x128xf32, #tpu.memory_space<vmem_shared>>
    %dma_wait3A_349 = arith.constant 0 : i32
    %dma_wait3A_350 = tpu.memref_slice %arg15[%add3A_343, %dma_wait3A_349] : memref<10000x128xf32, #tpu.memory_space<vmem_shared>> -> memref<25x128xf32, #tpu.memory_space<vmem_shared>>
    %dma_wait3A_351 = arith.constant 0 : i32
    %dma_wait3A_352 = arith.constant 0 : i32
    %dma_wait3A_353 = tpu.memref_slice %arg13[%dma_wait3A_351, %dma_wait3A_352] : memref<25x128xf32, #tpu.memory_space<vmem>> -> memref<25x128xf32, #tpu.memory_space<vmem>>
    tpu.wait_dma2 semaphore(%arg20 : memref<!tpu.dma_semaphore, #tpu.memory_space<semaphore_mem>>) src(%dma_wait3A_353 : memref<25x128xf32, #tpu.memory_space<vmem>>) dst(%dma_wait3A_350 : memref<25x128xf32, #tpu.memory_space<vmem_shared>>)
    %add3A_354 = arith.constant 100 : i32
    %add3A_355 = arith.addi %mul3A_2, %add3A_354 : i32
    %dma_wait3A_356 = arith.constant 0 : i32
    %dma_wait3A_357 = arith.constant 0 : i32
    %dma_wait3A_358 = tpu.memref_slice %arg13[%dma_wait3A_356, %dma_wait3A_357] : memref<25x128xf32, #tpu.memory_space<vmem>> -> memref<25x128xf32, #tpu.memory_space<vmem>>
    %dma_wait3A_359 = arith.constant 0 : i32
    %dma_wait3A_360 = tpu.memref_slice %arg15[%add3A_355, %dma_wait3A_359] : memref<10000x128xf32, #tpu.memory_space<vmem_shared>> -> memref<25x128xf32, #tpu.memory_space<vmem_shared>>
    %dma_wait3A_361 = arith.constant 0 : i32
    %dma_wait3A_362 = tpu.memref_slice %arg15[%add3A_355, %dma_wait3A_361] : memref<10000x128xf32, #tpu.memory_space<vmem_shared>> -> memref<25x128xf32, #tpu.memory_space<vmem_shared>>
    %dma_wait3A_363 = arith.constant 0 : i32
    %dma_wait3A_364 = arith.constant 0 : i32
    %dma_wait3A_365 = tpu.memref_slice %arg13[%dma_wait3A_363, %dma_wait3A_364] : memref<25x128xf32, #tpu.memory_space<vmem>> -> memref<25x128xf32, #tpu.memory_space<vmem>>
    tpu.wait_dma2 semaphore(%arg20 : memref<!tpu.dma_semaphore, #tpu.memory_space<semaphore_mem>>) src(%dma_wait3A_365 : memref<25x128xf32, #tpu.memory_space<vmem>>) dst(%dma_wait3A_362 : memref<25x128xf32, #tpu.memory_space<vmem_shared>>)
    %add3A_366 = arith.constant 125 : i32
    %add3A_367 = arith.addi %mul3A_2, %add3A_366 : i32
    %dma_wait3A_368 = arith.constant 0 : i32
    %dma_wait3A_369 = arith.constant 0 : i32
    %dma_wait3A_370 = tpu.memref_slice %arg13[%dma_wait3A_368, %dma_wait3A_369] : memref<25x128xf32, #tpu.memory_space<vmem>> -> memref<25x128xf32, #tpu.memory_space<vmem>>
    %dma_wait3A_371 = arith.constant 0 : i32
    %dma_wait3A_372 = tpu.memref_slice %arg15[%add3A_367, %dma_wait3A_371] : memref<10000x128xf32, #tpu.memory_space<vmem_shared>> -> memref<25x128xf32, #tpu.memory_space<vmem_shared>>
    %dma_wait3A_373 = arith.constant 0 : i32
    %dma_wait3A_374 = tpu.memref_slice %arg15[%add3A_367, %dma_wait3A_373] : memref<10000x128xf32, #tpu.memory_space<vmem_shared>> -> memref<25x128xf32, #tpu.memory_space<vmem_shared>>
    %dma_wait3A_375 = arith.constant 0 : i32
    %dma_wait3A_376 = arith.constant 0 : i32
    %dma_wait3A_377 = tpu.memref_slice %arg13[%dma_wait3A_375, %dma_wait3A_376] : memref<25x128xf32, #tpu.memory_space<vmem>> -> memref<25x128xf32, #tpu.memory_space<vmem>>
    tpu.wait_dma2 semaphore(%arg20 : memref<!tpu.dma_semaphore, #tpu.memory_space<semaphore_mem>>) src(%dma_wait3A_377 : memref<25x128xf32, #tpu.memory_space<vmem>>) dst(%dma_wait3A_374 : memref<25x128xf32, #tpu.memory_space<vmem_shared>>)
    %add3A_378 = arith.constant 150 : i32
    %add3A_379 = arith.addi %mul3A_2, %add3A_378 : i32
    %dma_wait3A_380 = arith.constant 0 : i32
    %dma_wait3A_381 = arith.constant 0 : i32
    %dma_wait3A_382 = tpu.memref_slice %arg13[%dma_wait3A_380, %dma_wait3A_381] : memref<25x128xf32, #tpu.memory_space<vmem>> -> memref<25x128xf32, #tpu.memory_space<vmem>>
    %dma_wait3A_383 = arith.constant 0 : i32
    %dma_wait3A_384 = tpu.memref_slice %arg15[%add3A_379, %dma_wait3A_383] : memref<10000x128xf32, #tpu.memory_space<vmem_shared>> -> memref<25x128xf32, #tpu.memory_space<vmem_shared>>
    %dma_wait3A_385 = arith.constant 0 : i32
    %dma_wait3A_386 = tpu.memref_slice %arg15[%add3A_379, %dma_wait3A_385] : memref<10000x128xf32, #tpu.memory_space<vmem_shared>> -> memref<25x128xf32, #tpu.memory_space<vmem_shared>>
    %dma_wait3A_387 = arith.constant 0 : i32
    %dma_wait3A_388 = arith.constant 0 : i32
    %dma_wait3A_389 = tpu.memref_slice %arg13[%dma_wait3A_387, %dma_wait3A_388] : memref<25x128xf32, #tpu.memory_space<vmem>> -> memref<25x128xf32, #tpu.memory_space<vmem>>
    tpu.wait_dma2 semaphore(%arg20 : memref<!tpu.dma_semaphore, #tpu.memory_space<semaphore_mem>>) src(%dma_wait3A_389 : memref<25x128xf32, #tpu.memory_space<vmem>>) dst(%dma_wait3A_386 : memref<25x128xf32, #tpu.memory_space<vmem_shared>>)
    %add3A_390 = arith.constant 175 : i32
    %add3A_391 = arith.addi %mul3A_2, %add3A_390 : i32
    %dma_wait3A_392 = arith.constant 0 : i32
    %dma_wait3A_393 = arith.constant 0 : i32
    %dma_wait3A_394 = tpu.memref_slice %arg13[%dma_wait3A_392, %dma_wait3A_393] : memref<25x128xf32, #tpu.memory_space<vmem>> -> memref<25x128xf32, #tpu.memory_space<vmem>>
    %dma_wait3A_395 = arith.constant 0 : i32
    %dma_wait3A_396 = tpu.memref_slice %arg15[%add3A_391, %dma_wait3A_395] : memref<10000x128xf32, #tpu.memory_space<vmem_shared>> -> memref<25x128xf32, #tpu.memory_space<vmem_shared>>
    %dma_wait3A_397 = arith.constant 0 : i32
    %dma_wait3A_398 = tpu.memref_slice %arg15[%add3A_391, %dma_wait3A_397] : memref<10000x128xf32, #tpu.memory_space<vmem_shared>> -> memref<25x128xf32, #tpu.memory_space<vmem_shared>>
    %dma_wait3A_399 = arith.constant 0 : i32
    %dma_wait3A_400 = arith.constant 0 : i32
    %dma_wait3A_401 = tpu.memref_slice %arg13[%dma_wait3A_399, %dma_wait3A_400] : memref<25x128xf32, #tpu.memory_space<vmem>> -> memref<25x128xf32, #tpu.memory_space<vmem>>
    tpu.wait_dma2 semaphore(%arg20 : memref<!tpu.dma_semaphore, #tpu.memory_space<semaphore_mem>>) src(%dma_wait3A_401 : memref<25x128xf32, #tpu.memory_space<vmem>>) dst(%dma_wait3A_398 : memref<25x128xf32, #tpu.memory_space<vmem_shared>>)
    %add3A_402 = arith.constant 200 : i32
    %add3A_403 = arith.addi %mul3A_2, %add3A_402 : i32
    %dma_wait3A_404 = arith.constant 0 : i32
    %dma_wait3A_405 = arith.constant 0 : i32
    %dma_wait3A_406 = tpu.memref_slice %arg13[%dma_wait3A_404, %dma_wait3A_405] : memref<25x128xf32, #tpu.memory_space<vmem>> -> memref<25x128xf32, #tpu.memory_space<vmem>>
    %dma_wait3A_407 = arith.constant 0 : i32
    %dma_wait3A_408 = tpu.memref_slice %arg15[%add3A_403, %dma_wait3A_407] : memref<10000x128xf32, #tpu.memory_space<vmem_shared>> -> memref<25x128xf32, #tpu.memory_space<vmem_shared>>
    %dma_wait3A_409 = arith.constant 0 : i32
    %dma_wait3A_410 = tpu.memref_slice %arg15[%add3A_403, %dma_wait3A_409] : memref<10000x128xf32, #tpu.memory_space<vmem_shared>> -> memref<25x128xf32, #tpu.memory_space<vmem_shared>>
    %dma_wait3A_411 = arith.constant 0 : i32
    %dma_wait3A_412 = arith.constant 0 : i32
    %dma_wait3A_413 = tpu.memref_slice %arg13[%dma_wait3A_411, %dma_wait3A_412] : memref<25x128xf32, #tpu.memory_space<vmem>> -> memref<25x128xf32, #tpu.memory_space<vmem>>
    tpu.wait_dma2 semaphore(%arg20 : memref<!tpu.dma_semaphore, #tpu.memory_space<semaphore_mem>>) src(%dma_wait3A_413 : memref<25x128xf32, #tpu.memory_space<vmem>>) dst(%dma_wait3A_410 : memref<25x128xf32, #tpu.memory_space<vmem_shared>>)
    %add3A_414 = arith.constant 225 : i32
    %add3A_415 = arith.addi %mul3A_2, %add3A_414 : i32
    %dma_wait3A_416 = arith.constant 0 : i32
    %dma_wait3A_417 = arith.constant 0 : i32
    %dma_wait3A_418 = tpu.memref_slice %arg13[%dma_wait3A_416, %dma_wait3A_417] : memref<25x128xf32, #tpu.memory_space<vmem>> -> memref<25x128xf32, #tpu.memory_space<vmem>>
    %dma_wait3A_419 = arith.constant 0 : i32
    %dma_wait3A_420 = tpu.memref_slice %arg15[%add3A_415, %dma_wait3A_419] : memref<10000x128xf32, #tpu.memory_space<vmem_shared>> -> memref<25x128xf32, #tpu.memory_space<vmem_shared>>
    %dma_wait3A_421 = arith.constant 0 : i32
    %dma_wait3A_422 = tpu.memref_slice %arg15[%add3A_415, %dma_wait3A_421] : memref<10000x128xf32, #tpu.memory_space<vmem_shared>> -> memref<25x128xf32, #tpu.memory_space<vmem_shared>>
    %dma_wait3A_423 = arith.constant 0 : i32
    %dma_wait3A_424 = arith.constant 0 : i32
    %dma_wait3A_425 = tpu.memref_slice %arg13[%dma_wait3A_423, %dma_wait3A_424] : memref<25x128xf32, #tpu.memory_space<vmem>> -> memref<25x128xf32, #tpu.memory_space<vmem>>
    tpu.wait_dma2 semaphore(%arg20 : memref<!tpu.dma_semaphore, #tpu.memory_space<semaphore_mem>>) src(%dma_wait3A_425 : memref<25x128xf32, #tpu.memory_space<vmem>>) dst(%dma_wait3A_422 : memref<25x128xf32, #tpu.memory_space<vmem_shared>>)
    %add3A_426 = arith.constant 250 : i32
    %add3A_427 = arith.addi %mul3A_2, %add3A_426 : i32
    %dma_wait3A_428 = arith.constant 0 : i32
    %dma_wait3A_429 = arith.constant 0 : i32
    %dma_wait3A_430 = tpu.memref_slice %arg13[%dma_wait3A_428, %dma_wait3A_429] : memref<25x128xf32, #tpu.memory_space<vmem>> -> memref<25x128xf32, #tpu.memory_space<vmem>>
    %dma_wait3A_431 = arith.constant 0 : i32
    %dma_wait3A_432 = tpu.memref_slice %arg15[%add3A_427, %dma_wait3A_431] : memref<10000x128xf32, #tpu.memory_space<vmem_shared>> -> memref<25x128xf32, #tpu.memory_space<vmem_shared>>
    %dma_wait3A_433 = arith.constant 0 : i32
    %dma_wait3A_434 = tpu.memref_slice %arg15[%add3A_427, %dma_wait3A_433] : memref<10000x128xf32, #tpu.memory_space<vmem_shared>> -> memref<25x128xf32, #tpu.memory_space<vmem_shared>>
    %dma_wait3A_435 = arith.constant 0 : i32
    %dma_wait3A_436 = arith.constant 0 : i32
    %dma_wait3A_437 = tpu.memref_slice %arg13[%dma_wait3A_435, %dma_wait3A_436] : memref<25x128xf32, #tpu.memory_space<vmem>> -> memref<25x128xf32, #tpu.memory_space<vmem>>
    tpu.wait_dma2 semaphore(%arg20 : memref<!tpu.dma_semaphore, #tpu.memory_space<semaphore_mem>>) src(%dma_wait3A_437 : memref<25x128xf32, #tpu.memory_space<vmem>>) dst(%dma_wait3A_434 : memref<25x128xf32, #tpu.memory_space<vmem_shared>>)
    %add3A_438 = arith.constant 275 : i32
    %add3A_439 = arith.addi %mul3A_2, %add3A_438 : i32
    %dma_wait3A_440 = arith.constant 0 : i32
    %dma_wait3A_441 = arith.constant 0 : i32
    %dma_wait3A_442 = tpu.memref_slice %arg13[%dma_wait3A_440, %dma_wait3A_441] : memref<25x128xf32, #tpu.memory_space<vmem>> -> memref<25x128xf32, #tpu.memory_space<vmem>>
    %dma_wait3A_443 = arith.constant 0 : i32
    %dma_wait3A_444 = tpu.memref_slice %arg15[%add3A_439, %dma_wait3A_443] : memref<10000x128xf32, #tpu.memory_space<vmem_shared>> -> memref<25x128xf32, #tpu.memory_space<vmem_shared>>
    %dma_wait3A_445 = arith.constant 0 : i32
    %dma_wait3A_446 = tpu.memref_slice %arg15[%add3A_439, %dma_wait3A_445] : memref<10000x128xf32, #tpu.memory_space<vmem_shared>> -> memref<25x128xf32, #tpu.memory_space<vmem_shared>>
    %dma_wait3A_447 = arith.constant 0 : i32
    %dma_wait3A_448 = arith.constant 0 : i32
    %dma_wait3A_449 = tpu.memref_slice %arg13[%dma_wait3A_447, %dma_wait3A_448] : memref<25x128xf32, #tpu.memory_space<vmem>> -> memref<25x128xf32, #tpu.memory_space<vmem>>
    tpu.wait_dma2 semaphore(%arg20 : memref<!tpu.dma_semaphore, #tpu.memory_space<semaphore_mem>>) src(%dma_wait3A_449 : memref<25x128xf32, #tpu.memory_space<vmem>>) dst(%dma_wait3A_446 : memref<25x128xf32, #tpu.memory_space<vmem_shared>>)
    %add3A_450 = arith.constant 300 : i32
    %add3A_451 = arith.addi %mul3A_2, %add3A_450 : i32
    %dma_wait3A_452 = arith.constant 0 : i32
    %dma_wait3A_453 = arith.constant 0 : i32
    %dma_wait3A_454 = tpu.memref_slice %arg13[%dma_wait3A_452, %dma_wait3A_453] : memref<25x128xf32, #tpu.memory_space<vmem>> -> memref<25x128xf32, #tpu.memory_space<vmem>>
    %dma_wait3A_455 = arith.constant 0 : i32
    %dma_wait3A_456 = tpu.memref_slice %arg15[%add3A_451, %dma_wait3A_455] : memref<10000x128xf32, #tpu.memory_space<vmem_shared>> -> memref<25x128xf32, #tpu.memory_space<vmem_shared>>
    %dma_wait3A_457 = arith.constant 0 : i32
    %dma_wait3A_458 = tpu.memref_slice %arg15[%add3A_451, %dma_wait3A_457] : memref<10000x128xf32, #tpu.memory_space<vmem_shared>> -> memref<25x128xf32, #tpu.memory_space<vmem_shared>>
    %dma_wait3A_459 = arith.constant 0 : i32
    %dma_wait3A_460 = arith.constant 0 : i32
    %dma_wait3A_461 = tpu.memref_slice %arg13[%dma_wait3A_459, %dma_wait3A_460] : memref<25x128xf32, #tpu.memory_space<vmem>> -> memref<25x128xf32, #tpu.memory_space<vmem>>
    tpu.wait_dma2 semaphore(%arg20 : memref<!tpu.dma_semaphore, #tpu.memory_space<semaphore_mem>>) src(%dma_wait3A_461 : memref<25x128xf32, #tpu.memory_space<vmem>>) dst(%dma_wait3A_458 : memref<25x128xf32, #tpu.memory_space<vmem_shared>>)
    %add3A_462 = arith.constant 325 : i32
    %add3A_463 = arith.addi %mul3A_2, %add3A_462 : i32
    %dma_wait3A_464 = arith.constant 0 : i32
    %dma_wait3A_465 = arith.constant 0 : i32
    %dma_wait3A_466 = tpu.memref_slice %arg13[%dma_wait3A_464, %dma_wait3A_465] : memref<25x128xf32, #tpu.memory_space<vmem>> -> memref<25x128xf32, #tpu.memory_space<vmem>>
    %dma_wait3A_467 = arith.constant 0 : i32
    %dma_wait3A_468 = tpu.memref_slice %arg15[%add3A_463, %dma_wait3A_467] : memref<10000x128xf32, #tpu.memory_space<vmem_shared>> -> memref<25x128xf32, #tpu.memory_space<vmem_shared>>
    %dma_wait3A_469 = arith.constant 0 : i32
    %dma_wait3A_470 = tpu.memref_slice %arg15[%add3A_463, %dma_wait3A_469] : memref<10000x128xf32, #tpu.memory_space<vmem_shared>> -> memref<25x128xf32, #tpu.memory_space<vmem_shared>>
    %dma_wait3A_471 = arith.constant 0 : i32
    %dma_wait3A_472 = arith.constant 0 : i32
    %dma_wait3A_473 = tpu.memref_slice %arg13[%dma_wait3A_471, %dma_wait3A_472] : memref<25x128xf32, #tpu.memory_space<vmem>> -> memref<25x128xf32, #tpu.memory_space<vmem>>
    tpu.wait_dma2 semaphore(%arg20 : memref<!tpu.dma_semaphore, #tpu.memory_space<semaphore_mem>>) src(%dma_wait3A_473 : memref<25x128xf32, #tpu.memory_space<vmem>>) dst(%dma_wait3A_470 : memref<25x128xf32, #tpu.memory_space<vmem_shared>>)
    %add3A_474 = arith.constant 350 : i32
    %add3A_475 = arith.addi %mul3A_2, %add3A_474 : i32
    %dma_wait3A_476 = arith.constant 0 : i32
    %dma_wait3A_477 = arith.constant 0 : i32
    %dma_wait3A_478 = tpu.memref_slice %arg13[%dma_wait3A_476, %dma_wait3A_477] : memref<25x128xf32, #tpu.memory_space<vmem>> -> memref<25x128xf32, #tpu.memory_space<vmem>>
    %dma_wait3A_479 = arith.constant 0 : i32
    %dma_wait3A_480 = tpu.memref_slice %arg15[%add3A_475, %dma_wait3A_479] : memref<10000x128xf32, #tpu.memory_space<vmem_shared>> -> memref<25x128xf32, #tpu.memory_space<vmem_shared>>
    %dma_wait3A_481 = arith.constant 0 : i32
    %dma_wait3A_482 = tpu.memref_slice %arg15[%add3A_475, %dma_wait3A_481] : memref<10000x128xf32, #tpu.memory_space<vmem_shared>> -> memref<25x128xf32, #tpu.memory_space<vmem_shared>>
    %dma_wait3A_483 = arith.constant 0 : i32
    %dma_wait3A_484 = arith.constant 0 : i32
    %dma_wait3A_485 = tpu.memref_slice %arg13[%dma_wait3A_483, %dma_wait3A_484] : memref<25x128xf32, #tpu.memory_space<vmem>> -> memref<25x128xf32, #tpu.memory_space<vmem>>
    tpu.wait_dma2 semaphore(%arg20 : memref<!tpu.dma_semaphore, #tpu.memory_space<semaphore_mem>>) src(%dma_wait3A_485 : memref<25x128xf32, #tpu.memory_space<vmem>>) dst(%dma_wait3A_482 : memref<25x128xf32, #tpu.memory_space<vmem_shared>>)
    %add3A_486 = arith.constant 375 : i32
    %add3A_487 = arith.addi %mul3A_2, %add3A_486 : i32
    %dma_wait3A_488 = arith.constant 0 : i32
    %dma_wait3A_489 = arith.constant 0 : i32
    %dma_wait3A_490 = tpu.memref_slice %arg13[%dma_wait3A_488, %dma_wait3A_489] : memref<25x128xf32, #tpu.memory_space<vmem>> -> memref<25x128xf32, #tpu.memory_space<vmem>>
    %dma_wait3A_491 = arith.constant 0 : i32
    %dma_wait3A_492 = tpu.memref_slice %arg15[%add3A_487, %dma_wait3A_491] : memref<10000x128xf32, #tpu.memory_space<vmem_shared>> -> memref<25x128xf32, #tpu.memory_space<vmem_shared>>
    %dma_wait3A_493 = arith.constant 0 : i32
    %dma_wait3A_494 = tpu.memref_slice %arg15[%add3A_487, %dma_wait3A_493] : memref<10000x128xf32, #tpu.memory_space<vmem_shared>> -> memref<25x128xf32, #tpu.memory_space<vmem_shared>>
    %dma_wait3A_495 = arith.constant 0 : i32
    %dma_wait3A_496 = arith.constant 0 : i32
    %dma_wait3A_497 = tpu.memref_slice %arg13[%dma_wait3A_495, %dma_wait3A_496] : memref<25x128xf32, #tpu.memory_space<vmem>> -> memref<25x128xf32, #tpu.memory_space<vmem>>
    tpu.wait_dma2 semaphore(%arg20 : memref<!tpu.dma_semaphore, #tpu.memory_space<semaphore_mem>>) src(%dma_wait3A_497 : memref<25x128xf32, #tpu.memory_space<vmem>>) dst(%dma_wait3A_494 : memref<25x128xf32, #tpu.memory_space<vmem_shared>>)
    %add3A_498 = arith.constant 400 : i32
    %add3A_499 = arith.addi %mul3A_2, %add3A_498 : i32
    %dma_wait3A_500 = arith.constant 0 : i32
    %dma_wait3A_501 = arith.constant 0 : i32
    %dma_wait3A_502 = tpu.memref_slice %arg13[%dma_wait3A_500, %dma_wait3A_501] : memref<25x128xf32, #tpu.memory_space<vmem>> -> memref<25x128xf32, #tpu.memory_space<vmem>>
    %dma_wait3A_503 = arith.constant 0 : i32
    %dma_wait3A_504 = tpu.memref_slice %arg15[%add3A_499, %dma_wait3A_503] : memref<10000x128xf32, #tpu.memory_space<vmem_shared>> -> memref<25x128xf32, #tpu.memory_space<vmem_shared>>
    %dma_wait3A_505 = arith.constant 0 : i32
    %dma_wait3A_506 = tpu.memref_slice %arg15[%add3A_499, %dma_wait3A_505] : memref<10000x128xf32, #tpu.memory_space<vmem_shared>> -> memref<25x128xf32, #tpu.memory_space<vmem_shared>>
    %dma_wait3A_507 = arith.constant 0 : i32
    %dma_wait3A_508 = arith.constant 0 : i32
    %dma_wait3A_509 = tpu.memref_slice %arg13[%dma_wait3A_507, %dma_wait3A_508] : memref<25x128xf32, #tpu.memory_space<vmem>> -> memref<25x128xf32, #tpu.memory_space<vmem>>
    tpu.wait_dma2 semaphore(%arg20 : memref<!tpu.dma_semaphore, #tpu.memory_space<semaphore_mem>>) src(%dma_wait3A_509 : memref<25x128xf32, #tpu.memory_space<vmem>>) dst(%dma_wait3A_506 : memref<25x128xf32, #tpu.memory_space<vmem_shared>>)
    %add3A_510 = arith.constant 425 : i32
    %add3A_511 = arith.addi %mul3A_2, %add3A_510 : i32
    %dma_wait3A_512 = arith.constant 0 : i32
    %dma_wait3A_513 = arith.constant 0 : i32
    %dma_wait3A_514 = tpu.memref_slice %arg13[%dma_wait3A_512, %dma_wait3A_513] : memref<25x128xf32, #tpu.memory_space<vmem>> -> memref<25x128xf32, #tpu.memory_space<vmem>>
    %dma_wait3A_515 = arith.constant 0 : i32
    %dma_wait3A_516 = tpu.memref_slice %arg15[%add3A_511, %dma_wait3A_515] : memref<10000x128xf32, #tpu.memory_space<vmem_shared>> -> memref<25x128xf32, #tpu.memory_space<vmem_shared>>
    %dma_wait3A_517 = arith.constant 0 : i32
    %dma_wait3A_518 = tpu.memref_slice %arg15[%add3A_511, %dma_wait3A_517] : memref<10000x128xf32, #tpu.memory_space<vmem_shared>> -> memref<25x128xf32, #tpu.memory_space<vmem_shared>>
    %dma_wait3A_519 = arith.constant 0 : i32
    %dma_wait3A_520 = arith.constant 0 : i32
    %dma_wait3A_521 = tpu.memref_slice %arg13[%dma_wait3A_519, %dma_wait3A_520] : memref<25x128xf32, #tpu.memory_space<vmem>> -> memref<25x128xf32, #tpu.memory_space<vmem>>
    tpu.wait_dma2 semaphore(%arg20 : memref<!tpu.dma_semaphore, #tpu.memory_space<semaphore_mem>>) src(%dma_wait3A_521 : memref<25x128xf32, #tpu.memory_space<vmem>>) dst(%dma_wait3A_518 : memref<25x128xf32, #tpu.memory_space<vmem_shared>>)
    %add3A_522 = arith.constant 450 : i32
    %add3A_523 = arith.addi %mul3A_2, %add3A_522 : i32
    %dma_wait3A_524 = arith.constant 0 : i32
    %dma_wait3A_525 = arith.constant 0 : i32
    %dma_wait3A_526 = tpu.memref_slice %arg13[%dma_wait3A_524, %dma_wait3A_525] : memref<25x128xf32, #tpu.memory_space<vmem>> -> memref<25x128xf32, #tpu.memory_space<vmem>>
    %dma_wait3A_527 = arith.constant 0 : i32
    %dma_wait3A_528 = tpu.memref_slice %arg15[%add3A_523, %dma_wait3A_527] : memref<10000x128xf32, #tpu.memory_space<vmem_shared>> -> memref<25x128xf32, #tpu.memory_space<vmem_shared>>
    %dma_wait3A_529 = arith.constant 0 : i32
    %dma_wait3A_530 = tpu.memref_slice %arg15[%add3A_523, %dma_wait3A_529] : memref<10000x128xf32, #tpu.memory_space<vmem_shared>> -> memref<25x128xf32, #tpu.memory_space<vmem_shared>>
    %dma_wait3A_531 = arith.constant 0 : i32
    %dma_wait3A_532 = arith.constant 0 : i32
    %dma_wait3A_533 = tpu.memref_slice %arg13[%dma_wait3A_531, %dma_wait3A_532] : memref<25x128xf32, #tpu.memory_space<vmem>> -> memref<25x128xf32, #tpu.memory_space<vmem>>
    tpu.wait_dma2 semaphore(%arg20 : memref<!tpu.dma_semaphore, #tpu.memory_space<semaphore_mem>>) src(%dma_wait3A_533 : memref<25x128xf32, #tpu.memory_space<vmem>>) dst(%dma_wait3A_530 : memref<25x128xf32, #tpu.memory_space<vmem_shared>>)
    %add3A_534 = arith.constant 475 : i32
    %add3A_535 = arith.addi %mul3A_2, %add3A_534 : i32
    %dma_wait3A_536 = arith.constant 0 : i32
    %dma_wait3A_537 = arith.constant 0 : i32
    %dma_wait3A_538 = tpu.memref_slice %arg13[%dma_wait3A_536, %dma_wait3A_537] : memref<25x128xf32, #tpu.memory_space<vmem>> -> memref<25x128xf32, #tpu.memory_space<vmem>>
    %dma_wait3A_539 = arith.constant 0 : i32
    %dma_wait3A_540 = tpu.memref_slice %arg15[%add3A_535, %dma_wait3A_539] : memref<10000x128xf32, #tpu.memory_space<vmem_shared>> -> memref<25x128xf32, #tpu.memory_space<vmem_shared>>
    %dma_wait3A_541 = arith.constant 0 : i32
    %dma_wait3A_542 = tpu.memref_slice %arg15[%add3A_535, %dma_wait3A_541] : memref<10000x128xf32, #tpu.memory_space<vmem_shared>> -> memref<25x128xf32, #tpu.memory_space<vmem_shared>>
    %dma_wait3A_543 = arith.constant 0 : i32
    %dma_wait3A_544 = arith.constant 0 : i32
    %dma_wait3A_545 = tpu.memref_slice %arg13[%dma_wait3A_543, %dma_wait3A_544] : memref<25x128xf32, #tpu.memory_space<vmem>> -> memref<25x128xf32, #tpu.memory_space<vmem>>
    tpu.wait_dma2 semaphore(%arg20 : memref<!tpu.dma_semaphore, #tpu.memory_space<semaphore_mem>>) src(%dma_wait3A_545 : memref<25x128xf32, #tpu.memory_space<vmem>>) dst(%dma_wait3A_542 : memref<25x128xf32, #tpu.memory_space<vmem_shared>>)
    %add3A_546 = arith.constant 500 : i32
    %add3A_547 = arith.addi %mul3A_2, %add3A_546 : i32
    %dma_wait3A_548 = arith.constant 0 : i32
    %dma_wait3A_549 = arith.constant 0 : i32
    %dma_wait3A_550 = tpu.memref_slice %arg13[%dma_wait3A_548, %dma_wait3A_549] : memref<25x128xf32, #tpu.memory_space<vmem>> -> memref<25x128xf32, #tpu.memory_space<vmem>>
    %dma_wait3A_551 = arith.constant 0 : i32
    %dma_wait3A_552 = tpu.memref_slice %arg15[%add3A_547, %dma_wait3A_551] : memref<10000x128xf32, #tpu.memory_space<vmem_shared>> -> memref<25x128xf32, #tpu.memory_space<vmem_shared>>
    %dma_wait3A_553 = arith.constant 0 : i32
    %dma_wait3A_554 = tpu.memref_slice %arg15[%add3A_547, %dma_wait3A_553] : memref<10000x128xf32, #tpu.memory_space<vmem_shared>> -> memref<25x128xf32, #tpu.memory_space<vmem_shared>>
    %dma_wait3A_555 = arith.constant 0 : i32
    %dma_wait3A_556 = arith.constant 0 : i32
    %dma_wait3A_557 = tpu.memref_slice %arg13[%dma_wait3A_555, %dma_wait3A_556] : memref<25x128xf32, #tpu.memory_space<vmem>> -> memref<25x128xf32, #tpu.memory_space<vmem>>
    tpu.wait_dma2 semaphore(%arg20 : memref<!tpu.dma_semaphore, #tpu.memory_space<semaphore_mem>>) src(%dma_wait3A_557 : memref<25x128xf32, #tpu.memory_space<vmem>>) dst(%dma_wait3A_554 : memref<25x128xf32, #tpu.memory_space<vmem_shared>>)
    %add3A_558 = arith.constant 525 : i32
    %add3A_559 = arith.addi %mul3A_2, %add3A_558 : i32
    %dma_wait3A_560 = arith.constant 0 : i32
    %dma_wait3A_561 = arith.constant 0 : i32
    %dma_wait3A_562 = tpu.memref_slice %arg13[%dma_wait3A_560, %dma_wait3A_561] : memref<25x128xf32, #tpu.memory_space<vmem>> -> memref<25x128xf32, #tpu.memory_space<vmem>>
    %dma_wait3A_563 = arith.constant 0 : i32
    %dma_wait3A_564 = tpu.memref_slice %arg15[%add3A_559, %dma_wait3A_563] : memref<10000x128xf32, #tpu.memory_space<vmem_shared>> -> memref<25x128xf32, #tpu.memory_space<vmem_shared>>
    %dma_wait3A_565 = arith.constant 0 : i32
    %dma_wait3A_566 = tpu.memref_slice %arg15[%add3A_559, %dma_wait3A_565] : memref<10000x128xf32, #tpu.memory_space<vmem_shared>> -> memref<25x128xf32, #tpu.memory_space<vmem_shared>>
    %dma_wait3A_567 = arith.constant 0 : i32
    %dma_wait3A_568 = arith.constant 0 : i32
    %dma_wait3A_569 = tpu.memref_slice %arg13[%dma_wait3A_567, %dma_wait3A_568] : memref<25x128xf32, #tpu.memory_space<vmem>> -> memref<25x128xf32, #tpu.memory_space<vmem>>
    tpu.wait_dma2 semaphore(%arg20 : memref<!tpu.dma_semaphore, #tpu.memory_space<semaphore_mem>>) src(%dma_wait3A_569 : memref<25x128xf32, #tpu.memory_space<vmem>>) dst(%dma_wait3A_566 : memref<25x128xf32, #tpu.memory_space<vmem_shared>>)
    %add3A_570 = arith.constant 550 : i32
    %add3A_571 = arith.addi %mul3A_2, %add3A_570 : i32
    %dma_wait3A_572 = arith.constant 0 : i32
    %dma_wait3A_573 = arith.constant 0 : i32
    %dma_wait3A_574 = tpu.memref_slice %arg13[%dma_wait3A_572, %dma_wait3A_573] : memref<25x128xf32, #tpu.memory_space<vmem>> -> memref<25x128xf32, #tpu.memory_space<vmem>>
    %dma_wait3A_575 = arith.constant 0 : i32
    %dma_wait3A_576 = tpu.memref_slice %arg15[%add3A_571, %dma_wait3A_575] : memref<10000x128xf32, #tpu.memory_space<vmem_shared>> -> memref<25x128xf32, #tpu.memory_space<vmem_shared>>
    %dma_wait3A_577 = arith.constant 0 : i32
    %dma_wait3A_578 = tpu.memref_slice %arg15[%add3A_571, %dma_wait3A_577] : memref<10000x128xf32, #tpu.memory_space<vmem_shared>> -> memref<25x128xf32, #tpu.memory_space<vmem_shared>>
    %dma_wait3A_579 = arith.constant 0 : i32
    %dma_wait3A_580 = arith.constant 0 : i32
    %dma_wait3A_581 = tpu.memref_slice %arg13[%dma_wait3A_579, %dma_wait3A_580] : memref<25x128xf32, #tpu.memory_space<vmem>> -> memref<25x128xf32, #tpu.memory_space<vmem>>
    tpu.wait_dma2 semaphore(%arg20 : memref<!tpu.dma_semaphore, #tpu.memory_space<semaphore_mem>>) src(%dma_wait3A_581 : memref<25x128xf32, #tpu.memory_space<vmem>>) dst(%dma_wait3A_578 : memref<25x128xf32, #tpu.memory_space<vmem_shared>>)
    %add3A_582 = arith.constant 575 : i32
    %add3A_583 = arith.addi %mul3A_2, %add3A_582 : i32
    %dma_wait3A_584 = arith.constant 0 : i32
    %dma_wait3A_585 = arith.constant 0 : i32
    %dma_wait3A_586 = tpu.memref_slice %arg13[%dma_wait3A_584, %dma_wait3A_585] : memref<25x128xf32, #tpu.memory_space<vmem>> -> memref<25x128xf32, #tpu.memory_space<vmem>>
    %dma_wait3A_587 = arith.constant 0 : i32
    %dma_wait3A_588 = tpu.memref_slice %arg15[%add3A_583, %dma_wait3A_587] : memref<10000x128xf32, #tpu.memory_space<vmem_shared>> -> memref<25x128xf32, #tpu.memory_space<vmem_shared>>
    %dma_wait3A_589 = arith.constant 0 : i32
    %dma_wait3A_590 = tpu.memref_slice %arg15[%add3A_583, %dma_wait3A_589] : memref<10000x128xf32, #tpu.memory_space<vmem_shared>> -> memref<25x128xf32, #tpu.memory_space<vmem_shared>>
    %dma_wait3A_591 = arith.constant 0 : i32
    %dma_wait3A_592 = arith.constant 0 : i32
    %dma_wait3A_593 = tpu.memref_slice %arg13[%dma_wait3A_591, %dma_wait3A_592] : memref<25x128xf32, #tpu.memory_space<vmem>> -> memref<25x128xf32, #tpu.memory_space<vmem>>
    tpu.wait_dma2 semaphore(%arg20 : memref<!tpu.dma_semaphore, #tpu.memory_space<semaphore_mem>>) src(%dma_wait3A_593 : memref<25x128xf32, #tpu.memory_space<vmem>>) dst(%dma_wait3A_590 : memref<25x128xf32, #tpu.memory_space<vmem_shared>>)
    %add3A_594 = arith.constant 600 : i32
    %add3A_595 = arith.addi %mul3A_2, %add3A_594 : i32
    %dma_wait3A_596 = arith.constant 0 : i32
    %dma_wait3A_597 = arith.constant 0 : i32
    %dma_wait3A_598 = tpu.memref_slice %arg13[%dma_wait3A_596, %dma_wait3A_597] : memref<25x128xf32, #tpu.memory_space<vmem>> -> memref<25x128xf32, #tpu.memory_space<vmem>>
    %dma_wait3A_599 = arith.constant 0 : i32
    %dma_wait3A_600 = tpu.memref_slice %arg15[%add3A_595, %dma_wait3A_599] : memref<10000x128xf32, #tpu.memory_space<vmem_shared>> -> memref<25x128xf32, #tpu.memory_space<vmem_shared>>
    %dma_wait3A_601 = arith.constant 0 : i32
    %dma_wait3A_602 = tpu.memref_slice %arg15[%add3A_595, %dma_wait3A_601] : memref<10000x128xf32, #tpu.memory_space<vmem_shared>> -> memref<25x128xf32, #tpu.memory_space<vmem_shared>>
    %dma_wait3A_603 = arith.constant 0 : i32
    %dma_wait3A_604 = arith.constant 0 : i32
    %dma_wait3A_605 = tpu.memref_slice %arg13[%dma_wait3A_603, %dma_wait3A_604] : memref<25x128xf32, #tpu.memory_space<vmem>> -> memref<25x128xf32, #tpu.memory_space<vmem>>
    tpu.wait_dma2 semaphore(%arg20 : memref<!tpu.dma_semaphore, #tpu.memory_space<semaphore_mem>>) src(%dma_wait3A_605 : memref<25x128xf32, #tpu.memory_space<vmem>>) dst(%dma_wait3A_602 : memref<25x128xf32, #tpu.memory_space<vmem_shared>>)
    "tpu.region"() ({
      %run_scoped3A = tpu.sem_alloc : memref<!tpu.dma_semaphore, #tpu.memory_space<semaphore_mem>>
      %dma_start3A_742 = arith.constant 0 : i32
      %dma_start3A_743 = arith.constant 0 : i32
      %dma_start3A_744 = tpu.memref_slice %arg3[%add3A, %dma_start3A_742, %dma_start3A_743] : memref<32x600x25xi32, #tpu.memory_space<hbm>> -> memref<1x600x25xi32, #tpu.memory_space<hbm>>
      %dma_start3A_745 = tpu.memref_squeeze %dma_start3A_744 : memref<1x600x25xi32, #tpu.memory_space<hbm>> -> memref<600x25xi32, #tpu.memory_space<hbm>>
      %dma_start3A_746 = arith.constant 0 : i32
      %dma_start3A_747 = arith.constant 0 : i32
      %dma_start3A_748 = tpu.memref_slice %arg3[%add3A, %dma_start3A_746, %dma_start3A_747] : memref<32x600x25xi32, #tpu.memory_space<hbm>> -> memref<1x600x25xi32, #tpu.memory_space<hbm>>
      %dma_start3A_749 = tpu.memref_squeeze %dma_start3A_748 : memref<1x600x25xi32, #tpu.memory_space<hbm>> -> memref<600x25xi32, #tpu.memory_space<hbm>>
      tpu.enqueue_dma source(%dma_start3A_749 : memref<600x25xi32, #tpu.memory_space<hbm>>) target(%arg6 : memref<600x25xi32, #tpu.memory_space<vmem>>) target_semaphore(%run_scoped3A : memref<!tpu.dma_semaphore, #tpu.memory_space<semaphore_mem>>)
      %dma_wait3A_750 = arith.constant 0 : i32
      %dma_wait3A_751 = arith.constant 0 : i32
      %dma_wait3A_752 = tpu.memref_slice %arg3[%add3A, %dma_wait3A_750, %dma_wait3A_751] : memref<32x600x25xi32, #tpu.memory_space<hbm>> -> memref<1x600x25xi32, #tpu.memory_space<hbm>>
      %dma_wait3A_753 = tpu.memref_squeeze %dma_wait3A_752 : memref<1x600x25xi32, #tpu.memory_space<hbm>> -> memref<600x25xi32, #tpu.memory_space<hbm>>
      %dma_wait3A_754 = arith.constant 0 : i32
      %dma_wait3A_755 = arith.constant 0 : i32
      %dma_wait3A_756 = tpu.memref_slice %arg3[%add3A, %dma_wait3A_754, %dma_wait3A_755] : memref<32x600x25xi32, #tpu.memory_space<hbm>> -> memref<1x600x25xi32, #tpu.memory_space<hbm>>
      %dma_wait3A_757 = tpu.memref_squeeze %dma_wait3A_756 : memref<1x600x25xi32, #tpu.memory_space<hbm>> -> memref<600x25xi32, #tpu.memory_space<hbm>>
      tpu.wait_dma2 semaphore(%run_scoped3A : memref<!tpu.dma_semaphore, #tpu.memory_space<semaphore_mem>>) src(%dma_wait3A_757 : memref<600x25xi32, #tpu.memory_space<hbm>>) dst(%arg6 : memref<600x25xi32, #tpu.memory_space<vmem>>)
      tpu.yield
    }) : () -> ()
    %barrier3A = arith.constant 0 : index
    tpu.barrier barrier_id(%barrier3A)
    %iota3A = tpu.iota {dimensions = array<i32: 0>} : vector<16xi32>
    %jit3A = arith.constant 4 : i32
    %div3A = vector.broadcast %jit3A : i32 to vector<16xi32>
    %div3A_606 = arith.divsi %iota3A, %div3A : vector<16xi32>
    %sign3A = arith.constant 0 : i32
    %sign3A_607 = vector.broadcast %sign3A : i32 to vector<16xi32>
    %sign3A_608 = arith.cmpi sgt, %iota3A, %sign3A_607 : vector<16xi32>
    %sign3A_609 = arith.extui %sign3A_608 : vector<16xi1> to vector<16xi32>
    %sign3A_610 = arith.constant 0 : i32
    %sign3A_611 = vector.broadcast %sign3A_610 : i32 to vector<16xi32>
    %sign3A_612 = arith.cmpi slt, %iota3A, %sign3A_611 : vector<16xi32>
    %sign3A_613 = arith.extui %sign3A_612 : vector<16xi1> to vector<16xi32>
    %sign3A_614 = arith.subi %sign3A_609, %sign3A_613 : vector<16xi32>
    %sign3A_615 = arith.constant 0 : i32
    %sign3A_616 = arith.cmpi sgt, %jit3A, %sign3A_615 : i32
    %sign3A_617 = arith.extui %sign3A_616 : i1 to i32
    %sign3A_618 = arith.constant 0 : i32
    %sign3A_619 = arith.cmpi slt, %jit3A, %sign3A_618 : i32
    %sign3A_620 = arith.extui %sign3A_619 : i1 to i32
    %sign3A_621 = arith.subi %sign3A_617, %sign3A_620 : i32
    %ne3A = vector.broadcast %sign3A_621 : i32 to vector<16xi32>
    %ne3A_622 = arith.cmpi ne, %sign3A_614, %ne3A : vector<16xi32>
    %rem3A = vector.broadcast %jit3A : i32 to vector<16xi32>
    %rem3A_623 = arith.remsi %iota3A, %rem3A : vector<16xi32>
    %ne3A_624 = arith.constant 0 : i32
    %ne3A_625 = vector.broadcast %ne3A_624 : i32 to vector<16xi32>
    %ne3A_626 = arith.cmpi ne, %rem3A_623, %ne3A_625 : vector<16xi32>
    %and3A = arith.andi %ne3A_622, %ne3A_626 : vector<16xi1>
    %sub3A = arith.constant 1 : i32
    %sub3A_627 = vector.broadcast %sub3A : i32 to vector<16xi32>
    %sub3A_628 = arith.subi %div3A_606, %sub3A_627 : vector<16xi32>
    %select_n3A = arith.select %and3A, %sub3A_628, %div3A_606 : vector<16xi1>, vector<16xi32>
    %mul3A_629 = arith.constant 2 : i32
    %mul3A_630 = vector.broadcast %mul3A_629 : i32 to vector<16xi32>
    %mul3A_631 = arith.muli %select_n3A, %mul3A_630 : vector<16xi32>
    %add3A_632 = arith.constant 1 : i32
    %add3A_633 = vector.broadcast %add3A_632 : i32 to vector<16xi32>
    %add3A_634 = arith.addi %mul3A_631, %add3A_633 : vector<16xi32>
    %add3A_635 = arith.constant 400 : i32
    %add3A_636 = arith.constant 0 : i32
    %add3A_637 = arith.addi %add3A_635, %add3A_636 : i32
    %get3A = arith.index_cast %add3A_637 : i32 to index
    %get3A_638 = arith.constant 0 : index
    %get3A_639 = tpu.vector_load %arg6[%get3A, %get3A_638] {strides = array<i32>} : memref<600x25xi32, #tpu.memory_space<vmem>>, vector<16xi32>,
    %and3A_640 = arith.constant 2047 : i32
    %and3A_641 = vector.broadcast %and3A_640 : i32 to vector<16xi32>
    %and3A_642 = arith.andi %get3A_639, %and3A_641 : vector<16xi32>
    %swap3A = arith.constant 0 : index
    %swap3A_643 = tpu.vector_load %arg7[%swap3A] {strides = array<i32>} : memref<25xi32, #tpu.memory_space<vmem>>, vector<16xi32>,
    tpu.vector_store %arg7[%swap3A], %and3A_642 {strides = array<i32>} : memref<25xi32, #tpu.memory_space<vmem>>, vector<16xi32>,
    %add3A_644 = arith.constant 400 : i32
    %add3A_645 = arith.constant 0 : i32
    %add3A_646 = arith.addi %add3A_644, %add3A_645 : i32
    %get3A_647 = arith.index_cast %add3A_646 : i32 to index
    %get3A_648 = arith.constant 9 : index
    %get3A_649 = tpu.vector_load %arg6[%get3A_647, %get3A_648] {strides = array<i32>} : memref<600x25xi32, #tpu.memory_space<vmem>>, vector<16xi32>,
    %and3A_650 = arith.constant 2047 : i32
    %and3A_651 = vector.broadcast %and3A_650 : i32 to vector<16xi32>
    %and3A_652 = arith.andi %get3A_649, %and3A_651 : vector<16xi32>
    %swap3A_653 = arith.constant 9 : index
    %swap3A_654 = tpu.vector_load %arg7[%swap3A_653] {strides = array<i32>} : memref<25xi32, #tpu.memory_space<vmem>>, vector<16xi32>,
    tpu.vector_store %arg7[%swap3A_653], %and3A_652 {strides = array<i32>} : memref<25xi32, #tpu.memory_space<vmem>>, vector<16xi32>,
    %dma_start3A_655 = arith.constant 0 : i32
    %dma_start3A_656 = arith.constant 0 : i32
    %dma_start3A_657 = tpu.memref_slice %arg6[%dma_start3A_655, %dma_start3A_656] : memref<600x25xi32, #tpu.memory_space<vmem>> -> memref<1x25xi32, #tpu.memory_space<vmem>>
    %dma_start3A_658 = tpu.memref_squeeze %dma_start3A_657 : memref<1x25xi32, #tpu.memory_space<vmem>> -> memref<25xi32, #tpu.memory_space<vmem>>
    %dma_start3A_659 = arith.constant 0 : i32
    %dma_start3A_660 = arith.constant 0 : i32
    %dma_start3A_661 = tpu.memref_slice %arg2[%dma_start3A_659, %dma_start3A_660] : memref<10000x128xbf16, #tpu.memory_space<hbm>> -> memref<10000x128xbf16, #tpu.memory_space<hbm>>
    tpu.enqueue_indirect_dma source(%dma_start3A_661 : memref<10000x128xbf16, #tpu.memory_space<hbm>>) target(%arg9 : memref<25x128xbf16, #tpu.memory_space<vmem>>) offsets(%dma_start3A_658 : memref<25xi32, #tpu.memory_space<vmem>>) semaphore(%arg16 : memref<!tpu.dma_semaphore, #tpu.memory_space<semaphore_mem>>)
    %dma_start3A_662 = arith.constant 0 : i32
    %dma_start3A_663 = arith.constant 0 : i32
    %dma_start3A_664 = tpu.memref_slice %arg4[%dma_start3A_662, %dma_start3A_663] : memref<400x512xbf16, #tpu.memory_space<hbm>> -> memref<400x512xbf16, #tpu.memory_space<hbm>>
    tpu.enqueue_indirect_dma source(%dma_start3A_664 : memref<400x512xbf16, #tpu.memory_space<hbm>>) target(%arg11 : memref<25x512xbf16, #tpu.memory_space<vmem>>) offsets(%arg7 : memref<25xi32, #tpu.memory_space<vmem>>) semaphore(%arg18 : memref<!tpu.dma_semaphore, #tpu.memory_space<semaphore_mem>>)
    %add3A_665 = arith.constant 400 : i32
    %add3A_666 = arith.constant 1 : i32
    %add3A_667 = arith.addi %add3A_665, %add3A_666 : i32
    %get3A_668 = arith.index_cast %add3A_667 : i32 to index
    %get3A_669 = arith.constant 0 : index
    %get3A_670 = tpu.vector_load %arg6[%get3A_668, %get3A_669] {strides = array<i32>} : memref<600x25xi32, #tpu.memory_space<vmem>>, vector<16xi32>,
    %and3A_671 = arith.constant 2047 : i32
    %and3A_672 = vector.broadcast %and3A_671 : i32 to vector<16xi32>
    %and3A_673 = arith.andi %get3A_670, %and3A_672 : vector<16xi32>
    %swap3A_674 = arith.constant 0 : index
    %swap3A_675 = tpu.vector_load %arg8[%swap3A_674] {strides = array<i32>} : memref<25xi32, #tpu.memory_space<vmem>>, vector<16xi32>,
    tpu.vector_store %arg8[%swap3A_674], %and3A_673 {strides = array<i32>} : memref<25xi32, #tpu.memory_space<vmem>>, vector<16xi32>,
    %add3A_676 = arith.constant 400 : i32
    %add3A_677 = arith.constant 1 : i32
    %add3A_678 = arith.addi %add3A_676, %add3A_677 : i32
    %get3A_679 = arith.index_cast %add3A_678 : i32 to index
    %get3A_680 = arith.constant 9 : index
    %get3A_681 = tpu.vector_load %arg6[%get3A_679, %get3A_680] {strides = array<i32>} : memref<600x25xi32, #tpu.memory_space<vmem>>, vector<16xi32>,
    %and3A_682 = arith.constant 2047 : i32
    %and3A_683 = vector.broadcast %and3A_682 : i32 to vector<16xi32>
    %and3A_684 = arith.andi %get3A_681, %and3A_683 : vector<16xi32>
    %swap3A_685 = arith.constant 9 : index
    %swap3A_686 = tpu.vector_load %arg8[%swap3A_685] {strides = array<i32>} : memref<25xi32, #tpu.memory_space<vmem>>, vector<16xi32>,
    tpu.vector_store %arg8[%swap3A_685], %and3A_684 {strides = array<i32>} : memref<25xi32, #tpu.memory_space<vmem>>, vector<16xi32>,
    %dma_start3A_687 = arith.constant 1 : i32
    %dma_start3A_688 = arith.constant 0 : i32
    %dma_start3A_689 = tpu.memref_slice %arg6[%dma_start3A_687, %dma_start3A_688] : memref<600x25xi32, #tpu.memory_space<vmem>> -> memref<1x25xi32, #tpu.memory_space<vmem>>
    %dma_start3A_690 = tpu.memref_squeeze %dma_start3A_689 : memref<1x25xi32, #tpu.memory_space<vmem>> -> memref<25xi32, #tpu.memory_space<vmem>>
    %dma_start3A_691 = arith.constant 0 : i32
    %dma_start3A_692 = arith.constant 0 : i32
    %dma_start3A_693 = tpu.memref_slice %arg2[%dma_start3A_691, %dma_start3A_692] : memref<10000x128xbf16, #tpu.memory_space<hbm>> -> memref<10000x128xbf16, #tpu.memory_space<hbm>>
    tpu.enqueue_indirect_dma source(%dma_start3A_693 : memref<10000x128xbf16, #tpu.memory_space<hbm>>) target(%arg10 : memref<25x128xbf16, #tpu.memory_space<vmem>>) offsets(%dma_start3A_690 : memref<25xi32, #tpu.memory_space<vmem>>) semaphore(%arg17 : memref<!tpu.dma_semaphore, #tpu.memory_space<semaphore_mem>>)
    %dma_start3A_694 = arith.constant 0 : i32
    %dma_start3A_695 = arith.constant 0 : i32
    %dma_start3A_696 = tpu.memref_slice %arg4[%dma_start3A_694, %dma_start3A_695] : memref<400x512xbf16, #tpu.memory_space<hbm>> -> memref<400x512xbf16, #tpu.memory_space<hbm>>
    tpu.enqueue_indirect_dma source(%dma_start3A_696 : memref<400x512xbf16, #tpu.memory_space<hbm>>) target(%arg12 : memref<25x512xbf16, #tpu.memory_space<vmem>>) offsets(%arg8 : memref<25xi32, #tpu.memory_space<vmem>>) semaphore(%arg19 : memref<!tpu.dma_semaphore, #tpu.memory_space<semaphore_mem>>)
    %scan3A_697 = arith.constant 0 : i32
    %scan3A_698 = arith.constant 0 : i32
    %scan3A_699 = arith.constant 100 : i32
    %scan3A_700 = arith.addi %scan3A_698, %scan3A_699 : i32
    %scan3A_701 = arith.constant 1 : i32
    scf.for %scan3A_742 = %scan3A_698 to %scan3A_700 step %scan3A_701  : i32 {
      %mul3A_743 = arith.constant 2 : i32
      %mul3A_744 = arith.muli %mul3A_743, %scan3A_742 : i32
      %add3A_745 = arith.constant 0 : i32
      %add3A_746 = arith.addi %mul3A_744, %add3A_745 : i32
      %dma_wait3A_747 = arith.constant 0 : i32
      %dma_wait3A_748 = tpu.memref_slice %arg6[%add3A_746, %dma_wait3A_747] : memref<600x25xi32, #tpu.memory_space<vmem>> -> memref<1x25xi32, #tpu.memory_space<vmem>>
      %dma_wait3A_749 = tpu.memref_squeeze %dma_wait3A_748 : memref<1x25xi32, #tpu.memory_space<vmem>> -> memref<25xi32, #tpu.memory_space<vmem>>
      %dma_wait3A_750 = arith.constant 0 : i32
      %dma_wait3A_751 = arith.constant 0 : i32
      %dma_wait3A_752 = tpu.memref_slice %arg2[%dma_wait3A_750, %dma_wait3A_751] : memref<10000x128xbf16, #tpu.memory_space<hbm>> -> memref<10000x128xbf16, #tpu.memory_space<hbm>>
      tpu.wait_indirect_dma semaphore(%arg16 : memref<!tpu.dma_semaphore, #tpu.memory_space<semaphore_mem>>) src(%dma_wait3A_752 : memref<10000x128xbf16, #tpu.memory_space<hbm>>) dst(%arg9 : memref<25x128xbf16, #tpu.memory_space<vmem>>)
      %dma_wait3A_753 = arith.constant 0 : i32
      %dma_wait3A_754 = arith.constant 0 : i32
      %dma_wait3A_755 = tpu.memref_slice %arg4[%dma_wait3A_753, %dma_wait3A_754] : memref<400x512xbf16, #tpu.memory_space<hbm>> -> memref<400x512xbf16, #tpu.memory_space<hbm>>
      tpu.wait_indirect_dma semaphore(%arg18 : memref<!tpu.dma_semaphore, #tpu.memory_space<semaphore_mem>>) src(%dma_wait3A_755 : memref<400x512xbf16, #tpu.memory_space<hbm>>) dst(%arg11 : memref<25x512xbf16, #tpu.memory_space<vmem>>)
      %gt3A = arith.constant 0 : i32
      %gt3A_756 = arith.cmpi sgt, %scan3A_742, %gt3A : i32
      %convert_element_type3A = arith.extui %gt3A_756 : i1 to i32
      %cond3A = arith.constant 0 : i32
      %cond3A_757 = arith.cmpi ne, %convert_element_type3A, %cond3A : i32
      scf.if %cond3A_757 {
        %sub3A_867 = arith.constant 2 : i32
        %sub3A_868 = arith.subi %add3A_746, %sub3A_867 : i32
        %add3A_869 = arith.constant 200 : i32
        %add3A_870 = arith.addi %add3A_869, %sub3A_868 : i32
        %dma_wait3A_871 = arith.constant 0 : i32
        %dma_wait3A_872 = tpu.memref_slice %arg6[%add3A_870, %dma_wait3A_871] : memref<600x25xi32, #tpu.memory_space<vmem>> -> memref<1x25xi32, #tpu.memory_space<vmem>>
        %dma_wait3A_873 = tpu.memref_squeeze %dma_wait3A_872 : memref<1x25xi32, #tpu.memory_space<vmem>> -> memref<25xi32, #tpu.memory_space<vmem>>
        %dma_wait3A_874 = arith.constant 0 : i32
        %dma_wait3A_875 = arith.constant 0 : i32
        %dma_wait3A_876 = tpu.memref_slice %arg15[%dma_wait3A_874, %dma_wait3A_875] : memref<10000x128xf32, #tpu.memory_space<vmem_shared>> -> memref<10000x128xf32, #tpu.memory_space<vmem_shared>>
        tpu.wait_indirect_dma semaphore(%arg20 : memref<!tpu.dma_semaphore, #tpu.memory_space<semaphore_mem>>) src(%arg13 : memref<25x128xf32, #tpu.memory_space<vmem>>) dst(%dma_wait3A_876 : memref<10000x128xf32, #tpu.memory_space<vmem_shared>>)
      } else {
      }
      %scan3A_758 = arith.constant 0 : i32
      %scan3A_759 = arith.constant 0 : i32
      %scan3A_760 = arith.constant 25 : i32
      %scan3A_761 = arith.addi %scan3A_759, %scan3A_760 : i32
      %scan3A_762 = arith.constant 1 : i32
      scf.for %scan3A_867 = %scan3A_759 to %scan3A_761 step %scan3A_762  : i32 {
        %broadcast_in_dim3A = vector.broadcast %scan3A_867 : i32 to vector<16xi32>
        %add3A_868 = arith.constant 400 : i32
        %add3A_869 = arith.addi %add3A_868, %add3A_746 : i32
        %broadcast_in_dim3A_870 = vector.broadcast %add3A_869 : i32 to vector<16xi32>
        %gather3A = tpu.vector_load_idx %arg6[%broadcast_in_dim3A_870, %broadcast_in_dim3A] : memref<600x25xi32, #tpu.memory_space<vmem>>[vector<16xi32>, vector<16xi32>], vector<16xi32>,
        %and3A_871 = arith.constant -2048 : i32
        %and3A_872 = vector.broadcast %and3A_871 : i32 to vector<16xi32>
        %and3A_873 = arith.andi %gather3A, %and3A_872 : vector<16xi32>
        %bitcast3A = vector.bitcast %and3A_873 : vector<16xi32> to vector<16xf32>
        %get3A_874 = arith.index_cast %scan3A_867 : i32 to index
        %get3A_875 = arith.constant 0 : index
        %get3A_876 = tpu.vector_load %arg9[%get3A_874, %get3A_875] {strides = array<i32>} : memref<25x128xbf16, #tpu.memory_space<vmem>>, vector<32xbf16>,
        %unpack3A = tpu.unpack_subelements %get3A_876, 0 {pack_format = #tpu.pack_format<interleaved>} : vector<32xbf16> -> vector<16xf32>
        %unpack3A_877 = tpu.unpack_subelements %get3A_876, 1 {pack_format = #tpu.pack_format<interleaved>} : vector<32xbf16> -> vector<16xf32>
        %get3A_878 = arith.index_cast %scan3A_867 : i32 to index
        %get3A_879 = arith.constant 0 : index
        %get3A_880 = tpu.vector_load %arg11[%get3A_878, %get3A_879] {strides = array<i32>} : memref<25x512xbf16, #tpu.memory_space<vmem>>, vector<32xbf16>,
        %unpack3A_881 = tpu.unpack_subelements %get3A_880, 0 {pack_format = #tpu.pack_format<interleaved>} : vector<32xbf16> -> vector<16xf32>
        %unpack3A_882 = tpu.unpack_subelements %get3A_880, 1 {pack_format = #tpu.pack_format<interleaved>} : vector<32xbf16> -> vector<16xf32>
        %broadcast_in_dim3A_883 = vector.shape_cast %mul3A_631 : vector<16xi32> to vector<16x1xi32>
        %gather3A_884 = vector.shape_cast %broadcast_in_dim3A_883 : vector<16x1xi32> to vector<16xi32>
        %gather3A_885 = tpu.dynamic_gather %unpack3A[%gather3A_884] in [0] : vector<16xf32>, vector<16xi32> -> vector<16xf32>
        %mul3A_886 = arith.mulf %gather3A_885, %unpack3A_881 : vector<16xf32>
        %add3A_887 = arith.constant 8 : i32
        %add3A_888 = vector.broadcast %add3A_887 : i32 to vector<16xi32>
        %add3A_889 = arith.addi %mul3A_631, %add3A_888 : vector<16xi32>
        %broadcast_in_dim3A_890 = vector.shape_cast %add3A_889 : vector<16xi32> to vector<16x1xi32>
        %gather3A_891 = vector.shape_cast %broadcast_in_dim3A_890 : vector<16x1xi32> to vector<16xi32>
        %gather3A_892 = tpu.dynamic_gather %unpack3A[%gather3A_891] in [0] : vector<16xf32>, vector<16xi32> -> vector<16xf32>
        %mul3A_893 = arith.mulf %gather3A_892, %unpack3A_882 : vector<16xf32>
        %get3A_894 = arith.index_cast %scan3A_867 : i32 to index
        %get3A_895 = arith.constant 128 : index
        %get3A_896 = tpu.vector_load %arg11[%get3A_894, %get3A_895] {strides = array<i32>} : memref<25x512xbf16, #tpu.memory_space<vmem>>, vector<32xbf16>,
        %unpack3A_897 = tpu.unpack_subelements %get3A_896, 0 {pack_format = #tpu.pack_format<interleaved>} : vector<32xbf16> -> vector<16xf32>
        %unpack3A_898 = tpu.unpack_subelements %get3A_896, 1 {pack_format = #tpu.pack_format<interleaved>} : vector<32xbf16> -> vector<16xf32>
        %broadcast_in_dim3A_899 = vector.shape_cast %mul3A_631 : vector<16xi32> to vector<16x1xi32>
        %gather3A_900 = vector.shape_cast %broadcast_in_dim3A_899 : vector<16x1xi32> to vector<16xi32>
        %gather3A_901 = tpu.dynamic_gather %unpack3A_877[%gather3A_900] in [0] : vector<16xf32>, vector<16xi32> -> vector<16xf32>
        %mul3A_902 = arith.mulf %gather3A_901, %unpack3A_897 : vector<16xf32>
        %add3A_903 = arith.constant 8 : i32
        %add3A_904 = vector.broadcast %add3A_903 : i32 to vector<16xi32>
        %add3A_905 = arith.addi %mul3A_631, %add3A_904 : vector<16xi32>
        %broadcast_in_dim3A_906 = vector.shape_cast %add3A_905 : vector<16xi32> to vector<16x1xi32>
        %gather3A_907 = vector.shape_cast %broadcast_in_dim3A_906 : vector<16x1xi32> to vector<16xi32>
        %gather3A_908 = tpu.dynamic_gather %unpack3A_877[%gather3A_907] in [0] : vector<16xf32>, vector<16xi32> -> vector<16xf32>
        %mul3A_909 = arith.mulf %gather3A_908, %unpack3A_898 : vector<16xf32>
        %add3A_910 = arith.addf %mul3A_886, %mul3A_902 : vector<16xf32>
        %add3A_911 = arith.addf %mul3A_893, %mul3A_909 : vector<16xf32>
        %get3A_912 = arith.index_cast %scan3A_867 : i32 to index
        %get3A_913 = arith.constant 256 : index
        %get3A_914 = tpu.vector_load %arg11[%get3A_912, %get3A_913] {strides = array<i32>} : memref<25x512xbf16, #tpu.memory_space<vmem>>, vector<32xbf16>,
        %unpack3A_915 = tpu.unpack_subelements %get3A_914, 0 {pack_format = #tpu.pack_format<interleaved>} : vector<32xbf16> -> vector<16xf32>
        %unpack3A_916 = tpu.unpack_subelements %get3A_914, 1 {pack_format = #tpu.pack_format<interleaved>} : vector<32xbf16> -> vector<16xf32>
        %broadcast_in_dim3A_917 = vector.shape_cast %add3A_634 : vector<16xi32> to vector<16x1xi32>
        %gather3A_918 = vector.shape_cast %broadcast_in_dim3A_917 : vector<16x1xi32> to vector<16xi32>
        %gather3A_919 = tpu.dynamic_gather %unpack3A[%gather3A_918] in [0] : vector<16xf32>, vector<16xi32> -> vector<16xf32>
        %mul3A_920 = arith.mulf %gather3A_919, %unpack3A_915 : vector<16xf32>
        %add3A_921 = arith.constant 8 : i32
        %add3A_922 = vector.broadcast %add3A_921 : i32 to vector<16xi32>
        %add3A_923 = arith.addi %add3A_634, %add3A_922 : vector<16xi32>
        %broadcast_in_dim3A_924 = vector.shape_cast %add3A_923 : vector<16xi32> to vector<16x1xi32>
        %gather3A_925 = vector.shape_cast %broadcast_in_dim3A_924 : vector<16x1xi32> to vector<16xi32>
        %gather3A_926 = tpu.dynamic_gather %unpack3A[%gather3A_925] in [0] : vector<16xf32>, vector<16xi32> -> vector<16xf32>
        %mul3A_927 = arith.mulf %gather3A_926, %unpack3A_916 : vector<16xf32>
        %add3A_928 = arith.addf %add3A_910, %mul3A_920 : vector<16xf32>
        %add3A_929 = arith.addf %add3A_911, %mul3A_927 : vector<16xf32>
        %get3A_930 = arith.index_cast %scan3A_867 : i32 to index
        %get3A_931 = arith.constant 384 : index
        %get3A_932 = tpu.vector_load %arg11[%get3A_930, %get3A_931] {strides = array<i32>} : memref<25x512xbf16, #tpu.memory_space<vmem>>, vector<32xbf16>,
        %unpack3A_933 = tpu.unpack_subelements %get3A_932, 0 {pack_format = #tpu.pack_format<interleaved>} : vector<32xbf16> -> vector<16xf32>
        %unpack3A_934 = tpu.unpack_subelements %get3A_932, 1 {pack_format = #tpu.pack_format<interleaved>} : vector<32xbf16> -> vector<16xf32>
        %broadcast_in_dim3A_935 = vector.shape_cast %add3A_634 : vector<16xi32> to vector<16x1xi32>
        %gather3A_936 = vector.shape_cast %broadcast_in_dim3A_935 : vector<16x1xi32> to vector<16xi32>
        %gather3A_937 = tpu.dynamic_gather %unpack3A_877[%gather3A_936] in [0] : vector<16xf32>, vector<16xi32> -> vector<16xf32>
        %mul3A_938 = arith.mulf %gather3A_937, %unpack3A_933 : vector<16xf32>
        %add3A_939 = arith.constant 8 : i32
        %add3A_940 = vector.broadcast %add3A_939 : i32 to vector<16xi32>
        %add3A_941 = arith.addi %add3A_634, %add3A_940 : vector<16xi32>
        %broadcast_in_dim3A_942 = vector.shape_cast %add3A_941 : vector<16xi32> to vector<16x1xi32>
        %gather3A_943 = vector.shape_cast %broadcast_in_dim3A_942 : vector<16x1xi32> to vector<16xi32>
        %gather3A_944 = tpu.dynamic_gather %unpack3A_877[%gather3A_943] in [0] : vector<16xf32>, vector<16xi32> -> vector<16xf32>
        %mul3A_945 = arith.mulf %gather3A_944, %unpack3A_934 : vector<16xf32>
        %add3A_946 = arith.addf %add3A_928, %mul3A_938 : vector<16xf32>
        %add3A_947 = arith.addf %add3A_929, %mul3A_945 : vector<16xf32>
        %mul3A_948 = arith.mulf %add3A_946, %bitcast3A : vector<16xf32>
        %swap3A_949 = arith.index_cast %scan3A_867 : i32 to index
        %swap3A_950 = arith.constant 0 : index
        %swap3A_951 = tpu.vector_load %arg13[%swap3A_949, %swap3A_950] {strides = array<i32>} : memref<25x128xf32, #tpu.memory_space<vmem>>, vector<16xf32>,
        tpu.vector_store %arg13[%swap3A_949, %swap3A_950], %mul3A_948 {strides = array<i32>} : memref<25x128xf32, #tpu.memory_space<vmem>>, vector<16xf32>,
        %mul3A_952 = arith.mulf %add3A_947, %bitcast3A : vector<16xf32>
        %swap3A_953 = arith.index_cast %scan3A_867 : i32 to index
        %swap3A_954 = arith.constant 16 : index
        %swap3A_955 = tpu.vector_load %arg13[%swap3A_953, %swap3A_954] {strides = array<i32>} : memref<25x128xf32, #tpu.memory_space<vmem>>, vector<16xf32>,
        tpu.vector_store %arg13[%swap3A_953, %swap3A_954], %mul3A_952 {strides = array<i32>} : memref<25x128xf32, #tpu.memory_space<vmem>>, vector<16xf32>,
        %get3A_956 = arith.index_cast %scan3A_867 : i32 to index
        %get3A_957 = arith.constant 32 : index
        %get3A_958 = tpu.vector_load %arg9[%get3A_956, %get3A_957] {strides = array<i32>} : memref<25x128xbf16, #tpu.memory_space<vmem>>, vector<32xbf16>,
        %unpack3A_959 = tpu.unpack_subelements %get3A_958, 0 {pack_format = #tpu.pack_format<interleaved>} : vector<32xbf16> -> vector<16xf32>
        %unpack3A_960 = tpu.unpack_subelements %get3A_958, 1 {pack_format = #tpu.pack_format<interleaved>} : vector<32xbf16> -> vector<16xf32>
        %get3A_961 = arith.index_cast %scan3A_867 : i32 to index
        %get3A_962 = arith.constant 32 : index
        %get3A_963 = tpu.vector_load %arg11[%get3A_961, %get3A_962] {strides = array<i32>} : memref<25x512xbf16, #tpu.memory_space<vmem>>, vector<32xbf16>,
        %unpack3A_964 = tpu.unpack_subelements %get3A_963, 0 {pack_format = #tpu.pack_format<interleaved>} : vector<32xbf16> -> vector<16xf32>
        %unpack3A_965 = tpu.unpack_subelements %get3A_963, 1 {pack_format = #tpu.pack_format<interleaved>} : vector<32xbf16> -> vector<16xf32>
        %broadcast_in_dim3A_966 = vector.shape_cast %mul3A_631 : vector<16xi32> to vector<16x1xi32>
        %gather3A_967 = vector.shape_cast %broadcast_in_dim3A_966 : vector<16x1xi32> to vector<16xi32>
        %gather3A_968 = tpu.dynamic_gather %unpack3A_959[%gather3A_967] in [0] : vector<16xf32>, vector<16xi32> -> vector<16xf32>
        %mul3A_969 = arith.mulf %gather3A_968, %unpack3A_964 : vector<16xf32>
        %add3A_970 = arith.constant 8 : i32
        %add3A_971 = vector.broadcast %add3A_970 : i32 to vector<16xi32>
        %add3A_972 = arith.addi %mul3A_631, %add3A_971 : vector<16xi32>
        %broadcast_in_dim3A_973 = vector.shape_cast %add3A_972 : vector<16xi32> to vector<16x1xi32>
        %gather3A_974 = vector.shape_cast %broadcast_in_dim3A_973 : vector<16x1xi32> to vector<16xi32>
        %gather3A_975 = tpu.dynamic_gather %unpack3A_959[%gather3A_974] in [0] : vector<16xf32>, vector<16xi32> -> vector<16xf32>
        %mul3A_976 = arith.mulf %gather3A_975, %unpack3A_965 : vector<16xf32>
        %get3A_977 = arith.index_cast %scan3A_867 : i32 to index
        %get3A_978 = arith.constant 160 : index
        %get3A_979 = tpu.vector_load %arg11[%get3A_977, %get3A_978] {strides = array<i32>} : memref<25x512xbf16, #tpu.memory_space<vmem>>, vector<32xbf16>,
        %unpack3A_980 = tpu.unpack_subelements %get3A_979, 0 {pack_format = #tpu.pack_format<interleaved>} : vector<32xbf16> -> vector<16xf32>
        %unpack3A_981 = tpu.unpack_subelements %get3A_979, 1 {pack_format = #tpu.pack_format<interleaved>} : vector<32xbf16> -> vector<16xf32>
        %broadcast_in_dim3A_982 = vector.shape_cast %mul3A_631 : vector<16xi32> to vector<16x1xi32>
        %gather3A_983 = vector.shape_cast %broadcast_in_dim3A_982 : vector<16x1xi32> to vector<16xi32>
        %gather3A_984 = tpu.dynamic_gather %unpack3A_960[%gather3A_983] in [0] : vector<16xf32>, vector<16xi32> -> vector<16xf32>
        %mul3A_985 = arith.mulf %gather3A_984, %unpack3A_980 : vector<16xf32>
        %add3A_986 = arith.constant 8 : i32
        %add3A_987 = vector.broadcast %add3A_986 : i32 to vector<16xi32>
        %add3A_988 = arith.addi %mul3A_631, %add3A_987 : vector<16xi32>
        %broadcast_in_dim3A_989 = vector.shape_cast %add3A_988 : vector<16xi32> to vector<16x1xi32>
        %gather3A_990 = vector.shape_cast %broadcast_in_dim3A_989 : vector<16x1xi32> to vector<16xi32>
        %gather3A_991 = tpu.dynamic_gather %unpack3A_960[%gather3A_990] in [0] : vector<16xf32>, vector<16xi32> -> vector<16xf32>
        %mul3A_992 = arith.mulf %gather3A_991, %unpack3A_981 : vector<16xf32>
        %add3A_993 = arith.addf %mul3A_969, %mul3A_985 : vector<16xf32>
        %add3A_994 = arith.addf %mul3A_976, %mul3A_992 : vector<16xf32>
        %get3A_995 = arith.index_cast %scan3A_867 : i32 to index
        %get3A_996 = arith.constant 288 : index
        %get3A_997 = tpu.vector_load %arg11[%get3A_995, %get3A_996] {strides = array<i32>} : memref<25x512xbf16, #tpu.memory_space<vmem>>, vector<32xbf16>,
        %unpack3A_998 = tpu.unpack_subelements %get3A_997, 0 {pack_format = #tpu.pack_format<interleaved>} : vector<32xbf16> -> vector<16xf32>
        %unpack3A_999 = tpu.unpack_subelements %get3A_997, 1 {pack_format = #tpu.pack_format<interleaved>} : vector<32xbf16> -> vector<16xf32>
        %broadcast_in_dim3A_1000 = vector.shape_cast %add3A_634 : vector<16xi32> to vector<16x1xi32>
        %gather3A_1001 = vector.shape_cast %broadcast_in_dim3A_1000 : vector<16x1xi32> to vector<16xi32>
        %gather3A_1002 = tpu.dynamic_gather %unpack3A_959[%gather3A_1001] in [0] : vector<16xf32>, vector<16xi32> -> vector<16xf32>
        %mul3A_1003 = arith.mulf %gather3A_1002, %unpack3A_998 : vector<16xf32>
        %add3A_1004 = arith.constant 8 : i32
        %add3A_1005 = vector.broadcast %add3A_1004 : i32 to vector<16xi32>
        %add3A_1006 = arith.addi %add3A_634, %add3A_1005 : vector<16xi32>
        %broadcast_in_dim3A_1007 = vector.shape_cast %add3A_1006 : vector<16xi32> to vector<16x1xi32>
        %gather3A_1008 = vector.shape_cast %broadcast_in_dim3A_1007 : vector<16x1xi32> to vector<16xi32>
        %gather3A_1009 = tpu.dynamic_gather %unpack3A_959[%gather3A_1008] in [0] : vector<16xf32>, vector<16xi32> -> vector<16xf32>
        %mul3A_1010 = arith.mulf %gather3A_1009, %unpack3A_999 : vector<16xf32>
        %add3A_1011 = arith.addf %add3A_993, %mul3A_1003 : vector<16xf32>
        %add3A_1012 = arith.addf %add3A_994, %mul3A_1010 : vector<16xf32>
        %get3A_1013 = arith.index_cast %scan3A_867 : i32 to index
        %get3A_1014 = arith.constant 416 : index
        %get3A_1015 = tpu.vector_load %arg11[%get3A_1013, %get3A_1014] {strides = array<i32>} : memref<25x512xbf16, #tpu.memory_space<vmem>>, vector<32xbf16>,
        %unpack3A_1016 = tpu.unpack_subelements %get3A_1015, 0 {pack_format = #tpu.pack_format<interleaved>} : vector<32xbf16> -> vector<16xf32>
        %unpack3A_1017 = tpu.unpack_subelements %get3A_1015, 1 {pack_format = #tpu.pack_format<interleaved>} : vector<32xbf16> -> vector<16xf32>
        %broadcast_in_dim3A_1018 = vector.shape_cast %add3A_634 : vector<16xi32> to vector<16x1xi32>
        %gather3A_1019 = vector.shape_cast %broadcast_in_dim3A_1018 : vector<16x1xi32> to vector<16xi32>
        %gather3A_1020 = tpu.dynamic_gather %unpack3A_960[%gather3A_1019] in [0] : vector<16xf32>, vector<16xi32> -> vector<16xf32>
        %mul3A_1021 = arith.mulf %gather3A_1020, %unpack3A_1016 : vector<16xf32>
        %add3A_1022 = arith.constant 8 : i32
        %add3A_1023 = vector.broadcast %add3A_1022 : i32 to vector<16xi32>
        %add3A_1024 = arith.addi %add3A_634, %add3A_1023 : vector<16xi32>
        %broadcast_in_dim3A_1025 = vector.shape_cast %add3A_1024 : vector<16xi32> to vector<16x1xi32>
        %gather3A_1026 = vector.shape_cast %broadcast_in_dim3A_1025 : vector<16x1xi32> to vector<16xi32>
        %gather3A_1027 = tpu.dynamic_gather %unpack3A_960[%gather3A_1026] in [0] : vector<16xf32>, vector<16xi32> -> vector<16xf32>
        %mul3A_1028 = arith.mulf %gather3A_1027, %unpack3A_1017 : vector<16xf32>
        %add3A_1029 = arith.addf %add3A_1011, %mul3A_1021 : vector<16xf32>
        %add3A_1030 = arith.addf %add3A_1012, %mul3A_1028 : vector<16xf32>
        %mul3A_1031 = arith.mulf %add3A_1029, %bitcast3A : vector<16xf32>
        %swap3A_1032 = arith.index_cast %scan3A_867 : i32 to index
        %swap3A_1033 = arith.constant 32 : index
        %swap3A_1034 = tpu.vector_load %arg13[%swap3A_1032, %swap3A_1033] {strides = array<i32>} : memref<25x128xf32, #tpu.memory_space<vmem>>, vector<16xf32>,
        tpu.vector_store %arg13[%swap3A_1032, %swap3A_1033], %mul3A_1031 {strides = array<i32>} : memref<25x128xf32, #tpu.memory_space<vmem>>, vector<16xf32>,
        %mul3A_1035 = arith.mulf %add3A_1030, %bitcast3A : vector<16xf32>
        %swap3A_1036 = arith.index_cast %scan3A_867 : i32 to index
        %swap3A_1037 = arith.constant 48 : index
        %swap3A_1038 = tpu.vector_load %arg13[%swap3A_1036, %swap3A_1037] {strides = array<i32>} : memref<25x128xf32, #tpu.memory_space<vmem>>, vector<16xf32>,
        tpu.vector_store %arg13[%swap3A_1036, %swap3A_1037], %mul3A_1035 {strides = array<i32>} : memref<25x128xf32, #tpu.memory_space<vmem>>, vector<16xf32>,
        %get3A_1039 = arith.index_cast %scan3A_867 : i32 to index
        %get3A_1040 = arith.constant 64 : index
        %get3A_1041 = tpu.vector_load %arg9[%get3A_1039, %get3A_1040] {strides = array<i32>} : memref<25x128xbf16, #tpu.memory_space<vmem>>, vector<32xbf16>,
        %unpack3A_1042 = tpu.unpack_subelements %get3A_1041, 0 {pack_format = #tpu.pack_format<interleaved>} : vector<32xbf16> -> vector<16xf32>
        %unpack3A_1043 = tpu.unpack_subelements %get3A_1041, 1 {pack_format = #tpu.pack_format<interleaved>} : vector<32xbf16> -> vector<16xf32>
        %get3A_1044 = arith.index_cast %scan3A_867 : i32 to index
        %get3A_1045 = arith.constant 64 : index
        %get3A_1046 = tpu.vector_load %arg11[%get3A_1044, %get3A_1045] {strides = array<i32>} : memref<25x512xbf16, #tpu.memory_space<vmem>>, vector<32xbf16>,
        %unpack3A_1047 = tpu.unpack_subelements %get3A_1046, 0 {pack_format = #tpu.pack_format<interleaved>} : vector<32xbf16> -> vector<16xf32>
        %unpack3A_1048 = tpu.unpack_subelements %get3A_1046, 1 {pack_format = #tpu.pack_format<interleaved>} : vector<32xbf16> -> vector<16xf32>
        %broadcast_in_dim3A_1049 = vector.shape_cast %mul3A_631 : vector<16xi32> to vector<16x1xi32>
        %gather3A_1050 = vector.shape_cast %broadcast_in_dim3A_1049 : vector<16x1xi32> to vector<16xi32>
        %gather3A_1051 = tpu.dynamic_gather %unpack3A_1042[%gather3A_1050] in [0] : vector<16xf32>, vector<16xi32> -> vector<16xf32>
        %mul3A_1052 = arith.mulf %gather3A_1051, %unpack3A_1047 : vector<16xf32>
        %add3A_1053 = arith.constant 8 : i32
        %add3A_1054 = vector.broadcast %add3A_1053 : i32 to vector<16xi32>
        %add3A_1055 = arith.addi %mul3A_631, %add3A_1054 : vector<16xi32>
        %broadcast_in_dim3A_1056 = vector.shape_cast %add3A_1055 : vector<16xi32> to vector<16x1xi32>
        %gather3A_1057 = vector.shape_cast %broadcast_in_dim3A_1056 : vector<16x1xi32> to vector<16xi32>
        %gather3A_1058 = tpu.dynamic_gather %unpack3A_1042[%gather3A_1057] in [0] : vector<16xf32>, vector<16xi32> -> vector<16xf32>
        %mul3A_1059 = arith.mulf %gather3A_1058, %unpack3A_1048 : vector<16xf32>
        %get3A_1060 = arith.index_cast %scan3A_867 : i32 to index
        %get3A_1061 = arith.constant 192 : index
        %get3A_1062 = tpu.vector_load %arg11[%get3A_1060, %get3A_1061] {strides = array<i32>} : memref<25x512xbf16, #tpu.memory_space<vmem>>, vector<32xbf16>,
        %unpack3A_1063 = tpu.unpack_subelements %get3A_1062, 0 {pack_format = #tpu.pack_format<interleaved>} : vector<32xbf16> -> vector<16xf32>
        %unpack3A_1064 = tpu.unpack_subelements %get3A_1062, 1 {pack_format = #tpu.pack_format<interleaved>} : vector<32xbf16> -> vector<16xf32>
        %broadcast_in_dim3A_1065 = vector.shape_cast %mul3A_631 : vector<16xi32> to vector<16x1xi32>
        %gather3A_1066 = vector.shape_cast %broadcast_in_dim3A_1065 : vector<16x1xi32> to vector<16xi32>
        %gather3A_1067 = tpu.dynamic_gather %unpack3A_1043[%gather3A_1066] in [0] : vector<16xf32>, vector<16xi32> -> vector<16xf32>
        %mul3A_1068 = arith.mulf %gather3A_1067, %unpack3A_1063 : vector<16xf32>
        %add3A_1069 = arith.constant 8 : i32
        %add3A_1070 = vector.broadcast %add3A_1069 : i32 to vector<16xi32>
        %add3A_1071 = arith.addi %mul3A_631, %add3A_1070 : vector<16xi32>
        %broadcast_in_dim3A_1072 = vector.shape_cast %add3A_1071 : vector<16xi32> to vector<16x1xi32>
        %gather3A_1073 = vector.shape_cast %broadcast_in_dim3A_1072 : vector<16x1xi32> to vector<16xi32>
        %gather3A_1074 = tpu.dynamic_gather %unpack3A_1043[%gather3A_1073] in [0] : vector<16xf32>, vector<16xi32> -> vector<16xf32>
        %mul3A_1075 = arith.mulf %gather3A_1074, %unpack3A_1064 : vector<16xf32>
        %add3A_1076 = arith.addf %mul3A_1052, %mul3A_1068 : vector<16xf32>
        %add3A_1077 = arith.addf %mul3A_1059, %mul3A_1075 : vector<16xf32>
        %get3A_1078 = arith.index_cast %scan3A_867 : i32 to index
        %get3A_1079 = arith.constant 320 : index
        %get3A_1080 = tpu.vector_load %arg11[%get3A_1078, %get3A_1079] {strides = array<i32>} : memref<25x512xbf16, #tpu.memory_space<vmem>>, vector<32xbf16>,
        %unpack3A_1081 = tpu.unpack_subelements %get3A_1080, 0 {pack_format = #tpu.pack_format<interleaved>} : vector<32xbf16> -> vector<16xf32>
        %unpack3A_1082 = tpu.unpack_subelements %get3A_1080, 1 {pack_format = #tpu.pack_format<interleaved>} : vector<32xbf16> -> vector<16xf32>
        %broadcast_in_dim3A_1083 = vector.shape_cast %add3A_634 : vector<16xi32> to vector<16x1xi32>
        %gather3A_1084 = vector.shape_cast %broadcast_in_dim3A_1083 : vector<16x1xi32> to vector<16xi32>
        %gather3A_1085 = tpu.dynamic_gather %unpack3A_1042[%gather3A_1084] in [0] : vector<16xf32>, vector<16xi32> -> vector<16xf32>
        %mul3A_1086 = arith.mulf %gather3A_1085, %unpack3A_1081 : vector<16xf32>
        %add3A_1087 = arith.constant 8 : i32
        %add3A_1088 = vector.broadcast %add3A_1087 : i32 to vector<16xi32>
        %add3A_1089 = arith.addi %add3A_634, %add3A_1088 : vector<16xi32>
        %broadcast_in_dim3A_1090 = vector.shape_cast %add3A_1089 : vector<16xi32> to vector<16x1xi32>
        %gather3A_1091 = vector.shape_cast %broadcast_in_dim3A_1090 : vector<16x1xi32> to vector<16xi32>
        %gather3A_1092 = tpu.dynamic_gather %unpack3A_1042[%gather3A_1091] in [0] : vector<16xf32>, vector<16xi32> -> vector<16xf32>
        %mul3A_1093 = arith.mulf %gather3A_1092, %unpack3A_1082 : vector<16xf32>
        %add3A_1094 = arith.addf %add3A_1076, %mul3A_1086 : vector<16xf32>
        %add3A_1095 = arith.addf %add3A_1077, %mul3A_1093 : vector<16xf32>
        %get3A_1096 = arith.index_cast %scan3A_867 : i32 to index
        %get3A_1097 = arith.constant 448 : index
        %get3A_1098 = tpu.vector_load %arg11[%get3A_1096, %get3A_1097] {strides = array<i32>} : memref<25x512xbf16, #tpu.memory_space<vmem>>, vector<32xbf16>,
        %unpack3A_1099 = tpu.unpack_subelements %get3A_1098, 0 {pack_format = #tpu.pack_format<interleaved>} : vector<32xbf16> -> vector<16xf32>
        %unpack3A_1100 = tpu.unpack_subelements %get3A_1098, 1 {pack_format = #tpu.pack_format<interleaved>} : vector<32xbf16> -> vector<16xf32>
        %broadcast_in_dim3A_1101 = vector.shape_cast %add3A_634 : vector<16xi32> to vector<16x1xi32>
        %gather3A_1102 = vector.shape_cast %broadcast_in_dim3A_1101 : vector<16x1xi32> to vector<16xi32>
        %gather3A_1103 = tpu.dynamic_gather %unpack3A_1043[%gather3A_1102] in [0] : vector<16xf32>, vector<16xi32> -> vector<16xf32>
        %mul3A_1104 = arith.mulf %gather3A_1103, %unpack3A_1099 : vector<16xf32>
        %add3A_1105 = arith.constant 8 : i32
        %add3A_1106 = vector.broadcast %add3A_1105 : i32 to vector<16xi32>
        %add3A_1107 = arith.addi %add3A_634, %add3A_1106 : vector<16xi32>
        %broadcast_in_dim3A_1108 = vector.shape_cast %add3A_1107 : vector<16xi32> to vector<16x1xi32>
        %gather3A_1109 = vector.shape_cast %broadcast_in_dim3A_1108 : vector<16x1xi32> to vector<16xi32>
        %gather3A_1110 = tpu.dynamic_gather %unpack3A_1043[%gather3A_1109] in [0] : vector<16xf32>, vector<16xi32> -> vector<16xf32>
        %mul3A_1111 = arith.mulf %gather3A_1110, %unpack3A_1100 : vector<16xf32>
        %add3A_1112 = arith.addf %add3A_1094, %mul3A_1104 : vector<16xf32>
        %add3A_1113 = arith.addf %add3A_1095, %mul3A_1111 : vector<16xf32>
        %mul3A_1114 = arith.mulf %add3A_1112, %bitcast3A : vector<16xf32>
        %swap3A_1115 = arith.index_cast %scan3A_867 : i32 to index
        %swap3A_1116 = arith.constant 64 : index
        %swap3A_1117 = tpu.vector_load %arg13[%swap3A_1115, %swap3A_1116] {strides = array<i32>} : memref<25x128xf32, #tpu.memory_space<vmem>>, vector<16xf32>,
        tpu.vector_store %arg13[%swap3A_1115, %swap3A_1116], %mul3A_1114 {strides = array<i32>} : memref<25x128xf32, #tpu.memory_space<vmem>>, vector<16xf32>,
        %mul3A_1118 = arith.mulf %add3A_1113, %bitcast3A : vector<16xf32>
        %swap3A_1119 = arith.index_cast %scan3A_867 : i32 to index
        %swap3A_1120 = arith.constant 80 : index
        %swap3A_1121 = tpu.vector_load %arg13[%swap3A_1119, %swap3A_1120] {strides = array<i32>} : memref<25x128xf32, #tpu.memory_space<vmem>>, vector<16xf32>,
        tpu.vector_store %arg13[%swap3A_1119, %swap3A_1120], %mul3A_1118 {strides = array<i32>} : memref<25x128xf32, #tpu.memory_space<vmem>>, vector<16xf32>,
        %get3A_1122 = arith.index_cast %scan3A_867 : i32 to index
        %get3A_1123 = arith.constant 96 : index
        %get3A_1124 = tpu.vector_load %arg9[%get3A_1122, %get3A_1123] {strides = array<i32>} : memref<25x128xbf16, #tpu.memory_space<vmem>>, vector<32xbf16>,
        %unpack3A_1125 = tpu.unpack_subelements %get3A_1124, 0 {pack_format = #tpu.pack_format<interleaved>} : vector<32xbf16> -> vector<16xf32>
        %unpack3A_1126 = tpu.unpack_subelements %get3A_1124, 1 {pack_format = #tpu.pack_format<interleaved>} : vector<32xbf16> -> vector<16xf32>
        %get3A_1127 = arith.index_cast %scan3A_867 : i32 to index
        %get3A_1128 = arith.constant 96 : index
        %get3A_1129 = tpu.vector_load %arg11[%get3A_1127, %get3A_1128] {strides = array<i32>} : memref<25x512xbf16, #tpu.memory_space<vmem>>, vector<32xbf16>,
        %unpack3A_1130 = tpu.unpack_subelements %get3A_1129, 0 {pack_format = #tpu.pack_format<interleaved>} : vector<32xbf16> -> vector<16xf32>
        %unpack3A_1131 = tpu.unpack_subelements %get3A_1129, 1 {pack_format = #tpu.pack_format<interleaved>} : vector<32xbf16> -> vector<16xf32>
        %broadcast_in_dim3A_1132 = vector.shape_cast %mul3A_631 : vector<16xi32> to vector<16x1xi32>
        %gather3A_1133 = vector.shape_cast %broadcast_in_dim3A_1132 : vector<16x1xi32> to vector<16xi32>
        %gather3A_1134 = tpu.dynamic_gather %unpack3A_1125[%gather3A_1133] in [0] : vector<16xf32>, vector<16xi32> -> vector<16xf32>
        %mul3A_1135 = arith.mulf %gather3A_1134, %unpack3A_1130 : vector<16xf32>
        %add3A_1136 = arith.constant 8 : i32
        %add3A_1137 = vector.broadcast %add3A_1136 : i32 to vector<16xi32>
        %add3A_1138 = arith.addi %mul3A_631, %add3A_1137 : vector<16xi32>
        %broadcast_in_dim3A_1139 = vector.shape_cast %add3A_1138 : vector<16xi32> to vector<16x1xi32>
        %gather3A_1140 = vector.shape_cast %broadcast_in_dim3A_1139 : vector<16x1xi32> to vector<16xi32>
        %gather3A_1141 = tpu.dynamic_gather %unpack3A_1125[%gather3A_1140] in [0] : vector<16xf32>, vector<16xi32> -> vector<16xf32>
        %mul3A_1142 = arith.mulf %gather3A_1141, %unpack3A_1131 : vector<16xf32>
        %get3A_1143 = arith.index_cast %scan3A_867 : i32 to index
        %get3A_1144 = arith.constant 224 : index
        %get3A_1145 = tpu.vector_load %arg11[%get3A_1143, %get3A_1144] {strides = array<i32>} : memref<25x512xbf16, #tpu.memory_space<vmem>>, vector<32xbf16>,
        %unpack3A_1146 = tpu.unpack_subelements %get3A_1145, 0 {pack_format = #tpu.pack_format<interleaved>} : vector<32xbf16> -> vector<16xf32>
        %unpack3A_1147 = tpu.unpack_subelements %get3A_1145, 1 {pack_format = #tpu.pack_format<interleaved>} : vector<32xbf16> -> vector<16xf32>
        %broadcast_in_dim3A_1148 = vector.shape_cast %mul3A_631 : vector<16xi32> to vector<16x1xi32>
        %gather3A_1149 = vector.shape_cast %broadcast_in_dim3A_1148 : vector<16x1xi32> to vector<16xi32>
        %gather3A_1150 = tpu.dynamic_gather %unpack3A_1126[%gather3A_1149] in [0] : vector<16xf32>, vector<16xi32> -> vector<16xf32>
        %mul3A_1151 = arith.mulf %gather3A_1150, %unpack3A_1146 : vector<16xf32>
        %add3A_1152 = arith.constant 8 : i32
        %add3A_1153 = vector.broadcast %add3A_1152 : i32 to vector<16xi32>
        %add3A_1154 = arith.addi %mul3A_631, %add3A_1153 : vector<16xi32>
        %broadcast_in_dim3A_1155 = vector.shape_cast %add3A_1154 : vector<16xi32> to vector<16x1xi32>
        %gather3A_1156 = vector.shape_cast %broadcast_in_dim3A_1155 : vector<16x1xi32> to vector<16xi32>
        %gather3A_1157 = tpu.dynamic_gather %unpack3A_1126[%gather3A_1156] in [0] : vector<16xf32>, vector<16xi32> -> vector<16xf32>
        %mul3A_1158 = arith.mulf %gather3A_1157, %unpack3A_1147 : vector<16xf32>
        %add3A_1159 = arith.addf %mul3A_1135, %mul3A_1151 : vector<16xf32>
        %add3A_1160 = arith.addf %mul3A_1142, %mul3A_1158 : vector<16xf32>
        %get3A_1161 = arith.index_cast %scan3A_867 : i32 to index
        %get3A_1162 = arith.constant 352 : index
        %get3A_1163 = tpu.vector_load %arg11[%get3A_1161, %get3A_1162] {strides = array<i32>} : memref<25x512xbf16, #tpu.memory_space<vmem>>, vector<32xbf16>,
        %unpack3A_1164 = tpu.unpack_subelements %get3A_1163, 0 {pack_format = #tpu.pack_format<interleaved>} : vector<32xbf16> -> vector<16xf32>
        %unpack3A_1165 = tpu.unpack_subelements %get3A_1163, 1 {pack_format = #tpu.pack_format<interleaved>} : vector<32xbf16> -> vector<16xf32>
        %broadcast_in_dim3A_1166 = vector.shape_cast %add3A_634 : vector<16xi32> to vector<16x1xi32>
        %gather3A_1167 = vector.shape_cast %broadcast_in_dim3A_1166 : vector<16x1xi32> to vector<16xi32>
        %gather3A_1168 = tpu.dynamic_gather %unpack3A_1125[%gather3A_1167] in [0] : vector<16xf32>, vector<16xi32> -> vector<16xf32>
        %mul3A_1169 = arith.mulf %gather3A_1168, %unpack3A_1164 : vector<16xf32>
        %add3A_1170 = arith.constant 8 : i32
        %add3A_1171 = vector.broadcast %add3A_1170 : i32 to vector<16xi32>
        %add3A_1172 = arith.addi %add3A_634, %add3A_1171 : vector<16xi32>
        %broadcast_in_dim3A_1173 = vector.shape_cast %add3A_1172 : vector<16xi32> to vector<16x1xi32>
        %gather3A_1174 = vector.shape_cast %broadcast_in_dim3A_1173 : vector<16x1xi32> to vector<16xi32>
        %gather3A_1175 = tpu.dynamic_gather %unpack3A_1125[%gather3A_1174] in [0] : vector<16xf32>, vector<16xi32> -> vector<16xf32>
        %mul3A_1176 = arith.mulf %gather3A_1175, %unpack3A_1165 : vector<16xf32>
        %add3A_1177 = arith.addf %add3A_1159, %mul3A_1169 : vector<16xf32>
        %add3A_1178 = arith.addf %add3A_1160, %mul3A_1176 : vector<16xf32>
        %get3A_1179 = arith.index_cast %scan3A_867 : i32 to index
        %get3A_1180 = arith.constant 480 : index
        %get3A_1181 = tpu.vector_load %arg11[%get3A_1179, %get3A_1180] {strides = array<i32>} : memref<25x512xbf16, #tpu.memory_space<vmem>>, vector<32xbf16>,
        %unpack3A_1182 = tpu.unpack_subelements %get3A_1181, 0 {pack_format = #tpu.pack_format<interleaved>} : vector<32xbf16> -> vector<16xf32>
        %unpack3A_1183 = tpu.unpack_subelements %get3A_1181, 1 {pack_format = #tpu.pack_format<interleaved>} : vector<32xbf16> -> vector<16xf32>
        %broadcast_in_dim3A_1184 = vector.shape_cast %add3A_634 : vector<16xi32> to vector<16x1xi32>
        %gather3A_1185 = vector.shape_cast %broadcast_in_dim3A_1184 : vector<16x1xi32> to vector<16xi32>
        %gather3A_1186 = tpu.dynamic_gather %unpack3A_1126[%gather3A_1185] in [0] : vector<16xf32>, vector<16xi32> -> vector<16xf32>
        %mul3A_1187 = arith.mulf %gather3A_1186, %unpack3A_1182 : vector<16xf32>
        %add3A_1188 = arith.constant 8 : i32
        %add3A_1189 = vector.broadcast %add3A_1188 : i32 to vector<16xi32>
        %add3A_1190 = arith.addi %add3A_634, %add3A_1189 : vector<16xi32>
        %broadcast_in_dim3A_1191 = vector.shape_cast %add3A_1190 : vector<16xi32> to vector<16x1xi32>
        %gather3A_1192 = vector.shape_cast %broadcast_in_dim3A_1191 : vector<16x1xi32> to vector<16xi32>
        %gather3A_1193 = tpu.dynamic_gather %unpack3A_1126[%gather3A_1192] in [0] : vector<16xf32>, vector<16xi32> -> vector<16xf32>
        %mul3A_1194 = arith.mulf %gather3A_1193, %unpack3A_1183 : vector<16xf32>
        %add3A_1195 = arith.addf %add3A_1177, %mul3A_1187 : vector<16xf32>
        %add3A_1196 = arith.addf %add3A_1178, %mul3A_1194 : vector<16xf32>
        %mul3A_1197 = arith.mulf %add3A_1195, %bitcast3A : vector<16xf32>
        %swap3A_1198 = arith.index_cast %scan3A_867 : i32 to index
        %swap3A_1199 = arith.constant 96 : index
        %swap3A_1200 = tpu.vector_load %arg13[%swap3A_1198, %swap3A_1199] {strides = array<i32>} : memref<25x128xf32, #tpu.memory_space<vmem>>, vector<16xf32>,
        tpu.vector_store %arg13[%swap3A_1198, %swap3A_1199], %mul3A_1197 {strides = array<i32>} : memref<25x128xf32, #tpu.memory_space<vmem>>, vector<16xf32>,
        %mul3A_1201 = arith.mulf %add3A_1196, %bitcast3A : vector<16xf32>
        %swap3A_1202 = arith.index_cast %scan3A_867 : i32 to index
        %swap3A_1203 = arith.constant 112 : index
        %swap3A_1204 = tpu.vector_load %arg13[%swap3A_1202, %swap3A_1203] {strides = array<i32>} : memref<25x128xf32, #tpu.memory_space<vmem>>, vector<16xf32>,
        tpu.vector_store %arg13[%swap3A_1202, %swap3A_1203], %mul3A_1201 {strides = array<i32>} : memref<25x128xf32, #tpu.memory_space<vmem>>, vector<16xf32>,
      }
      %scan3A_763 = arith.constant 25 : i32
      %add3A_764 = arith.constant 200 : i32
      %add3A_765 = arith.addi %add3A_764, %add3A_746 : i32
      %dma_start3A_766 = arith.constant 0 : i32
      %dma_start3A_767 = tpu.memref_slice %arg6[%add3A_765, %dma_start3A_766] : memref<600x25xi32, #tpu.memory_space<vmem>> -> memref<1x25xi32, #tpu.memory_space<vmem>>
      %dma_start3A_768 = tpu.memref_squeeze %dma_start3A_767 : memref<1x25xi32, #tpu.memory_space<vmem>> -> memref<25xi32, #tpu.memory_space<vmem>>
      %dma_start3A_769 = arith.constant 0 : i32
      %dma_start3A_770 = arith.constant 0 : i32
      %dma_start3A_771 = tpu.memref_slice %arg15[%dma_start3A_769, %dma_start3A_770] : memref<10000x128xf32, #tpu.memory_space<vmem_shared>> -> memref<10000x128xf32, #tpu.memory_space<vmem_shared>>
      tpu.enqueue_indirect_dma source(%arg13 : memref<25x128xf32, #tpu.memory_space<vmem>>) target(%dma_start3A_771 : memref<10000x128xf32, #tpu.memory_space<vmem_shared>>) offsets(%dma_start3A_768 : memref<25xi32, #tpu.memory_space<vmem>>) semaphore(%arg20 : memref<!tpu.dma_semaphore, #tpu.memory_space<semaphore_mem>>) {add = true}
      %add3A_772 = arith.constant 2 : i32
      %add3A_773 = arith.addi %add3A_746, %add3A_772 : i32
      %min3A = arith.constant 199 : i32
      %min3A_774 = arith.minsi %add3A_773, %min3A : i32
      %add3A_775 = arith.constant 400 : i32
      %add3A_776 = arith.addi %add3A_775, %min3A_774 : i32
      %get3A_777 = arith.index_cast %add3A_776 : i32 to index
      %get3A_778 = arith.constant 0 : index
      %get3A_779 = tpu.vector_load %arg6[%get3A_777, %get3A_778] {strides = array<i32>} : memref<600x25xi32, #tpu.memory_space<vmem>>, vector<16xi32>,
      %and3A_780 = arith.constant 2047 : i32
      %and3A_781 = vector.broadcast %and3A_780 : i32 to vector<16xi32>
      %and3A_782 = arith.andi %get3A_779, %and3A_781 : vector<16xi32>
      %swap3A_783 = arith.constant 0 : index
      %swap3A_784 = tpu.vector_load %arg7[%swap3A_783] {strides = array<i32>} : memref<25xi32, #tpu.memory_space<vmem>>, vector<16xi32>,
      tpu.vector_store %arg7[%swap3A_783], %and3A_782 {strides = array<i32>} : memref<25xi32, #tpu.memory_space<vmem>>, vector<16xi32>,
      %add3A_785 = arith.constant 400 : i32
      %add3A_786 = arith.addi %add3A_785, %min3A_774 : i32
      %get3A_787 = arith.index_cast %add3A_786 : i32 to index
      %get3A_788 = arith.constant 9 : index
      %get3A_789 = tpu.vector_load %arg6[%get3A_787, %get3A_788] {strides = array<i32>} : memref<600x25xi32, #tpu.memory_space<vmem>>, vector<16xi32>,
      %and3A_790 = arith.constant 2047 : i32
      %and3A_791 = vector.broadcast %and3A_790 : i32 to vector<16xi32>
      %and3A_792 = arith.andi %get3A_789, %and3A_791 : vector<16xi32>
      %swap3A_793 = arith.constant 9 : index
      %swap3A_794 = tpu.vector_load %arg7[%swap3A_793] {strides = array<i32>} : memref<25xi32, #tpu.memory_space<vmem>>, vector<16xi32>,
      tpu.vector_store %arg7[%swap3A_793], %and3A_792 {strides = array<i32>} : memref<25xi32, #tpu.memory_space<vmem>>, vector<16xi32>,
      %dma_start3A_795 = arith.constant 0 : i32
      %dma_start3A_796 = tpu.memref_slice %arg6[%min3A_774, %dma_start3A_795] : memref<600x25xi32, #tpu.memory_space<vmem>> -> memref<1x25xi32, #tpu.memory_space<vmem>>
      %dma_start3A_797 = tpu.memref_squeeze %dma_start3A_796 : memref<1x25xi32, #tpu.memory_space<vmem>> -> memref<25xi32, #tpu.memory_space<vmem>>
      %dma_start3A_798 = arith.constant 0 : i32
      %dma_start3A_799 = arith.constant 0 : i32
      %dma_start3A_800 = tpu.memref_slice %arg2[%dma_start3A_798, %dma_start3A_799] : memref<10000x128xbf16, #tpu.memory_space<hbm>> -> memref<10000x128xbf16, #tpu.memory_space<hbm>>
      tpu.enqueue_indirect_dma source(%dma_start3A_800 : memref<10000x128xbf16, #tpu.memory_space<hbm>>) target(%arg9 : memref<25x128xbf16, #tpu.memory_space<vmem>>) offsets(%dma_start3A_797 : memref<25xi32, #tpu.memory_space<vmem>>) semaphore(%arg16 : memref<!tpu.dma_semaphore, #tpu.memory_space<semaphore_mem>>)
      %dma_start3A_801 = arith.constant 0 : i32
      %dma_start3A_802 = arith.constant 0 : i32
      %dma_start3A_803 = tpu.memref_slice %arg4[%dma_start3A_801, %dma_start3A_802] : memref<400x512xbf16, #tpu.memory_space<hbm>> -> memref<400x512xbf16, #tpu.memory_space<hbm>>
      tpu.enqueue_indirect_dma source(%dma_start3A_803 : memref<400x512xbf16, #tpu.memory_space<hbm>>) target(%arg11 : memref<25x512xbf16, #tpu.memory_space<vmem>>) offsets(%arg7 : memref<25xi32, #tpu.memory_space<vmem>>) semaphore(%arg18 : memref<!tpu.dma_semaphore, #tpu.memory_space<semaphore_mem>>)
      %add3A_804 = arith.constant 1 : i32
      %add3A_805 = arith.addi %mul3A_744, %add3A_804 : i32
      %dma_wait3A_806 = arith.constant 0 : i32
      %dma_wait3A_807 = tpu.memref_slice %arg6[%add3A_805, %dma_wait3A_806] : memref<600x25xi32, #tpu.memory_space<vmem>> -> memref<1x25xi32, #tpu.memory_space<vmem>>
      %dma_wait3A_808 = tpu.memref_squeeze %dma_wait3A_807 : memref<1x25xi32, #tpu.memory_space<vmem>> -> memref<25xi32, #tpu.memory_space<vmem>>
      %dma_wait3A_809 = arith.constant 0 : i32
      %dma_wait3A_810 = arith.constant 0 : i32
      %dma_wait3A_811 = tpu.memref_slice %arg2[%dma_wait3A_809, %dma_wait3A_810] : memref<10000x128xbf16, #tpu.memory_space<hbm>> -> memref<10000x128xbf16, #tpu.memory_space<hbm>>
      tpu.wait_indirect_dma semaphore(%arg17 : memref<!tpu.dma_semaphore, #tpu.memory_space<semaphore_mem>>) src(%dma_wait3A_811 : memref<10000x128xbf16, #tpu.memory_space<hbm>>) dst(%arg10 : memref<25x128xbf16, #tpu.memory_space<vmem>>)
      %dma_wait3A_812 = arith.constant 0 : i32
      %dma_wait3A_813 = arith.constant 0 : i32
      %dma_wait3A_814 = tpu.memref_slice %arg4[%dma_wait3A_812, %dma_wait3A_813] : memref<400x512xbf16, #tpu.memory_space<hbm>> -> memref<400x512xbf16, #tpu.memory_space<hbm>>
      tpu.wait_indirect_dma semaphore(%arg19 : memref<!tpu.dma_semaphore, #tpu.memory_space<semaphore_mem>>) src(%dma_wait3A_814 : memref<400x512xbf16, #tpu.memory_space<hbm>>) dst(%arg12 : memref<25x512xbf16, #tpu.memory_space<vmem>>)
      %gt3A_815 = arith.constant 0 : i32
      %gt3A_816 = arith.cmpi sgt, %scan3A_742, %gt3A_815 : i32
      %convert_element_type3A_817 = arith.extui %gt3A_816 : i1 to i32
      %cond3A_818 = arith.constant 0 : i32
      %cond3A_819 = arith.cmpi ne, %convert_element_type3A_817, %cond3A_818 : i32
      scf.if %cond3A_819 {
        %sub3A_867 = arith.constant 2 : i32
        %sub3A_868 = arith.subi %add3A_805, %sub3A_867 : i32
        %add3A_869 = arith.constant 200 : i32
        %add3A_870 = arith.addi %add3A_869, %sub3A_868 : i32
        %dma_wait3A_871 = arith.constant 0 : i32
        %dma_wait3A_872 = tpu.memref_slice %arg6[%add3A_870, %dma_wait3A_871] : memref<600x25xi32, #tpu.memory_space<vmem>> -> memref<1x25xi32, #tpu.memory_space<vmem>>
        %dma_wait3A_873 = tpu.memref_squeeze %dma_wait3A_872 : memref<1x25xi32, #tpu.memory_space<vmem>> -> memref<25xi32, #tpu.memory_space<vmem>>
        %dma_wait3A_874 = arith.constant 0 : i32
        %dma_wait3A_875 = arith.constant 0 : i32
        %dma_wait3A_876 = tpu.memref_slice %arg15[%dma_wait3A_874, %dma_wait3A_875] : memref<10000x128xf32, #tpu.memory_space<vmem_shared>> -> memref<10000x128xf32, #tpu.memory_space<vmem_shared>>
        tpu.wait_indirect_dma semaphore(%arg21 : memref<!tpu.dma_semaphore, #tpu.memory_space<semaphore_mem>>) src(%arg14 : memref<25x128xf32, #tpu.memory_space<vmem>>) dst(%dma_wait3A_876 : memref<10000x128xf32, #tpu.memory_space<vmem_shared>>)
      } else {
      }
      %scan3A_820 = arith.constant 0 : i32
      %scan3A_821 = arith.constant 0 : i32
      %scan3A_822 = arith.constant 25 : i32
      %scan3A_823 = arith.addi %scan3A_821, %scan3A_822 : i32
      %scan3A_824 = arith.constant 1 : i32
      scf.for %scan3A_867 = %scan3A_821 to %scan3A_823 step %scan3A_824  : i32 {
        %broadcast_in_dim3A = vector.broadcast %scan3A_867 : i32 to vector<16xi32>
        %add3A_868 = arith.constant 400 : i32
        %add3A_869 = arith.addi %add3A_868, %add3A_805 : i32
        %broadcast_in_dim3A_870 = vector.broadcast %add3A_869 : i32 to vector<16xi32>
        %gather3A = tpu.vector_load_idx %arg6[%broadcast_in_dim3A_870, %broadcast_in_dim3A] : memref<600x25xi32, #tpu.memory_space<vmem>>[vector<16xi32>, vector<16xi32>], vector<16xi32>,
        %and3A_871 = arith.constant -2048 : i32
        %and3A_872 = vector.broadcast %and3A_871 : i32 to vector<16xi32>
        %and3A_873 = arith.andi %gather3A, %and3A_872 : vector<16xi32>
        %bitcast3A = vector.bitcast %and3A_873 : vector<16xi32> to vector<16xf32>
        %get3A_874 = arith.index_cast %scan3A_867 : i32 to index
        %get3A_875 = arith.constant 0 : index
        %get3A_876 = tpu.vector_load %arg10[%get3A_874, %get3A_875] {strides = array<i32>} : memref<25x128xbf16, #tpu.memory_space<vmem>>, vector<32xbf16>,
        %unpack3A = tpu.unpack_subelements %get3A_876, 0 {pack_format = #tpu.pack_format<interleaved>} : vector<32xbf16> -> vector<16xf32>
        %unpack3A_877 = tpu.unpack_subelements %get3A_876, 1 {pack_format = #tpu.pack_format<interleaved>} : vector<32xbf16> -> vector<16xf32>
        %get3A_878 = arith.index_cast %scan3A_867 : i32 to index
        %get3A_879 = arith.constant 0 : index
        %get3A_880 = tpu.vector_load %arg12[%get3A_878, %get3A_879] {strides = array<i32>} : memref<25x512xbf16, #tpu.memory_space<vmem>>, vector<32xbf16>,
        %unpack3A_881 = tpu.unpack_subelements %get3A_880, 0 {pack_format = #tpu.pack_format<interleaved>} : vector<32xbf16> -> vector<16xf32>
        %unpack3A_882 = tpu.unpack_subelements %get3A_880, 1 {pack_format = #tpu.pack_format<interleaved>} : vector<32xbf16> -> vector<16xf32>
        %broadcast_in_dim3A_883 = vector.shape_cast %mul3A_631 : vector<16xi32> to vector<16x1xi32>
        %gather3A_884 = vector.shape_cast %broadcast_in_dim3A_883 : vector<16x1xi32> to vector<16xi32>
        %gather3A_885 = tpu.dynamic_gather %unpack3A[%gather3A_884] in [0] : vector<16xf32>, vector<16xi32> -> vector<16xf32>
        %mul3A_886 = arith.mulf %gather3A_885, %unpack3A_881 : vector<16xf32>
        %add3A_887 = arith.constant 8 : i32
        %add3A_888 = vector.broadcast %add3A_887 : i32 to vector<16xi32>
        %add3A_889 = arith.addi %mul3A_631, %add3A_888 : vector<16xi32>
        %broadcast_in_dim3A_890 = vector.shape_cast %add3A_889 : vector<16xi32> to vector<16x1xi32>
        %gather3A_891 = vector.shape_cast %broadcast_in_dim3A_890 : vector<16x1xi32> to vector<16xi32>
        %gather3A_892 = tpu.dynamic_gather %unpack3A[%gather3A_891] in [0] : vector<16xf32>, vector<16xi32> -> vector<16xf32>
        %mul3A_893 = arith.mulf %gather3A_892, %unpack3A_882 : vector<16xf32>
        %get3A_894 = arith.index_cast %scan3A_867 : i32 to index
        %get3A_895 = arith.constant 128 : index
        %get3A_896 = tpu.vector_load %arg12[%get3A_894, %get3A_895] {strides = array<i32>} : memref<25x512xbf16, #tpu.memory_space<vmem>>, vector<32xbf16>,
        %unpack3A_897 = tpu.unpack_subelements %get3A_896, 0 {pack_format = #tpu.pack_format<interleaved>} : vector<32xbf16> -> vector<16xf32>
        %unpack3A_898 = tpu.unpack_subelements %get3A_896, 1 {pack_format = #tpu.pack_format<interleaved>} : vector<32xbf16> -> vector<16xf32>
        %broadcast_in_dim3A_899 = vector.shape_cast %mul3A_631 : vector<16xi32> to vector<16x1xi32>
        %gather3A_900 = vector.shape_cast %broadcast_in_dim3A_899 : vector<16x1xi32> to vector<16xi32>
        %gather3A_901 = tpu.dynamic_gather %unpack3A_877[%gather3A_900] in [0] : vector<16xf32>, vector<16xi32> -> vector<16xf32>
        %mul3A_902 = arith.mulf %gather3A_901, %unpack3A_897 : vector<16xf32>
        %add3A_903 = arith.constant 8 : i32
        %add3A_904 = vector.broadcast %add3A_903 : i32 to vector<16xi32>
        %add3A_905 = arith.addi %mul3A_631, %add3A_904 : vector<16xi32>
        %broadcast_in_dim3A_906 = vector.shape_cast %add3A_905 : vector<16xi32> to vector<16x1xi32>
        %gather3A_907 = vector.shape_cast %broadcast_in_dim3A_906 : vector<16x1xi32> to vector<16xi32>
        %gather3A_908 = tpu.dynamic_gather %unpack3A_877[%gather3A_907] in [0] : vector<16xf32>, vector<16xi32> -> vector<16xf32>
        %mul3A_909 = arith.mulf %gather3A_908, %unpack3A_898 : vector<16xf32>
        %add3A_910 = arith.addf %mul3A_886, %mul3A_902 : vector<16xf32>
        %add3A_911 = arith.addf %mul3A_893, %mul3A_909 : vector<16xf32>
        %get3A_912 = arith.index_cast %scan3A_867 : i32 to index
        %get3A_913 = arith.constant 256 : index
        %get3A_914 = tpu.vector_load %arg12[%get3A_912, %get3A_913] {strides = array<i32>} : memref<25x512xbf16, #tpu.memory_space<vmem>>, vector<32xbf16>,
        %unpack3A_915 = tpu.unpack_subelements %get3A_914, 0 {pack_format = #tpu.pack_format<interleaved>} : vector<32xbf16> -> vector<16xf32>
        %unpack3A_916 = tpu.unpack_subelements %get3A_914, 1 {pack_format = #tpu.pack_format<interleaved>} : vector<32xbf16> -> vector<16xf32>
        %broadcast_in_dim3A_917 = vector.shape_cast %add3A_634 : vector<16xi32> to vector<16x1xi32>
        %gather3A_918 = vector.shape_cast %broadcast_in_dim3A_917 : vector<16x1xi32> to vector<16xi32>
        %gather3A_919 = tpu.dynamic_gather %unpack3A[%gather3A_918] in [0] : vector<16xf32>, vector<16xi32> -> vector<16xf32>
        %mul3A_920 = arith.mulf %gather3A_919, %unpack3A_915 : vector<16xf32>
        %add3A_921 = arith.constant 8 : i32
        %add3A_922 = vector.broadcast %add3A_921 : i32 to vector<16xi32>
        %add3A_923 = arith.addi %add3A_634, %add3A_922 : vector<16xi32>
        %broadcast_in_dim3A_924 = vector.shape_cast %add3A_923 : vector<16xi32> to vector<16x1xi32>
        %gather3A_925 = vector.shape_cast %broadcast_in_dim3A_924 : vector<16x1xi32> to vector<16xi32>
        %gather3A_926 = tpu.dynamic_gather %unpack3A[%gather3A_925] in [0] : vector<16xf32>, vector<16xi32> -> vector<16xf32>
        %mul3A_927 = arith.mulf %gather3A_926, %unpack3A_916 : vector<16xf32>
        %add3A_928 = arith.addf %add3A_910, %mul3A_920 : vector<16xf32>
        %add3A_929 = arith.addf %add3A_911, %mul3A_927 : vector<16xf32>
        %get3A_930 = arith.index_cast %scan3A_867 : i32 to index
        %get3A_931 = arith.constant 384 : index
        %get3A_932 = tpu.vector_load %arg12[%get3A_930, %get3A_931] {strides = array<i32>} : memref<25x512xbf16, #tpu.memory_space<vmem>>, vector<32xbf16>,
        %unpack3A_933 = tpu.unpack_subelements %get3A_932, 0 {pack_format = #tpu.pack_format<interleaved>} : vector<32xbf16> -> vector<16xf32>
        %unpack3A_934 = tpu.unpack_subelements %get3A_932, 1 {pack_format = #tpu.pack_format<interleaved>} : vector<32xbf16> -> vector<16xf32>
        %broadcast_in_dim3A_935 = vector.shape_cast %add3A_634 : vector<16xi32> to vector<16x1xi32>
        %gather3A_936 = vector.shape_cast %broadcast_in_dim3A_935 : vector<16x1xi32> to vector<16xi32>
        %gather3A_937 = tpu.dynamic_gather %unpack3A_877[%gather3A_936] in [0] : vector<16xf32>, vector<16xi32> -> vector<16xf32>
        %mul3A_938 = arith.mulf %gather3A_937, %unpack3A_933 : vector<16xf32>
        %add3A_939 = arith.constant 8 : i32
        %add3A_940 = vector.broadcast %add3A_939 : i32 to vector<16xi32>
        %add3A_941 = arith.addi %add3A_634, %add3A_940 : vector<16xi32>
        %broadcast_in_dim3A_942 = vector.shape_cast %add3A_941 : vector<16xi32> to vector<16x1xi32>
        %gather3A_943 = vector.shape_cast %broadcast_in_dim3A_942 : vector<16x1xi32> to vector<16xi32>
        %gather3A_944 = tpu.dynamic_gather %unpack3A_877[%gather3A_943] in [0] : vector<16xf32>, vector<16xi32> -> vector<16xf32>
        %mul3A_945 = arith.mulf %gather3A_944, %unpack3A_934 : vector<16xf32>
        %add3A_946 = arith.addf %add3A_928, %mul3A_938 : vector<16xf32>
        %add3A_947 = arith.addf %add3A_929, %mul3A_945 : vector<16xf32>
        %mul3A_948 = arith.mulf %add3A_946, %bitcast3A : vector<16xf32>
        %swap3A_949 = arith.index_cast %scan3A_867 : i32 to index
        %swap3A_950 = arith.constant 0 : index
        %swap3A_951 = tpu.vector_load %arg14[%swap3A_949, %swap3A_950] {strides = array<i32>} : memref<25x128xf32, #tpu.memory_space<vmem>>, vector<16xf32>,
        tpu.vector_store %arg14[%swap3A_949, %swap3A_950], %mul3A_948 {strides = array<i32>} : memref<25x128xf32, #tpu.memory_space<vmem>>, vector<16xf32>,
        %mul3A_952 = arith.mulf %add3A_947, %bitcast3A : vector<16xf32>
        %swap3A_953 = arith.index_cast %scan3A_867 : i32 to index
        %swap3A_954 = arith.constant 16 : index
        %swap3A_955 = tpu.vector_load %arg14[%swap3A_953, %swap3A_954] {strides = array<i32>} : memref<25x128xf32, #tpu.memory_space<vmem>>, vector<16xf32>,
        tpu.vector_store %arg14[%swap3A_953, %swap3A_954], %mul3A_952 {strides = array<i32>} : memref<25x128xf32, #tpu.memory_space<vmem>>, vector<16xf32>,
        %get3A_956 = arith.index_cast %scan3A_867 : i32 to index
        %get3A_957 = arith.constant 32 : index
        %get3A_958 = tpu.vector_load %arg10[%get3A_956, %get3A_957] {strides = array<i32>} : memref<25x128xbf16, #tpu.memory_space<vmem>>, vector<32xbf16>,
        %unpack3A_959 = tpu.unpack_subelements %get3A_958, 0 {pack_format = #tpu.pack_format<interleaved>} : vector<32xbf16> -> vector<16xf32>
        %unpack3A_960 = tpu.unpack_subelements %get3A_958, 1 {pack_format = #tpu.pack_format<interleaved>} : vector<32xbf16> -> vector<16xf32>
        %get3A_961 = arith.index_cast %scan3A_867 : i32 to index
        %get3A_962 = arith.constant 32 : index
        %get3A_963 = tpu.vector_load %arg12[%get3A_961, %get3A_962] {strides = array<i32>} : memref<25x512xbf16, #tpu.memory_space<vmem>>, vector<32xbf16>,
        %unpack3A_964 = tpu.unpack_subelements %get3A_963, 0 {pack_format = #tpu.pack_format<interleaved>} : vector<32xbf16> -> vector<16xf32>
        %unpack3A_965 = tpu.unpack_subelements %get3A_963, 1 {pack_format = #tpu.pack_format<interleaved>} : vector<32xbf16> -> vector<16xf32>
        %broadcast_in_dim3A_966 = vector.shape_cast %mul3A_631 : vector<16xi32> to vector<16x1xi32>
        %gather3A_967 = vector.shape_cast %broadcast_in_dim3A_966 : vector<16x1xi32> to vector<16xi32>
        %gather3A_968 = tpu.dynamic_gather %unpack3A_959[%gather3A_967] in [0] : vector<16xf32>, vector<16xi32> -> vector<16xf32>
        %mul3A_969 = arith.mulf %gather3A_968, %unpack3A_964 : vector<16xf32>
        %add3A_970 = arith.constant 8 : i32
        %add3A_971 = vector.broadcast %add3A_970 : i32 to vector<16xi32>
        %add3A_972 = arith.addi %mul3A_631, %add3A_971 : vector<16xi32>
        %broadcast_in_dim3A_973 = vector.shape_cast %add3A_972 : vector<16xi32> to vector<16x1xi32>
        %gather3A_974 = vector.shape_cast %broadcast_in_dim3A_973 : vector<16x1xi32> to vector<16xi32>
        %gather3A_975 = tpu.dynamic_gather %unpack3A_959[%gather3A_974] in [0] : vector<16xf32>, vector<16xi32> -> vector<16xf32>
        %mul3A_976 = arith.mulf %gather3A_975, %unpack3A_965 : vector<16xf32>
        %get3A_977 = arith.index_cast %scan3A_867 : i32 to index
        %get3A_978 = arith.constant 160 : index
        %get3A_979 = tpu.vector_load %arg12[%get3A_977, %get3A_978] {strides = array<i32>} : memref<25x512xbf16, #tpu.memory_space<vmem>>, vector<32xbf16>,
        %unpack3A_980 = tpu.unpack_subelements %get3A_979, 0 {pack_format = #tpu.pack_format<interleaved>} : vector<32xbf16> -> vector<16xf32>
        %unpack3A_981 = tpu.unpack_subelements %get3A_979, 1 {pack_format = #tpu.pack_format<interleaved>} : vector<32xbf16> -> vector<16xf32>
        %broadcast_in_dim3A_982 = vector.shape_cast %mul3A_631 : vector<16xi32> to vector<16x1xi32>
        %gather3A_983 = vector.shape_cast %broadcast_in_dim3A_982 : vector<16x1xi32> to vector<16xi32>
        %gather3A_984 = tpu.dynamic_gather %unpack3A_960[%gather3A_983] in [0] : vector<16xf32>, vector<16xi32> -> vector<16xf32>
        %mul3A_985 = arith.mulf %gather3A_984, %unpack3A_980 : vector<16xf32>
        %add3A_986 = arith.constant 8 : i32
        %add3A_987 = vector.broadcast %add3A_986 : i32 to vector<16xi32>
        %add3A_988 = arith.addi %mul3A_631, %add3A_987 : vector<16xi32>
        %broadcast_in_dim3A_989 = vector.shape_cast %add3A_988 : vector<16xi32> to vector<16x1xi32>
        %gather3A_990 = vector.shape_cast %broadcast_in_dim3A_989 : vector<16x1xi32> to vector<16xi32>
        %gather3A_991 = tpu.dynamic_gather %unpack3A_960[%gather3A_990] in [0] : vector<16xf32>, vector<16xi32> -> vector<16xf32>
        %mul3A_992 = arith.mulf %gather3A_991, %unpack3A_981 : vector<16xf32>
        %add3A_993 = arith.addf %mul3A_969, %mul3A_985 : vector<16xf32>
        %add3A_994 = arith.addf %mul3A_976, %mul3A_992 : vector<16xf32>
        %get3A_995 = arith.index_cast %scan3A_867 : i32 to index
        %get3A_996 = arith.constant 288 : index
        %get3A_997 = tpu.vector_load %arg12[%get3A_995, %get3A_996] {strides = array<i32>} : memref<25x512xbf16, #tpu.memory_space<vmem>>, vector<32xbf16>,
        %unpack3A_998 = tpu.unpack_subelements %get3A_997, 0 {pack_format = #tpu.pack_format<interleaved>} : vector<32xbf16> -> vector<16xf32>
        %unpack3A_999 = tpu.unpack_subelements %get3A_997, 1 {pack_format = #tpu.pack_format<interleaved>} : vector<32xbf16> -> vector<16xf32>
        %broadcast_in_dim3A_1000 = vector.shape_cast %add3A_634 : vector<16xi32> to vector<16x1xi32>
        %gather3A_1001 = vector.shape_cast %broadcast_in_dim3A_1000 : vector<16x1xi32> to vector<16xi32>
        %gather3A_1002 = tpu.dynamic_gather %unpack3A_959[%gather3A_1001] in [0] : vector<16xf32>, vector<16xi32> -> vector<16xf32>
        %mul3A_1003 = arith.mulf %gather3A_1002, %unpack3A_998 : vector<16xf32>
        %add3A_1004 = arith.constant 8 : i32
        %add3A_1005 = vector.broadcast %add3A_1004 : i32 to vector<16xi32>
        %add3A_1006 = arith.addi %add3A_634, %add3A_1005 : vector<16xi32>
        %broadcast_in_dim3A_1007 = vector.shape_cast %add3A_1006 : vector<16xi32> to vector<16x1xi32>
        %gather3A_1008 = vector.shape_cast %broadcast_in_dim3A_1007 : vector<16x1xi32> to vector<16xi32>
        %gather3A_1009 = tpu.dynamic_gather %unpack3A_959[%gather3A_1008] in [0] : vector<16xf32>, vector<16xi32> -> vector<16xf32>
        %mul3A_1010 = arith.mulf %gather3A_1009, %unpack3A_999 : vector<16xf32>
        %add3A_1011 = arith.addf %add3A_993, %mul3A_1003 : vector<16xf32>
        %add3A_1012 = arith.addf %add3A_994, %mul3A_1010 : vector<16xf32>
        %get3A_1013 = arith.index_cast %scan3A_867 : i32 to index
        %get3A_1014 = arith.constant 416 : index
        %get3A_1015 = tpu.vector_load %arg12[%get3A_1013, %get3A_1014] {strides = array<i32>} : memref<25x512xbf16, #tpu.memory_space<vmem>>, vector<32xbf16>,
        %unpack3A_1016 = tpu.unpack_subelements %get3A_1015, 0 {pack_format = #tpu.pack_format<interleaved>} : vector<32xbf16> -> vector<16xf32>
        %unpack3A_1017 = tpu.unpack_subelements %get3A_1015, 1 {pack_format = #tpu.pack_format<interleaved>} : vector<32xbf16> -> vector<16xf32>
        %broadcast_in_dim3A_1018 = vector.shape_cast %add3A_634 : vector<16xi32> to vector<16x1xi32>
        %gather3A_1019 = vector.shape_cast %broadcast_in_dim3A_1018 : vector<16x1xi32> to vector<16xi32>
        %gather3A_1020 = tpu.dynamic_gather %unpack3A_960[%gather3A_1019] in [0] : vector<16xf32>, vector<16xi32> -> vector<16xf32>
        %mul3A_1021 = arith.mulf %gather3A_1020, %unpack3A_1016 : vector<16xf32>
        %add3A_1022 = arith.constant 8 : i32
        %add3A_1023 = vector.broadcast %add3A_1022 : i32 to vector<16xi32>
        %add3A_1024 = arith.addi %add3A_634, %add3A_1023 : vector<16xi32>
        %broadcast_in_dim3A_1025 = vector.shape_cast %add3A_1024 : vector<16xi32> to vector<16x1xi32>
        %gather3A_1026 = vector.shape_cast %broadcast_in_dim3A_1025 : vector<16x1xi32> to vector<16xi32>
        %gather3A_1027 = tpu.dynamic_gather %unpack3A_960[%gather3A_1026] in [0] : vector<16xf32>, vector<16xi32> -> vector<16xf32>
        %mul3A_1028 = arith.mulf %gather3A_1027, %unpack3A_1017 : vector<16xf32>
        %add3A_1029 = arith.addf %add3A_1011, %mul3A_1021 : vector<16xf32>
        %add3A_1030 = arith.addf %add3A_1012, %mul3A_1028 : vector<16xf32>
        %mul3A_1031 = arith.mulf %add3A_1029, %bitcast3A : vector<16xf32>
        %swap3A_1032 = arith.index_cast %scan3A_867 : i32 to index
        %swap3A_1033 = arith.constant 32 : index
        %swap3A_1034 = tpu.vector_load %arg14[%swap3A_1032, %swap3A_1033] {strides = array<i32>} : memref<25x128xf32, #tpu.memory_space<vmem>>, vector<16xf32>,
        tpu.vector_store %arg14[%swap3A_1032, %swap3A_1033], %mul3A_1031 {strides = array<i32>} : memref<25x128xf32, #tpu.memory_space<vmem>>, vector<16xf32>,
        %mul3A_1035 = arith.mulf %add3A_1030, %bitcast3A : vector<16xf32>
        %swap3A_1036 = arith.index_cast %scan3A_867 : i32 to index
        %swap3A_1037 = arith.constant 48 : index
        %swap3A_1038 = tpu.vector_load %arg14[%swap3A_1036, %swap3A_1037] {strides = array<i32>} : memref<25x128xf32, #tpu.memory_space<vmem>>, vector<16xf32>,
        tpu.vector_store %arg14[%swap3A_1036, %swap3A_1037], %mul3A_1035 {strides = array<i32>} : memref<25x128xf32, #tpu.memory_space<vmem>>, vector<16xf32>,
        %get3A_1039 = arith.index_cast %scan3A_867 : i32 to index
        %get3A_1040 = arith.constant 64 : index
        %get3A_1041 = tpu.vector_load %arg10[%get3A_1039, %get3A_1040] {strides = array<i32>} : memref<25x128xbf16, #tpu.memory_space<vmem>>, vector<32xbf16>,
        %unpack3A_1042 = tpu.unpack_subelements %get3A_1041, 0 {pack_format = #tpu.pack_format<interleaved>} : vector<32xbf16> -> vector<16xf32>
        %unpack3A_1043 = tpu.unpack_subelements %get3A_1041, 1 {pack_format = #tpu.pack_format<interleaved>} : vector<32xbf16> -> vector<16xf32>
        %get3A_1044 = arith.index_cast %scan3A_867 : i32 to index
        %get3A_1045 = arith.constant 64 : index
        %get3A_1046 = tpu.vector_load %arg12[%get3A_1044, %get3A_1045] {strides = array<i32>} : memref<25x512xbf16, #tpu.memory_space<vmem>>, vector<32xbf16>,
        %unpack3A_1047 = tpu.unpack_subelements %get3A_1046, 0 {pack_format = #tpu.pack_format<interleaved>} : vector<32xbf16> -> vector<16xf32>
        %unpack3A_1048 = tpu.unpack_subelements %get3A_1046, 1 {pack_format = #tpu.pack_format<interleaved>} : vector<32xbf16> -> vector<16xf32>
        %broadcast_in_dim3A_1049 = vector.shape_cast %mul3A_631 : vector<16xi32> to vector<16x1xi32>
        %gather3A_1050 = vector.shape_cast %broadcast_in_dim3A_1049 : vector<16x1xi32> to vector<16xi32>
        %gather3A_1051 = tpu.dynamic_gather %unpack3A_1042[%gather3A_1050] in [0] : vector<16xf32>, vector<16xi32> -> vector<16xf32>
        %mul3A_1052 = arith.mulf %gather3A_1051, %unpack3A_1047 : vector<16xf32>
        %add3A_1053 = arith.constant 8 : i32
        %add3A_1054 = vector.broadcast %add3A_1053 : i32 to vector<16xi32>
        %add3A_1055 = arith.addi %mul3A_631, %add3A_1054 : vector<16xi32>
        %broadcast_in_dim3A_1056 = vector.shape_cast %add3A_1055 : vector<16xi32> to vector<16x1xi32>
        %gather3A_1057 = vector.shape_cast %broadcast_in_dim3A_1056 : vector<16x1xi32> to vector<16xi32>
        %gather3A_1058 = tpu.dynamic_gather %unpack3A_1042[%gather3A_1057] in [0] : vector<16xf32>, vector<16xi32> -> vector<16xf32>
        %mul3A_1059 = arith.mulf %gather3A_1058, %unpack3A_1048 : vector<16xf32>
        %get3A_1060 = arith.index_cast %scan3A_867 : i32 to index
        %get3A_1061 = arith.constant 192 : index
        %get3A_1062 = tpu.vector_load %arg12[%get3A_1060, %get3A_1061] {strides = array<i32>} : memref<25x512xbf16, #tpu.memory_space<vmem>>, vector<32xbf16>,
        %unpack3A_1063 = tpu.unpack_subelements %get3A_1062, 0 {pack_format = #tpu.pack_format<interleaved>} : vector<32xbf16> -> vector<16xf32>
        %unpack3A_1064 = tpu.unpack_subelements %get3A_1062, 1 {pack_format = #tpu.pack_format<interleaved>} : vector<32xbf16> -> vector<16xf32>
        %broadcast_in_dim3A_1065 = vector.shape_cast %mul3A_631 : vector<16xi32> to vector<16x1xi32>
        %gather3A_1066 = vector.shape_cast %broadcast_in_dim3A_1065 : vector<16x1xi32> to vector<16xi32>
        %gather3A_1067 = tpu.dynamic_gather %unpack3A_1043[%gather3A_1066] in [0] : vector<16xf32>, vector<16xi32> -> vector<16xf32>
        %mul3A_1068 = arith.mulf %gather3A_1067, %unpack3A_1063 : vector<16xf32>
        %add3A_1069 = arith.constant 8 : i32
        %add3A_1070 = vector.broadcast %add3A_1069 : i32 to vector<16xi32>
        %add3A_1071 = arith.addi %mul3A_631, %add3A_1070 : vector<16xi32>
        %broadcast_in_dim3A_1072 = vector.shape_cast %add3A_1071 : vector<16xi32> to vector<16x1xi32>
        %gather3A_1073 = vector.shape_cast %broadcast_in_dim3A_1072 : vector<16x1xi32> to vector<16xi32>
        %gather3A_1074 = tpu.dynamic_gather %unpack3A_1043[%gather3A_1073] in [0] : vector<16xf32>, vector<16xi32> -> vector<16xf32>
        %mul3A_1075 = arith.mulf %gather3A_1074, %unpack3A_1064 : vector<16xf32>
        %add3A_1076 = arith.addf %mul3A_1052, %mul3A_1068 : vector<16xf32>
        %add3A_1077 = arith.addf %mul3A_1059, %mul3A_1075 : vector<16xf32>
        %get3A_1078 = arith.index_cast %scan3A_867 : i32 to index
        %get3A_1079 = arith.constant 320 : index
        %get3A_1080 = tpu.vector_load %arg12[%get3A_1078, %get3A_1079] {strides = array<i32>} : memref<25x512xbf16, #tpu.memory_space<vmem>>, vector<32xbf16>,
        %unpack3A_1081 = tpu.unpack_subelements %get3A_1080, 0 {pack_format = #tpu.pack_format<interleaved>} : vector<32xbf16> -> vector<16xf32>
        %unpack3A_1082 = tpu.unpack_subelements %get3A_1080, 1 {pack_format = #tpu.pack_format<interleaved>} : vector<32xbf16> -> vector<16xf32>
        %broadcast_in_dim3A_1083 = vector.shape_cast %add3A_634 : vector<16xi32> to vector<16x1xi32>
        %gather3A_1084 = vector.shape_cast %broadcast_in_dim3A_1083 : vector<16x1xi32> to vector<16xi32>
        %gather3A_1085 = tpu.dynamic_gather %unpack3A_1042[%gather3A_1084] in [0] : vector<16xf32>, vector<16xi32> -> vector<16xf32>
        %mul3A_1086 = arith.mulf %gather3A_1085, %unpack3A_1081 : vector<16xf32>
        %add3A_1087 = arith.constant 8 : i32
        %add3A_1088 = vector.broadcast %add3A_1087 : i32 to vector<16xi32>
        %add3A_1089 = arith.addi %add3A_634, %add3A_1088 : vector<16xi32>
        %broadcast_in_dim3A_1090 = vector.shape_cast %add3A_1089 : vector<16xi32> to vector<16x1xi32>
        %gather3A_1091 = vector.shape_cast %broadcast_in_dim3A_1090 : vector<16x1xi32> to vector<16xi32>
        %gather3A_1092 = tpu.dynamic_gather %unpack3A_1042[%gather3A_1091] in [0] : vector<16xf32>, vector<16xi32> -> vector<16xf32>
        %mul3A_1093 = arith.mulf %gather3A_1092, %unpack3A_1082 : vector<16xf32>
        %add3A_1094 = arith.addf %add3A_1076, %mul3A_1086 : vector<16xf32>
        %add3A_1095 = arith.addf %add3A_1077, %mul3A_1093 : vector<16xf32>
        %get3A_1096 = arith.index_cast %scan3A_867 : i32 to index
        %get3A_1097 = arith.constant 448 : index
        %get3A_1098 = tpu.vector_load %arg12[%get3A_1096, %get3A_1097] {strides = array<i32>} : memref<25x512xbf16, #tpu.memory_space<vmem>>, vector<32xbf16>,
        %unpack3A_1099 = tpu.unpack_subelements %get3A_1098, 0 {pack_format = #tpu.pack_format<interleaved>} : vector<32xbf16> -> vector<16xf32>
        %unpack3A_1100 = tpu.unpack_subelements %get3A_1098, 1 {pack_format = #tpu.pack_format<interleaved>} : vector<32xbf16> -> vector<16xf32>
        %broadcast_in_dim3A_1101 = vector.shape_cast %add3A_634 : vector<16xi32> to vector<16x1xi32>
        %gather3A_1102 = vector.shape_cast %broadcast_in_dim3A_1101 : vector<16x1xi32> to vector<16xi32>
        %gather3A_1103 = tpu.dynamic_gather %unpack3A_1043[%gather3A_1102] in [0] : vector<16xf32>, vector<16xi32> -> vector<16xf32>
        %mul3A_1104 = arith.mulf %gather3A_1103, %unpack3A_1099 : vector<16xf32>
        %add3A_1105 = arith.constant 8 : i32
        %add3A_1106 = vector.broadcast %add3A_1105 : i32 to vector<16xi32>
        %add3A_1107 = arith.addi %add3A_634, %add3A_1106 : vector<16xi32>
        %broadcast_in_dim3A_1108 = vector.shape_cast %add3A_1107 : vector<16xi32> to vector<16x1xi32>
        %gather3A_1109 = vector.shape_cast %broadcast_in_dim3A_1108 : vector<16x1xi32> to vector<16xi32>
        %gather3A_1110 = tpu.dynamic_gather %unpack3A_1043[%gather3A_1109] in [0] : vector<16xf32>, vector<16xi32> -> vector<16xf32>
        %mul3A_1111 = arith.mulf %gather3A_1110, %unpack3A_1100 : vector<16xf32>
        %add3A_1112 = arith.addf %add3A_1094, %mul3A_1104 : vector<16xf32>
        %add3A_1113 = arith.addf %add3A_1095, %mul3A_1111 : vector<16xf32>
        %mul3A_1114 = arith.mulf %add3A_1112, %bitcast3A : vector<16xf32>
        %swap3A_1115 = arith.index_cast %scan3A_867 : i32 to index
        %swap3A_1116 = arith.constant 64 : index
        %swap3A_1117 = tpu.vector_load %arg14[%swap3A_1115, %swap3A_1116] {strides = array<i32>} : memref<25x128xf32, #tpu.memory_space<vmem>>, vector<16xf32>,
        tpu.vector_store %arg14[%swap3A_1115, %swap3A_1116], %mul3A_1114 {strides = array<i32>} : memref<25x128xf32, #tpu.memory_space<vmem>>, vector<16xf32>,
        %mul3A_1118 = arith.mulf %add3A_1113, %bitcast3A : vector<16xf32>
        %swap3A_1119 = arith.index_cast %scan3A_867 : i32 to index
        %swap3A_1120 = arith.constant 80 : index
        %swap3A_1121 = tpu.vector_load %arg14[%swap3A_1119, %swap3A_1120] {strides = array<i32>} : memref<25x128xf32, #tpu.memory_space<vmem>>, vector<16xf32>,
        tpu.vector_store %arg14[%swap3A_1119, %swap3A_1120], %mul3A_1118 {strides = array<i32>} : memref<25x128xf32, #tpu.memory_space<vmem>>, vector<16xf32>,
        %get3A_1122 = arith.index_cast %scan3A_867 : i32 to index
        %get3A_1123 = arith.constant 96 : index
        %get3A_1124 = tpu.vector_load %arg10[%get3A_1122, %get3A_1123] {strides = array<i32>} : memref<25x128xbf16, #tpu.memory_space<vmem>>, vector<32xbf16>,
        %unpack3A_1125 = tpu.unpack_subelements %get3A_1124, 0 {pack_format = #tpu.pack_format<interleaved>} : vector<32xbf16> -> vector<16xf32>
        %unpack3A_1126 = tpu.unpack_subelements %get3A_1124, 1 {pack_format = #tpu.pack_format<interleaved>} : vector<32xbf16> -> vector<16xf32>
        %get3A_1127 = arith.index_cast %scan3A_867 : i32 to index
        %get3A_1128 = arith.constant 96 : index
        %get3A_1129 = tpu.vector_load %arg12[%get3A_1127, %get3A_1128] {strides = array<i32>} : memref<25x512xbf16, #tpu.memory_space<vmem>>, vector<32xbf16>,
        %unpack3A_1130 = tpu.unpack_subelements %get3A_1129, 0 {pack_format = #tpu.pack_format<interleaved>} : vector<32xbf16> -> vector<16xf32>
        %unpack3A_1131 = tpu.unpack_subelements %get3A_1129, 1 {pack_format = #tpu.pack_format<interleaved>} : vector<32xbf16> -> vector<16xf32>
        %broadcast_in_dim3A_1132 = vector.shape_cast %mul3A_631 : vector<16xi32> to vector<16x1xi32>
        %gather3A_1133 = vector.shape_cast %broadcast_in_dim3A_1132 : vector<16x1xi32> to vector<16xi32>
        %gather3A_1134 = tpu.dynamic_gather %unpack3A_1125[%gather3A_1133] in [0] : vector<16xf32>, vector<16xi32> -> vector<16xf32>
        %mul3A_1135 = arith.mulf %gather3A_1134, %unpack3A_1130 : vector<16xf32>
        %add3A_1136 = arith.constant 8 : i32
        %add3A_1137 = vector.broadcast %add3A_1136 : i32 to vector<16xi32>
        %add3A_1138 = arith.addi %mul3A_631, %add3A_1137 : vector<16xi32>
        %broadcast_in_dim3A_1139 = vector.shape_cast %add3A_1138 : vector<16xi32> to vector<16x1xi32>
        %gather3A_1140 = vector.shape_cast %broadcast_in_dim3A_1139 : vector<16x1xi32> to vector<16xi32>
        %gather3A_1141 = tpu.dynamic_gather %unpack3A_1125[%gather3A_1140] in [0] : vector<16xf32>, vector<16xi32> -> vector<16xf32>
        %mul3A_1142 = arith.mulf %gather3A_1141, %unpack3A_1131 : vector<16xf32>
        %get3A_1143 = arith.index_cast %scan3A_867 : i32 to index
        %get3A_1144 = arith.constant 224 : index
        %get3A_1145 = tpu.vector_load %arg12[%get3A_1143, %get3A_1144] {strides = array<i32>} : memref<25x512xbf16, #tpu.memory_space<vmem>>, vector<32xbf16>,
        %unpack3A_1146 = tpu.unpack_subelements %get3A_1145, 0 {pack_format = #tpu.pack_format<interleaved>} : vector<32xbf16> -> vector<16xf32>
        %unpack3A_1147 = tpu.unpack_subelements %get3A_1145, 1 {pack_format = #tpu.pack_format<interleaved>} : vector<32xbf16> -> vector<16xf32>
        %broadcast_in_dim3A_1148 = vector.shape_cast %mul3A_631 : vector<16xi32> to vector<16x1xi32>
        %gather3A_1149 = vector.shape_cast %broadcast_in_dim3A_1148 : vector<16x1xi32> to vector<16xi32>
        %gather3A_1150 = tpu.dynamic_gather %unpack3A_1126[%gather3A_1149] in [0] : vector<16xf32>, vector<16xi32> -> vector<16xf32>
        %mul3A_1151 = arith.mulf %gather3A_1150, %unpack3A_1146 : vector<16xf32>
        %add3A_1152 = arith.constant 8 : i32
        %add3A_1153 = vector.broadcast %add3A_1152 : i32 to vector<16xi32>
        %add3A_1154 = arith.addi %mul3A_631, %add3A_1153 : vector<16xi32>
        %broadcast_in_dim3A_1155 = vector.shape_cast %add3A_1154 : vector<16xi32> to vector<16x1xi32>
        %gather3A_1156 = vector.shape_cast %broadcast_in_dim3A_1155 : vector<16x1xi32> to vector<16xi32>
        %gather3A_1157 = tpu.dynamic_gather %unpack3A_1126[%gather3A_1156] in [0] : vector<16xf32>, vector<16xi32> -> vector<16xf32>
        %mul3A_1158 = arith.mulf %gather3A_1157, %unpack3A_1147 : vector<16xf32>
        %add3A_1159 = arith.addf %mul3A_1135, %mul3A_1151 : vector<16xf32>
        %add3A_1160 = arith.addf %mul3A_1142, %mul3A_1158 : vector<16xf32>
        %get3A_1161 = arith.index_cast %scan3A_867 : i32 to index
        %get3A_1162 = arith.constant 352 : index
        %get3A_1163 = tpu.vector_load %arg12[%get3A_1161, %get3A_1162] {strides = array<i32>} : memref<25x512xbf16, #tpu.memory_space<vmem>>, vector<32xbf16>,
        %unpack3A_1164 = tpu.unpack_subelements %get3A_1163, 0 {pack_format = #tpu.pack_format<interleaved>} : vector<32xbf16> -> vector<16xf32>
        %unpack3A_1165 = tpu.unpack_subelements %get3A_1163, 1 {pack_format = #tpu.pack_format<interleaved>} : vector<32xbf16> -> vector<16xf32>
        %broadcast_in_dim3A_1166 = vector.shape_cast %add3A_634 : vector<16xi32> to vector<16x1xi32>
        %gather3A_1167 = vector.shape_cast %broadcast_in_dim3A_1166 : vector<16x1xi32> to vector<16xi32>
        %gather3A_1168 = tpu.dynamic_gather %unpack3A_1125[%gather3A_1167] in [0] : vector<16xf32>, vector<16xi32> -> vector<16xf32>
        %mul3A_1169 = arith.mulf %gather3A_1168, %unpack3A_1164 : vector<16xf32>
        %add3A_1170 = arith.constant 8 : i32
        %add3A_1171 = vector.broadcast %add3A_1170 : i32 to vector<16xi32>
        %add3A_1172 = arith.addi %add3A_634, %add3A_1171 : vector<16xi32>
        %broadcast_in_dim3A_1173 = vector.shape_cast %add3A_1172 : vector<16xi32> to vector<16x1xi32>
        %gather3A_1174 = vector.shape_cast %broadcast_in_dim3A_1173 : vector<16x1xi32> to vector<16xi32>
        %gather3A_1175 = tpu.dynamic_gather %unpack3A_1125[%gather3A_1174] in [0] : vector<16xf32>, vector<16xi32> -> vector<16xf32>
        %mul3A_1176 = arith.mulf %gather3A_1175, %unpack3A_1165 : vector<16xf32>
        %add3A_1177 = arith.addf %add3A_1159, %mul3A_1169 : vector<16xf32>
        %add3A_1178 = arith.addf %add3A_1160, %mul3A_1176 : vector<16xf32>
        %get3A_1179 = arith.index_cast %scan3A_867 : i32 to index
        %get3A_1180 = arith.constant 480 : index
        %get3A_1181 = tpu.vector_load %arg12[%get3A_1179, %get3A_1180] {strides = array<i32>} : memref<25x512xbf16, #tpu.memory_space<vmem>>, vector<32xbf16>,
        %unpack3A_1182 = tpu.unpack_subelements %get3A_1181, 0 {pack_format = #tpu.pack_format<interleaved>} : vector<32xbf16> -> vector<16xf32>
        %unpack3A_1183 = tpu.unpack_subelements %get3A_1181, 1 {pack_format = #tpu.pack_format<interleaved>} : vector<32xbf16> -> vector<16xf32>
        %broadcast_in_dim3A_1184 = vector.shape_cast %add3A_634 : vector<16xi32> to vector<16x1xi32>
        %gather3A_1185 = vector.shape_cast %broadcast_in_dim3A_1184 : vector<16x1xi32> to vector<16xi32>
        %gather3A_1186 = tpu.dynamic_gather %unpack3A_1126[%gather3A_1185] in [0] : vector<16xf32>, vector<16xi32> -> vector<16xf32>
        %mul3A_1187 = arith.mulf %gather3A_1186, %unpack3A_1182 : vector<16xf32>
        %add3A_1188 = arith.constant 8 : i32
        %add3A_1189 = vector.broadcast %add3A_1188 : i32 to vector<16xi32>
        %add3A_1190 = arith.addi %add3A_634, %add3A_1189 : vector<16xi32>
        %broadcast_in_dim3A_1191 = vector.shape_cast %add3A_1190 : vector<16xi32> to vector<16x1xi32>
        %gather3A_1192 = vector.shape_cast %broadcast_in_dim3A_1191 : vector<16x1xi32> to vector<16xi32>
        %gather3A_1193 = tpu.dynamic_gather %unpack3A_1126[%gather3A_1192] in [0] : vector<16xf32>, vector<16xi32> -> vector<16xf32>
        %mul3A_1194 = arith.mulf %gather3A_1193, %unpack3A_1183 : vector<16xf32>
        %add3A_1195 = arith.addf %add3A_1177, %mul3A_1187 : vector<16xf32>
        %add3A_1196 = arith.addf %add3A_1178, %mul3A_1194 : vector<16xf32>
        %mul3A_1197 = arith.mulf %add3A_1195, %bitcast3A : vector<16xf32>
        %swap3A_1198 = arith.index_cast %scan3A_867 : i32 to index
        %swap3A_1199 = arith.constant 96 : index
        %swap3A_1200 = tpu.vector_load %arg14[%swap3A_1198, %swap3A_1199] {strides = array<i32>} : memref<25x128xf32, #tpu.memory_space<vmem>>, vector<16xf32>,
        tpu.vector_store %arg14[%swap3A_1198, %swap3A_1199], %mul3A_1197 {strides = array<i32>} : memref<25x128xf32, #tpu.memory_space<vmem>>, vector<16xf32>,
        %mul3A_1201 = arith.mulf %add3A_1196, %bitcast3A : vector<16xf32>
        %swap3A_1202 = arith.index_cast %scan3A_867 : i32 to index
        %swap3A_1203 = arith.constant 112 : index
        %swap3A_1204 = tpu.vector_load %arg14[%swap3A_1202, %swap3A_1203] {strides = array<i32>} : memref<25x128xf32, #tpu.memory_space<vmem>>, vector<16xf32>,
        tpu.vector_store %arg14[%swap3A_1202, %swap3A_1203], %mul3A_1201 {strides = array<i32>} : memref<25x128xf32, #tpu.memory_space<vmem>>, vector<16xf32>,
      }
      %scan3A_825 = arith.constant 25 : i32
      %add3A_826 = arith.constant 200 : i32
      %add3A_827 = arith.addi %add3A_826, %add3A_805 : i32
      %dma_start3A_828 = arith.constant 0 : i32
      %dma_start3A_829 = tpu.memref_slice %arg6[%add3A_827, %dma_start3A_828] : memref<600x25xi32, #tpu.memory_space<vmem>> -> memref<1x25xi32, #tpu.memory_space<vmem>>
      %dma_start3A_830 = tpu.memref_squeeze %dma_start3A_829 : memref<1x25xi32, #tpu.memory_space<vmem>> -> memref<25xi32, #tpu.memory_space<vmem>>
      %dma_start3A_831 = arith.constant 0 : i32
      %dma_start3A_832 = arith.constant 0 : i32
      %dma_start3A_833 = tpu.memref_slice %arg15[%dma_start3A_831, %dma_start3A_832] : memref<10000x128xf32, #tpu.memory_space<vmem_shared>> -> memref<10000x128xf32, #tpu.memory_space<vmem_shared>>
      tpu.enqueue_indirect_dma source(%arg14 : memref<25x128xf32, #tpu.memory_space<vmem>>) target(%dma_start3A_833 : memref<10000x128xf32, #tpu.memory_space<vmem_shared>>) offsets(%dma_start3A_830 : memref<25xi32, #tpu.memory_space<vmem>>) semaphore(%arg21 : memref<!tpu.dma_semaphore, #tpu.memory_space<semaphore_mem>>) {add = true}
      %add3A_834 = arith.constant 2 : i32
      %add3A_835 = arith.addi %add3A_805, %add3A_834 : i32
      %min3A_836 = arith.constant 199 : i32
      %min3A_837 = arith.minsi %add3A_835, %min3A_836 : i32
      %add3A_838 = arith.constant 400 : i32
      %add3A_839 = arith.addi %add3A_838, %min3A_837 : i32
      %get3A_840 = arith.index_cast %add3A_839 : i32 to index
      %get3A_841 = arith.constant 0 : index
      %get3A_842 = tpu.vector_load %arg6[%get3A_840, %get3A_841] {strides = array<i32>} : memref<600x25xi32, #tpu.memory_space<vmem>>, vector<16xi32>,
      %and3A_843 = arith.constant 2047 : i32
      %and3A_844 = vector.broadcast %and3A_843 : i32 to vector<16xi32>
      %and3A_845 = arith.andi %get3A_842, %and3A_844 : vector<16xi32>
      %swap3A_846 = arith.constant 0 : index
      %swap3A_847 = tpu.vector_load %arg8[%swap3A_846] {strides = array<i32>} : memref<25xi32, #tpu.memory_space<vmem>>, vector<16xi32>,
      tpu.vector_store %arg8[%swap3A_846], %and3A_845 {strides = array<i32>} : memref<25xi32, #tpu.memory_space<vmem>>, vector<16xi32>,
      %add3A_848 = arith.constant 400 : i32
      %add3A_849 = arith.addi %add3A_848, %min3A_837 : i32
      %get3A_850 = arith.index_cast %add3A_849 : i32 to index
      %get3A_851 = arith.constant 9 : index
      %get3A_852 = tpu.vector_load %arg6[%get3A_850, %get3A_851] {strides = array<i32>} : memref<600x25xi32, #tpu.memory_space<vmem>>, vector<16xi32>,
      %and3A_853 = arith.constant 2047 : i32
      %and3A_854 = vector.broadcast %and3A_853 : i32 to vector<16xi32>
      %and3A_855 = arith.andi %get3A_852, %and3A_854 : vector<16xi32>
      %swap3A_856 = arith.constant 9 : index
      %swap3A_857 = tpu.vector_load %arg8[%swap3A_856] {strides = array<i32>} : memref<25xi32, #tpu.memory_space<vmem>>, vector<16xi32>,
      tpu.vector_store %arg8[%swap3A_856], %and3A_855 {strides = array<i32>} : memref<25xi32, #tpu.memory_space<vmem>>, vector<16xi32>,
      %dma_start3A_858 = arith.constant 0 : i32
      %dma_start3A_859 = tpu.memref_slice %arg6[%min3A_837, %dma_start3A_858] : memref<600x25xi32, #tpu.memory_space<vmem>> -> memref<1x25xi32, #tpu.memory_space<vmem>>
      %dma_start3A_860 = tpu.memref_squeeze %dma_start3A_859 : memref<1x25xi32, #tpu.memory_space<vmem>> -> memref<25xi32, #tpu.memory_space<vmem>>
      %dma_start3A_861 = arith.constant 0 : i32
      %dma_start3A_862 = arith.constant 0 : i32
      %dma_start3A_863 = tpu.memref_slice %arg2[%dma_start3A_861, %dma_start3A_862] : memref<10000x128xbf16, #tpu.memory_space<hbm>> -> memref<10000x128xbf16, #tpu.memory_space<hbm>>
      tpu.enqueue_indirect_dma source(%dma_start3A_863 : memref<10000x128xbf16, #tpu.memory_space<hbm>>) target(%arg10 : memref<25x128xbf16, #tpu.memory_space<vmem>>) offsets(%dma_start3A_860 : memref<25xi32, #tpu.memory_space<vmem>>) semaphore(%arg17 : memref<!tpu.dma_semaphore, #tpu.memory_space<semaphore_mem>>)
      %dma_start3A_864 = arith.constant 0 : i32
      %dma_start3A_865 = arith.constant 0 : i32
      %dma_start3A_866 = tpu.memref_slice %arg4[%dma_start3A_864, %dma_start3A_865] : memref<400x512xbf16, #tpu.memory_space<hbm>> -> memref<400x512xbf16, #tpu.memory_space<hbm>>
      tpu.enqueue_indirect_dma source(%dma_start3A_866 : memref<400x512xbf16, #tpu.memory_space<hbm>>) target(%arg12 : memref<25x512xbf16, #tpu.memory_space<vmem>>) offsets(%arg8 : memref<25xi32, #tpu.memory_space<vmem>>) semaphore(%arg19 : memref<!tpu.dma_semaphore, #tpu.memory_space<semaphore_mem>>)
    }
    %scan3A_702 = arith.constant 100 : i32
    %dma_wait3A_703 = arith.constant 199 : i32
    %dma_wait3A_704 = arith.constant 0 : i32
    %dma_wait3A_705 = tpu.memref_slice %arg6[%dma_wait3A_703, %dma_wait3A_704] : memref<600x25xi32, #tpu.memory_space<vmem>> -> memref<1x25xi32, #tpu.memory_space<vmem>>
    %dma_wait3A_706 = tpu.memref_squeeze %dma_wait3A_705 : memref<1x25xi32, #tpu.memory_space<vmem>> -> memref<25xi32, #tpu.memory_space<vmem>>
    %dma_wait3A_707 = arith.constant 0 : i32
    %dma_wait3A_708 = arith.constant 0 : i32
    %dma_wait3A_709 = tpu.memref_slice %arg2[%dma_wait3A_707, %dma_wait3A_708] : memref<10000x128xbf16, #tpu.memory_space<hbm>> -> memref<10000x128xbf16, #tpu.memory_space<hbm>>
    tpu.wait_indirect_dma semaphore(%arg16 : memref<!tpu.dma_semaphore, #tpu.memory_space<semaphore_mem>>) src(%dma_wait3A_709 : memref<10000x128xbf16, #tpu.memory_space<hbm>>) dst(%arg9 : memref<25x128xbf16, #tpu.memory_space<vmem>>)
    %dma_wait3A_710 = arith.constant 0 : i32
    %dma_wait3A_711 = arith.constant 0 : i32
    %dma_wait3A_712 = tpu.memref_slice %arg4[%dma_wait3A_710, %dma_wait3A_711] : memref<400x512xbf16, #tpu.memory_space<hbm>> -> memref<400x512xbf16, #tpu.memory_space<hbm>>
    tpu.wait_indirect_dma semaphore(%arg18 : memref<!tpu.dma_semaphore, #tpu.memory_space<semaphore_mem>>) src(%dma_wait3A_712 : memref<400x512xbf16, #tpu.memory_space<hbm>>) dst(%arg11 : memref<25x512xbf16, #tpu.memory_space<vmem>>)
    %add3A_713 = arith.constant 200 : i32
    %add3A_714 = arith.constant 198 : i32
    %add3A_715 = arith.addi %add3A_713, %add3A_714 : i32
    %dma_wait3A_716 = arith.constant 0 : i32
    %dma_wait3A_717 = tpu.memref_slice %arg6[%add3A_715, %dma_wait3A_716] : memref<600x25xi32, #tpu.memory_space<vmem>> -> memref<1x25xi32, #tpu.memory_space<vmem>>
    %dma_wait3A_718 = tpu.memref_squeeze %dma_wait3A_717 : memref<1x25xi32, #tpu.memory_space<vmem>> -> memref<25xi32, #tpu.memory_space<vmem>>
    %dma_wait3A_719 = arith.constant 0 : i32
    %dma_wait3A_720 = arith.constant 0 : i32
    %dma_wait3A_721 = tpu.memref_slice %arg15[%dma_wait3A_719, %dma_wait3A_720] : memref<10000x128xf32, #tpu.memory_space<vmem_shared>> -> memref<10000x128xf32, #tpu.memory_space<vmem_shared>>
    tpu.wait_indirect_dma semaphore(%arg20 : memref<!tpu.dma_semaphore, #tpu.memory_space<semaphore_mem>>) src(%arg13 : memref<25x128xf32, #tpu.memory_space<vmem>>) dst(%dma_wait3A_721 : memref<10000x128xf32, #tpu.memory_space<vmem_shared>>)
    %dma_wait3A_722 = arith.constant 199 : i32
    %dma_wait3A_723 = arith.constant 0 : i32
    %dma_wait3A_724 = tpu.memref_slice %arg6[%dma_wait3A_722, %dma_wait3A_723] : memref<600x25xi32, #tpu.memory_space<vmem>> -> memref<1x25xi32, #tpu.memory_space<vmem>>
    %dma_wait3A_725 = tpu.memref_squeeze %dma_wait3A_724 : memref<1x25xi32, #tpu.memory_space<vmem>> -> memref<25xi32, #tpu.memory_space<vmem>>
    %dma_wait3A_726 = arith.constant 0 : i32
    %dma_wait3A_727 = arith.constant 0 : i32
    %dma_wait3A_728 = tpu.memref_slice %arg2[%dma_wait3A_726, %dma_wait3A_727] : memref<10000x128xbf16, #tpu.memory_space<hbm>> -> memref<10000x128xbf16, #tpu.memory_space<hbm>>
    tpu.wait_indirect_dma semaphore(%arg17 : memref<!tpu.dma_semaphore, #tpu.memory_space<semaphore_mem>>) src(%dma_wait3A_728 : memref<10000x128xbf16, #tpu.memory_space<hbm>>) dst(%arg10 : memref<25x128xbf16, #tpu.memory_space<vmem>>)
    %dma_wait3A_729 = arith.constant 0 : i32
    %dma_wait3A_730 = arith.constant 0 : i32
    %dma_wait3A_731 = tpu.memref_slice %arg4[%dma_wait3A_729, %dma_wait3A_730] : memref<400x512xbf16, #tpu.memory_space<hbm>> -> memref<400x512xbf16, #tpu.memory_space<hbm>>
    tpu.wait_indirect_dma semaphore(%arg19 : memref<!tpu.dma_semaphore, #tpu.memory_space<semaphore_mem>>) src(%dma_wait3A_731 : memref<400x512xbf16, #tpu.memory_space<hbm>>) dst(%arg12 : memref<25x512xbf16, #tpu.memory_space<vmem>>)
    %add3A_732 = arith.constant 200 : i32
    %add3A_733 = arith.constant 199 : i32
    %add3A_734 = arith.addi %add3A_732, %add3A_733 : i32
    %dma_wait3A_735 = arith.constant 0 : i32
    %dma_wait3A_736 = tpu.memref_slice %arg6[%add3A_734, %dma_wait3A_735] : memref<600x25xi32, #tpu.memory_space<vmem>> -> memref<1x25xi32, #tpu.memory_space<vmem>>
    %dma_wait3A_737 = tpu.memref_squeeze %dma_wait3A_736 : memref<1x25xi32, #tpu.memory_space<vmem>> -> memref<25xi32, #tpu.memory_space<vmem>>
    %dma_wait3A_738 = arith.constant 0 : i32
    %dma_wait3A_739 = arith.constant 0 : i32
    %dma_wait3A_740 = tpu.memref_slice %arg15[%dma_wait3A_738, %dma_wait3A_739] : memref<10000x128xf32, #tpu.memory_space<vmem_shared>> -> memref<10000x128xf32, #tpu.memory_space<vmem_shared>>
    tpu.wait_indirect_dma semaphore(%arg21 : memref<!tpu.dma_semaphore, #tpu.memory_space<semaphore_mem>>) src(%arg14 : memref<25x128xf32, #tpu.memory_space<vmem>>) dst(%dma_wait3A_740 : memref<10000x128xf32, #tpu.memory_space<vmem_shared>>)
    %barrier3A_741 = arith.constant 0 : index
    tpu.barrier barrier_id(%barrier3A_741)
    "tpu.region"() ({
      %run_scoped3A = tpu.sem_alloc : memref<!tpu.dma_semaphore, #tpu.memory_space<semaphore_mem>>
      %dma_start3A_742 = arith.constant 0 : i32
      %dma_start3A_743 = tpu.memref_slice %arg5[%arg0, %mul3A_2, %dma_start3A_742] : memref<2x10000x128xf32, #tpu.memory_space<hbm>> -> memref<1x625x128xf32, #tpu.memory_space<hbm>>
      %dma_start3A_744 = tpu.memref_squeeze %dma_start3A_743 : memref<1x625x128xf32, #tpu.memory_space<hbm>> -> memref<625x128xf32, #tpu.memory_space<hbm>>
      %dma_start3A_745 = arith.constant 0 : i32
      %dma_start3A_746 = tpu.memref_slice %arg15[%mul3A_2, %dma_start3A_745] : memref<10000x128xf32, #tpu.memory_space<vmem_shared>> -> memref<625x128xf32, #tpu.memory_space<vmem_shared>>
      tpu.enqueue_dma source(%dma_start3A_746 : memref<625x128xf32, #tpu.memory_space<vmem_shared>>) target(%dma_start3A_744 : memref<625x128xf32, #tpu.memory_space<hbm>>) target_semaphore(%run_scoped3A : memref<!tpu.dma_semaphore, #tpu.memory_space<semaphore_mem>>)
      %dma_wait3A_747 = arith.constant 0 : i32
      %dma_wait3A_748 = tpu.memref_slice %arg5[%arg0, %mul3A_2, %dma_wait3A_747] : memref<2x10000x128xf32, #tpu.memory_space<hbm>> -> memref<1x625x128xf32, #tpu.memory_space<hbm>>
      %dma_wait3A_749 = tpu.memref_squeeze %dma_wait3A_748 : memref<1x625x128xf32, #tpu.memory_space<hbm>> -> memref<625x128xf32, #tpu.memory_space<hbm>>
      %dma_wait3A_750 = arith.constant 0 : i32
      %dma_wait3A_751 = tpu.memref_slice %arg15[%mul3A_2, %dma_wait3A_750] : memref<10000x128xf32, #tpu.memory_space<vmem_shared>> -> memref<625x128xf32, #tpu.memory_space<vmem_shared>>
      tpu.wait_dma2 semaphore(%run_scoped3A : memref<!tpu.dma_semaphore, #tpu.memory_space<semaphore_mem>>) src(%dma_wait3A_751 : memref<625x128xf32, #tpu.memory_space<vmem_shared>>) dst(%dma_wait3A_749 : memref<625x128xf32, #tpu.memory_space<hbm>>)
      tpu.yield
    }) : () -> ()
    return
  }
}

module attributes {stable_mosaic.version = 14 : i64} {
  func.func @_epi_body(%arg0: i32, %arg1: memref<2x2000x128xf32, #tpu.memory_space<vmem>>, %arg2: memref<2000x1xf32, #tpu.memory_space<vmem>>, %arg3: memref<2000x1xf32, #tpu.memory_space<vmem>>, %arg4: memref<2000x128xf32, #tpu.memory_space<vmem>>, %arg5: memref<2000x128xf32, #tpu.memory_space<vmem>>, %arg6: memref<128x128xf32, #tpu.memory_space<vmem>>, %arg7: memref<128x128xf32, #tpu.memory_space<vmem>>, %arg8: memref<2000x128xf32, #tpu.memory_space<vmem>>, %arg9: memref<2000x128xbf16, #tpu.memory_space<vmem>>) attributes {dimension_semantics = [#tpu.dimension_semantics<arbitrary>], iteration_bounds = array<i64: 5>, scalar_prefetch = 0 : i64, scratch_operands = 0 : i64, tpu.core_type = #tpu.core_type<tc>, window_params = [{transform_indices = @transform_0, window_bounds = array<i64: 2, 2000, 128>}, {transform_indices = @transform_1, window_bounds = array<i64: 2000, 1>}, {transform_indices = @transform_2, window_bounds = array<i64: 2000, 1>}, {transform_indices = @transform_3, window_bounds = array<i64: 2000, 128>}, {transform_indices = @transform_4, window_bounds = array<i64: 2000, 128>}, {pipeline_mode = #tpu.pipeline_mode<synchronous>, transform_indices = @transform_5, window_bounds = array<i64: 128, 128>}, {pipeline_mode = #tpu.pipeline_mode<synchronous>, transform_indices = @transform_6, window_bounds = array<i64: 128, 128>}, {transform_indices = @transform_7, window_bounds = array<i64: 2000, 128>}, {transform_indices = @transform_8, window_bounds = array<i64: 2000, 128>}]} {
    %get3A = arith.constant 0 : index
    %get3A_0 = arith.constant 0 : index
    %get3A_1 = arith.constant 0 : index
    %get3A_2 = vector.load %arg1[%get3A, %get3A_0, %get3A_1] : memref<2x2000x128xf32, #tpu.memory_space<vmem>>, vector<1x2000x128xf32>
    %get3A_3 = vector.shape_cast %get3A_2 : vector<1x2000x128xf32> to vector<2000x128xf32>
    %get3A_4 = arith.constant 1 : index
    %get3A_5 = arith.constant 0 : index
    %get3A_6 = arith.constant 0 : index
    %get3A_7 = vector.load %arg1[%get3A_4, %get3A_5, %get3A_6] : memref<2x2000x128xf32, #tpu.memory_space<vmem>>, vector<1x2000x128xf32>
    %get3A_8 = vector.shape_cast %get3A_7 : vector<1x2000x128xf32> to vector<2000x128xf32>
    %add3A = arith.addf %get3A_3, %get3A_8 : vector<2000x128xf32>
    %get3A_9 = arith.constant 0 : index
    %get3A_10 = arith.constant 0 : index
    %get3A_11 = vector.load %arg2[%get3A_9, %get3A_10] : memref<2000x1xf32, #tpu.memory_space<vmem>>, vector<2000x1xf32>
    %get3A_12 = arith.constant 0 : index
    %get3A_13 = arith.constant 0 : index
    %get3A_14 = vector.load %arg3[%get3A_12, %get3A_13] : memref<2000x1xf32, #tpu.memory_space<vmem>>, vector<2000x1xf32>
    %get3A_15 = arith.constant 0 : index
    %get3A_16 = arith.constant 0 : index
    %get3A_17 = vector.load %arg4[%get3A_15, %get3A_16] : memref<2000x128xf32, #tpu.memory_space<vmem>>, vector<2000x128xf32>
    %get3A_18 = arith.constant 0 : index
    %get3A_19 = arith.constant 0 : index
    %get3A_20 = vector.load %arg6[%get3A_18, %get3A_19] : memref<128x128xf32, #tpu.memory_space<vmem>>, vector<128x128xf32>
    %dot_general3A = arith.constant dense<0.000000e+00> : vector<2000x128xf32>
    %dot_general3A_21 = tpu.matmul %get3A_17, %get3A_20, %dot_general3A {dimension_numbers = #tpu.dot_dimension_numbers<[1], [0], [0], [1], [0, 0, 1, 1], [], []>, transpose_lhs_hint = false} : vector<2000x128xf32>, vector<128x128xf32>, vector<2000x128xf32> -> vector<2000x128xf32>
    %get3A_22 = arith.constant 0 : index
    %get3A_23 = arith.constant 0 : index
    %get3A_24 = vector.load %arg5[%get3A_22, %get3A_23] : memref<2000x128xf32, #tpu.memory_space<vmem>>, vector<2000x128xf32>
    %get3A_25 = arith.constant 0 : index
    %get3A_26 = arith.constant 0 : index
    %get3A_27 = vector.load %arg7[%get3A_25, %get3A_26] : memref<128x128xf32, #tpu.memory_space<vmem>>, vector<128x128xf32>
    %dot_general3A_28 = arith.constant dense<0.000000e+00> : vector<2000x128xf32>
    %dot_general3A_29 = tpu.matmul %get3A_24, %get3A_27, %dot_general3A_28 {dimension_numbers = #tpu.dot_dimension_numbers<[1], [0], [0], [1], [0, 0, 1, 1], [], []>, transpose_lhs_hint = false} : vector<2000x128xf32>, vector<128x128xf32>, vector<2000x128xf32> -> vector<2000x128xf32>
    %mul3A = vector.broadcast %get3A_11 : vector<2000x1xf32> to vector<2000x128xf32>
    %mul3A_30 = arith.mulf %add3A, %mul3A : vector<2000x128xf32>
    %mul3A_31 = arith.constant -1.000000e-01 : f32
    %mul3A_32 = vector.broadcast %mul3A_31 : f32 to vector<2000x1xf32>
    %mul3A_33 = arith.mulf %get3A_14, %mul3A_32 : vector<2000x1xf32>
    %exp3A = math.exp %mul3A_33 : vector<2000x1xf32>
    %mul3A_34 = vector.broadcast %exp3A : vector<2000x1xf32> to vector<2000x128xf32>
    %mul3A_35 = arith.mulf %dot_general3A_21, %mul3A_34 : vector<2000x128xf32>
    %add3A_36 = arith.addf %mul3A_30, %mul3A_35 : vector<2000x128xf32>
    %add3A_37 = arith.addf %add3A_36, %dot_general3A_29 : vector<2000x128xf32>
    %swap3A = arith.constant 0 : index
    %swap3A_38 = arith.constant 0 : index
    %swap3A_39 = vector.load %arg8[%swap3A, %swap3A_38] : memref<2000x128xf32, #tpu.memory_space<vmem>>, vector<2000x128xf32>
    tpu.vector_store %arg8[%swap3A, %swap3A_38], %add3A_37 {strides = array<i32>} : memref<2000x128xf32, #tpu.memory_space<vmem>>, vector<2000x128xf32>,
    %convert_element_type3A = arith.truncf %add3A_37 : vector<2000x128xf32> to vector<2000x128xbf16>
    %swap3A_40 = arith.constant 0 : index
    %swap3A_41 = arith.constant 0 : index
    %swap3A_42 = vector.load %arg9[%swap3A_40, %swap3A_41] : memref<2000x128xbf16, #tpu.memory_space<vmem>>, vector<2000x128xbf16>
    tpu.vector_store %arg9[%swap3A_40, %swap3A_41], %convert_element_type3A {strides = array<i32>} : memref<2000x128xbf16, #tpu.memory_space<vmem>>, vector<2000x128xbf16>,
    return
  }
  func.func @transform_0(%arg0: i32) -> (i32, i32, i32) {
    %c0_i32 = arith.constant 0 : i32
    %c0_i32_0 = arith.constant 0 : i32
    %c0_i32_1 = arith.constant 0 : i32
    return %c0_i32, %arg0, %c0_i32_0 : i32, i32, i32
  }
  func.func @transform_1(%arg0: i32) -> (i32, i32) {
    %c0_i32 = arith.constant 0 : i32
    %c0_i32_0 = arith.constant 0 : i32
    return %arg0, %c0_i32 : i32, i32
  }
  func.func @transform_2(%arg0: i32) -> (i32, i32) {
    %c0_i32 = arith.constant 0 : i32
    %c0_i32_0 = arith.constant 0 : i32
    return %arg0, %c0_i32 : i32, i32
  }
  func.func @transform_3(%arg0: i32) -> (i32, i32) {
    %c0_i32 = arith.constant 0 : i32
    %c0_i32_0 = arith.constant 0 : i32
    return %arg0, %c0_i32 : i32, i32
  }
  func.func @transform_4(%arg0: i32) -> (i32, i32) {
    %c0_i32 = arith.constant 0 : i32
    %c0_i32_0 = arith.constant 0 : i32
    return %arg0, %c0_i32 : i32, i32
  }
  func.func @transform_5(%arg0: i32) -> (i32, i32) {
    %c0_i32 = arith.constant 0 : i32
    %c0_i32_0 = arith.constant 0 : i32
    %c0_i32_1 = arith.constant 0 : i32
    return %c0_i32, %c0_i32_0 : i32, i32
  }
  func.func @transform_6(%arg0: i32) -> (i32, i32) {
    %c0_i32 = arith.constant 0 : i32
    %c0_i32_0 = arith.constant 0 : i32
    %c0_i32_1 = arith.constant 0 : i32
    return %c0_i32, %c0_i32_0 : i32, i32
  }
  func.func @transform_7(%arg0: i32) -> (i32, i32) {
    %c0_i32 = arith.constant 0 : i32
    %c0_i32_0 = arith.constant 0 : i32
    return %arg0, %c0_i32 : i32, i32
  }
  func.func @transform_8(%arg0: i32) -> (i32, i32) {
    %c0_i32 = arith.constant 0 : i32
    %c0_i32_0 = arith.constant 0 : i32
    return %arg0, %c0_i32 : i32, i32
  }
}

module attributes {stable_mosaic.version = 14 : i64} {
  func.func @_epi_body(%arg0: i32, %arg1: memref<2x2000x128xf32, #tpu.memory_space<vmem>>, %arg2: memref<2000x1xf32, #tpu.memory_space<vmem>>, %arg3: memref<2000x1xf32, #tpu.memory_space<vmem>>, %arg4: memref<2000x128xf32, #tpu.memory_space<vmem>>, %arg5: memref<2000x128xf32, #tpu.memory_space<vmem>>, %arg6: memref<128x128xf32, #tpu.memory_space<vmem>>, %arg7: memref<128x128xf32, #tpu.memory_space<vmem>>, %arg8: memref<2000x128xf32, #tpu.memory_space<vmem>>) attributes {dimension_semantics = [#tpu.dimension_semantics<arbitrary>], iteration_bounds = array<i64: 5>, scalar_prefetch = 0 : i64, scratch_operands = 0 : i64, tpu.core_type = #tpu.core_type<tc>, window_params = [{transform_indices = @transform_0, window_bounds = array<i64: 2, 2000, 128>}, {transform_indices = @transform_1, window_bounds = array<i64: 2000, 1>}, {transform_indices = @transform_2, window_bounds = array<i64: 2000, 1>}, {transform_indices = @transform_3, window_bounds = array<i64: 2000, 128>}, {transform_indices = @transform_4, window_bounds = array<i64: 2000, 128>}, {pipeline_mode = #tpu.pipeline_mode<synchronous>, transform_indices = @transform_5, window_bounds = array<i64: 128, 128>}, {pipeline_mode = #tpu.pipeline_mode<synchronous>, transform_indices = @transform_6, window_bounds = array<i64: 128, 128>}, {transform_indices = @transform_7, window_bounds = array<i64: 2000, 128>}]} {
    %get3A = arith.constant 0 : index
    %get3A_0 = arith.constant 0 : index
    %get3A_1 = arith.constant 0 : index
    %get3A_2 = vector.load %arg1[%get3A, %get3A_0, %get3A_1] : memref<2x2000x128xf32, #tpu.memory_space<vmem>>, vector<1x2000x128xf32>
    %get3A_3 = vector.shape_cast %get3A_2 : vector<1x2000x128xf32> to vector<2000x128xf32>
    %get3A_4 = arith.constant 1 : index
    %get3A_5 = arith.constant 0 : index
    %get3A_6 = arith.constant 0 : index
    %get3A_7 = vector.load %arg1[%get3A_4, %get3A_5, %get3A_6] : memref<2x2000x128xf32, #tpu.memory_space<vmem>>, vector<1x2000x128xf32>
    %get3A_8 = vector.shape_cast %get3A_7 : vector<1x2000x128xf32> to vector<2000x128xf32>
    %add3A = arith.addf %get3A_3, %get3A_8 : vector<2000x128xf32>
    %get3A_9 = arith.constant 0 : index
    %get3A_10 = arith.constant 0 : index
    %get3A_11 = vector.load %arg2[%get3A_9, %get3A_10] : memref<2000x1xf32, #tpu.memory_space<vmem>>, vector<2000x1xf32>
    %get3A_12 = arith.constant 0 : index
    %get3A_13 = arith.constant 0 : index
    %get3A_14 = vector.load %arg3[%get3A_12, %get3A_13] : memref<2000x1xf32, #tpu.memory_space<vmem>>, vector<2000x1xf32>
    %get3A_15 = arith.constant 0 : index
    %get3A_16 = arith.constant 0 : index
    %get3A_17 = vector.load %arg4[%get3A_15, %get3A_16] : memref<2000x128xf32, #tpu.memory_space<vmem>>, vector<2000x128xf32>
    %get3A_18 = arith.constant 0 : index
    %get3A_19 = arith.constant 0 : index
    %get3A_20 = vector.load %arg6[%get3A_18, %get3A_19] : memref<128x128xf32, #tpu.memory_space<vmem>>, vector<128x128xf32>
    %dot_general3A = arith.constant dense<0.000000e+00> : vector<2000x128xf32>
    %dot_general3A_21 = tpu.matmul %get3A_17, %get3A_20, %dot_general3A {dimension_numbers = #tpu.dot_dimension_numbers<[1], [0], [0], [1], [0, 0, 1, 1], [], []>, transpose_lhs_hint = false} : vector<2000x128xf32>, vector<128x128xf32>, vector<2000x128xf32> -> vector<2000x128xf32>
    %get3A_22 = arith.constant 0 : index
    %get3A_23 = arith.constant 0 : index
    %get3A_24 = vector.load %arg5[%get3A_22, %get3A_23] : memref<2000x128xf32, #tpu.memory_space<vmem>>, vector<2000x128xf32>
    %get3A_25 = arith.constant 0 : index
    %get3A_26 = arith.constant 0 : index
    %get3A_27 = vector.load %arg7[%get3A_25, %get3A_26] : memref<128x128xf32, #tpu.memory_space<vmem>>, vector<128x128xf32>
    %dot_general3A_28 = arith.constant dense<0.000000e+00> : vector<2000x128xf32>
    %dot_general3A_29 = tpu.matmul %get3A_24, %get3A_27, %dot_general3A_28 {dimension_numbers = #tpu.dot_dimension_numbers<[1], [0], [0], [1], [0, 0, 1, 1], [], []>, transpose_lhs_hint = false} : vector<2000x128xf32>, vector<128x128xf32>, vector<2000x128xf32> -> vector<2000x128xf32>
    %mul3A = vector.broadcast %get3A_11 : vector<2000x1xf32> to vector<2000x128xf32>
    %mul3A_30 = arith.mulf %add3A, %mul3A : vector<2000x128xf32>
    %mul3A_31 = arith.constant -1.000000e-01 : f32
    %mul3A_32 = vector.broadcast %mul3A_31 : f32 to vector<2000x1xf32>
    %mul3A_33 = arith.mulf %get3A_14, %mul3A_32 : vector<2000x1xf32>
    %exp3A = math.exp %mul3A_33 : vector<2000x1xf32>
    %mul3A_34 = vector.broadcast %exp3A : vector<2000x1xf32> to vector<2000x128xf32>
    %mul3A_35 = arith.mulf %dot_general3A_21, %mul3A_34 : vector<2000x128xf32>
    %add3A_36 = arith.addf %mul3A_30, %mul3A_35 : vector<2000x128xf32>
    %add3A_37 = arith.addf %add3A_36, %dot_general3A_29 : vector<2000x128xf32>
    %max3A = arith.constant 0.000000e+00 : f32
    %max3A_38 = vector.broadcast %max3A : f32 to vector<2000x128xf32>
    %max3A_39 = arith.maximumf %add3A_37, %max3A_38 : vector<2000x128xf32>
    %swap3A = arith.constant 0 : index
    %swap3A_40 = arith.constant 0 : index
    %swap3A_41 = vector.load %arg8[%swap3A, %swap3A_40] : memref<2000x128xf32, #tpu.memory_space<vmem>>, vector<2000x128xf32>
    tpu.vector_store %arg8[%swap3A, %swap3A_40], %max3A_39 {strides = array<i32>} : memref<2000x128xf32, #tpu.memory_space<vmem>>, vector<2000x128xf32>,
    return
  }
  func.func @transform_0(%arg0: i32) -> (i32, i32, i32) {
    %c0_i32 = arith.constant 0 : i32
    %c0_i32_0 = arith.constant 0 : i32
    %c0_i32_1 = arith.constant 0 : i32
    return %c0_i32, %arg0, %c0_i32_0 : i32, i32, i32
  }
  func.func @transform_1(%arg0: i32) -> (i32, i32) {
    %c0_i32 = arith.constant 0 : i32
    %c0_i32_0 = arith.constant 0 : i32
    return %arg0, %c0_i32 : i32, i32
  }
  func.func @transform_2(%arg0: i32) -> (i32, i32) {
    %c0_i32 = arith.constant 0 : i32
    %c0_i32_0 = arith.constant 0 : i32
    return %arg0, %c0_i32 : i32, i32
  }
  func.func @transform_3(%arg0: i32) -> (i32, i32) {
    %c0_i32 = arith.constant 0 : i32
    %c0_i32_0 = arith.constant 0 : i32
    return %arg0, %c0_i32 : i32, i32
  }
  func.func @transform_4(%arg0: i32) -> (i32, i32) {
    %c0_i32 = arith.constant 0 : i32
    %c0_i32_0 = arith.constant 0 : i32
    return %arg0, %c0_i32 : i32, i32
  }
  func.func @transform_5(%arg0: i32) -> (i32, i32) {
    %c0_i32 = arith.constant 0 : i32
    %c0_i32_0 = arith.constant 0 : i32
    %c0_i32_1 = arith.constant 0 : i32
    return %c0_i32, %c0_i32_0 : i32, i32
  }
  func.func @transform_6(%arg0: i32) -> (i32, i32) {
    %c0_i32 = arith.constant 0 : i32
    %c0_i32_0 = arith.constant 0 : i32
    %c0_i32_1 = arith.constant 0 : i32
    return %c0_i32, %c0_i32_0 : i32, i32
  }
  func.func @transform_7(%arg0: i32) -> (i32, i32) {
    %c0_i32 = arith.constant 0 : i32
    %c0_i32_0 = arith.constant 0 : i32
    return %arg0, %c0_i32 : i32, i32
  }
}

</mosaic_0001>

<sc_bundles>
// kernel: kernel.6.cloned.1.call-start
scs
__scs_entry_jumppad:
0x0: {  	(pc) =	sbr.rel $0x88, $3  }
0x1: {  	(tag) =	ssettag $0x0;
	lr =	simm.s32 $0x1  }
0x2: {  	[smem:$0x3F93] =	sst lr;
	_ =	strace $0xD0000000  }
0x3: {  	_ = 	snop  }
0x4: {  	_ = 	snop  }
0x5: {  	_ = 	snop  }
0x6: {  	_ = 	snop  }
0x7: {  	_ = 	snop  }
__scs_overlays_trampoline_lowered:
0x8: {  	[smem:$0x3FA2] =	sst s0  }
0x9: {  	[smem:$0x3FA3] =	sst s1  }
0xa: {  	[smem:$0x3FA4] =	sst s2  }
0xb: {  	[smem:$0x3FA5] =	sst s3  }
0xc: {  	[smem:$0x3FA6] =	sst s4  }
0xd: {  	[smem:$0x3FA7] =	sst s5  }
0xe: {  	[smem:$0x3FA8] =	sst s6  }
0xf: {  	[smem:$0x3FA9] =	sst s7  }
0x10: {  	[smem:$0x3FAA] =	sst s8  }
0x11: {  	[smem:$0x3FAB] =	sst s9;
	s0 =	simm.s32 @!p0 $0x0  }
0x12: {  	s1 =	sld [smem:$0x3F91];
	s0 =	simm.s32 @p0 $0x1  }
0x13: {  	[smem:$0x3FAC] =	sst s0;
	s0 =	simm.s32 @!p1 $0x0  }
0x14: {  	s2 =	sld [smem:$0x3F90];
	s0 =	simm.s32 @p1 $0x1  }
0x15: {  	[smem:$0x3FAD] =	sst s0;
	s0 =	simm.s32 @!p2 $0x0  }
0x16: {  	s3 =	sld [smem:$0x3FDB];
	s0 =	simm.s32 @p2 $0x1  }
0x17: {  	s4 =	simm.s32 $0x1BF5;
	[smem:$0x3FAF] =	sst s0  }
0x18: {  	s0 =	sld [smem:$0x3F92];
	_ =	swait.ge [sflag:s4], $0x0  }
0x19: {  	s7 =	sld [smem:$0x3F93]  }
0x1a: {  	s8 =	sadd.s32 $0xFFFFE003, lr  }
0x1b: {  	s9 =	sadd.s32 $0xFFFFFEF7, lr;
	s5 =	simm.s32 $0xFFFFFFFF;
	p2 =	slt.u32 s8, $0xFFFFF086  }
0x1c: {  	p1 =	slt.u32 s9, $0xF7A;
	s5 =	simm.s32 @!p2 $0x0  }
0x1d: {  	s5 =	simm.s32 @p1 $0x1;
	p0 =	seq.s32 s7, s2  }
0x1e: {  	s7 =	smul.u32 @!p0 $0xF7A, s2;
	p2 =	seq.s32 @!p0 s5, $0x0  }
0x1f: {  	s9 =	smul.u32 $0xF7A, s1;
	s8 =	simm.s32 @!p0 $0x1BF5;
	p2 =	por !p2, p0  }
0x20: {  	[sflag:s8] =	ssyncset.s32 @!p0 $0xFFFFF086;
	s6 =	sadd.s32 @!p0 s3, s7;
	s7 =	simm.s32 @!p0 $0x108  }
0x21: {  	s3 =	sadd.s32 s3, s9;
	s6 =	sadd.s32 @!p0 $0x88, s6;
	s7 =	simm.s32 @p2 $0x1082  }
0x22: {  	[simem:s7], [sflag:s8] =	dma.local @!p0 [hbm:s6], $0xF7A  }
0x23: {  	s9 =	sor.u32 $0xD0000000, s2;
	s6 =	simm.s32 $0x108;
	_ =	swait.ge @!p0 [sflag:s8], $0x0  }
0x24: {  	s3 =	sadd.s32 $0x88, s3;
	s6 =	simm.s32 @!p1 $0x1082;
	[sflag:s4] =	ssyncset.s32 $0xFFFFF086  }
0x25: {  	[simem:s6], [sflag:s4] =	dma.local [hbm:s3], $0xF7A  }
0x26: {  	[smem:$0x3F93] =	sst s1;
	(tag) =	ssettag s2;
	_ =	strace s9  }
0x27: {  	s1 =	sld [smem:$0x3FA3]  }
0x28: {  	s2 =	sld [smem:$0x3FA4]  }
0x29: {  	s4 =	sld [smem:$0x3FA6]  }
0x2a: {  	p0 =	seq.s32 s5, $0x0;
	s5 =	sld [smem:$0x3FA7]  }
0x2b: {  	s6 =	sld [smem:$0x3FA8]  }
0x2c: {  	s7 =	sld [smem:$0x3FA9]  }
0x2d: {  	s3 =	simm.s32 $0x108;
	s8 =	sld [smem:$0x3FAA]  }
0x2e: {  	s3 =	simm.s32 @!p0 $0x1082;
	s9 =	sld [smem:$0x3FAB]  }
0x2f: {  	lr =	sadd.s32 s0, s3;
	s0 =	sld [smem:$0x3FA2]  }
0x30: {  	s3 =	sld [smem:$0x3FA5]  }
0x31: {  	[smem:$0x3FAE] =	sst s10  }
0x32: {  	s10 =	sld [smem:$0x3FAC];
	_ =	sdelay $0x3  }
0x33: {  	p0 =	seq.s32 s10, $0x1;
	s10 =	sld [smem:$0x3FAE];
	_ =	sdelay $0x3  }
0x34: {  	[smem:$0x3FAE] =	sst s10  }
0x35: {  	s10 =	sld [smem:$0x3FAD];
	_ =	sdelay $0x3  }
0x36: {  	p1 =	seq.s32 s10, $0x1;
	s10 =	sld [smem:$0x3FAE];
	_ =	sdelay $0x3  }
0x37: {  	[smem:$0x3FAE] =	sst s10  }
0x38: {  	s10 =	sld [smem:$0x3FAF]  }
0x39: {  	_ = 	snop;
	(pc) =	sbr.ind lr, $3  }
0x3a: {  	_ = 	snop  }
0x3b: {  	_ = 	snop  }
0x3c: {  	p2 =	seq.s32 s10, $0x1;
	s10 =	sld [smem:$0x3FAE]  }
0x3d: {  	_ =	shalt  }
0x3e: {  	_ =	shalt  }
0x3f: {  	_ =	shalt  }
0x40: {  	_ =	shalt  }
0x41: {  	_ =	shalt  }
0x42: {  	_ =	shalt  }
0x43: {  	_ =	shalt  }
0x44: {  	_ =	shalt  }
0x45: {  	_ =	shalt  }
0x46: {  	_ =	shalt  }
0x47: {  	_ =	shalt  }
0x48: {  	_ =	shalt  }
0x49: {  	_ =	shalt  }
0x4a: {  	_ =	shalt  }
0x4b: {  	_ =	shalt  }
0x4c: {  	_ =	shalt  }
0x4d: {  	_ =	shalt  }
0x4e: {  	_ =	shalt  }
0x4f: {  	_ =	shalt  }
0x50: {  	_ =	shalt  }
0x51: {  	_ =	shalt  }
0x52: {  	_ =	shalt  }
0x53: {  	_ =	shalt  }
0x54: {  	_ =	shalt  }
0x55: {  	_ =	shalt  }
0x56: {  	_ =	shalt  }
0x57: {  	_ =	shalt  }
0x58: {  	_ =	shalt  }
0x59: {  	_ =	shalt  }
0x5a: {  	_ =	shalt  }
0x5b: {  	_ =	shalt  }
0x5c: {  	_ =	shalt  }
0x5d: {  	_ =	shalt  }
0x5e: {  	_ =	shalt  }
0x5f: {  	_ =	shalt  }
0x60: {  	_ =	shalt  }
0x61: {  	_ =	shalt  }
0x62: {  	_ =	shalt  }
0x63: {  	_ =	shalt  }
0x64: {  	_ =	shalt  }
0x65: {  	_ =	shalt  }
0x66: {  	_ =	shalt  }
0x67: {  	_ =	shalt  }
0x68: {  	_ =	shalt  }
0x69: {  	_ =	shalt  }
0x6a: {  	_ =	shalt  }
0x6b: {  	_ =	shalt  }
0x6c: {  	_ =	shalt  }
0x6d: {  	_ =	shalt  }
0x6e: {  	_ =	shalt  }
0x6f: {  	_ =	shalt  }
0x70: {  	_ =	shalt  }
0x71: {  	_ =	shalt  }
0x72: {  	_ =	shalt  }
0x73: {  	_ =	shalt  }
0x74: {  	_ =	shalt  }
0x75: {  	_ =	shalt  }
0x76: {  	_ =	shalt  }
0x77: {  	_ =	shalt  }
0x78: {  	_ =	shalt  }
0x79: {  	_ =	shalt  }
0x7a: {  	_ =	shalt  }
0x7b: {  	_ =	shalt  }
0x7c: {  	_ =	shalt  }
0x7d: {  	_ =	shalt  }
0x7e: {  	_ =	shalt  }
0x7f: {  	_ =	shalt  }
0x80: {  	_ =	shalt  }
0x81: {  	_ =	shalt  }
0x82: {  	_ =	shalt  }
0x83: {  	_ =	shalt  }
0x84: {  	_ =	shalt  }
0x85: {  	_ =	shalt  }
0x86: {  	_ =	shalt  }
0x87: {  	_ =	shalt  }
.Lfunc_end0:
.L_simem_size_0:
called_computation_lowered:
.L_overlay_start_0:
0x88: {  	s2 =	sld [smem:$0x3FD9]  }
0x89: {  	s3 =	sld [smem:$0x3FFE];
	_ =	sdelay $0x1  }
0x8a: {  	s1 =	srdreg.scid  }
0x8b: {  	s0 =	sand.u32 $0x1, s1  }
0x8c: {  	s14 =	sshll.u32 s0, $0xA;
	s2 =	sadd.s32 s3, s2  }
0x8d: {  	s2 =	sadd.s32 s2, s14  }
0x8e: {  	[smem:$0x3FBA] =	sst s2  }
0x8f: {  	_ = 	snop  }
0x90: {  	s2 =	sld [smem:$0x3FD0];
	_ =	sdelay $0x2  }
0x91: {  	s15 =	simm.s32 $0xA;
	s4 =	simm.s32 $0x10  }
0x92: {  	[smem:s4], [sflag:s15] =	dma.local [hbm:s2], $0x1  }
0x93: {  	_ =	swait.eq [sflag:s15], $0x1  }
0x94: {  	[sflag:s15] =	ssyncset.done $0x0  }
0x95: {  	s16 =	sld [smem:$0x10];
	[sflag:s15] =	ssyncadd.s32 $0xFFFFFFFF  }
0x96: {  	s17 =	sld [smem:$0x11];
	(tm) =	ssettm $0x1  }
0x97: {  	s18 =	sld [smem:$0x3FFB];
	_ =	sdelay $0x3  }
0x98: {  	_ =	strace s18  }
0x99: {  	s4 =	sld [smem:$0x3FFC];
	_ =	sdelay $0x3  }
0x9a: {  	_ =	strace s4  }
0x9b: {  	s4 =	sld [smem:$0x3FFD];
	_ =	sdelay $0x3  }
0x9c: {  	_ =	strace s4  }
0x9d: {  	_ =	strace $0x8FFFFFFF  }
0x9e: {  	s19 =	sld [smem:$0x3FDB];
	_ =	sdelay $0x1  }
0x9f: {  	s5 =	simm.s32 $_scs_section_size  }
0xa0: {  	s6 =	simm.s32 $_size__tile_overlayer_lowered;
	s7 =	simm.s32 $_tile_overlayer_lowered  }
0xa1: {  	s22 =	simm.s32 $0x1BFF;
	s21 =	sshll.u32 s7, $0x1;
	s4 =	sadd.s32 s5, s19  }
0xa2: {  	s8 =	simm.s32 $0x0;
	s20 =	sshll.u32 s6, $0x1;
	s6 =	sadd.s32 s21, s4  }
0xa3: {  	[timem:s8], [sflag:s22] =	dma.local [hbm:s6], s20  }
0xa4: {  	_ =	swait.ge [sflag:s22], s20  }
0xa5: {  	s5 =	ssub.s32 $0x0, s20;
	[sflag:s22] =	ssyncset.done $0x0  }
0xa6: {  	[sflag:s22] =	ssyncadd.s32 s5;
	_ =	sdelay $0x1  }
0xa7: {  	s23 =	simm.s32 $0x1B8B  }
0xa8: {  	_ =	swait.ge [sflag:s23], $0x1  }
0xa9: {  	[sflag:s23] =	ssyncset.done $0x0  }
0xaa: {  	s25 =	simm.s32 $0x1B8E;
	s24 =	sld [smem:$0x3FFE];
	[sflag:s23] =	ssyncadd.s32 $0xFFFFFFFF  }
0xab: {  	s26 =	simm.s32 $execute0_lowered;
	[smem:$0x3FD2] =	sst s25  }
0xac: {  	s6 =	sshll.u32 s26, $0x1;
	_ =	strace $0x80000046;
	[dreg:$0x1] =	wrdreg $0xFFFFFFFF  }
0xad: {  	s28 =	simm.s32 $_size_execute0_lowered;
	s4 =	sadd.s32 s4, s6;
	[dreg:$0x0] =	wrdreg $0x0  }
0xae: {  	s6 =	sshll.u32 s28, $0x1;
	[dreg:$0x2] =	wrdreg s4  }
0xaf: {  	[dreg:$0x3] =	wrdreg s6  }
0xb0: {  	[dreg:$0x4] =	wrdreg $0xC0  }
0xb1: {  	_ =	task [dreg:s8], $0x5FFFF  }
0xb2: {  	[dreg:$0x1] =	wrdreg $0xFFFFFFFF  }
0xb3: {  	[dreg:$0x0] =	wrdreg $0x60  }
0xb4: {  	[dreg:$0x2] =	wrdreg s17  }
0xb5: {  	[dreg:$0x3] =	wrdreg s24  }
0xb6: {  	[dreg:$0x4] =	wrdreg s16  }
0xb7: {  	[dreg:$0x5] =	wrdreg $0xA2C00  }
0xb8: {  	[dreg:$0x6] =	wrdreg $0x9  }
0xb9: {  	_ =	task.clear_ibuf [dreg:s8], $0x7FFFF;
	_ =	strace $0x90000046  }
0xba: {  	s29 =	simm.s32 $0x9;
	_ =	strace $0x80000048  }
0xbb: {  	_ =	swait.ge [sflag:s29], $0x1  }
0xbc: {  	[sflag:s29] =	ssyncadd.s32 $0xFFFFFFFF  }
0xbd: {  	_ =	strace $0x90000048  }
0xbe: {  	_ =	sfence  }
0xbf: {  	s30 =	sld [smem:$0x0];
	_ =	sdelay $0x2  }
0xc0: {  	s31 =	sshll.u32 s1, $0xD;
	s1 =	sshrl.u32 s1, $0x2  }
0xc1: {  	s3 =	sand.u32 $0x4000, s31;
	s1 =	sadd.s32 s1, s30  }
0xc2: {  	s0 =	sor.u32 s3, s0;
	s1 =	sshll.u32 s1, $0x11  }
0xc3: {  	s0 =	sor.u32 s1, s0  }
0xc4: {  	s0 =	sadd.s32 $0x8F2B, s0  }
0xc5: {  	[sflag:s0] =	ssyncadd.remote.s32 $0x1  }
0xc6: {  	_ =	sfence.sel $0xFFFF  }
0xc7: {  	[dreg:$0x0] =	wrdreg $0xFFFFFFFF;
	(pc) =	sbr.abs _section_cstart, $3  }
0xc8: {  	[dreg:$0x1] =	wrdreg $0xFFFFFFFF  }
0xc9: {  	_ =	task.clear_ibuf [dreg:s8], $0x2FFFF;
	_ =	strace $0x9FFFFFFF  }
0xca: {  	(tm) =	ssettm $0x7FFFFFFF  }
0xcb: {  	_ =	shalt  }
tec
execute0_lowered:
.L_overlay_start_1:
0x0: {  	(tag) =	ssettag $0x1  }
0x1: {  	s2 =	srdreg.scid;
	s9 =	stileid.u32  }
0x2: {  	s0 =	rddreg [dreg:$0x0];
	s2 =	sand.u32 $0x1, s2;
	s7 =	smul.u32 $0x13880, s9  }
0x3: {  	s1 =	rddreg [dreg:$0x1];
	s6 =	sshll.u32 s2, $0x4;
	s8 =	smul.u32 $0x138800, s2  }
0x4: {  	s3 =	rddreg [dreg:$0x2];
	s6 =	sor.u32 s9, s6;
	s9 =	smul.u32 $0x4E200, s9  }
0x5: {  	s4 =	rddreg [dreg:$0x3];
	s6 =	smul.u32 $0x960, s6  }
0x6: {  	s5 =	simm.s32 $0x0;
	s8 =	sadd.s32 s7, s8;
	s28 =	sshrl.u32 s9, $0x2  }
0x7: {  	s10 =	sadd.s32 s6, s1;
	s6 =	sadd.s32 s7, s4;
	s7 =	sadd.s32 s28, s4  }
0x8: {  	[smem:$0x7FF] =	sst s5;
	s25 =	sshrl.u32 s8, $0x3;
	s8 =	sadd.s32 $0xC80, s7  }
0x9: {  	_ =	strace $0x80000047;
	s29 =	sadd.s32 $0x1900, s7;
	[dreg:$0x5] =	wrdreg s8  }
0xa: {  	s30 =	sadd.s32 $0x2580, s7;
	[dreg:$0x6] =	wrdreg s29  }
0xb: {  	s31 =	sadd.s32 $0x3200, s7;
	[dreg:$0x7] =	wrdreg s30  }
0xc: {  	s9 =	sadd.s32 $0x3E80, s7;
	[dreg:$0x8] =	wrdreg s31  }
0xd: {  	s11 =	sadd.s32 $0x4B00, s7;
	[dreg:$0x9] =	wrdreg s9  }
0xe: {  	s12 =	sadd.s32 $0x5780, s7;
	[dreg:$0xa] =	wrdreg s11  }
0xf: {  	s13 =	sadd.s32 $0x6400, s7;
	[dreg:$0xb] =	wrdreg s12  }
0x10: {  	s14 =	sadd.s32 $0x7080, s7;
	[dreg:$0xc] =	wrdreg s13  }
0x11: {  	s15 =	sadd.s32 $0x7D00, s7;
	[dreg:$0xd] =	wrdreg s14  }
0x12: {  	s16 =	sadd.s32 $0x8980, s7;
	[dreg:$0xe] =	wrdreg s15  }
0x13: {  	s17 =	sadd.s32 $0x9600, s7;
	[dreg:$0xf] =	wrdreg s16  }
0x14: {  	s18 =	sadd.s32 $0xA280, s7;
	[dreg:$0x10] =	wrdreg s17  }
0x15: {  	s19 =	sadd.s32 $0xAF00, s7;
	[dreg:$0x11] =	wrdreg s18  }
0x16: {  	s20 =	sadd.s32 $0xBB80, s7;
	[dreg:$0x12] =	wrdreg s19  }
0x17: {  	s21 =	sadd.s32 $0xC800, s7;
	[dreg:$0x13] =	wrdreg s20  }
0x18: {  	s22 =	sadd.s32 $0xD480, s7;
	[dreg:$0x14] =	wrdreg s21  }
0x19: {  	s2 =	ssub.s32 $0x2, s2;
	s23 =	sadd.s32 $0xE100, s7;
	[dreg:$0x15] =	wrdreg s22  }
0x1a: {  	s26 =	sshrl.u32 s2, $0x1;
	s24 =	sadd.s32 $0xED80, s7;
	[dreg:$0x16] =	wrdreg s23  }
0x1b: {  	s1 =	sadd.s32 s25, s1;
	s25 =	sadd.s32 $0xFA00, s7;
	[dreg:$0x17] =	wrdreg s24  }
0x1c: {  	s2 =	ssub.s32 s2, s26;
	s26 =	sadd.s32 $0x10680, s7;
	[dreg:$0x18] =	wrdreg s25  }
0x1d: {  	s28 =	sadd.s32 $0x11300, s7;
	s1 =	sadd.s32 $0x15600, s1;
	[dreg:$0x19] =	wrdreg s26  }
0x1e: {  	[dreg:$0x1a] =	wrdreg s28;
	s29 =	sadd.s32 $0x11F80, s7;
	s7 =	sadd.s32 $0x12C00, s7  }
0x1f: {  	s30 =	sadd.s32 $0x2A00, s10;
	[dreg:$0x1e] =	wrdreg s1;
	s31 =	smax.u32 s2, $0x1  }
0x20: {  	s8 =	simm.s32 $0x89C0;
	s9 =	simm.s32 $0x5;
	s10 =	simm.s32 $0x7  }
0x21: {  	s11 =	simm.s32 $0x19;
	s12 =	simm.s32 $0x4B40;
	s13 =	simm.s32 $0x4B00  }
0x22: {  	v0 =	vlaneseq.u32;
	s14 =	simm.s32 $0x57C0;
	s15 =	simm.s32 $0x5180;
	s16 =	simm.s32 $0x4B20  }
0x23: {  	v0 =	vshrl.u32 v0, $0x2;
	s17 =	simm.s32 $0x70C0;
	s18 =	simm.s32 $0x1;
	[dreg:$0x1b] =	wrdreg s29  }
0x24: {  	v0 =	vmul.u32 $0x2, v0;
	s19 =	simm.s32 $0x3;
	s20 =	simm.s32 $0x2;
	[dreg:$0x1c] =	wrdreg s7  }
0x25: {  	v1 =	vimm.f32 $0.0e+00;
	s21 =	simm.s32 $0x4;
	s22 =	simm.s32 $0x9640;
	[dreg:$0x1d] =	wrdreg s30  }
0x26: {  	v2 =	vor.u32 $0x8, v0;
	v3 =	vor.u32 $0x1, v0;
	v4 =	vor.u32 $0x9, v0;
	s24 =	simm.s32 $0x0;
	s25 =	simm.s32 $0x0;
	[dreg:$0x1f] =	wrdreg s31  }
.LBB2_1:
0x27: {  	s1 =	simm.s32 $0x0;
	s2 =	simm.s32 $0x200  }
.LBB2_2:
0x28: {  	p0 =	sne.s32 s2, $0x3000;
	[tilespmem:s1+$0x8A30] =	vst v1  }
0x29: {  	[tilespmem:s1+$0x89C0] =	vst v1  }
0x2a: {  	[tilespmem:s1+$0x89D0] =	vst v1  }
.Ltmp0:
0x2b: {  	[tilespmem:s1+$0x89E0] =	vst v1;
	(pc) =	sbr.rel @p0 .LBB2_2-.Ltmp0, $4  }
0x2c: {  	[tilespmem:s1+$0x89F0] =	vst v1  }
0x2d: {  	[tilespmem:s1+$0x8A00] =	vst v1  }
0x2e: {  	[tilespmem:s1+$0x8A10] =	vst v1  }
0x2f: {  	[tilespmem:s1+$0x8A20] =	vst v1;
	s1 =	sshra.s32 s2, $0x2;
	s2 =	sadd.s32 $0x200, s2  }
0x30: {  	[tilespmem:s1+$0x8A30] =	vst v1  }
0x31: {  	[tilespmem:s1+$0x89C0] =	vst v1  }
0x32: {  	[tilespmem:s1+$0x89D0] =	vst v1  }
0x33: {  	[tilespmem:s1+$0x89E0] =	vst v1  }
0x34: {  	[tilespmem:s1+$0x89F0] =	vst v1  }
0x35: {  	[tilespmem:s1+$0x8A00] =	vst v1  }
0x36: {  	[tilespmem:s1+$0x8A10] =	vst v1  }
0x37: {  	[tilespmem:s1+$0x8A20] =	vst v1  }
0x38: {  	[spmem:s6] =	stream.linear.scatter [tilespmem:s8], [sflag:$0x5], $0xC80, $0x38;
	[tilespmem:$0x1DB40] =	vst v63  }
0x39: {  	s30 =	rddreg [dreg:$0x5]  }
0x3a: {  	[spmem:s30] =	stream.linear.scatter [tilespmem:s8], [sflag:$0x5], $0xC80, $0x38;
	[tilespmem:$0x1DB40] =	vst v63  }
0x3b: {  	s31 =	rddreg [dreg:$0x6]  }
0x3c: {  	[spmem:s31] =	stream.linear.scatter [tilespmem:s8], [sflag:$0x5], $0xC80, $0x38;
	[tilespmem:$0x1DB40] =	vst v63  }
0x3d: {  	s2 =	rddreg [dreg:$0x7]  }
0x3e: {  	[spmem:s2] =	stream.linear.scatter [tilespmem:s8], [sflag:$0x5], $0xC80, $0x38;
	[tilespmem:$0x1DB40] =	vst v63  }
0x3f: {  	s7 =	rddreg [dreg:$0x8]  }
0x40: {  	[spmem:s7] =	stream.linear.scatter [tilespmem:s8], [sflag:$0x5], $0xC80, $0x38;
	[tilespmem:$0x1DB40] =	vst v63  }
0x41: {  	s23 =	rddreg [dreg:$0x9]  }
0x42: {  	[spmem:s23] =	stream.linear.scatter [tilespmem:s8], [sflag:$0x5], $0xC80, $0x38;
	[tilespmem:$0x1DB40] =	vst v63  }
0x43: {  	s26 =	rddreg [dreg:$0xa]  }
0x44: {  	[spmem:s26] =	stream.linear.scatter [tilespmem:s8], [sflag:$0x5], $0xC80, $0x38;
	[tilespmem:$0x1DB40] =	vst v63  }
0x45: {  	s28 =	rddreg [dreg:$0xb]  }
0x46: {  	[spmem:s28] =	stream.linear.scatter [tilespmem:s8], [sflag:$0x5], $0xC80, $0x38;
	[tilespmem:$0x1DB40] =	vst v63  }
0x47: {  	s29 =	rddreg [dreg:$0xc]  }
0x48: {  	[spmem:s29] =	stream.linear.scatter [tilespmem:s8], [sflag:$0x5], $0xC80, $0x38;
	[tilespmem:$0x1DB40] =	vst v63  }
0x49: {  	s30 =	rddreg [dreg:$0xd]  }
0x4a: {  	[spmem:s30] =	stream.linear.scatter [tilespmem:s8], [sflag:$0x5], $0xC80, $0x38;
	[tilespmem:$0x1DB40] =	vst v63  }
0x4b: {  	s31 =	rddreg [dreg:$0xe]  }
0x4c: {  	[spmem:s31] =	stream.linear.scatter [tilespmem:s8], [sflag:$0x5], $0xC80, $0x38;
	[tilespmem:$0x1DB40] =	vst v63  }
0x4d: {  	s2 =	rddreg [dreg:$0xf]  }
0x4e: {  	[spmem:s2] =	stream.linear.scatter [tilespmem:s8], [sflag:$0x5], $0xC80, $0x38;
	[tilespmem:$0x1DB40] =	vst v63  }
0x4f: {  	s7 =	rddreg [dreg:$0x10]  }
0x50: {  	[spmem:s7] =	stream.linear.scatter [tilespmem:s8], [sflag:$0x5], $0xC80, $0x38;
	[tilespmem:$0x1DB40] =	vst v63  }
0x51: {  	s23 =	rddreg [dreg:$0x11]  }
0x52: {  	[spmem:s23] =	stream.linear.scatter [tilespmem:s8], [sflag:$0x5], $0xC80, $0x38;
	[tilespmem:$0x1DB40] =	vst v63  }
0x53: {  	s26 =	rddreg [dreg:$0x12]  }
0x54: {  	[spmem:s26] =	stream.linear.scatter [tilespmem:s8], [sflag:$0x5], $0xC80, $0x38;
	[tilespmem:$0x1DB40] =	vst v63  }
0x55: {  	s28 =	rddreg [dreg:$0x13]  }
0x56: {  	[spmem:s28] =	stream.linear.scatter [tilespmem:s8], [sflag:$0x5], $0xC80, $0x38;
	[tilespmem:$0x1DB40] =	vst v63  }
0x57: {  	s29 =	rddreg [dreg:$0x14]  }
0x58: {  	[spmem:s29] =	stream.linear.scatter [tilespmem:s8], [sflag:$0x5], $0xC80, $0x38;
	[tilespmem:$0x1DB40] =	vst v63  }
0x59: {  	s30 =	rddreg [dreg:$0x15]  }
0x5a: {  	[spmem:s30] =	stream.linear.scatter [tilespmem:s8], [sflag:$0x5], $0xC80, $0x38;
	[tilespmem:$0x1DB40] =	vst v63  }
0x5b: {  	s31 =	rddreg [dreg:$0x16]  }
0x5c: {  	[spmem:s31] =	stream.linear.scatter [tilespmem:s8], [sflag:$0x5], $0xC80, $0x38;
	[tilespmem:$0x1DB40] =	vst v63  }
0x5d: {  	s2 =	rddreg [dreg:$0x17]  }
0x5e: {  	[spmem:s2] =	stream.linear.scatter [tilespmem:s8], [sflag:$0x5], $0xC80, $0x38;
	[tilespmem:$0x1DB40] =	vst v63  }
0x5f: {  	s7 =	rddreg [dreg:$0x18]  }
0x60: {  	[spmem:s7] =	stream.linear.scatter [tilespmem:s8], [sflag:$0x5], $0xC80, $0x38;
	[tilespmem:$0x1DB40] =	vst v63  }
0x61: {  	s23 =	rddreg [dreg:$0x19]  }
0x62: {  	[spmem:s23] =	stream.linear.scatter [tilespmem:s8], [sflag:$0x5], $0xC80, $0x38;
	[tilespmem:$0x1DB40] =	vst v63  }
0x63: {  	s26 =	rddreg [dreg:$0x1a]  }
0x64: {  	[spmem:s26] =	stream.linear.scatter [tilespmem:s8], [sflag:$0x5], $0xC80, $0x38;
	[tilespmem:$0x1DB40] =	vst v63  }
0x65: {  	s28 =	rddreg [dreg:$0x1b]  }
0x66: {  	[spmem:s28] =	stream.linear.scatter [tilespmem:s8], [sflag:$0x5], $0xC80, $0x38;
	[tilespmem:$0x1DB40] =	vst v63  }
0x67: {  	s29 =	rddreg [dreg:$0x1c]  }
0x68: {  	[spmem:s29] =	stream.linear.scatter [tilespmem:s8], [sflag:$0x5], $0xC80, $0x38;
	[tilespmem:$0x1DB40] =	vst v63  }
0x69: {  	_ =	swait.ge [sflag:s9], $0xC80  }
0x6a: {  	[sflag:s9] =	ssyncset.done $0x0  }
0x6b: {  	[sflag:s9] =	ssyncadd.s32 $0xFFFFF380  }
0x6c: {  	_ =	swait.ge [sflag:s9], $0xC80  }
0x6d: {  	[sflag:s9] =	ssyncset.done $0x0  }
0x6e: {  	[sflag:s9] =	ssyncadd.s32 $0xFFFFF380  }
0x6f: {  	_ =	swait.ge [sflag:s9], $0xC80  }
0x70: {  	[sflag:s9] =	ssyncset.done $0x0  }
0x71: {  	[sflag:s9] =	ssyncadd.s32 $0xFFFFF380  }
0x72: {  	_ =	swait.ge [sflag:s9], $0xC80  }
0x73: {  	[sflag:s9] =	ssyncset.done $0x0  }
0x74: {  	[sflag:s9] =	ssyncadd.s32 $0xFFFFF380  }
0x75: {  	_ =	swait.ge [sflag:s9], $0xC80  }
0x76: {  	[sflag:s9] =	ssyncset.done $0x0  }
0x77: {  	[sflag:s9] =	ssyncadd.s32 $0xFFFFF380  }
0x78: {  	_ =	swait.ge [sflag:s9], $0xC80  }
0x79: {  	[sflag:s9] =	ssyncset.done $0x0  }
0x7a: {  	[sflag:s9] =	ssyncadd.s32 $0xFFFFF380  }
0x7b: {  	_ =	swait.ge [sflag:s9], $0xC80  }
0x7c: {  	[sflag:s9] =	ssyncset.done $0x0  }
0x7d: {  	[sflag:s9] =	ssyncadd.s32 $0xFFFFF380  }
0x7e: {  	_ =	swait.ge [sflag:s9], $0xC80  }
0x7f: {  	[sflag:s9] =	ssyncset.done $0x0  }
0x80: {  	[sflag:s9] =	ssyncadd.s32 $0xFFFFF380  }
0x81: {  	_ =	swait.ge [sflag:s9], $0xC80  }
0x82: {  	[sflag:s9] =	ssyncset.done $0x0  }
0x83: {  	[sflag:s9] =	ssyncadd.s32 $0xFFFFF380  }
0x84: {  	_ =	swait.ge [sflag:s9], $0xC80  }
0x85: {  	[sflag:s9] =	ssyncset.done $0x0  }
0x86: {  	[sflag:s9] =	ssyncadd.s32 $0xFFFFF380  }
0x87: {  	_ =	swait.ge [sflag:s9], $0xC80  }
0x88: {  	[sflag:s9] =	ssyncset.done $0x0  }
0x89: {  	[sflag:s9] =	ssyncadd.s32 $0xFFFFF380  }
0x8a: {  	_ =	swait.ge [sflag:s9], $0xC80  }
0x8b: {  	[sflag:s9] =	ssyncset.done $0x0  }
0x8c: {  	[sflag:s9] =	ssyncadd.s32 $0xFFFFF380  }
0x8d: {  	_ =	swait.ge [sflag:s9], $0xC80  }
0x8e: {  	[sflag:s9] =	ssyncset.done $0x0  }
0x8f: {  	[sflag:s9] =	ssyncadd.s32 $0xFFFFF380  }
0x90: {  	_ =	swait.ge [sflag:s9], $0xC80  }
0x91: {  	[sflag:s9] =	ssyncset.done $0x0  }
0x92: {  	[sflag:s9] =	ssyncadd.s32 $0xFFFFF380  }
0x93: {  	_ =	swait.ge [sflag:s9], $0xC80  }
0x94: {  	[sflag:s9] =	ssyncset.done $0x0  }
0x95: {  	[sflag:s9] =	ssyncadd.s32 $0xFFFFF380  }
0x96: {  	_ =	swait.ge [sflag:s9], $0xC80  }
0x97: {  	[sflag:s9] =	ssyncset.done $0x0  }
0x98: {  	[sflag:s9] =	ssyncadd.s32 $0xFFFFF380  }
0x99: {  	_ =	swait.ge [sflag:s9], $0xC80  }
0x9a: {  	[sflag:s9] =	ssyncset.done $0x0  }
0x9b: {  	[sflag:s9] =	ssyncadd.s32 $0xFFFFF380  }
0x9c: {  	_ =	swait.ge [sflag:s9], $0xC80  }
0x9d: {  	[sflag:s9] =	ssyncset.done $0x0  }
0x9e: {  	[sflag:s9] =	ssyncadd.s32 $0xFFFFF380  }
0x9f: {  	_ =	swait.ge [sflag:s9], $0xC80  }
0xa0: {  	[sflag:s9] =	ssyncset.done $0x0  }
0xa1: {  	[sflag:s9] =	ssyncadd.s32 $0xFFFFF380  }
0xa2: {  	_ =	swait.ge [sflag:s9], $0xC80  }
0xa3: {  	[sflag:s9] =	ssyncset.done $0x0  }
0xa4: {  	[sflag:s9] =	ssyncadd.s32 $0xFFFFF380  }
0xa5: {  	_ =	swait.ge [sflag:s9], $0xC80  }
0xa6: {  	[sflag:s9] =	ssyncset.done $0x0  }
0xa7: {  	[sflag:s9] =	ssyncadd.s32 $0xFFFFF380  }
0xa8: {  	_ =	swait.ge [sflag:s9], $0xC80  }
0xa9: {  	[sflag:s9] =	ssyncset.done $0x0  }
0xaa: {  	[sflag:s9] =	ssyncadd.s32 $0xFFFFF380  }
0xab: {  	_ =	swait.ge [sflag:s9], $0xC80  }
0xac: {  	[sflag:s9] =	ssyncset.done $0x0  }
0xad: {  	[sflag:s9] =	ssyncadd.s32 $0xFFFFF380  }
0xae: {  	_ =	swait.ge [sflag:s9], $0xC80  }
0xaf: {  	[sflag:s9] =	ssyncset.done $0x0  }
0xb0: {  	[sflag:s9] =	ssyncadd.s32 $0xFFFFF380  }
0xb1: {  	_ =	swait.ge [sflag:s9], $0xC80  }
0xb2: {  	[sflag:s9] =	ssyncset.done $0x0  }
0xb3: {  	s30 =	rddreg [dreg:$0x1d];
	[sflag:s9] =	ssyncadd.s32 $0xFFFFF380  }
0xb4: {  	[tilespmem:s25], [sflag:$0x7] =	stream.linear.gather [hbm4b:s30+s25], $0x4B00, $0x38;
	[tilespmem:$0x1DB40] =	vst v63  }
0xb5: {  	_ =	swait.ge [sflag:s10], $0x4B00  }
0xb6: {  	[sflag:s10] =	ssyncset.done $0x0  }
0xb7: {  	[sflag:s10] =	ssyncadd.s32 $0xFFFFB500  }
0xb8: {  	[bflag:$0x0] =	sbarrier.arrive $0xFFFF  }
0xb9: {  	v5 =	vld [tilespmem:$0x3200]  }
0xba: {  	v6 =	vld [tilespmem:$0x3209];
	_ =	sdelay $0x3  }
0xbb: {  	v5 =	vand.u32 $0x7FF, v5  }
0xbc: {  	[tilespmem:$0x4B00] =	vst v5;
	v5 =	vand.u32 $0x7FF, v6  }
0xbd: {  	[tilespmem:$0x4B09] =	vst v5  }
0xbe: {  	[tilespmem:s12], [sflag:$0x1] =	stream.indirect.gather [hbm4b:s0+s11], $0x40, s25, s11, $0xb8;
	[tilespmem:$0x1DB40] =	vst v63  }
0xbf: {  	_ = 	snop  }
0xc0: {  	[tilespmem:s14], [sflag:$0x3] =	stream.indirect.gather [hbm4b:s3+s11], $0x100, s13, s11, $0xb8;
	[tilespmem:$0x1DB40] =	vst v63  }
0xc1: {  	v5 =	vld [tilespmem:$0x3220]  }
0xc2: {  	v6 =	vld [tilespmem:$0x3229];
	_ =	sdelay $0x3  }
0xc3: {  	v5 =	vand.u32 $0x7FF, v5  }
0xc4: {  	[tilespmem:$0x4B20] =	vst v5;
	v5 =	vand.u32 $0x7FF, v6  }
0xc5: {  	s31 =	simm.s32 $0x20;
	[tilespmem:$0x4B29] =	vst v5  }
0xc6: {  	[tilespmem:s15], [sflag:$0x2] =	stream.indirect.gather [hbm4b:s0+s11], $0x40, s31, s11, $0xb8;
	[tilespmem:$0x1DB40] =	vst v63  }
0xc7: {  	s26 =	simm.s32 $0x0  }
0xc8: {  	[tilespmem:s17], [sflag:$0x4] =	stream.indirect.gather [hbm4b:s3+s11], $0x100, s16, s11, $0xb8;
	[tilespmem:$0x1DB40] =	vst v63  }
.LBB2_4:
0xc9: {  	_ =	swait.ge [sflag:s18], $0x640  }
0xca: {  	[sflag:s18] =	ssyncset.done $0x0  }
0xcb: {  	[sflag:s18] =	ssyncadd.s32 $0xFFFFF9C0  }
0xcc: {  	_ =	swait.ge [sflag:s19], $0x1900  }
0xcd: {  	p0 =	seq.s32 s26, $0x0;
	[sflag:s19] =	ssyncset.done $0x0  }
0xce: {  	s1 =	simm.s32 @!p0 $0x5;
	[sflag:s19] =	ssyncadd.s32 $0xFFFFE700  }
0xcf: {  	_ =	swait.ge @!p0 [sflag:s1], $0xC80  }
0xd0: {  	[sflag:s1] =	ssyncset.done @!p0 $0x0  }
0xd1: {  	s30 =	simm.s32 $0x4B60;
	[sflag:s1] =	ssyncadd.s32 @!p0 $0xFFFFF380  }
0xd2: {  	s28 =	sshll.u32 s26, $0x1;
	s31 =	simm.s32 $0x5840;
	v6 =	vld [tilespmem:s30+$0xFFFFFFE0]  }
0xd3: {  	s29 =	sshll.u32 s28, $0x5;
	v7 =	vld [tilespmem:s31+$0xFFFFFF80]  }
0xd4: {  	v8 =	vmov s25;
	s23 =	sadd.s32 $0x3200, s29;
	v9 =	vld [tilespmem:s31+$0xFFFFFFC0]  }
0xd5: {  	v8 =	vand.u32 $0x1F, v8;
	v5 =	vmov s23;
	v10 =	vld [tilespmem:s31+$0x0]  }
0xd6: {  	v8 =	vor.u32 v5, v8  }
0xd7: {  	v8 =	vbroadcast v8, $0x0;
	v11 =	vunpack.i.l.bf16.f32 v6  }
0xd8: {  	v6 =	vunpack.i.u.bf16.f32 v6;
	v14 =	vunpack.i.l.bf16.f32 v7;
	v12 =	vperm.xlane v11, v0  }
0xd9: {  	v16 =	vunpack.i.l.bf16.f32 v9;
	v15 =	vperm.xlane v6, v0;
	v18 =	vperm.xlane v11, v4  }
0xda: {  	v17 =	vld [tilespmem:s31+$0x40];
	v19 =	vunpack.i.l.bf16.f32 v10;
	v56 =	vperm.xlane v6, v2;
	v12 =	vmul.f32 v12, v14  }
0xdb: {  	v9 =	vunpack.i.u.bf16.f32 v9;
	v14 =	vperm.xlane v11, v3;
	v11 =	vperm.xlane v11, v2  }
0xdc: {  	v7 =	vunpack.i.u.bf16.f32 v7;
	v13 =	vperm.xlane v6, v3;
	v15 =	vmul.f32 v15, v16  }
0xdd: {  	v10 =	vunpack.i.u.bf16.f32 v10;
	v9 =	vmul.f32 v56, v9;
	v7 =	vmul.f32 v11, v7  }
0xde: {  	v8 =	vld.idx.msk [tilespmem:v8+s5+$0x0], $0xffff;
	v6 =	vperm.xlane v6, v4;
	v14 =	vmul.f32 v14, v19;
	v11 =	vadd.f32 v15, v12  }
0xdf: {  	v10 =	vmul.f32 v18, v10;
	v12 =	vunpack.i.l.bf16.f32 v17;
	v7 =	vadd.f32 v9, v7  }
0xe0: {  	v12 =	vmul.f32 v13, v12;
	v9 =	vunpack.i.u.bf16.f32 v17;
	v11 =	vadd.f32 v14, v11  }
0xe1: {  	v9 =	vmul.f32 v6, v9;
	v7 =	vadd.f32 v10, v7  }
0xe2: {  	v10 =	vadd.f32 v12, v11  }
0xe3: {  	v6 =	vand.u32 $0xFFFFF800, v8;
	v7 =	vadd.f32 v9, v7  }
0xe4: {  	v8 =	vmul.f32 v6, v10  }
0xe5: {  	s1 =	simm.s32 $0x8A00;
	v7 =	vmul.f32 v6, v7  }
0xe6: {  	[tilespmem:s1+$0xFFFFFFC0] =	vst v8  }
0xe7: {  	[tilespmem:s1+$0xFFFFFFD0] =	vst v7  }
0xe8: {  	v7 =	vld [tilespmem:s30+$0xFFFFFFF0];
	_ =	sdelay $0x1  }
0xe9: {  	v8 =	vld [tilespmem:s31+$0xFFFFFF90];
	_ =	sdelay $0x1  }
0xea: {  	v9 =	vld [tilespmem:s31+$0xFFFFFFD0]  }
0xeb: {  	v10 =	vld [tilespmem:s31+$0x10];
	v11 =	vunpack.i.l.bf16.f32 v7  }
0xec: {  	v7 =	vunpack.i.u.bf16.f32 v7;
	v12 =	vperm.xlane v11, v0;
	v13 =	vperm.xlane v11, v2  }
0xed: {  	v14 =	vunpack.i.l.bf16.f32 v8;
	v15 =	vperm.xlane v7, v0;
	v57 =	vperm.xlane v7, v2  }
0xee: {  	v59 =	vld [tilespmem:s31+$0x50];
	v8 =	vunpack.i.u.bf16.f32 v8;
	v58 =	vperm.xlane v11, v3;
	v11 =	vperm.xlane v11, v4  }
0xef: {  	v12 =	vmul.f32 v12, v14;
	v14 =	vunpack.i.u.bf16.f32 v9;
	v9 =	vunpack.i.l.bf16.f32 v9  }
0xf0: {  	v60 =	vunpack.i.l.bf16.f32 v10;
	v8 =	vmul.f32 v13, v8;
	v9 =	vmul.f32 v15, v9  }
0xf1: {  	v10 =	vunpack.i.u.bf16.f32 v10;
	v13 =	vmul.f32 v58, v60;
	v14 =	vmul.f32 v57, v14  }
0xf2: {  	v10 =	vmul.f32 v11, v10;
	v9 =	vadd.f32 v9, v12;
	v12 =	vperm.xlane v7, v3  }
0xf3: {  	v11 =	vunpack.i.l.bf16.f32 v59;
	v8 =	vadd.f32 v14, v8;
	v7 =	vperm.xlane v7, v4  }
0xf4: {  	v9 =	vadd.f32 v13, v9;
	v13 =	vunpack.i.u.bf16.f32 v59;
	v11 =	vmul.f32 v12, v11  }
0xf5: {  	v8 =	vadd.f32 v10, v8;
	v7 =	vmul.f32 v7, v13  }
0xf6: {  	v9 =	vadd.f32 v11, v9  }
0xf7: {  	v7 =	vadd.f32 v7, v8  }
0xf8: {  	v8 =	vmul.f32 v6, v9  }
0xf9: {  	v7 =	vmul.f32 v6, v7  }
0xfa: {  	[tilespmem:s1+$0xFFFFFFE0] =	vst v8  }
0xfb: {  	[tilespmem:s1+$0xFFFFFFF0] =	vst v7  }
0xfc: {  	v7 =	vld [tilespmem:s30+$0x0];
	_ =	sdelay $0x1  }
0xfd: {  	v8 =	vld [tilespmem:s31+$0xFFFFFFA0]  }
0xfe: {  	v9 =	vld [tilespmem:s31+$0xFFFFFFE0];
	_ =	sdelay $0x1  }
0xff: {  	v10 =	vunpack.i.l.bf16.f32 v7  }
0x100: {  	v11 =	vld [tilespmem:s31+$0x20];
	v7 =	vunpack.i.u.bf16.f32 v7;
	v12 =	vperm.xlane v10, v0;
	v13 =	vperm.xlane v10, v2  }
0x101: {  	v14 =	vunpack.i.l.bf16.f32 v8;
	v15 =	vperm.xlane v7, v0;
	v61 =	vperm.xlane v7, v3  }
0x102: {  	v62 =	vld [tilespmem:s31+$0x60];
	v63 =	vperm.xlane v10, v3;
	v12 =	vmul.f32 v12, v14;
	v14 =	vunpack.i.l.bf16.f32 v9  }
0x103: {  	v8 =	vunpack.i.u.bf16.f32 v8;
	v14 =	vmul.f32 v15, v14;
	v15 =	vperm.xlane v7, v2  }
0x104: {  	v10 =	vperm.xlane v10, v4;
	v9 =	vunpack.i.u.bf16.f32 v9;
	v8 =	vmul.f32 v13, v8  }
0x105: {  	v13 =	vunpack.i.l.bf16.f32 v11;
	v11 =	vunpack.i.u.bf16.f32 v11;
	v9 =	vmul.f32 v15, v9  }
0x106: {  	v13 =	vmul.f32 v63, v13;
	v10 =	vmul.f32 v10, v11;
	v12 =	vadd.f32 v14, v12  }
0x107: {  	v11 =	vunpack.i.l.bf16.f32 v62;
	v7 =	vperm.xlane v7, v4;
	v8 =	vadd.f32 v9, v8  }
0x108: {  	v11 =	vmul.f32 v61, v11;
	v9 =	vadd.f32 v13, v12;
	v12 =	vunpack.i.u.bf16.f32 v62  }
0x109: {  	v7 =	vmul.f32 v7, v12;
	v8 =	vadd.f32 v10, v8  }
0x10a: {  	v9 =	vadd.f32 v11, v9  }
0x10b: {  	v7 =	vadd.f32 v7, v8  }
0x10c: {  	v8 =	vmul.f32 v6, v9  }
0x10d: {  	v7 =	vmul.f32 v6, v7  }
0x10e: {  	[tilespmem:s1+$0x0] =	vst v8  }
0x10f: {  	[tilespmem:s1+$0x10] =	vst v7  }
0x110: {  	v12 =	vld [tilespmem:s30+$0x10]  }
0x111: {  	v11 =	vld [tilespmem:s31+$0xFFFFFFF0]  }
0x112: {  	v10 =	vld [tilespmem:s31+$0xFFFFFFB0];
	_ =	sdelay $0x1  }
0x113: {  	v9 =	vld [tilespmem:s31+$0x30]  }
0x114: {  	s7 =	simm.s32 $0x1;
	s2 =	simm.s32 $0x8A00;
	v7 =	vld [tilespmem:s31+$0x70];
	v8 =	vunpack.i.u.bf16.f32 v12;
	v12 =	vunpack.i.l.bf16.f32 v12  }
.LBB2_5:
0x115: {  	v13 =	vunpack.i.l.bf16.f32 v11;
	v14 =	vperm.xlane v12, v3;
	v15 =	vperm.xlane v8, v3;
	s31 =	sadd.s32 $0x100, s31;
	s30 =	sadd.s32 $0x40, s30;
	s1 =	sadd.s32 $0x80, s1  }
0x116: {  	p1 =	sne.s32 s7, $0x18;
	v17 =	vperm.xlane v8, v0;
	v18 =	vperm.xlane v8, v2;
	s23 =	smov.u32 s7;
	s7 =	sadd.s32 $0x1, s7;
	v16 =	vunpack.i.l.bf16.f32 v10  }
0x117: {  	v19 =	vperm.xlane v12, v0;
	v11 =	vunpack.i.u.bf16.f32 v11;
	v20 =	vperm.xlane v12, v4  }
0x118: {  	v12 =	vperm.xlane v12, v2;
	v10 =	vunpack.i.u.bf16.f32 v10;
	v13 =	vmul.f32 v17, v13  }
0x119: {  	v16 =	vmul.f32 v19, v16;
	v11 =	vmul.f32 v18, v11;
	v17 =	vunpack.i.u.bf16.f32 v9  }
0x11a: {  	v10 =	vmul.f32 v12, v10;
	v9 =	vunpack.i.l.bf16.f32 v9;
	v12 =	vmul.f32 v20, v17  }
0x11b: {  	v8 =	vperm.xlane v8, v4;
	v9 =	vmul.f32 v14, v9;
	v13 =	vadd.f32 v13, v16  }
0x11c: {  	v10 =	vadd.f32 v11, v10;
	v11 =	vunpack.i.l.bf16.f32 v7  }
0x11d: {  	v7 =	vunpack.i.u.bf16.f32 v7;
	v11 =	vmul.f32 v15, v11;
	v9 =	vadd.f32 v9, v13  }
0x11e: {  	v7 =	vmul.f32 v8, v7;
	v10 =	vadd.f32 v12, v10  }
0x11f: {  	v8 =	vadd.f32 v11, v9  }
0x120: {  	v7 =	vadd.f32 v7, v10  }
0x121: {  	v8 =	vmul.f32 v6, v8  }
0x122: {  	v6 =	vmul.f32 v6, v7  }
0x123: {  	[tilespmem:s2+$0x20] =	vst v8  }
0x124: {  	[tilespmem:s2+$0x30] =	vst v6;
	s2 =	smov.u32 s1  }
0x125: {  	v6 =	vmov s23;
	v7 =	vld [tilespmem:s30+$0xFFFFFFE0]  }
0x126: {  	v6 =	vand.u32 $0x1F, v6;
	v8 =	vld [tilespmem:s31+$0xFFFFFFC0]  }
0x127: {  	v6 =	vor.u32 v5, v6;
	v9 =	vld [tilespmem:s31+$0xFFFFFF80]  }
0x128: {  	v6 =	vbroadcast v6, $0x0  }
0x129: {  	v10 =	vld [tilespmem:s31+$0x0]  }
0x12a: {  	v11 =	vunpack.i.u.bf16.f32 v7;
	v7 =	vunpack.i.l.bf16.f32 v7  }
0x12b: {  	v12 =	vperm.xlane v7, v0;
	v13 =	vunpack.i.l.bf16.f32 v8;
	v14 =	vld [tilespmem:s31+$0x40];
	v15 =	vperm.xlane v11, v3  }
0x12c: {  	v17 =	vperm.xlane v11, v0;
	v18 =	vperm.xlane v7, v4;
	v16 =	vunpack.i.l.bf16.f32 v9  }
0x12d: {  	v8 =	vunpack.i.u.bf16.f32 v8;
	v12 =	vmul.f32 v12, v16;
	v16 =	vperm.xlane v7, v3  }
0x12e: {  	v13 =	vmul.f32 v17, v13;
	v17 =	vperm.xlane v11, v2;
	v6 =	vld.idx.msk [tilespmem:v6+s5+$0x0], $0xffff;
	v19 =	vunpack.i.l.bf16.f32 v10  }
0x12f: {  	v9 =	vunpack.i.u.bf16.f32 v9;
	v7 =	vperm.xlane v7, v2;
	v16 =	vmul.f32 v16, v19  }
0x130: {  	v8 =	vmul.f32 v17, v8;
	v12 =	vadd.f32 v13, v12;
	v13 =	vunpack.i.u.bf16.f32 v14  }
0x131: {  	v11 =	vperm.xlane v11, v4;
	v10 =	vunpack.i.u.bf16.f32 v10;
	v14 =	vunpack.i.l.bf16.f32 v14  }
0x132: {  	v7 =	vmul.f32 v7, v9;
	v9 =	vmul.f32 v18, v10;
	v10 =	vadd.f32 v16, v12  }
0x133: {  	v12 =	vmul.f32 v15, v14;
	v11 =	vmul.f32 v11, v13  }
0x134: {  	v7 =	vadd.f32 v8, v7;
	v6 =	vand.u32 $0xFFFFF800, v6  }
0x135: {  	v8 =	vadd.f32 v12, v10  }
0x136: {  	v7 =	vadd.f32 v9, v7  }
0x137: {  	v8 =	vmul.f32 v6, v8  }
0x138: {  	v7 =	vadd.f32 v11, v7  }
0x139: {  	[tilespmem:s1+$0xFFFFFFC0] =	vst v8  }
0x13a: {  	v7 =	vmul.f32 v6, v7;
	_ =	sdelay $0x1  }
0x13b: {  	[tilespmem:s1+$0xFFFFFFD0] =	vst v7  }
0x13c: {  	v7 =	vld [tilespmem:s30+$0xFFFFFFF0]  }
0x13d: {  	v8 =	vld [tilespmem:s31+$0x10]  }
0x13e: {  	v9 =	vld [tilespmem:s31+$0xFFFFFF90]  }
0x13f: {  	v10 =	vld [tilespmem:s31+$0xFFFFFFD0];
	_ =	sdelay $0x1  }
0x140: {  	v11 =	vunpack.i.u.bf16.f32 v7;
	v7 =	vunpack.i.l.bf16.f32 v7  }
0x141: {  	v12 =	vperm.xlane v7, v0;
	v13 =	vperm.xlane v7, v2;
	v14 =	vunpack.i.l.bf16.f32 v8  }
0x142: {  	v16 =	vperm.xlane v11, v0;
	v17 =	vperm.xlane v11, v2;
	v15 =	vunpack.i.l.bf16.f32 v9  }
0x143: {  	v18 =	vperm.xlane v7, v3;
	v12 =	vmul.f32 v12, v15;
	v15 =	vunpack.i.u.bf16.f32 v10;
	v19 =	vld [tilespmem:s31+$0x50]  }
0x144: {  	v9 =	vunpack.i.u.bf16.f32 v9;
	v10 =	vunpack.i.l.bf16.f32 v10;
	v15 =	vmul.f32 v17, v15  }
0x145: {  	v9 =	vmul.f32 v13, v9;
	v10 =	vmul.f32 v16, v10  }
0x146: {  	v8 =	vunpack.i.u.bf16.f32 v8;
	v7 =	vperm.xlane v7, v4;
	v13 =	vmul.f32 v18, v14  }
0x147: {  	v10 =	vadd.f32 v10, v12;
	v9 =	vadd.f32 v15, v9;
	v12 =	vperm.xlane v11, v3  }
0x148: {  	v7 =	vmul.f32 v7, v8;
	v11 =	vperm.xlane v11, v4;
	v8 =	vunpack.i.l.bf16.f32 v19  }
0x149: {  	v10 =	vadd.f32 v13, v10;
	v13 =	vunpack.i.u.bf16.f32 v19;
	v8 =	vmul.f32 v12, v8  }
0x14a: {  	v7 =	vadd.f32 v7, v9;
	v9 =	vmul.f32 v11, v13  }
0x14b: {  	v8 =	vadd.f32 v8, v10  }
0x14c: {  	v7 =	vadd.f32 v9, v7  }
0x14d: {  	v8 =	vmul.f32 v6, v8  }
0x14e: {  	v7 =	vmul.f32 v6, v7  }
0x14f: {  	[tilespmem:s1+$0xFFFFFFE0] =	vst v8  }
0x150: {  	[tilespmem:s1+$0xFFFFFFF0] =	vst v7  }
0x151: {  	v7 =	vld [tilespmem:s30+$0x0]  }
0x152: {  	v8 =	vld [tilespmem:s31+$0xFFFFFFA0]  }
0x153: {  	v9 =	vld [tilespmem:s31+$0xFFFFFFE0];
	_ =	sdelay $0x2  }
0x154: {  	v10 =	vunpack.i.u.bf16.f32 v7;
	v7 =	vunpack.i.l.bf16.f32 v7;
	v11 =	vld [tilespmem:s31+$0x20]  }
0x155: {  	v12 =	vunpack.i.l.bf16.f32 v8;
	v13 =	vperm.xlane v7, v0;
	v14 =	vperm.xlane v7, v2  }
0x156: {  	v8 =	vunpack.i.u.bf16.f32 v8;
	v15 =	vperm.xlane v10, v0;
	v17 =	vperm.xlane v10, v3;
	v16 =	vld [tilespmem:s31+$0x60]  }
0x157: {  	v18 =	vperm.xlane v7, v3;
	v12 =	vmul.f32 v13, v12;
	v13 =	vunpack.i.l.bf16.f32 v9  }
0x158: {  	v9 =	vunpack.i.u.bf16.f32 v9;
	v13 =	vmul.f32 v15, v13;
	v15 =	vperm.xlane v10, v2  }
0x159: {  	v7 =	vperm.xlane v7, v4;
	v8 =	vmul.f32 v14, v8;
	v14 =	vunpack.i.l.bf16.f32 v11  }
0x15a: {  	v11 =	vunpack.i.u.bf16.f32 v11;
	v12 =	vadd.f32 v13, v12;
	v13 =	vmul.f32 v18, v14  }
0x15b: {  	v9 =	vmul.f32 v15, v9;
	v7 =	vmul.f32 v7, v11;
	v11 =	vunpack.i.l.bf16.f32 v16  }
0x15c: {  	v12 =	vadd.f32 v13, v12;
	v13 =	vunpack.i.u.bf16.f32 v16;
	v11 =	vmul.f32 v17, v11  }
0x15d: {  	v8 =	vadd.f32 v9, v8;
	v9 =	vperm.xlane v10, v4  }
0x15e: {  	v10 =	vadd.f32 v11, v12  }
0x15f: {  	v7 =	vadd.f32 v7, v8;
	v8 =	vmul.f32 v9, v13  }
0x160: {  	v9 =	vmul.f32 v6, v10  }
0x161: {  	v7 =	vadd.f32 v8, v7  }
0x162: {  	[tilespmem:s1+$0x0] =	vst v9  }
0x163: {  	v7 =	vmul.f32 v6, v7;
	_ =	sdelay $0x1  }
0x164: {  	[tilespmem:s1+$0x10] =	vst v7  }
0x165: {  	v12 =	vld [tilespmem:s30+$0x10]  }
.Ltmp1:
0x166: {  	v11 =	vld [tilespmem:s31+$0xFFFFFFF0];
	(pc) =	sbr.rel @p1 .LBB2_5-.Ltmp1, $4  }
0x167: {  	v10 =	vld [tilespmem:s31+$0xFFFFFFB0]  }
0x168: {  	v9 =	vld [tilespmem:s31+$0x30]  }
0x169: {  	v7 =	vld [tilespmem:s31+$0x70]  }
0x16a: {  	v8 =	vunpack.i.u.bf16.f32 v12;
	v12 =	vunpack.i.l.bf16.f32 v12  }
0x16b: {  	v5 =	vperm.xlane v12, v3;
	v13 =	vperm.xlane v8, v3  }
0x16c: {  	v14 =	vunpack.i.l.bf16.f32 v11;
	v15 =	vperm.xlane v8, v0;
	v16 =	vperm.xlane v8, v2  }
0x16d: {  	v18 =	vperm.xlane v12, v0;
	v19 =	vperm.xlane v12, v4;
	v11 =	vunpack.i.u.bf16.f32 v11  }
0x16e: {  	v12 =	vperm.xlane v12, v2;
	v17 =	vunpack.i.l.bf16.f32 v10;
	v14 =	vmul.f32 v15, v14  }
0x16f: {  	v10 =	vunpack.i.u.bf16.f32 v10;
	v15 =	vmul.f32 v18, v17;
	v11 =	vmul.f32 v16, v11  }
0x170: {  	v51 =	vunpack.i.u.bf16.f32 v9;
	v10 =	vmul.f32 v12, v10;
	v9 =	vunpack.i.l.bf16.f32 v9  }
0x171: {  	v8 =	vperm.xlane v8, v4;
	v5 =	vmul.f32 v5, v9;
	v14 =	vadd.f32 v14, v15  }
0x172: {  	v12 =	vmul.f32 v19, v51;
	v9 =	vadd.f32 v11, v10;
	v10 =	vunpack.i.l.bf16.f32 v7  }
0x173: {  	v7 =	vunpack.i.u.bf16.f32 v7;
	v10 =	vmul.f32 v13, v10;
	v5 =	vadd.f32 v5, v14  }
0x174: {  	v7 =	vmul.f32 v8, v7;
	v9 =	vadd.f32 v12, v9  }
0x175: {  	v5 =	vadd.f32 v10, v5  }
0x176: {  	v7 =	vadd.f32 v7, v9  }
0x177: {  	v5 =	vmul.f32 v6, v5  }
0x178: {  	s1 =	sshll.u32 s26, $0x6;
	v6 =	vmul.f32 v6, v7  }
0x179: {  	s30 =	sand.u32 $0x3FFFFFC0, s1;
	[tilespmem:s2+$0x20] =	vst v5  }
0x17a: {  	s7 =	smin.u32 s28, $0xC5;
	s1 =	sadd.s32 $0x1900, s30;
	[tilespmem:s2+$0x30] =	vst v6  }
0x17b: {  	[spmem:s4] =	stream.indirect.scatter.add.f32 [tilespmem:s8], [sflag:$0x5], $0x80, s1, s11, $0xb8;
	[tilespmem:$0x1DB40] =	vst v63  }
0x17c: {  	s1 =	sshll.u32 s7, $0x5  }
0x17d: {  	v5 =	vld [tilespmem:s1+$0x3240];
	_ =	sdelay $0x4  }
0x17e: {  	v5 =	vand.u32 $0x7FF, v5  }
0x17f: {  	[tilespmem:$0x4B00] =	vst v5  }
0x180: {  	v5 =	vld [tilespmem:s1+$0x3249];
	_ =	sdelay $0x4  }
0x181: {  	v5 =	vand.u32 $0x7FF, v5  }
0x182: {  	s1 =	sadd.s32 $0x40, s1;
	[tilespmem:$0x4B09] =	vst v5  }
0x183: {  	[tilespmem:s12], [sflag:$0x1] =	stream.indirect.gather [hbm4b:s0+s11], $0x40, s1, s11, $0xb8;
	[tilespmem:$0x1DB40] =	vst v63  }
0x184: {  	_ = 	snop  }
0x185: {  	[tilespmem:s14], [sflag:$0x3] =	stream.indirect.gather [hbm4b:s3+s11], $0x100, s13, s11, $0xb8;
	[tilespmem:$0x1DB40] =	vst v63  }
0x186: {  	_ =	swait.ge [sflag:s20], $0x640  }
0x187: {  	[sflag:s20] =	ssyncset.done $0x0  }
0x188: {  	[sflag:s20] =	ssyncadd.s32 $0xFFFFF9C0  }
0x189: {  	_ =	swait.ge [sflag:s21], $0x1900  }
0x18a: {  	[sflag:s21] =	ssyncset.done $0x0  }
0x18b: {  	s1 =	simm.s32 @!p0 $0x6;
	[sflag:s21] =	ssyncadd.s32 $0xFFFFE700  }
0x18c: {  	_ =	swait.ge @!p0 [sflag:s1], $0xC80  }
0x18d: {  	[sflag:s1] =	ssyncset.done @!p0 $0x0  }
0x18e: {  	s31 =	simm.s32 $0x51A0;
	[sflag:s1] =	ssyncadd.s32 @!p0 $0xFFFFF380  }
0x18f: {  	s1 =	simm.s32 $0x7140;
	v6 =	vld [tilespmem:s31+$0xFFFFFFE0]  }
0x190: {  	s23 =	simm.s32 $0x0;
	v7 =	vld [tilespmem:s1+$0xFFFFFF80]  }
0x191: {  	v8 =	vmov s23;
	s7 =	sadd.s32 $0x3220, s29;
	v9 =	vld [tilespmem:s1+$0xFFFFFFC0]  }
0x192: {  	v8 =	vand.u32 $0x1F, v8;
	v5 =	vmov s7;
	v10 =	vld [tilespmem:s1+$0x0]  }
0x193: {  	v8 =	vor.u32 v5, v8  }
0x194: {  	v8 =	vbroadcast v8, $0x0;
	v11 =	vunpack.i.l.bf16.f32 v6  }
0x195: {  	v6 =	vunpack.i.u.bf16.f32 v6;
	v14 =	vunpack.i.l.bf16.f32 v7;
	v12 =	vperm.xlane v11, v0  }
0x196: {  	v52 =	vunpack.i.l.bf16.f32 v9;
	v15 =	vperm.xlane v6, v0;
	v54 =	vperm.xlane v11, v4  }
0x197: {  	v53 =	vld [tilespmem:s1+$0x40];
	v56 =	vunpack.i.l.bf16.f32 v10;
	v55 =	vperm.xlane v6, v2;
	v12 =	vmul.f32 v12, v14  }
0x198: {  	v9 =	vunpack.i.u.bf16.f32 v9;
	v14 =	vperm.xlane v11, v3;
	v11 =	vperm.xlane v11, v2  }
0x199: {  	v7 =	vunpack.i.u.bf16.f32 v7;
	v13 =	vperm.xlane v6, v3;
	v15 =	vmul.f32 v15, v52  }
0x19a: {  	v10 =	vunpack.i.u.bf16.f32 v10;
	v9 =	vmul.f32 v55, v9;
	v7 =	vmul.f32 v11, v7  }
0x19b: {  	v8 =	vld.idx.msk [tilespmem:v8+s5+$0x0], $0xffff;
	v6 =	vperm.xlane v6, v4;
	v14 =	vmul.f32 v14, v56;
	v11 =	vadd.f32 v15, v12  }
0x19c: {  	v10 =	vmul.f32 v54, v10;
	v12 =	vunpack.i.l.bf16.f32 v53;
	v7 =	vadd.f32 v9, v7  }
0x19d: {  	v12 =	vmul.f32 v13, v12;
	v9 =	vunpack.i.u.bf16.f32 v53;
	v11 =	vadd.f32 v14, v11  }
0x19e: {  	v9 =	vmul.f32 v6, v9;
	v7 =	vadd.f32 v10, v7  }
0x19f: {  	v10 =	vadd.f32 v12, v11  }
0x1a0: {  	v6 =	vand.u32 $0xFFFFF800, v8;
	v7 =	vadd.f32 v9, v7  }
0x1a1: {  	v8 =	vmul.f32 v6, v10  }
0x1a2: {  	s29 =	simm.s32 $0x9680;
	v7 =	vmul.f32 v6, v7  }
0x1a3: {  	[tilespmem:s29+$0xFFFFFFC0] =	vst v8  }
0x1a4: {  	[tilespmem:s29+$0xFFFFFFD0] =	vst v7  }
0x1a5: {  	v7 =	vld [tilespmem:s31+$0xFFFFFFF0];
	_ =	sdelay $0x1  }
0x1a6: {  	v8 =	vld [tilespmem:s1+$0xFFFFFF90];
	_ =	sdelay $0x1  }
0x1a7: {  	v9 =	vld [tilespmem:s1+$0xFFFFFFD0]  }
0x1a8: {  	v10 =	vld [tilespmem:s1+$0x10];
	v11 =	vunpack.i.l.bf16.f32 v7  }
0x1a9: {  	v7 =	vunpack.i.u.bf16.f32 v7;
	v12 =	vperm.xlane v11, v0;
	v13 =	vperm.xlane v11, v2  }
0x1aa: {  	v14 =	vunpack.i.l.bf16.f32 v8;
	v15 =	vperm.xlane v7, v0;
	v57 =	vperm.xlane v7, v2  }
0x1ab: {  	v59 =	vld [tilespmem:s1+$0x50];
	v8 =	vunpack.i.u.bf16.f32 v8;
	v58 =	vperm.xlane v11, v3;
	v11 =	vperm.xlane v11, v4  }
0x1ac: {  	v12 =	vmul.f32 v12, v14;
	v14 =	vunpack.i.u.bf16.f32 v9;
	v9 =	vunpack.i.l.bf16.f32 v9  }
0x1ad: {  	v60 =	vunpack.i.l.bf16.f32 v10;
	v8 =	vmul.f32 v13, v8;
	v9 =	vmul.f32 v15, v9  }
0x1ae: {  	v10 =	vunpack.i.u.bf16.f32 v10;
	v13 =	vmul.f32 v58, v60;
	v14 =	vmul.f32 v57, v14  }
0x1af: {  	v10 =	vmul.f32 v11, v10;
	v9 =	vadd.f32 v9, v12;
	v12 =	vperm.xlane v7, v3  }
0x1b0: {  	v11 =	vunpack.i.l.bf16.f32 v59;
	v8 =	vadd.f32 v14, v8;
	v7 =	vperm.xlane v7, v4  }
0x1b1: {  	v9 =	vadd.f32 v13, v9;
	v13 =	vunpack.i.u.bf16.f32 v59;
	v11 =	vmul.f32 v12, v11  }
0x1b2: {  	v8 =	vadd.f32 v10, v8;
	v7 =	vmul.f32 v7, v13  }
0x1b3: {  	v9 =	vadd.f32 v11, v9  }
0x1b4: {  	v7 =	vadd.f32 v7, v8  }
0x1b5: {  	v8 =	vmul.f32 v6, v9  }
0x1b6: {  	v7 =	vmul.f32 v6, v7  }
0x1b7: {  	[tilespmem:s29+$0xFFFFFFE0] =	vst v8  }
0x1b8: {  	[tilespmem:s29+$0xFFFFFFF0] =	vst v7  }
0x1b9: {  	v7 =	vld [tilespmem:s31+$0x0];
	_ =	sdelay $0x1  }
0x1ba: {  	v8 =	vld [tilespmem:s1+$0xFFFFFFA0]  }
0x1bb: {  	v9 =	vld [tilespmem:s1+$0xFFFFFFE0];
	_ =	sdelay $0x1  }
0x1bc: {  	v10 =	vunpack.i.l.bf16.f32 v7  }
0x1bd: {  	v11 =	vld [tilespmem:s1+$0x20];
	v7 =	vunpack.i.u.bf16.f32 v7;
	v12 =	vperm.xlane v10, v0;
	v13 =	vperm.xlane v10, v2  }
0x1be: {  	v14 =	vunpack.i.l.bf16.f32 v8;
	v15 =	vperm.xlane v7, v0;
	v61 =	vperm.xlane v7, v3  }
0x1bf: {  	v62 =	vld [tilespmem:s1+$0x60];
	v63 =	vperm.xlane v10, v3;
	v12 =	vmul.f32 v12, v14;
	v14 =	vunpack.i.l.bf16.f32 v9  }
0x1c0: {  	v8 =	vunpack.i.u.bf16.f32 v8;
	v14 =	vmul.f32 v15, v14;
	v15 =	vperm.xlane v7, v2  }
0x1c1: {  	v10 =	vperm.xlane v10, v4;
	v9 =	vunpack.i.u.bf16.f32 v9;
	v8 =	vmul.f32 v13, v8  }
0x1c2: {  	v13 =	vunpack.i.l.bf16.f32 v11;
	v11 =	vunpack.i.u.bf16.f32 v11;
	v9 =	vmul.f32 v15, v9  }
0x1c3: {  	v13 =	vmul.f32 v63, v13;
	v10 =	vmul.f32 v10, v11;
	v12 =	vadd.f32 v14, v12  }
0x1c4: {  	v11 =	vunpack.i.l.bf16.f32 v62;
	v7 =	vperm.xlane v7, v4;
	v8 =	vadd.f32 v9, v8  }
0x1c5: {  	v11 =	vmul.f32 v61, v11;
	v9 =	vadd.f32 v13, v12;
	v12 =	vunpack.i.u.bf16.f32 v62  }
0x1c6: {  	v7 =	vmul.f32 v7, v12;
	v8 =	vadd.f32 v10, v8  }
0x1c7: {  	v9 =	vadd.f32 v11, v9  }
0x1c8: {  	v7 =	vadd.f32 v7, v8  }
0x1c9: {  	v8 =	vmul.f32 v6, v9  }
0x1ca: {  	v7 =	vmul.f32 v6, v7  }
0x1cb: {  	[tilespmem:s29+$0x0] =	vst v8  }
0x1cc: {  	[tilespmem:s29+$0x10] =	vst v7  }
0x1cd: {  	v12 =	vld [tilespmem:s31+$0x10]  }
0x1ce: {  	v11 =	vld [tilespmem:s1+$0xFFFFFFF0]  }
0x1cf: {  	v10 =	vld [tilespmem:s1+$0xFFFFFFB0];
	_ =	sdelay $0x1  }
0x1d0: {  	v9 =	vld [tilespmem:s1+$0x30]  }
0x1d1: {  	s2 =	simm.s32 $0x9680;
	s7 =	simm.s32 $0x1;
	v7 =	vld [tilespmem:s1+$0x70];
	v8 =	vunpack.i.u.bf16.f32 v12;
	v12 =	vunpack.i.l.bf16.f32 v12  }
.LBB2_7:
0x1d2: {  	v13 =	vunpack.i.l.bf16.f32 v11;
	v14 =	vperm.xlane v12, v3;
	v15 =	vperm.xlane v8, v3;
	s1 =	sadd.s32 $0x100, s1;
	s31 =	sadd.s32 $0x40, s31;
	s29 =	sadd.s32 $0x80, s29  }
0x1d3: {  	p0 =	sne.s32 s7, $0x18;
	v17 =	vperm.xlane v8, v0;
	v18 =	vperm.xlane v8, v2;
	s23 =	smov.u32 s7;
	s7 =	sadd.s32 $0x1, s7;
	v16 =	vunpack.i.l.bf16.f32 v10  }
0x1d4: {  	v19 =	vperm.xlane v12, v0;
	v11 =	vunpack.i.u.bf16.f32 v11;
	v20 =	vperm.xlane v12, v4  }
0x1d5: {  	v12 =	vperm.xlane v12, v2;
	v10 =	vunpack.i.u.bf16.f32 v10;
	v13 =	vmul.f32 v17, v13  }
0x1d6: {  	v16 =	vmul.f32 v19, v16;
	v11 =	vmul.f32 v18, v11;
	v17 =	vunpack.i.u.bf16.f32 v9  }
0x1d7: {  	v10 =	vmul.f32 v12, v10;
	v9 =	vunpack.i.l.bf16.f32 v9;
	v12 =	vmul.f32 v20, v17  }
0x1d8: {  	v8 =	vperm.xlane v8, v4;
	v9 =	vmul.f32 v14, v9;
	v13 =	vadd.f32 v13, v16  }
0x1d9: {  	v10 =	vadd.f32 v11, v10;
	v11 =	vunpack.i.l.bf16.f32 v7  }
0x1da: {  	v7 =	vunpack.i.u.bf16.f32 v7;
	v11 =	vmul.f32 v15, v11;
	v9 =	vadd.f32 v9, v13  }
0x1db: {  	v7 =	vmul.f32 v8, v7;
	v10 =	vadd.f32 v12, v10  }
0x1dc: {  	v8 =	vadd.f32 v11, v9  }
0x1dd: {  	v7 =	vadd.f32 v7, v10  }
0x1de: {  	v8 =	vmul.f32 v6, v8  }
0x1df: {  	v6 =	vmul.f32 v6, v7  }
0x1e0: {  	[tilespmem:s2+$0x20] =	vst v8  }
0x1e1: {  	[tilespmem:s2+$0x30] =	vst v6;
	s2 =	smov.u32 s29  }
0x1e2: {  	v6 =	vmov s23;
	v7 =	vld [tilespmem:s31+$0xFFFFFFE0]  }
0x1e3: {  	v6 =	vand.u32 $0x1F, v6;
	v8 =	vld [tilespmem:s1+$0xFFFFFFC0]  }
0x1e4: {  	v6 =	vor.u32 v5, v6;
	v9 =	vld [tilespmem:s1+$0xFFFFFF80]  }
0x1e5: {  	v6 =	vbroadcast v6, $0x0  }
0x1e6: {  	v10 =	vld [tilespmem:s1+$0x0]  }
0x1e7: {  	v11 =	vunpack.i.u.bf16.f32 v7;
	v7 =	vunpack.i.l.bf16.f32 v7  }
0x1e8: {  	v12 =	vperm.xlane v7, v0;
	v13 =	vunpack.i.l.bf16.f32 v8;
	v14 =	vld [tilespmem:s1+$0x40];
	v15 =	vperm.xlane v11, v3  }
0x1e9: {  	v17 =	vperm.xlane v11, v0;
	v18 =	vperm.xlane v7, v4;
	v16 =	vunpack.i.l.bf16.f32 v9  }
0x1ea: {  	v8 =	vunpack.i.u.bf16.f32 v8;
	v12 =	vmul.f32 v12, v16;
	v16 =	vperm.xlane v7, v3  }
0x1eb: {  	v13 =	vmul.f32 v17, v13;
	v17 =	vperm.xlane v11, v2;
	v6 =	vld.idx.msk [tilespmem:v6+s5+$0x0], $0xffff;
	v19 =	vunpack.i.l.bf16.f32 v10  }
0x1ec: {  	v9 =	vunpack.i.u.bf16.f32 v9;
	v7 =	vperm.xlane v7, v2;
	v16 =	vmul.f32 v16, v19  }
0x1ed: {  	v8 =	vmul.f32 v17, v8;
	v12 =	vadd.f32 v13, v12;
	v13 =	vunpack.i.u.bf16.f32 v14  }
0x1ee: {  	v11 =	vperm.xlane v11, v4;
	v10 =	vunpack.i.u.bf16.f32 v10;
	v14 =	vunpack.i.l.bf16.f32 v14  }
0x1ef: {  	v7 =	vmul.f32 v7, v9;
	v9 =	vmul.f32 v18, v10;
	v10 =	vadd.f32 v16, v12  }
0x1f0: {  	v12 =	vmul.f32 v15, v14;
	v11 =	vmul.f32 v11, v13  }
0x1f1: {  	v7 =	vadd.f32 v8, v7;
	v6 =	vand.u32 $0xFFFFF800, v6  }
0x1f2: {  	v8 =	vadd.f32 v12, v10  }
0x1f3: {  	v7 =	vadd.f32 v9, v7  }
0x1f4: {  	v8 =	vmul.f32 v6, v8  }
0x1f5: {  	v7 =	vadd.f32 v11, v7  }
0x1f6: {  	[tilespmem:s29+$0xFFFFFFC0] =	vst v8  }
0x1f7: {  	v7 =	vmul.f32 v6, v7;
	_ =	sdelay $0x1  }
0x1f8: {  	[tilespmem:s29+$0xFFFFFFD0] =	vst v7  }
0x1f9: {  	v7 =	vld [tilespmem:s31+$0xFFFFFFF0]  }
0x1fa: {  	v8 =	vld [tilespmem:s1+$0x10]  }
0x1fb: {  	v9 =	vld [tilespmem:s1+$0xFFFFFF90]  }
0x1fc: {  	v10 =	vld [tilespmem:s1+$0xFFFFFFD0];
	_ =	sdelay $0x1  }
0x1fd: {  	v11 =	vunpack.i.u.bf16.f32 v7;
	v7 =	vunpack.i.l.bf16.f32 v7  }
0x1fe: {  	v12 =	vperm.xlane v7, v0;
	v13 =	vperm.xlane v7, v2;
	v14 =	vunpack.i.l.bf16.f32 v8  }
0x1ff: {  	v16 =	vperm.xlane v11, v0;
	v17 =	vperm.xlane v11, v2;
	v15 =	vunpack.i.l.bf16.f32 v9  }
0x200: {  	v18 =	vperm.xlane v7, v3;
	v12 =	vmul.f32 v12, v15;
	v15 =	vunpack.i.u.bf16.f32 v10;
	v19 =	vld [tilespmem:s1+$0x50]  }
0x201: {  	v9 =	vunpack.i.u.bf16.f32 v9;
	v10 =	vunpack.i.l.bf16.f32 v10;
	v15 =	vmul.f32 v17, v15  }
0x202: {  	v9 =	vmul.f32 v13, v9;
	v10 =	vmul.f32 v16, v10  }
0x203: {  	v8 =	vunpack.i.u.bf16.f32 v8;
	v7 =	vperm.xlane v7, v4;
	v13 =	vmul.f32 v18, v14  }
0x204: {  	v10 =	vadd.f32 v10, v12;
	v9 =	vadd.f32 v15, v9;
	v12 =	vperm.xlane v11, v3  }
0x205: {  	v7 =	vmul.f32 v7, v8;
	v11 =	vperm.xlane v11, v4;
	v8 =	vunpack.i.l.bf16.f32 v19  }
0x206: {  	v10 =	vadd.f32 v13, v10;
	v13 =	vunpack.i.u.bf16.f32 v19;
	v8 =	vmul.f32 v12, v8  }
0x207: {  	v7 =	vadd.f32 v7, v9;
	v9 =	vmul.f32 v11, v13  }
0x208: {  	v8 =	vadd.f32 v8, v10  }
0x209: {  	v7 =	vadd.f32 v9, v7  }
0x20a: {  	v8 =	vmul.f32 v6, v8  }
0x20b: {  	v7 =	vmul.f32 v6, v7  }
0x20c: {  	[tilespmem:s29+$0xFFFFFFE0] =	vst v8  }
0x20d: {  	[tilespmem:s29+$0xFFFFFFF0] =	vst v7  }
0x20e: {  	v7 =	vld [tilespmem:s31+$0x0]  }
0x20f: {  	v8 =	vld [tilespmem:s1+$0xFFFFFFA0]  }
0x210: {  	v9 =	vld [tilespmem:s1+$0xFFFFFFE0];
	_ =	sdelay $0x2  }
0x211: {  	v10 =	vunpack.i.u.bf16.f32 v7;
	v7 =	vunpack.i.l.bf16.f32 v7;
	v11 =	vld [tilespmem:s1+$0x20]  }
0x212: {  	v12 =	vunpack.i.l.bf16.f32 v8;
	v13 =	vperm.xlane v7, v0;
	v14 =	vperm.xlane v7, v2  }
0x213: {  	v8 =	vunpack.i.u.bf16.f32 v8;
	v15 =	vperm.xlane v10, v0;
	v17 =	vperm.xlane v10, v3;
	v16 =	vld [tilespmem:s1+$0x60]  }
0x214: {  	v18 =	vperm.xlane v7, v3;
	v12 =	vmul.f32 v13, v12;
	v13 =	vunpack.i.l.bf16.f32 v9  }
0x215: {  	v9 =	vunpack.i.u.bf16.f32 v9;
	v13 =	vmul.f32 v15, v13;
	v15 =	vperm.xlane v10, v2  }
0x216: {  	v7 =	vperm.xlane v7, v4;
	v8 =	vmul.f32 v14, v8;
	v14 =	vunpack.i.l.bf16.f32 v11  }
0x217: {  	v11 =	vunpack.i.u.bf16.f32 v11;
	v12 =	vadd.f32 v13, v12;
	v13 =	vmul.f32 v18, v14  }
0x218: {  	v9 =	vmul.f32 v15, v9;
	v7 =	vmul.f32 v7, v11;
	v11 =	vunpack.i.l.bf16.f32 v16  }
0x219: {  	v12 =	vadd.f32 v13, v12;
	v13 =	vunpack.i.u.bf16.f32 v16;
	v11 =	vmul.f32 v17, v11  }
0x21a: {  	v8 =	vadd.f32 v9, v8;
	v9 =	vperm.xlane v10, v4  }
0x21b: {  	v10 =	vadd.f32 v11, v12  }
0x21c: {  	v7 =	vadd.f32 v7, v8;
	v8 =	vmul.f32 v9, v13  }
0x21d: {  	v9 =	vmul.f32 v6, v10  }
0x21e: {  	v7 =	vadd.f32 v8, v7  }
0x21f: {  	[tilespmem:s29+$0x0] =	vst v9  }
0x220: {  	v7 =	vmul.f32 v6, v7;
	_ =	sdelay $0x1  }
0x221: {  	[tilespmem:s29+$0x10] =	vst v7  }
0x222: {  	v12 =	vld [tilespmem:s31+$0x10]  }
.Ltmp2:
0x223: {  	v11 =	vld [tilespmem:s1+$0xFFFFFFF0];
	(pc) =	sbr.rel @p0 .LBB2_7-.Ltmp2, $4  }
0x224: {  	v10 =	vld [tilespmem:s1+$0xFFFFFFB0]  }
0x225: {  	v9 =	vld [tilespmem:s1+$0x30]  }
0x226: {  	v7 =	vld [tilespmem:s1+$0x70]  }
0x227: {  	v8 =	vunpack.i.u.bf16.f32 v12;
	v12 =	vunpack.i.l.bf16.f32 v12  }
0x228: {  	v5 =	vperm.xlane v12, v3;
	v13 =	vperm.xlane v8, v3  }
0x229: {  	v14 =	vunpack.i.l.bf16.f32 v11;
	v15 =	vperm.xlane v8, v0;
	v16 =	vperm.xlane v8, v2  }
0x22a: {  	v18 =	vperm.xlane v12, v0;
	v19 =	vperm.xlane v12, v4;
	v54 =	vunpack.i.u.bf16.f32 v11  }
0x22b: {  	v55 =	vperm.xlane v12, v2;
	v61 =	vperm.xlane v8, v4;
	v17 =	vunpack.i.l.bf16.f32 v10  }
0x22c: {  	v56 =	vunpack.i.u.bf16.f32 v10;
	v14 =	vmul.f32 v15, v14;
	v57 =	vmul.f32 v18, v17  }
0x22d: {  	v11 =	vmul.f32 v16, v54;
	v10 =	vmul.f32 v55, v56;
	v59 =	vunpack.i.l.bf16.f32 v9  }
0x22e: {  	v58 =	vunpack.i.u.bf16.f32 v9;
	v5 =	vmul.f32 v5, v59;
	v14 =	vadd.f32 v14, v57  }
0x22f: {  	v60 =	vmul.f32 v19, v58;
	v63 =	vunpack.i.l.bf16.f32 v7;
	v62 =	vadd.f32 v11, v10  }
0x230: {  	v7 =	vunpack.i.u.bf16.f32 v7;
	v10 =	vmul.f32 v13, v63;
	v5 =	vadd.f32 v5, v14  }
0x231: {  	v7 =	vmul.f32 v61, v7;
	v9 =	vadd.f32 v60, v62  }
0x232: {  	v5 =	vadd.f32 v10, v5  }
0x233: {  	v7 =	vadd.f32 v7, v9  }
0x234: {  	v5 =	vmul.f32 v6, v5  }
0x235: {  	v6 =	vmul.f32 v6, v7  }
0x236: {  	[tilespmem:s2+$0x20] =	vst v5  }
0x237: {  	s1 =	sadd.s32 $0x1920, s30;
	s31 =	smin.u32 s28, $0xC4;
	[tilespmem:s2+$0x30] =	vst v6  }
0x238: {  	[spmem:s4] =	stream.indirect.scatter.add.f32 [tilespmem:s22], [sflag:$0x6], $0x80, s1, s11, $0xb8;
	[tilespmem:$0x1DB40] =	vst v63  }
0x239: {  	s1 =	sshll.u32 s31, $0x5  }
0x23a: {  	v5 =	vld [tilespmem:s1+$0x3260];
	_ =	sdelay $0x4  }
0x23b: {  	v5 =	vand.u32 $0x7FF, v5  }
0x23c: {  	[tilespmem:$0x4B20] =	vst v5  }
0x23d: {  	v5 =	vld [tilespmem:s1+$0x3269];
	_ =	sdelay $0x2  }
0x23e: {  	s26 =	sadd.s32 $0x1, s26  }
0x23f: {  	p0 =	sne.s32 s26, $0x64  }
.Ltmp3:
0x240: {  	v5 =	vand.u32 $0x7FF, v5;
	(pc) =	sbr.rel @p0 .LBB2_4-.Ltmp3, $4  }
0x241: {  	s1 =	sadd.s32 $0x60, s1;
	[tilespmem:$0x4B29] =	vst v5  }
0x242: {  	[tilespmem:s15], [sflag:$0x2] =	stream.indirect.gather [hbm4b:s0+s11], $0x40, s1, s11, $0xb8;
	[tilespmem:$0x1DB40] =	vst v63  }
0x243: {  	_ = 	snop  }
0x244: {  	[tilespmem:s17], [sflag:$0x4] =	stream.indirect.gather [hbm4b:s3+s11], $0x100, s16, s11, $0xb8;
	[tilespmem:$0x1DB40] =	vst v63  }
0x245: {  	_ =	swait.ge [sflag:s18], $0x640  }
0x246: {  	[sflag:s18] =	ssyncset.done $0x0  }
0x247: {  	[sflag:s18] =	ssyncadd.s32 $0xFFFFF9C0  }
0x248: {  	_ =	swait.ge [sflag:s19], $0x1900  }
0x249: {  	[sflag:s19] =	ssyncset.done $0x0  }
0x24a: {  	[sflag:s19] =	ssyncadd.s32 $0xFFFFE700  }
0x24b: {  	_ =	swait.ge [sflag:s9], $0xC80  }
0x24c: {  	[sflag:s9] =	ssyncset.done $0x0  }
0x24d: {  	[sflag:s9] =	ssyncadd.s32 $0xFFFFF380  }
0x24e: {  	_ =	swait.ge [sflag:s20], $0x640  }
0x24f: {  	[sflag:s20] =	ssyncset.done $0x0  }
0x250: {  	[sflag:s20] =	ssyncadd.s32 $0xFFFFF9C0  }
0x251: {  	_ =	swait.ge [sflag:s21], $0x1900  }
0x252: {  	[sflag:s21] =	ssyncset.done $0x0  }
0x253: {  	s1 =	simm.s32 $0x6;
	[sflag:s21] =	ssyncadd.s32 $0xFFFFE700  }
0x254: {  	_ =	swait.ge [sflag:s1], $0xC80  }
0x255: {  	[sflag:s1] =	ssyncset.done $0x0  }
0x256: {  	s30 =	stileid.u32;
	[sflag:s1] =	ssyncadd.s32 $0xFFFFF380  }
0x257: {  	s1 =	sshll.u32 s30, $0x6;
	[bflag:$0x0] =	sbarrier.arrive $0xFFFF  }
0x258: {  	s2 =	sshrl.u32 s6, $0x3;
	s1 =	sor.u32 $0x1C07, s1;
	s7 =	rddreg [dreg:$0x1e]  }
0x259: {  	[hbm:s7], [sflag:s1] =	dma.local [spmem:s2], $0x2710  }
0x25a: {  	_ =	swait.ge [sflag:s10], $0x2710  }
0x25b: {  	s24 =	sadd.s32 $0x1, s24;
	s31 =	rddreg [dreg:$0x1f]  }
0x25c: {  	p0 =	sne.s32 s24, s31  }
.Ltmp4:
0x25d: {  	_ = 	snop;
	(pc) =	sbr.rel @p0 .LBB2_1-.Ltmp4, $3  }
0x25e: {  	_ =	sdelay $0x1  }
0x25f: {  	[sflag:s10] =	ssyncset.done $0x0  }
0x260: {  	[sflag:s10] =	ssyncadd.s32 $0xFFFFD8F0  }
0x261: {  	_ =	sfence.sel $0x180000  }
0x262: {  	[bflag:$0x0] =	sbarrier.arrive $0xFFFF  }
0x263: {  	_ =	strace $0x90000047  }
0x264: {  	s0 =	stileid.u32;
	[bflag:$0x2] =	sbarrier.arrive $0xFFFF  }
0x265: {  	p0 =	sne.s32 s0, $0x0;
	s0 =	rddreg [dreg:$0x4]  }
0x266: {  	s0 =	sadd.s32 @!p0 $0x100000, s0  }
0x267: {  	[sflag:s0] =	ssyncadd.tile.s32 @!p0 $0x1;
	_ =	shalt  }
.Lfunc_end2:
_tile_overlayer_lowered:
.L_overlay_start_2:
0x268: {  	(tag) =	ssettag $0x2  }
0x269: {  	s0 =	rddreg [dreg:$0x0];
	s2 =	stileid.u32  }
0x26a: {  	s1 =	rddreg [dreg:$0x1];
	p0 =	sne.s32 s2, $0x0  }
0x26b: {  	s3 =	rddreg [dreg:$0x2];
	[bflag:$0x3] =	sbarrier.arrive $0xFFFF;
	s2 =	simm.s32 @!p0 $0x1C07  }
0x26c: {  	[timem:s3], [sflag:s2] =	dma.local @!p0 [hbm:s0], s1  }
0x26d: {  	s0 =	simm.s32 @!p0 $0x7  }
0x26e: {  	_ =	swait.ge @!p0 [sflag:s0], s1  }
0x26f: {  	s1 =	ssub.s32 @!p0 $0x0, s1;
	[sflag:s0] =	ssyncset.done @!p0 $0x0  }
0x270: {  	[sflag:s0] =	ssyncadd.s32 @!p0 s1  }
0x271: {  	[bflag:$0x3] =	sbarrier.arrive $0xFFFF  }
0x272: {  	_ =	shalt  }

// kernel: kernel.9.cloned.1.call-start
scs
__scs_entry_jumppad:
0x0: {  	(pc) =	sbr.rel $0x88, $3  }
0x1: {  	(tag) =	ssettag $0x0;
	lr =	simm.s32 $0x1  }
0x2: {  	[smem:$0x3F93] =	sst lr;
	_ =	strace $0xD0000000  }
0x3: {  	_ = 	snop  }
0x4: {  	_ = 	snop  }
0x5: {  	_ = 	snop  }
0x6: {  	_ = 	snop  }
0x7: {  	_ = 	snop  }
__scs_overlays_trampoline_lowered:
0x8: {  	[smem:$0x3FA2] =	sst s0  }
0x9: {  	[smem:$0x3FA3] =	sst s1  }
0xa: {  	[smem:$0x3FA4] =	sst s2  }
0xb: {  	[smem:$0x3FA5] =	sst s3  }
0xc: {  	[smem:$0x3FA6] =	sst s4  }
0xd: {  	[smem:$0x3FA7] =	sst s5  }
0xe: {  	[smem:$0x3FA8] =	sst s6  }
0xf: {  	[smem:$0x3FA9] =	sst s7  }
0x10: {  	[smem:$0x3FAA] =	sst s8  }
0x11: {  	[smem:$0x3FAB] =	sst s9;
	s0 =	simm.s32 @!p0 $0x0  }
0x12: {  	s1 =	sld [smem:$0x3F91];
	s0 =	simm.s32 @p0 $0x1  }
0x13: {  	[smem:$0x3FAC] =	sst s0;
	s0 =	simm.s32 @!p1 $0x0  }
0x14: {  	s2 =	sld [smem:$0x3F90];
	s0 =	simm.s32 @p1 $0x1  }
0x15: {  	[smem:$0x3FAD] =	sst s0;
	s0 =	simm.s32 @!p2 $0x0  }
0x16: {  	s3 =	sld [smem:$0x3FDB];
	s0 =	simm.s32 @p2 $0x1  }
0x17: {  	s4 =	simm.s32 $0x1BF5;
	[smem:$0x3FAF] =	sst s0  }
0x18: {  	s0 =	sld [smem:$0x3F92];
	_ =	swait.ge [sflag:s4], $0x0  }
0x19: {  	s7 =	sld [smem:$0x3F93]  }
0x1a: {  	s8 =	sadd.s32 $0xFFFFE003, lr  }
0x1b: {  	s9 =	sadd.s32 $0xFFFFFEF7, lr;
	s5 =	simm.s32 $0xFFFFFFFF;
	p2 =	slt.u32 s8, $0xFFFFF086  }
0x1c: {  	p1 =	slt.u32 s9, $0xF7A;
	s5 =	simm.s32 @!p2 $0x0  }
0x1d: {  	s5 =	simm.s32 @p1 $0x1;
	p0 =	seq.s32 s7, s2  }
0x1e: {  	s7 =	smul.u32 @!p0 $0xF7A, s2;
	p2 =	seq.s32 @!p0 s5, $0x0  }
0x1f: {  	s9 =	smul.u32 $0xF7A, s1;
	s8 =	simm.s32 @!p0 $0x1BF5;
	p2 =	por !p2, p0  }
0x20: {  	[sflag:s8] =	ssyncset.s32 @!p0 $0xFFFFF086;
	s6 =	sadd.s32 @!p0 s3, s7;
	s7 =	simm.s32 @!p0 $0x108  }
0x21: {  	s3 =	sadd.s32 s3, s9;
	s6 =	sadd.s32 @!p0 $0x88, s6;
	s7 =	simm.s32 @p2 $0x1082  }
0x22: {  	[simem:s7], [sflag:s8] =	dma.local @!p0 [hbm:s6], $0xF7A  }
0x23: {  	s9 =	sor.u32 $0xD0000000, s2;
	s6 =	simm.s32 $0x108;
	_ =	swait.ge @!p0 [sflag:s8], $0x0  }
0x24: {  	s3 =	sadd.s32 $0x88, s3;
	s6 =	simm.s32 @!p1 $0x1082;
	[sflag:s4] =	ssyncset.s32 $0xFFFFF086  }
0x25: {  	[simem:s6], [sflag:s4] =	dma.local [hbm:s3], $0xF7A  }
0x26: {  	[smem:$0x3F93] =	sst s1;
	(tag) =	ssettag s2;
	_ =	strace s9  }
0x27: {  	s1 =	sld [smem:$0x3FA3]  }
0x28: {  	s2 =	sld [smem:$0x3FA4]  }
0x29: {  	s4 =	sld [smem:$0x3FA6]  }
0x2a: {  	p0 =	seq.s32 s5, $0x0;
	s5 =	sld [smem:$0x3FA7]  }
0x2b: {  	s6 =	sld [smem:$0x3FA8]  }
0x2c: {  	s7 =	sld [smem:$0x3FA9]  }
0x2d: {  	s3 =	simm.s32 $0x108;
	s8 =	sld [smem:$0x3FAA]  }
0x2e: {  	s3 =	simm.s32 @!p0 $0x1082;
	s9 =	sld [smem:$0x3FAB]  }
0x2f: {  	lr =	sadd.s32 s0, s3;
	s0 =	sld [smem:$0x3FA2]  }
0x30: {  	s3 =	sld [smem:$0x3FA5]  }
0x31: {  	[smem:$0x3FAE] =	sst s10  }
0x32: {  	s10 =	sld [smem:$0x3FAC];
	_ =	sdelay $0x3  }
0x33: {  	p0 =	seq.s32 s10, $0x1;
	s10 =	sld [smem:$0x3FAE];
	_ =	sdelay $0x3  }
0x34: {  	[smem:$0x3FAE] =	sst s10  }
0x35: {  	s10 =	sld [smem:$0x3FAD];
	_ =	sdelay $0x3  }
0x36: {  	p1 =	seq.s32 s10, $0x1;
	s10 =	sld [smem:$0x3FAE];
	_ =	sdelay $0x3  }
0x37: {  	[smem:$0x3FAE] =	sst s10  }
0x38: {  	s10 =	sld [smem:$0x3FAF]  }
0x39: {  	_ = 	snop;
	(pc) =	sbr.ind lr, $3  }
0x3a: {  	_ = 	snop  }
0x3b: {  	_ = 	snop  }
0x3c: {  	p2 =	seq.s32 s10, $0x1;
	s10 =	sld [smem:$0x3FAE]  }
0x3d: {  	_ =	shalt  }
0x3e: {  	_ =	shalt  }
0x3f: {  	_ =	shalt  }
0x40: {  	_ =	shalt  }
0x41: {  	_ =	shalt  }
0x42: {  	_ =	shalt  }
0x43: {  	_ =	shalt  }
0x44: {  	_ =	shalt  }
0x45: {  	_ =	shalt  }
0x46: {  	_ =	shalt  }
0x47: {  	_ =	shalt  }
0x48: {  	_ =	shalt  }
0x49: {  	_ =	shalt  }
0x4a: {  	_ =	shalt  }
0x4b: {  	_ =	shalt  }
0x4c: {  	_ =	shalt  }
0x4d: {  	_ =	shalt  }
0x4e: {  	_ =	shalt  }
0x4f: {  	_ =	shalt  }
0x50: {  	_ =	shalt  }
0x51: {  	_ =	shalt  }
0x52: {  	_ =	shalt  }
0x53: {  	_ =	shalt  }
0x54: {  	_ =	shalt  }
0x55: {  	_ =	shalt  }
0x56: {  	_ =	shalt  }
0x57: {  	_ =	shalt  }
0x58: {  	_ =	shalt  }
0x59: {  	_ =	shalt  }
0x5a: {  	_ =	shalt  }
0x5b: {  	_ =	shalt  }
0x5c: {  	_ =	shalt  }
0x5d: {  	_ =	shalt  }
0x5e: {  	_ =	shalt  }
0x5f: {  	_ =	shalt  }
0x60: {  	_ =	shalt  }
0x61: {  	_ =	shalt  }
0x62: {  	_ =	shalt  }
0x63: {  	_ =	shalt  }
0x64: {  	_ =	shalt  }
0x65: {  	_ =	shalt  }
0x66: {  	_ =	shalt  }
0x67: {  	_ =	shalt  }
0x68: {  	_ =	shalt  }
0x69: {  	_ =	shalt  }
0x6a: {  	_ =	shalt  }
0x6b: {  	_ =	shalt  }
0x6c: {  	_ =	shalt  }
0x6d: {  	_ =	shalt  }
0x6e: {  	_ =	shalt  }
0x6f: {  	_ =	shalt  }
0x70: {  	_ =	shalt  }
0x71: {  	_ =	shalt  }
0x72: {  	_ =	shalt  }
0x73: {  	_ =	shalt  }
0x74: {  	_ =	shalt  }
0x75: {  	_ =	shalt  }
0x76: {  	_ =	shalt  }
0x77: {  	_ =	shalt  }
0x78: {  	_ =	shalt  }
0x79: {  	_ =	shalt  }
0x7a: {  	_ =	shalt  }
0x7b: {  	_ =	shalt  }
0x7c: {  	_ =	shalt  }
0x7d: {  	_ =	shalt  }
0x7e: {  	_ =	shalt  }
0x7f: {  	_ =	shalt  }
0x80: {  	_ =	shalt  }
0x81: {  	_ =	shalt  }
0x82: {  	_ =	shalt  }
0x83: {  	_ =	shalt  }
0x84: {  	_ =	shalt  }
0x85: {  	_ =	shalt  }
0x86: {  	_ =	shalt  }
0x87: {  	_ =	shalt  }
.Lfunc_end0:
.L_simem_size_0:
called_computation.1_lowered:
.L_overlay_start_0:
0x88: {  	s2 =	sld [smem:$0x3FD9]  }
0x89: {  	s3 =	sld [smem:$0x3FFE];
	_ =	sdelay $0x1  }
0x8a: {  	s1 =	srdreg.scid  }
0x8b: {  	s0 =	sand.u32 $0x1, s1  }
0x8c: {  	s14 =	sshll.u32 s0, $0xA;
	s2 =	sadd.s32 s3, s2  }
0x8d: {  	s2 =	sadd.s32 s2, s14  }
0x8e: {  	[smem:$0x3FBA] =	sst s2  }
0x8f: {  	_ = 	snop  }
0x90: {  	s2 =	sld [smem:$0x3FD0];
	_ =	sdelay $0x2  }
0x91: {  	s15 =	simm.s32 $0xA;
	s4 =	simm.s32 $0x10  }
0x92: {  	[smem:s4], [sflag:s15] =	dma.local [hbm:s2], $0x1  }
0x93: {  	_ =	swait.eq [sflag:s15], $0x1  }
0x94: {  	[sflag:s15] =	ssyncset.done $0x0  }
0x95: {  	[sflag:s15] =	ssyncadd.s32 $0xFFFFFFFF  }
0x96: {  	s16 =	sld [smem:$0x11];
	(tm) =	ssettm $0x1  }
0x97: {  	s17 =	sld [smem:$0x3FFB];
	_ =	sdelay $0x3  }
0x98: {  	_ =	strace s17  }
0x99: {  	s3 =	sld [smem:$0x3FFC];
	_ =	sdelay $0x3  }
0x9a: {  	_ =	strace s3  }
0x9b: {  	s3 =	sld [smem:$0x3FFD];
	_ =	sdelay $0x3  }
0x9c: {  	_ =	strace s3  }
0x9d: {  	_ =	strace $0x8FFFFFFF  }
0x9e: {  	s18 =	sld [smem:$0x3FDB];
	_ =	sdelay $0x1  }
0x9f: {  	s19 =	simm.s32 $_scs_section_size  }
0xa0: {  	s5 =	simm.s32 $_size__tile_overlayer_lowered;
	s6 =	simm.s32 $_tile_overlayer_lowered  }
0xa1: {  	s22 =	simm.s32 $0x1BFF;
	s21 =	sshll.u32 s6, $0x1;
	s3 =	sadd.s32 s19, s18  }
0xa2: {  	s7 =	simm.s32 $0x0;
	s20 =	sshll.u32 s5, $0x1;
	s5 =	sadd.s32 s21, s3  }
0xa3: {  	[timem:s7], [sflag:s22] =	dma.local [hbm:s5], s20  }
0xa4: {  	_ =	swait.ge [sflag:s22], s20  }
0xa5: {  	s4 =	ssub.s32 $0x0, s20;
	[sflag:s22] =	ssyncset.done $0x0  }
0xa6: {  	[sflag:s22] =	ssyncadd.s32 s4;
	_ =	sdelay $0x1  }
0xa7: {  	s23 =	simm.s32 $0x1B8B  }
0xa8: {  	_ =	swait.ge [sflag:s23], $0x1  }
0xa9: {  	[sflag:s23] =	ssyncset.done $0x0  }
0xaa: {  	s25 =	simm.s32 $0x1B8E;
	s24 =	sld [smem:$0x3FFE];
	[sflag:s23] =	ssyncadd.s32 $0xFFFFFFFF  }
0xab: {  	s26 =	simm.s32 $execute0_lowered;
	[smem:$0x3FD2] =	sst s25  }
0xac: {  	s5 =	sshll.u32 s26, $0x1;
	_ =	strace $0x80000049;
	[dreg:$0x1] =	wrdreg $0xFFFFFFFF  }
0xad: {  	s28 =	simm.s32 $_size_execute0_lowered;
	s3 =	sadd.s32 s3, s5;
	[dreg:$0x0] =	wrdreg $0x0  }
0xae: {  	s5 =	sshll.u32 s28, $0x1;
	[dreg:$0x2] =	wrdreg s3  }
0xaf: {  	[dreg:$0x3] =	wrdreg s5  }
0xb0: {  	[dreg:$0x4] =	wrdreg $0xC0  }
0xb1: {  	_ =	task [dreg:s7], $0x5FFFF  }
0xb2: {  	[dreg:$0x1] =	wrdreg $0xFFFFFFFF  }
0xb3: {  	[dreg:$0x0] =	wrdreg $0x60  }
0xb4: {  	[dreg:$0x2] =	wrdreg s16  }
0xb5: {  	[dreg:$0x3] =	wrdreg s24  }
0xb6: {  	[dreg:$0x4] =	wrdreg $0xA2C00  }
0xb7: {  	[dreg:$0x5] =	wrdreg $0x9  }
0xb8: {  	_ =	task.clear_ibuf [dreg:s7], $0x6FFFF;
	_ =	strace $0x90000049  }
0xb9: {  	s29 =	simm.s32 $0x9;
	_ =	strace $0x8000004B  }
0xba: {  	_ =	swait.ge [sflag:s29], $0x1  }
0xbb: {  	[sflag:s29] =	ssyncadd.s32 $0xFFFFFFFF  }
0xbc: {  	_ =	strace $0x9000004B  }
0xbd: {  	_ =	sfence  }
0xbe: {  	s30 =	sld [smem:$0x0];
	_ =	sdelay $0x2  }
0xbf: {  	s31 =	sshll.u32 s1, $0xD;
	s1 =	sshrl.u32 s1, $0x2  }
0xc0: {  	s3 =	sand.u32 $0x4000, s31;
	s1 =	sadd.s32 s1, s30  }
0xc1: {  	s0 =	sor.u32 s3, s0;
	s1 =	sshll.u32 s1, $0x11  }
0xc2: {  	s0 =	sor.u32 s1, s0  }
0xc3: {  	s0 =	sadd.s32 $0x8F2B, s0  }
0xc4: {  	[sflag:s0] =	ssyncadd.remote.s32 $0x1  }
0xc5: {  	_ =	sfence.sel $0xFFFF  }
0xc6: {  	[dreg:$0x0] =	wrdreg $0xFFFFFFFF;
	(pc) =	sbr.abs _section_cstart, $3  }
0xc7: {  	[dreg:$0x1] =	wrdreg $0xFFFFFFFF  }
0xc8: {  	_ =	task.clear_ibuf [dreg:s7], $0x2FFFF;
	_ =	strace $0x9FFFFFFF  }
0xc9: {  	(tm) =	ssettm $0x7FFFFFFF  }
tec
execute0_lowered:
.L_overlay_start_1:
0x0: {  	(tag) =	ssettag $0x1  }
0x1: {  	s1 =	rddreg [dreg:$0x0]  }
0x2: {  	s0 =	srdreg.scid;
	s6 =	rddreg [dreg:$0x1]  }
0x3: {  	s9 =	stileid.u32;
	s3 =	rddreg [dreg:$0x2]  }
0x4: {  	s4 =	simm.s32 $0x0;
	s0 =	sand.u32 $0x1, s0;
	s7 =	smul.u32 $0x13880, s9  }
0x5: {  	[smem:$0x7FF] =	sst s4;
	s2 =	sshll.u32 s0, $0x4;
	s5 =	smul.u32 $0x138800, s0  }
0x6: {  	s0 =	ssub.s32 $0x2, s0;
	s2 =	sor.u32 s9, s2;
	s9 =	smul.u32 $0x4E200, s9  }
0x7: {  	s29 =	sshrl.u32 s0, $0x1;
	s2 =	smul.u32 $0x960, s2;
	s8 =	sadd.s32 s7, s5  }
0x8: {  	s5 =	sadd.s32 $0x63800, s6;
	s0 =	ssub.s32 s0, s29;
	s8 =	sshrl.u32 s8, $0x3  }
0x9: {  	s9 =	sshrl.u32 s9, $0x2;
	s0 =	smax.u32 s0, $0x1;
	s2 =	sadd.s32 s2, s6  }
0xa: {  	s8 =	sadd.s32 s8, s6;
	s6 =	sadd.s32 s7, s3;
	s7 =	sadd.s32 s9, s3  }
0xb: {  	_ =	strace $0x8000004A;
	[dreg:$0x1e] =	wrdreg s0;
	s9 =	sadd.s32 $0xC80, s7  }
0xc: {  	s30 =	sadd.s32 $0x1900, s7;
	[dreg:$0x4] =	wrdreg s9  }
0xd: {  	s31 =	sadd.s32 $0x2580, s7;
	[dreg:$0x5] =	wrdreg s30  }
0xe: {  	s10 =	sadd.s32 $0x3200, s7;
	[dreg:$0x6] =	wrdreg s31  }
0xf: {  	s11 =	sadd.s32 $0x3E80, s7;
	[dreg:$0x7] =	wrdreg s10  }
0x10: {  	s12 =	sadd.s32 $0x4B00, s7;
	[dreg:$0x8] =	wrdreg s11  }
0x11: {  	s13 =	sadd.s32 $0x5780, s7;
	[dreg:$0x9] =	wrdreg s12  }
0x12: {  	s14 =	sadd.s32 $0x6400, s7;
	[dreg:$0xa] =	wrdreg s13  }
0x13: {  	s15 =	sadd.s32 $0x7080, s7;
	[dreg:$0xb] =	wrdreg s14  }
0x14: {  	s16 =	sadd.s32 $0x7D00, s7;
	[dreg:$0xc] =	wrdreg s15  }
0x15: {  	s17 =	sadd.s32 $0x8980, s7;
	[dreg:$0xd] =	wrdreg s16  }
0x16: {  	s18 =	sadd.s32 $0x9600, s7;
	[dreg:$0xe] =	wrdreg s17  }
0x17: {  	s19 =	sadd.s32 $0xA280, s7;
	[dreg:$0xf] =	wrdreg s18  }
0x18: {  	s20 =	sadd.s32 $0xAF00, s7;
	[dreg:$0x10] =	wrdreg s19  }
0x19: {  	s21 =	sadd.s32 $0xBB80, s7;
	[dreg:$0x11] =	wrdreg s20  }
0x1a: {  	s22 =	sadd.s32 $0xC800, s7;
	[dreg:$0x12] =	wrdreg s21  }
0x1b: {  	s23 =	sadd.s32 $0xD480, s7;
	[dreg:$0x13] =	wrdreg s22  }
0x1c: {  	s24 =	sadd.s32 $0xE100, s7;
	[dreg:$0x14] =	wrdreg s23  }
0x1d: {  	s25 =	sadd.s32 $0xED80, s7;
	[dreg:$0x15] =	wrdreg s24  }
0x1e: {  	s26 =	sadd.s32 $0xFA00, s7;
	[dreg:$0x16] =	wrdreg s25  }
0x1f: {  	s28 =	sadd.s32 $0x10680, s7;
	[dreg:$0x17] =	wrdreg s26  }
0x20: {  	s29 =	sadd.s32 $0x11300, s7;
	[dreg:$0x18] =	wrdreg s28  }
0x21: {  	s2 =	sadd.s32 $0x2A00, s2;
	[dreg:$0x19] =	wrdreg s29  }
0x22: {  	s30 =	sadd.s32 $0x11F80, s7;
	s7 =	sadd.s32 $0x12C00, s7;
	[dreg:$0x1c] =	wrdreg s2  }
0x23: {  	s31 =	sadd.s32 $0x15600, s8;
	s8 =	simm.s32 $0x89C0;
	s9 =	simm.s32 $0x5  }
0x24: {  	s10 =	simm.s32 $0x7;
	s11 =	simm.s32 $0x19;
	s12 =	simm.s32 $0x4B40  }
0x25: {  	v0 =	vlaneseq.u32;
	s13 =	simm.s32 $0x4B00;
	s14 =	simm.s32 $0x57C0;
	s15 =	simm.s32 $0x5180  }
0x26: {  	v0 =	vshrl.u32 v0, $0x2;
	s16 =	simm.s32 $0x4B20;
	s17 =	simm.s32 $0x70C0;
	s18 =	simm.s32 $0x1  }
0x27: {  	v0 =	vmul.u32 $0x2, v0;
	s19 =	simm.s32 $0x3;
	s20 =	simm.s32 $0x2;
	[dreg:$0x1a] =	wrdreg s30  }
0x28: {  	v1 =	vimm.f32 $0.0e+00;
	s21 =	simm.s32 $0x4;
	s22 =	simm.s32 $0x9640;
	[dreg:$0x1b] =	wrdreg s7  }
0x29: {  	v2 =	vor.u32 $0x8, v0;
	v3 =	vor.u32 $0x1, v0;
	v4 =	vor.u32 $0x9, v0;
	s24 =	simm.s32 $0x0;
	s25 =	simm.s32 $0x0;
	[dreg:$0x1d] =	wrdreg s31  }
.LBB2_1:
0x2a: {  	s0 =	simm.s32 $0x0;
	s2 =	simm.s32 $0x200  }
.LBB2_2:
0x2b: {  	p0 =	sne.s32 s2, $0x3000;
	[tilespmem:s0+$0x8A30] =	vst v1  }
0x2c: {  	[tilespmem:s0+$0x89C0] =	vst v1  }
0x2d: {  	[tilespmem:s0+$0x89D0] =	vst v1  }
.Ltmp0:
0x2e: {  	[tilespmem:s0+$0x89E0] =	vst v1;
	(pc) =	sbr.rel @p0 .LBB2_2-.Ltmp0, $4  }
0x2f: {  	[tilespmem:s0+$0x89F0] =	vst v1  }
0x30: {  	[tilespmem:s0+$0x8A00] =	vst v1  }
0x31: {  	[tilespmem:s0+$0x8A10] =	vst v1  }
0x32: {  	[tilespmem:s0+$0x8A20] =	vst v1;
	s0 =	sshra.s32 s2, $0x2;
	s2 =	sadd.s32 $0x200, s2  }
0x33: {  	[tilespmem:s0+$0x8A30] =	vst v1  }
0x34: {  	[tilespmem:s0+$0x89C0] =	vst v1  }
0x35: {  	[tilespmem:s0+$0x89D0] =	vst v1  }
0x36: {  	[tilespmem:s0+$0x89E0] =	vst v1  }
0x37: {  	[tilespmem:s0+$0x89F0] =	vst v1  }
0x38: {  	[tilespmem:s0+$0x8A00] =	vst v1  }
0x39: {  	[tilespmem:s0+$0x8A10] =	vst v1  }
0x3a: {  	[tilespmem:s0+$0x8A20] =	vst v1  }
0x3b: {  	[spmem:s6] =	stream.linear.scatter [tilespmem:s8], [sflag:$0x5], $0xC80, $0x38;
	[tilespmem:$0x1DB40] =	vst v63  }
0x3c: {  	s30 =	rddreg [dreg:$0x4]  }
0x3d: {  	[spmem:s30] =	stream.linear.scatter [tilespmem:s8], [sflag:$0x5], $0xC80, $0x38;
	[tilespmem:$0x1DB40] =	vst v63  }
0x3e: {  	s31 =	rddreg [dreg:$0x5]  }
0x3f: {  	[spmem:s31] =	stream.linear.scatter [tilespmem:s8], [sflag:$0x5], $0xC80, $0x38;
	[tilespmem:$0x1DB40] =	vst v63  }
0x40: {  	s2 =	rddreg [dreg:$0x6]  }
0x41: {  	[spmem:s2] =	stream.linear.scatter [tilespmem:s8], [sflag:$0x5], $0xC80, $0x38;
	[tilespmem:$0x1DB40] =	vst v63  }
0x42: {  	s7 =	rddreg [dreg:$0x7]  }
0x43: {  	[spmem:s7] =	stream.linear.scatter [tilespmem:s8], [sflag:$0x5], $0xC80, $0x38;
	[tilespmem:$0x1DB40] =	vst v63  }
0x44: {  	s23 =	rddreg [dreg:$0x8]  }
0x45: {  	[spmem:s23] =	stream.linear.scatter [tilespmem:s8], [sflag:$0x5], $0xC80, $0x38;
	[tilespmem:$0x1DB40] =	vst v63  }
0x46: {  	s26 =	rddreg [dreg:$0x9]  }
0x47: {  	[spmem:s26] =	stream.linear.scatter [tilespmem:s8], [sflag:$0x5], $0xC80, $0x38;
	[tilespmem:$0x1DB40] =	vst v63  }
0x48: {  	s28 =	rddreg [dreg:$0xa]  }
0x49: {  	[spmem:s28] =	stream.linear.scatter [tilespmem:s8], [sflag:$0x5], $0xC80, $0x38;
	[tilespmem:$0x1DB40] =	vst v63  }
0x4a: {  	s29 =	rddreg [dreg:$0xb]  }
0x4b: {  	[spmem:s29] =	stream.linear.scatter [tilespmem:s8], [sflag:$0x5], $0xC80, $0x38;
	[tilespmem:$0x1DB40] =	vst v63  }
0x4c: {  	s30 =	rddreg [dreg:$0xc]  }
0x4d: {  	[spmem:s30] =	stream.linear.scatter [tilespmem:s8], [sflag:$0x5], $0xC80, $0x38;
	[tilespmem:$0x1DB40] =	vst v63  }
0x4e: {  	s31 =	rddreg [dreg:$0xd]  }
0x4f: {  	[spmem:s31] =	stream.linear.scatter [tilespmem:s8], [sflag:$0x5], $0xC80, $0x38;
	[tilespmem:$0x1DB40] =	vst v63  }
0x50: {  	s2 =	rddreg [dreg:$0xe]  }
0x51: {  	[spmem:s2] =	stream.linear.scatter [tilespmem:s8], [sflag:$0x5], $0xC80, $0x38;
	[tilespmem:$0x1DB40] =	vst v63  }
0x52: {  	s7 =	rddreg [dreg:$0xf]  }
0x53: {  	[spmem:s7] =	stream.linear.scatter [tilespmem:s8], [sflag:$0x5], $0xC80, $0x38;
	[tilespmem:$0x1DB40] =	vst v63  }
0x54: {  	s23 =	rddreg [dreg:$0x10]  }
0x55: {  	[spmem:s23] =	stream.linear.scatter [tilespmem:s8], [sflag:$0x5], $0xC80, $0x38;
	[tilespmem:$0x1DB40] =	vst v63  }
0x56: {  	s26 =	rddreg [dreg:$0x11]  }
0x57: {  	[spmem:s26] =	stream.linear.scatter [tilespmem:s8], [sflag:$0x5], $0xC80, $0x38;
	[tilespmem:$0x1DB40] =	vst v63  }
0x58: {  	s28 =	rddreg [dreg:$0x12]  }
0x59: {  	[spmem:s28] =	stream.linear.scatter [tilespmem:s8], [sflag:$0x5], $0xC80, $0x38;
	[tilespmem:$0x1DB40] =	vst v63  }
0x5a: {  	s29 =	rddreg [dreg:$0x13]  }
0x5b: {  	[spmem:s29] =	stream.linear.scatter [tilespmem:s8], [sflag:$0x5], $0xC80, $0x38;
	[tilespmem:$0x1DB40] =	vst v63  }
0x5c: {  	s30 =	rddreg [dreg:$0x14]  }
0x5d: {  	[spmem:s30] =	stream.linear.scatter [tilespmem:s8], [sflag:$0x5], $0xC80, $0x38;
	[tilespmem:$0x1DB40] =	vst v63  }
0x5e: {  	s31 =	rddreg [dreg:$0x15]  }
0x5f: {  	[spmem:s31] =	stream.linear.scatter [tilespmem:s8], [sflag:$0x5], $0xC80, $0x38;
	[tilespmem:$0x1DB40] =	vst v63  }
0x60: {  	s2 =	rddreg [dreg:$0x16]  }
0x61: {  	[spmem:s2] =	stream.linear.scatter [tilespmem:s8], [sflag:$0x5], $0xC80, $0x38;
	[tilespmem:$0x1DB40] =	vst v63  }
0x62: {  	s7 =	rddreg [dreg:$0x17]  }
0x63: {  	[spmem:s7] =	stream.linear.scatter [tilespmem:s8], [sflag:$0x5], $0xC80, $0x38;
	[tilespmem:$0x1DB40] =	vst v63  }
0x64: {  	s23 =	rddreg [dreg:$0x18]  }
0x65: {  	[spmem:s23] =	stream.linear.scatter [tilespmem:s8], [sflag:$0x5], $0xC80, $0x38;
	[tilespmem:$0x1DB40] =	vst v63  }
0x66: {  	s26 =	rddreg [dreg:$0x19]  }
0x67: {  	[spmem:s26] =	stream.linear.scatter [tilespmem:s8], [sflag:$0x5], $0xC80, $0x38;
	[tilespmem:$0x1DB40] =	vst v63  }
0x68: {  	s28 =	rddreg [dreg:$0x1a]  }
0x69: {  	[spmem:s28] =	stream.linear.scatter [tilespmem:s8], [sflag:$0x5], $0xC80, $0x38;
	[tilespmem:$0x1DB40] =	vst v63  }
0x6a: {  	s29 =	rddreg [dreg:$0x1b]  }
0x6b: {  	[spmem:s29] =	stream.linear.scatter [tilespmem:s8], [sflag:$0x5], $0xC80, $0x38;
	[tilespmem:$0x1DB40] =	vst v63  }
0x6c: {  	_ =	swait.ge [sflag:s9], $0xC80  }
0x6d: {  	[sflag:s9] =	ssyncset.done $0x0  }
0x6e: {  	[sflag:s9] =	ssyncadd.s32 $0xFFFFF380  }
0x6f: {  	_ =	swait.ge [sflag:s9], $0xC80  }
0x70: {  	[sflag:s9] =	ssyncset.done $0x0  }
0x71: {  	[sflag:s9] =	ssyncadd.s32 $0xFFFFF380  }
0x72: {  	_ =	swait.ge [sflag:s9], $0xC80  }
0x73: {  	[sflag:s9] =	ssyncset.done $0x0  }
0x74: {  	[sflag:s9] =	ssyncadd.s32 $0xFFFFF380  }
0x75: {  	_ =	swait.ge [sflag:s9], $0xC80  }
0x76: {  	[sflag:s9] =	ssyncset.done $0x0  }
0x77: {  	[sflag:s9] =	ssyncadd.s32 $0xFFFFF380  }
0x78: {  	_ =	swait.ge [sflag:s9], $0xC80  }
0x79: {  	[sflag:s9] =	ssyncset.done $0x0  }
0x7a: {  	[sflag:s9] =	ssyncadd.s32 $0xFFFFF380  }
0x7b: {  	_ =	swait.ge [sflag:s9], $0xC80  }
0x7c: {  	[sflag:s9] =	ssyncset.done $0x0  }
0x7d: {  	[sflag:s9] =	ssyncadd.s32 $0xFFFFF380  }
0x7e: {  	_ =	swait.ge [sflag:s9], $0xC80  }
0x7f: {  	[sflag:s9] =	ssyncset.done $0x0  }
0x80: {  	[sflag:s9] =	ssyncadd.s32 $0xFFFFF380  }
0x81: {  	_ =	swait.ge [sflag:s9], $0xC80  }
0x82: {  	[sflag:s9] =	ssyncset.done $0x0  }
0x83: {  	[sflag:s9] =	ssyncadd.s32 $0xFFFFF380  }
0x84: {  	_ =	swait.ge [sflag:s9], $0xC80  }
0x85: {  	[sflag:s9] =	ssyncset.done $0x0  }
0x86: {  	[sflag:s9] =	ssyncadd.s32 $0xFFFFF380  }
0x87: {  	_ =	swait.ge [sflag:s9], $0xC80  }
0x88: {  	[sflag:s9] =	ssyncset.done $0x0  }
0x89: {  	[sflag:s9] =	ssyncadd.s32 $0xFFFFF380  }
0x8a: {  	_ =	swait.ge [sflag:s9], $0xC80  }
0x8b: {  	[sflag:s9] =	ssyncset.done $0x0  }
0x8c: {  	[sflag:s9] =	ssyncadd.s32 $0xFFFFF380  }
0x8d: {  	_ =	swait.ge [sflag:s9], $0xC80  }
0x8e: {  	[sflag:s9] =	ssyncset.done $0x0  }
0x8f: {  	[sflag:s9] =	ssyncadd.s32 $0xFFFFF380  }
0x90: {  	_ =	swait.ge [sflag:s9], $0xC80  }
0x91: {  	[sflag:s9] =	ssyncset.done $0x0  }
0x92: {  	[sflag:s9] =	ssyncadd.s32 $0xFFFFF380  }
0x93: {  	_ =	swait.ge [sflag:s9], $0xC80  }
0x94: {  	[sflag:s9] =	ssyncset.done $0x0  }
0x95: {  	[sflag:s9] =	ssyncadd.s32 $0xFFFFF380  }
0x96: {  	_ =	swait.ge [sflag:s9], $0xC80  }
0x97: {  	[sflag:s9] =	ssyncset.done $0x0  }
0x98: {  	[sflag:s9] =	ssyncadd.s32 $0xFFFFF380  }
0x99: {  	_ =	swait.ge [sflag:s9], $0xC80  }
0x9a: {  	[sflag:s9] =	ssyncset.done $0x0  }
0x9b: {  	[sflag:s9] =	ssyncadd.s32 $0xFFFFF380  }
0x9c: {  	_ =	swait.ge [sflag:s9], $0xC80  }
0x9d: {  	[sflag:s9] =	ssyncset.done $0x0  }
0x9e: {  	[sflag:s9] =	ssyncadd.s32 $0xFFFFF380  }
0x9f: {  	_ =	swait.ge [sflag:s9], $0xC80  }
0xa0: {  	[sflag:s9] =	ssyncset.done $0x0  }
0xa1: {  	[sflag:s9] =	ssyncadd.s32 $0xFFFFF380  }
0xa2: {  	_ =	swait.ge [sflag:s9], $0xC80  }
0xa3: {  	[sflag:s9] =	ssyncset.done $0x0  }
0xa4: {  	[sflag:s9] =	ssyncadd.s32 $0xFFFFF380  }
0xa5: {  	_ =	swait.ge [sflag:s9], $0xC80  }
0xa6: {  	[sflag:s9] =	ssyncset.done $0x0  }
0xa7: {  	[sflag:s9] =	ssyncadd.s32 $0xFFFFF380  }
0xa8: {  	_ =	swait.ge [sflag:s9], $0xC80  }
0xa9: {  	[sflag:s9] =	ssyncset.done $0x0  }
0xaa: {  	[sflag:s9] =	ssyncadd.s32 $0xFFFFF380  }
0xab: {  	_ =	swait.ge [sflag:s9], $0xC80  }
0xac: {  	[sflag:s9] =	ssyncset.done $0x0  }
0xad: {  	[sflag:s9] =	ssyncadd.s32 $0xFFFFF380  }
0xae: {  	_ =	swait.ge [sflag:s9], $0xC80  }
0xaf: {  	[sflag:s9] =	ssyncset.done $0x0  }
0xb0: {  	[sflag:s9] =	ssyncadd.s32 $0xFFFFF380  }
0xb1: {  	_ =	swait.ge [sflag:s9], $0xC80  }
0xb2: {  	[sflag:s9] =	ssyncset.done $0x0  }
0xb3: {  	[sflag:s9] =	ssyncadd.s32 $0xFFFFF380  }
0xb4: {  	_ =	swait.ge [sflag:s9], $0xC80  }
0xb5: {  	[sflag:s9] =	ssyncset.done $0x0  }
0xb6: {  	s30 =	rddreg [dreg:$0x1c];
	[sflag:s9] =	ssyncadd.s32 $0xFFFFF380  }
0xb7: {  	[tilespmem:s25], [sflag:$0x7] =	stream.linear.gather [hbm4b:s30+s25], $0x4B00, $0x38;
	[tilespmem:$0x1DB40] =	vst v63  }
0xb8: {  	_ =	swait.ge [sflag:s10], $0x4B00  }
0xb9: {  	[sflag:s10] =	ssyncset.done $0x0  }
0xba: {  	[sflag:s10] =	ssyncadd.s32 $0xFFFFB500  }
0xbb: {  	[bflag:$0x0] =	sbarrier.arrive $0xFFFF  }
0xbc: {  	v5 =	vld [tilespmem:$0x3200]  }
0xbd: {  	v6 =	vld [tilespmem:$0x3209];
	_ =	sdelay $0x3  }
0xbe: {  	v5 =	vand.u32 $0x7FF, v5  }
0xbf: {  	[tilespmem:$0x4B00] =	vst v5;
	v5 =	vand.u32 $0x7FF, v6  }
0xc0: {  	[tilespmem:$0x4B09] =	vst v5  }
0xc1: {  	[tilespmem:s12], [sflag:$0x1] =	stream.indirect.gather [hbm4b:s1+s11], $0x40, s25, s11, $0xb8;
	[tilespmem:$0x1DB40] =	vst v63  }
0xc2: {  	_ = 	snop  }
0xc3: {  	[tilespmem:s14], [sflag:$0x3] =	stream.indirect.gather [hbm4b:s5+s11], $0x100, s13, s11, $0xb8;
	[tilespmem:$0x1DB40] =	vst v63  }
0xc4: {  	v5 =	vld [tilespmem:$0x3220]  }
0xc5: {  	v6 =	vld [tilespmem:$0x3229];
	_ =	sdelay $0x3  }
0xc6: {  	v5 =	vand.u32 $0x7FF, v5  }
0xc7: {  	[tilespmem:$0x4B20] =	vst v5;
	v5 =	vand.u32 $0x7FF, v6  }
0xc8: {  	s31 =	simm.s32 $0x20;
	[tilespmem:$0x4B29] =	vst v5  }
0xc9: {  	[tilespmem:s15], [sflag:$0x2] =	stream.indirect.gather [hbm4b:s1+s11], $0x40, s31, s11, $0xb8;
	[tilespmem:$0x1DB40] =	vst v63  }
0xca: {  	s26 =	simm.s32 $0x0  }
0xcb: {  	[tilespmem:s17], [sflag:$0x4] =	stream.indirect.gather [hbm4b:s5+s11], $0x100, s16, s11, $0xb8;
	[tilespmem:$0x1DB40] =	vst v63  }
.LBB2_4:
0xcc: {  	_ =	swait.ge [sflag:s18], $0x640  }
0xcd: {  	[sflag:s18] =	ssyncset.done $0x0  }
0xce: {  	[sflag:s18] =	ssyncadd.s32 $0xFFFFF9C0  }
0xcf: {  	_ =	swait.ge [sflag:s19], $0x1900  }
0xd0: {  	p0 =	seq.s32 s26, $0x0;
	[sflag:s19] =	ssyncset.done $0x0  }
0xd1: {  	s0 =	simm.s32 @!p0 $0x5;
	[sflag:s19] =	ssyncadd.s32 $0xFFFFE700  }
0xd2: {  	_ =	swait.ge @!p0 [sflag:s0], $0xC80  }
0xd3: {  	[sflag:s0] =	ssyncset.done @!p0 $0x0  }
0xd4: {  	s30 =	simm.s32 $0x4B60;
	[sflag:s0] =	ssyncadd.s32 @!p0 $0xFFFFF380  }
0xd5: {  	s28 =	sshll.u32 s26, $0x1;
	s31 =	simm.s32 $0x5840;
	v6 =	vld [tilespmem:s30+$0xFFFFFFE0]  }
0xd6: {  	s29 =	sshll.u32 s28, $0x5;
	v7 =	vld [tilespmem:s31+$0xFFFFFF80]  }
0xd7: {  	v8 =	vmov s25;
	s23 =	sadd.s32 $0x3200, s29;
	v9 =	vld [tilespmem:s31+$0xFFFFFFC0]  }
0xd8: {  	v8 =	vand.u32 $0x1F, v8;
	v5 =	vmov s23;
	v10 =	vld [tilespmem:s31+$0x0]  }
0xd9: {  	v8 =	vor.u32 v5, v8  }
0xda: {  	v8 =	vbroadcast v8, $0x0;
	v11 =	vunpack.i.l.bf16.f32 v6  }
0xdb: {  	v6 =	vunpack.i.u.bf16.f32 v6;
	v14 =	vunpack.i.l.bf16.f32 v7;
	v12 =	vperm.xlane v11, v0  }
0xdc: {  	v16 =	vunpack.i.l.bf16.f32 v9;
	v15 =	vperm.xlane v6, v0;
	v18 =	vperm.xlane v11, v4  }
0xdd: {  	v17 =	vld [tilespmem:s31+$0x40];
	v19 =	vunpack.i.l.bf16.f32 v10;
	v56 =	vperm.xlane v6, v2;
	v12 =	vmul.f32 v12, v14  }
0xde: {  	v9 =	vunpack.i.u.bf16.f32 v9;
	v14 =	vperm.xlane v11, v3;
	v11 =	vperm.xlane v11, v2  }
0xdf: {  	v7 =	vunpack.i.u.bf16.f32 v7;
	v13 =	vperm.xlane v6, v3;
	v15 =	vmul.f32 v15, v16  }
0xe0: {  	v10 =	vunpack.i.u.bf16.f32 v10;
	v9 =	vmul.f32 v56, v9;
	v7 =	vmul.f32 v11, v7  }
0xe1: {  	v8 =	vld.idx.msk [tilespmem:v8+s4+$0x0], $0xffff;
	v6 =	vperm.xlane v6, v4;
	v14 =	vmul.f32 v14, v19;
	v11 =	vadd.f32 v15, v12  }
0xe2: {  	v10 =	vmul.f32 v18, v10;
	v12 =	vunpack.i.l.bf16.f32 v17;
	v7 =	vadd.f32 v9, v7  }
0xe3: {  	v12 =	vmul.f32 v13, v12;
	v9 =	vunpack.i.u.bf16.f32 v17;
	v11 =	vadd.f32 v14, v11  }
0xe4: {  	v9 =	vmul.f32 v6, v9;
	v7 =	vadd.f32 v10, v7  }
0xe5: {  	v10 =	vadd.f32 v12, v11  }
0xe6: {  	v6 =	vand.u32 $0xFFFFF800, v8;
	v7 =	vadd.f32 v9, v7  }
0xe7: {  	v8 =	vmul.f32 v6, v10  }
0xe8: {  	s2 =	simm.s32 $0x8A00;
	v7 =	vmul.f32 v6, v7  }
0xe9: {  	[tilespmem:s2+$0xFFFFFFC0] =	vst v8  }
0xea: {  	[tilespmem:s2+$0xFFFFFFD0] =	vst v7  }
0xeb: {  	v7 =	vld [tilespmem:s30+$0xFFFFFFF0];
	_ =	sdelay $0x1  }
0xec: {  	v8 =	vld [tilespmem:s31+$0xFFFFFF90];
	_ =	sdelay $0x1  }
0xed: {  	v9 =	vld [tilespmem:s31+$0xFFFFFFD0]  }
0xee: {  	v10 =	vld [tilespmem:s31+$0x10];
	v11 =	vunpack.i.l.bf16.f32 v7  }
0xef: {  	v7 =	vunpack.i.u.bf16.f32 v7;
	v12 =	vperm.xlane v11, v0;
	v13 =	vperm.xlane v11, v2  }
0xf0: {  	v14 =	vunpack.i.l.bf16.f32 v8;
	v15 =	vperm.xlane v7, v0;
	v57 =	vperm.xlane v7, v2  }
0xf1: {  	v59 =	vld [tilespmem:s31+$0x50];
	v8 =	vunpack.i.u.bf16.f32 v8;
	v58 =	vperm.xlane v11, v3;
	v11 =	vperm.xlane v11, v4  }
0xf2: {  	v12 =	vmul.f32 v12, v14;
	v14 =	vunpack.i.u.bf16.f32 v9;
	v9 =	vunpack.i.l.bf16.f32 v9  }
0xf3: {  	v60 =	vunpack.i.l.bf16.f32 v10;
	v8 =	vmul.f32 v13, v8;
	v9 =	vmul.f32 v15, v9  }
0xf4: {  	v10 =	vunpack.i.u.bf16.f32 v10;
	v13 =	vmul.f32 v58, v60;
	v14 =	vmul.f32 v57, v14  }
0xf5: {  	v10 =	vmul.f32 v11, v10;
	v9 =	vadd.f32 v9, v12;
	v12 =	vperm.xlane v7, v3  }
0xf6: {  	v11 =	vunpack.i.l.bf16.f32 v59;
	v8 =	vadd.f32 v14, v8;
	v7 =	vperm.xlane v7, v4  }
0xf7: {  	v9 =	vadd.f32 v13, v9;
	v13 =	vunpack.i.u.bf16.f32 v59;
	v11 =	vmul.f32 v12, v11  }
0xf8: {  	v8 =	vadd.f32 v10, v8;
	v7 =	vmul.f32 v7, v13  }
0xf9: {  	v9 =	vadd.f32 v11, v9  }
0xfa: {  	v7 =	vadd.f32 v7, v8  }
0xfb: {  	v8 =	vmul.f32 v6, v9  }
0xfc: {  	v7 =	vmul.f32 v6, v7  }
0xfd: {  	[tilespmem:s2+$0xFFFFFFE0] =	vst v8  }
0xfe: {  	[tilespmem:s2+$0xFFFFFFF0] =	vst v7  }
0xff: {  	v7 =	vld [tilespmem:s30+$0x0];
	_ =	sdelay $0x1  }
0x100: {  	v8 =	vld [tilespmem:s31+$0xFFFFFFA0]  }
0x101: {  	v9 =	vld [tilespmem:s31+$0xFFFFFFE0];
	_ =	sdelay $0x1  }
0x102: {  	v10 =	vunpack.i.l.bf16.f32 v7  }
0x103: {  	v11 =	vld [tilespmem:s31+$0x20];
	v7 =	vunpack.i.u.bf16.f32 v7;
	v12 =	vperm.xlane v10, v0;
	v13 =	vperm.xlane v10, v2  }
0x104: {  	v14 =	vunpack.i.l.bf16.f32 v8;
	v15 =	vperm.xlane v7, v0;
	v61 =	vperm.xlane v7, v3  }
0x105: {  	v62 =	vld [tilespmem:s31+$0x60];
	v63 =	vperm.xlane v10, v3;
	v12 =	vmul.f32 v12, v14;
	v14 =	vunpack.i.l.bf16.f32 v9  }
0x106: {  	v8 =	vunpack.i.u.bf16.f32 v8;
	v14 =	vmul.f32 v15, v14;
	v15 =	vperm.xlane v7, v2  }
0x107: {  	v10 =	vperm.xlane v10, v4;
	v9 =	vunpack.i.u.bf16.f32 v9;
	v8 =	vmul.f32 v13, v8  }
0x108: {  	v13 =	vunpack.i.l.bf16.f32 v11;
	v11 =	vunpack.i.u.bf16.f32 v11;
	v9 =	vmul.f32 v15, v9  }
0x109: {  	v13 =	vmul.f32 v63, v13;
	v10 =	vmul.f32 v10, v11;
	v12 =	vadd.f32 v14, v12  }
0x10a: {  	v11 =	vunpack.i.l.bf16.f32 v62;
	v7 =	vperm.xlane v7, v4;
	v8 =	vadd.f32 v9, v8  }
0x10b: {  	v11 =	vmul.f32 v61, v11;
	v9 =	vadd.f32 v13, v12;
	v12 =	vunpack.i.u.bf16.f32 v62  }
0x10c: {  	v7 =	vmul.f32 v7, v12;
	v8 =	vadd.f32 v10, v8  }
0x10d: {  	v9 =	vadd.f32 v11, v9  }
0x10e: {  	v7 =	vadd.f32 v7, v8  }
0x10f: {  	v8 =	vmul.f32 v6, v9  }
0x110: {  	v7 =	vmul.f32 v6, v7  }
0x111: {  	[tilespmem:s2+$0x0] =	vst v8  }
0x112: {  	[tilespmem:s2+$0x10] =	vst v7  }
0x113: {  	v12 =	vld [tilespmem:s30+$0x10]  }
0x114: {  	v11 =	vld [tilespmem:s31+$0xFFFFFFF0]  }
0x115: {  	v10 =	vld [tilespmem:s31+$0xFFFFFFB0];
	_ =	sdelay $0x1  }
0x116: {  	v9 =	vld [tilespmem:s31+$0x30]  }
0x117: {  	s7 =	simm.s32 $0x1;
	s0 =	simm.s32 $0x8A00;
	v7 =	vld [tilespmem:s31+$0x70];
	v8 =	vunpack.i.u.bf16.f32 v12;
	v12 =	vunpack.i.l.bf16.f32 v12  }
.LBB2_5:
0x118: {  	v13 =	vunpack.i.l.bf16.f32 v11;
	v14 =	vperm.xlane v12, v3;
	v15 =	vperm.xlane v8, v3;
	s31 =	sadd.s32 $0x100, s31;
	s30 =	sadd.s32 $0x40, s30;
	s2 =	sadd.s32 $0x80, s2  }
0x119: {  	p1 =	sne.s32 s7, $0x18;
	v17 =	vperm.xlane v8, v0;
	v18 =	vperm.xlane v8, v2;
	s23 =	smov.u32 s7;
	s7 =	sadd.s32 $0x1, s7;
	v16 =	vunpack.i.l.bf16.f32 v10  }
0x11a: {  	v19 =	vperm.xlane v12, v0;
	v11 =	vunpack.i.u.bf16.f32 v11;
	v20 =	vperm.xlane v12, v4  }
0x11b: {  	v12 =	vperm.xlane v12, v2;
	v10 =	vunpack.i.u.bf16.f32 v10;
	v13 =	vmul.f32 v17, v13  }
0x11c: {  	v16 =	vmul.f32 v19, v16;
	v11 =	vmul.f32 v18, v11;
	v17 =	vunpack.i.u.bf16.f32 v9  }
0x11d: {  	v10 =	vmul.f32 v12, v10;
	v9 =	vunpack.i.l.bf16.f32 v9;
	v12 =	vmul.f32 v20, v17  }
0x11e: {  	v8 =	vperm.xlane v8, v4;
	v9 =	vmul.f32 v14, v9;
	v13 =	vadd.f32 v13, v16  }
0x11f: {  	v10 =	vadd.f32 v11, v10;
	v11 =	vunpack.i.l.bf16.f32 v7  }
0x120: {  	v7 =	vunpack.i.u.bf16.f32 v7;
	v11 =	vmul.f32 v15, v11;
	v9 =	vadd.f32 v9, v13  }
0x121: {  	v7 =	vmul.f32 v8, v7;
	v10 =	vadd.f32 v12, v10  }
0x122: {  	v8 =	vadd.f32 v11, v9  }
0x123: {  	v7 =	vadd.f32 v7, v10  }
0x124: {  	v8 =	vmul.f32 v6, v8  }
0x125: {  	v6 =	vmul.f32 v6, v7  }
0x126: {  	[tilespmem:s0+$0x20] =	vst v8  }
0x127: {  	[tilespmem:s0+$0x30] =	vst v6;
	s0 =	smov.u32 s2  }
0x128: {  	v6 =	vmov s23;
	v7 =	vld [tilespmem:s30+$0xFFFFFFE0]  }
0x129: {  	v6 =	vand.u32 $0x1F, v6;
	v8 =	vld [tilespmem:s31+$0xFFFFFFC0]  }
0x12a: {  	v6 =	vor.u32 v5, v6;
	v9 =	vld [tilespmem:s31+$0xFFFFFF80]  }
0x12b: {  	v6 =	vbroadcast v6, $0x0  }
0x12c: {  	v10 =	vld [tilespmem:s31+$0x0]  }
0x12d: {  	v11 =	vunpack.i.u.bf16.f32 v7;
	v7 =	vunpack.i.l.bf16.f32 v7  }
0x12e: {  	v12 =	vperm.xlane v7, v0;
	v13 =	vunpack.i.l.bf16.f32 v8;
	v14 =	vld [tilespmem:s31+$0x40];
	v15 =	vperm.xlane v11, v3  }
0x12f: {  	v17 =	vperm.xlane v11, v0;
	v18 =	vperm.xlane v7, v4;
	v16 =	vunpack.i.l.bf16.f32 v9  }
0x130: {  	v8 =	vunpack.i.u.bf16.f32 v8;
	v12 =	vmul.f32 v12, v16;
	v16 =	vperm.xlane v7, v3  }
0x131: {  	v13 =	vmul.f32 v17, v13;
	v17 =	vperm.xlane v11, v2;
	v6 =	vld.idx.msk [tilespmem:v6+s4+$0x0], $0xffff;
	v19 =	vunpack.i.l.bf16.f32 v10  }
0x132: {  	v9 =	vunpack.i.u.bf16.f32 v9;
	v7 =	vperm.xlane v7, v2;
	v16 =	vmul.f32 v16, v19  }
0x133: {  	v8 =	vmul.f32 v17, v8;
	v12 =	vadd.f32 v13, v12;
	v13 =	vunpack.i.u.bf16.f32 v14  }
0x134: {  	v11 =	vperm.xlane v11, v4;
	v10 =	vunpack.i.u.bf16.f32 v10;
	v14 =	vunpack.i.l.bf16.f32 v14  }
0x135: {  	v7 =	vmul.f32 v7, v9;
	v9 =	vmul.f32 v18, v10;
	v10 =	vadd.f32 v16, v12  }
0x136: {  	v12 =	vmul.f32 v15, v14;
	v11 =	vmul.f32 v11, v13  }
0x137: {  	v7 =	vadd.f32 v8, v7;
	v6 =	vand.u32 $0xFFFFF800, v6  }
0x138: {  	v8 =	vadd.f32 v12, v10  }
0x139: {  	v7 =	vadd.f32 v9, v7  }
0x13a: {  	v8 =	vmul.f32 v6, v8  }
0x13b: {  	v7 =	vadd.f32 v11, v7  }
0x13c: {  	[tilespmem:s2+$0xFFFFFFC0] =	vst v8  }
0x13d: {  	v7 =	vmul.f32 v6, v7;
	_ =	sdelay $0x1  }
0x13e: {  	[tilespmem:s2+$0xFFFFFFD0] =	vst v7  }
0x13f: {  	v7 =	vld [tilespmem:s30+$0xFFFFFFF0]  }
0x140: {  	v8 =	vld [tilespmem:s31+$0x10]  }
0x141: {  	v9 =	vld [tilespmem:s31+$0xFFFFFF90]  }
0x142: {  	v10 =	vld [tilespmem:s31+$0xFFFFFFD0];
	_ =	sdelay $0x1  }
0x143: {  	v11 =	vunpack.i.u.bf16.f32 v7;
	v7 =	vunpack.i.l.bf16.f32 v7  }
0x144: {  	v12 =	vperm.xlane v7, v0;
	v13 =	vperm.xlane v7, v2;
	v14 =	vunpack.i.l.bf16.f32 v8  }
0x145: {  	v16 =	vperm.xlane v11, v0;
	v17 =	vperm.xlane v11, v2;
	v15 =	vunpack.i.l.bf16.f32 v9  }
0x146: {  	v18 =	vperm.xlane v7, v3;
	v12 =	vmul.f32 v12, v15;
	v15 =	vunpack.i.u.bf16.f32 v10;
	v19 =	vld [tilespmem:s31+$0x50]  }
0x147: {  	v9 =	vunpack.i.u.bf16.f32 v9;
	v10 =	vunpack.i.l.bf16.f32 v10;
	v15 =	vmul.f32 v17, v15  }
0x148: {  	v9 =	vmul.f32 v13, v9;
	v10 =	vmul.f32 v16, v10  }
0x149: {  	v8 =	vunpack.i.u.bf16.f32 v8;
	v7 =	vperm.xlane v7, v4;
	v13 =	vmul.f32 v18, v14  }
0x14a: {  	v10 =	vadd.f32 v10, v12;
	v9 =	vadd.f32 v15, v9;
	v12 =	vperm.xlane v11, v3  }
0x14b: {  	v7 =	vmul.f32 v7, v8;
	v11 =	vperm.xlane v11, v4;
	v8 =	vunpack.i.l.bf16.f32 v19  }
0x14c: {  	v10 =	vadd.f32 v13, v10;
	v13 =	vunpack.i.u.bf16.f32 v19;
	v8 =	vmul.f32 v12, v8  }
0x14d: {  	v7 =	vadd.f32 v7, v9;
	v9 =	vmul.f32 v11, v13  }
0x14e: {  	v8 =	vadd.f32 v8, v10  }
0x14f: {  	v7 =	vadd.f32 v9, v7  }
0x150: {  	v8 =	vmul.f32 v6, v8  }
0x151: {  	v7 =	vmul.f32 v6, v7  }
0x152: {  	[tilespmem:s2+$0xFFFFFFE0] =	vst v8  }
0x153: {  	[tilespmem:s2+$0xFFFFFFF0] =	vst v7  }
0x154: {  	v7 =	vld [tilespmem:s30+$0x0]  }
0x155: {  	v8 =	vld [tilespmem:s31+$0xFFFFFFA0]  }
0x156: {  	v9 =	vld [tilespmem:s31+$0xFFFFFFE0];
	_ =	sdelay $0x2  }
0x157: {  	v10 =	vunpack.i.u.bf16.f32 v7;
	v7 =	vunpack.i.l.bf16.f32 v7;
	v11 =	vld [tilespmem:s31+$0x20]  }
0x158: {  	v12 =	vunpack.i.l.bf16.f32 v8;
	v13 =	vperm.xlane v7, v0;
	v14 =	vperm.xlane v7, v2  }
0x159: {  	v8 =	vunpack.i.u.bf16.f32 v8;
	v15 =	vperm.xlane v10, v0;
	v17 =	vperm.xlane v10, v3;
	v16 =	vld [tilespmem:s31+$0x60]  }
0x15a: {  	v18 =	vperm.xlane v7, v3;
	v12 =	vmul.f32 v13, v12;
	v13 =	vunpack.i.l.bf16.f32 v9  }
0x15b: {  	v9 =	vunpack.i.u.bf16.f32 v9;
	v13 =	vmul.f32 v15, v13;
	v15 =	vperm.xlane v10, v2  }
0x15c: {  	v7 =	vperm.xlane v7, v4;
	v8 =	vmul.f32 v14, v8;
	v14 =	vunpack.i.l.bf16.f32 v11  }
0x15d: {  	v11 =	vunpack.i.u.bf16.f32 v11;
	v12 =	vadd.f32 v13, v12;
	v13 =	vmul.f32 v18, v14  }
0x15e: {  	v9 =	vmul.f32 v15, v9;
	v7 =	vmul.f32 v7, v11;
	v11 =	vunpack.i.l.bf16.f32 v16  }
0x15f: {  	v12 =	vadd.f32 v13, v12;
	v13 =	vunpack.i.u.bf16.f32 v16;
	v11 =	vmul.f32 v17, v11  }
0x160: {  	v8 =	vadd.f32 v9, v8;
	v9 =	vperm.xlane v10, v4  }
0x161: {  	v10 =	vadd.f32 v11, v12  }
0x162: {  	v7 =	vadd.f32 v7, v8;
	v8 =	vmul.f32 v9, v13  }
0x163: {  	v9 =	vmul.f32 v6, v10  }
0x164: {  	v7 =	vadd.f32 v8, v7  }
0x165: {  	[tilespmem:s2+$0x0] =	vst v9  }
0x166: {  	v7 =	vmul.f32 v6, v7;
	_ =	sdelay $0x1  }
0x167: {  	[tilespmem:s2+$0x10] =	vst v7  }
0x168: {  	v12 =	vld [tilespmem:s30+$0x10]  }
.Ltmp1:
0x169: {  	v11 =	vld [tilespmem:s31+$0xFFFFFFF0];
	(pc) =	sbr.rel @p1 .LBB2_5-.Ltmp1, $4  }
0x16a: {  	v10 =	vld [tilespmem:s31+$0xFFFFFFB0]  }
0x16b: {  	v9 =	vld [tilespmem:s31+$0x30]  }
0x16c: {  	v7 =	vld [tilespmem:s31+$0x70]  }
0x16d: {  	v8 =	vunpack.i.u.bf16.f32 v12;
	v12 =	vunpack.i.l.bf16.f32 v12  }
0x16e: {  	v5 =	vperm.xlane v12, v3;
	v13 =	vperm.xlane v8, v3  }
0x16f: {  	v14 =	vunpack.i.l.bf16.f32 v11;
	v15 =	vperm.xlane v8, v0;
	v16 =	vperm.xlane v8, v2  }
0x170: {  	v18 =	vperm.xlane v12, v0;
	v19 =	vperm.xlane v12, v4;
	v11 =	vunpack.i.u.bf16.f32 v11  }
0x171: {  	v12 =	vperm.xlane v12, v2;
	v17 =	vunpack.i.l.bf16.f32 v10;
	v14 =	vmul.f32 v15, v14  }
0x172: {  	v10 =	vunpack.i.u.bf16.f32 v10;
	v15 =	vmul.f32 v18, v17;
	v11 =	vmul.f32 v16, v11  }
0x173: {  	v51 =	vunpack.i.u.bf16.f32 v9;
	v10 =	vmul.f32 v12, v10;
	v9 =	vunpack.i.l.bf16.f32 v9  }
0x174: {  	v8 =	vperm.xlane v8, v4;
	v5 =	vmul.f32 v5, v9;
	v14 =	vadd.f32 v14, v15  }
0x175: {  	v12 =	vmul.f32 v19, v51;
	v9 =	vadd.f32 v11, v10;
	v10 =	vunpack.i.l.bf16.f32 v7  }
0x176: {  	v7 =	vunpack.i.u.bf16.f32 v7;
	v10 =	vmul.f32 v13, v10;
	v5 =	vadd.f32 v5, v14  }
0x177: {  	v7 =	vmul.f32 v8, v7;
	v9 =	vadd.f32 v12, v9  }
0x178: {  	v5 =	vadd.f32 v10, v5  }
0x179: {  	v7 =	vadd.f32 v7, v9  }
0x17a: {  	v5 =	vmul.f32 v6, v5  }
0x17b: {  	s2 =	sshll.u32 s26, $0x6;
	v6 =	vmul.f32 v6, v7  }
0x17c: {  	s7 =	smin.u32 s28, $0xC5;
	s30 =	sand.u32 $0x3FFFFFC0, s2;
	[tilespmem:s0+$0x20] =	vst v5  }
0x17d: {  	s2 =	sadd.s32 $0x1900, s30;
	[tilespmem:s0+$0x30] =	vst v6;
	s0 =	sshll.u32 s7, $0x5  }
0x17e: {  	[spmem:s3] =	stream.indirect.scatter.add.f32 [tilespmem:s8], [sflag:$0x5], $0x80, s2, s11, $0xb8;
	[tilespmem:$0x1DB40] =	vst v63  }
0x17f: {  	v5 =	vld [tilespmem:s0+$0x3240];
	_ =	sdelay $0x4  }
0x180: {  	v5 =	vand.u32 $0x7FF, v5  }
0x181: {  	[tilespmem:$0x4B00] =	vst v5  }
0x182: {  	v5 =	vld [tilespmem:s0+$0x3249];
	_ =	sdelay $0x4  }
0x183: {  	v5 =	vand.u32 $0x7FF, v5  }
0x184: {  	s0 =	sadd.s32 $0x40, s0;
	[tilespmem:$0x4B09] =	vst v5  }
0x185: {  	[tilespmem:s12], [sflag:$0x1] =	stream.indirect.gather [hbm4b:s1+s11], $0x40, s0, s11, $0xb8;
	[tilespmem:$0x1DB40] =	vst v63  }
0x186: {  	_ = 	snop  }
0x187: {  	[tilespmem:s14], [sflag:$0x3] =	stream.indirect.gather [hbm4b:s5+s11], $0x100, s13, s11, $0xb8;
	[tilespmem:$0x1DB40] =	vst v63  }
0x188: {  	_ =	swait.ge [sflag:s20], $0x640  }
0x189: {  	[sflag:s20] =	ssyncset.done $0x0  }
0x18a: {  	[sflag:s20] =	ssyncadd.s32 $0xFFFFF9C0  }
0x18b: {  	_ =	swait.ge [sflag:s21], $0x1900  }
0x18c: {  	[sflag:s21] =	ssyncset.done $0x0  }
0x18d: {  	s0 =	simm.s32 @!p0 $0x6;
	[sflag:s21] =	ssyncadd.s32 $0xFFFFE700  }
0x18e: {  	_ =	swait.ge @!p0 [sflag:s0], $0xC80  }
0x18f: {  	[sflag:s0] =	ssyncset.done @!p0 $0x0  }
0x190: {  	s31 =	simm.s32 $0x51A0;
	[sflag:s0] =	ssyncadd.s32 @!p0 $0xFFFFF380  }
0x191: {  	s2 =	simm.s32 $0x7140;
	v6 =	vld [tilespmem:s31+$0xFFFFFFE0]  }
0x192: {  	s23 =	simm.s32 $0x0;
	v7 =	vld [tilespmem:s2+$0xFFFFFF80]  }
0x193: {  	v8 =	vmov s23;
	s7 =	sadd.s32 $0x3220, s29;
	v9 =	vld [tilespmem:s2+$0xFFFFFFC0]  }
0x194: {  	v8 =	vand.u32 $0x1F, v8;
	v5 =	vmov s7;
	v10 =	vld [tilespmem:s2+$0x0]  }
0x195: {  	v8 =	vor.u32 v5, v8  }
0x196: {  	v8 =	vbroadcast v8, $0x0;
	v11 =	vunpack.i.l.bf16.f32 v6  }
0x197: {  	v6 =	vunpack.i.u.bf16.f32 v6;
	v14 =	vunpack.i.l.bf16.f32 v7;
	v12 =	vperm.xlane v11, v0  }
0x198: {  	v52 =	vunpack.i.l.bf16.f32 v9;
	v15 =	vperm.xlane v6, v0;
	v54 =	vperm.xlane v11, v4  }
0x199: {  	v53 =	vld [tilespmem:s2+$0x40];
	v56 =	vunpack.i.l.bf16.f32 v10;
	v55 =	vperm.xlane v6, v2;
	v12 =	vmul.f32 v12, v14  }
0x19a: {  	v9 =	vunpack.i.u.bf16.f32 v9;
	v14 =	vperm.xlane v11, v3;
	v11 =	vperm.xlane v11, v2  }
0x19b: {  	v7 =	vunpack.i.u.bf16.f32 v7;
	v13 =	vperm.xlane v6, v3;
	v15 =	vmul.f32 v15, v52  }
0x19c: {  	v10 =	vunpack.i.u.bf16.f32 v10;
	v9 =	vmul.f32 v55, v9;
	v7 =	vmul.f32 v11, v7  }
0x19d: {  	v8 =	vld.idx.msk [tilespmem:v8+s4+$0x0], $0xffff;
	v6 =	vperm.xlane v6, v4;
	v14 =	vmul.f32 v14, v56;
	v11 =	vadd.f32 v15, v12  }
0x19e: {  	v10 =	vmul.f32 v54, v10;
	v12 =	vunpack.i.l.bf16.f32 v53;
	v7 =	vadd.f32 v9, v7  }
0x19f: {  	v12 =	vmul.f32 v13, v12;
	v9 =	vunpack.i.u.bf16.f32 v53;
	v11 =	vadd.f32 v14, v11  }
0x1a0: {  	v9 =	vmul.f32 v6, v9;
	v7 =	vadd.f32 v10, v7  }
0x1a1: {  	v10 =	vadd.f32 v12, v11  }
0x1a2: {  	v6 =	vand.u32 $0xFFFFF800, v8;
	v7 =	vadd.f32 v9, v7  }
0x1a3: {  	v8 =	vmul.f32 v6, v10  }
0x1a4: {  	s29 =	simm.s32 $0x9680;
	v7 =	vmul.f32 v6, v7  }
0x1a5: {  	[tilespmem:s29+$0xFFFFFFC0] =	vst v8  }
0x1a6: {  	[tilespmem:s29+$0xFFFFFFD0] =	vst v7  }
0x1a7: {  	v7 =	vld [tilespmem:s31+$0xFFFFFFF0];
	_ =	sdelay $0x1  }
0x1a8: {  	v8 =	vld [tilespmem:s2+$0xFFFFFF90];
	_ =	sdelay $0x1  }
0x1a9: {  	v9 =	vld [tilespmem:s2+$0xFFFFFFD0]  }
0x1aa: {  	v10 =	vld [tilespmem:s2+$0x10];
	v11 =	vunpack.i.l.bf16.f32 v7  }
0x1ab: {  	v7 =	vunpack.i.u.bf16.f32 v7;
	v12 =	vperm.xlane v11, v0;
	v13 =	vperm.xlane v11, v2  }
0x1ac: {  	v14 =	vunpack.i.l.bf16.f32 v8;
	v15 =	vperm.xlane v7, v0;
	v57 =	vperm.xlane v7, v2  }
0x1ad: {  	v59 =	vld [tilespmem:s2+$0x50];
	v8 =	vunpack.i.u.bf16.f32 v8;
	v58 =	vperm.xlane v11, v3;
	v11 =	vperm.xlane v11, v4  }
0x1ae: {  	v12 =	vmul.f32 v12, v14;
	v14 =	vunpack.i.u.bf16.f32 v9;
	v9 =	vunpack.i.l.bf16.f32 v9  }
0x1af: {  	v60 =	vunpack.i.l.bf16.f32 v10;
	v8 =	vmul.f32 v13, v8;
	v9 =	vmul.f32 v15, v9  }
0x1b0: {  	v10 =	vunpack.i.u.bf16.f32 v10;
	v13 =	vmul.f32 v58, v60;
	v14 =	vmul.f32 v57, v14  }
0x1b1: {  	v10 =	vmul.f32 v11, v10;
	v9 =	vadd.f32 v9, v12;
	v12 =	vperm.xlane v7, v3  }
0x1b2: {  	v11 =	vunpack.i.l.bf16.f32 v59;
	v8 =	vadd.f32 v14, v8;
	v7 =	vperm.xlane v7, v4  }
0x1b3: {  	v9 =	vadd.f32 v13, v9;
	v13 =	vunpack.i.u.bf16.f32 v59;
	v11 =	vmul.f32 v12, v11  }
0x1b4: {  	v8 =	vadd.f32 v10, v8;
	v7 =	vmul.f32 v7, v13  }
0x1b5: {  	v9 =	vadd.f32 v11, v9  }
0x1b6: {  	v7 =	vadd.f32 v7, v8  }
0x1b7: {  	v8 =	vmul.f32 v6, v9  }
0x1b8: {  	v7 =	vmul.f32 v6, v7  }
0x1b9: {  	[tilespmem:s29+$0xFFFFFFE0] =	vst v8  }
0x1ba: {  	[tilespmem:s29+$0xFFFFFFF0] =	vst v7  }
0x1bb: {  	v7 =	vld [tilespmem:s31+$0x0];
	_ =	sdelay $0x1  }
0x1bc: {  	v8 =	vld [tilespmem:s2+$0xFFFFFFA0]  }
0x1bd: {  	v9 =	vld [tilespmem:s2+$0xFFFFFFE0];
	_ =	sdelay $0x1  }
0x1be: {  	v10 =	vunpack.i.l.bf16.f32 v7  }
0x1bf: {  	v11 =	vld [tilespmem:s2+$0x20];
	v7 =	vunpack.i.u.bf16.f32 v7;
	v12 =	vperm.xlane v10, v0;
	v13 =	vperm.xlane v10, v2  }
0x1c0: {  	v14 =	vunpack.i.l.bf16.f32 v8;
	v15 =	vperm.xlane v7, v0;
	v61 =	vperm.xlane v7, v3  }
0x1c1: {  	v62 =	vld [tilespmem:s2+$0x60];
	v63 =	vperm.xlane v10, v3;
	v12 =	vmul.f32 v12, v14;
	v14 =	vunpack.i.l.bf16.f32 v9  }
0x1c2: {  	v8 =	vunpack.i.u.bf16.f32 v8;
	v14 =	vmul.f32 v15, v14;
	v15 =	vperm.xlane v7, v2  }
0x1c3: {  	v10 =	vperm.xlane v10, v4;
	v9 =	vunpack.i.u.bf16.f32 v9;
	v8 =	vmul.f32 v13, v8  }
0x1c4: {  	v13 =	vunpack.i.l.bf16.f32 v11;
	v11 =	vunpack.i.u.bf16.f32 v11;
	v9 =	vmul.f32 v15, v9  }
0x1c5: {  	v13 =	vmul.f32 v63, v13;
	v10 =	vmul.f32 v10, v11;
	v12 =	vadd.f32 v14, v12  }
0x1c6: {  	v11 =	vunpack.i.l.bf16.f32 v62;
	v7 =	vperm.xlane v7, v4;
	v8 =	vadd.f32 v9, v8  }
0x1c7: {  	v11 =	vmul.f32 v61, v11;
	v9 =	vadd.f32 v13, v12;
	v12 =	vunpack.i.u.bf16.f32 v62  }
0x1c8: {  	v7 =	vmul.f32 v7, v12;
	v8 =	vadd.f32 v10, v8  }
0x1c9: {  	v9 =	vadd.f32 v11, v9  }
0x1ca: {  	v7 =	vadd.f32 v7, v8  }
0x1cb: {  	v8 =	vmul.f32 v6, v9  }
0x1cc: {  	v7 =	vmul.f32 v6, v7  }
0x1cd: {  	[tilespmem:s29+$0x0] =	vst v8  }
0x1ce: {  	[tilespmem:s29+$0x10] =	vst v7  }
0x1cf: {  	v12 =	vld [tilespmem:s31+$0x10]  }
0x1d0: {  	v11 =	vld [tilespmem:s2+$0xFFFFFFF0]  }
0x1d1: {  	v10 =	vld [tilespmem:s2+$0xFFFFFFB0];
	_ =	sdelay $0x1  }
0x1d2: {  	v9 =	vld [tilespmem:s2+$0x30]  }
0x1d3: {  	s7 =	simm.s32 $0x1;
	s0 =	simm.s32 $0x9680;
	v7 =	vld [tilespmem:s2+$0x70];
	v8 =	vunpack.i.u.bf16.f32 v12;
	v12 =	vunpack.i.l.bf16.f32 v12  }
.LBB2_7:
0x1d4: {  	v13 =	vunpack.i.l.bf16.f32 v11;
	v14 =	vperm.xlane v12, v3;
	v15 =	vperm.xlane v8, v3;
	s2 =	sadd.s32 $0x100, s2;
	s31 =	sadd.s32 $0x40, s31;
	s29 =	sadd.s32 $0x80, s29  }
0x1d5: {  	p0 =	sne.s32 s7, $0x18;
	v17 =	vperm.xlane v8, v0;
	v18 =	vperm.xlane v8, v2;
	s23 =	smov.u32 s7;
	s7 =	sadd.s32 $0x1, s7;
	v16 =	vunpack.i.l.bf16.f32 v10  }
0x1d6: {  	v19 =	vperm.xlane v12, v0;
	v11 =	vunpack.i.u.bf16.f32 v11;
	v20 =	vperm.xlane v12, v4  }
0x1d7: {  	v12 =	vperm.xlane v12, v2;
	v10 =	vunpack.i.u.bf16.f32 v10;
	v13 =	vmul.f32 v17, v13  }
0x1d8: {  	v16 =	vmul.f32 v19, v16;
	v11 =	vmul.f32 v18, v11;
	v17 =	vunpack.i.u.bf16.f32 v9  }
0x1d9: {  	v10 =	vmul.f32 v12, v10;
	v9 =	vunpack.i.l.bf16.f32 v9;
	v12 =	vmul.f32 v20, v17  }
0x1da: {  	v8 =	vperm.xlane v8, v4;
	v9 =	vmul.f32 v14, v9;
	v13 =	vadd.f32 v13, v16  }
0x1db: {  	v10 =	vadd.f32 v11, v10;
	v11 =	vunpack.i.l.bf16.f32 v7  }
0x1dc: {  	v7 =	vunpack.i.u.bf16.f32 v7;
	v11 =	vmul.f32 v15, v11;
	v9 =	vadd.f32 v9, v13  }
0x1dd: {  	v7 =	vmul.f32 v8, v7;
	v10 =	vadd.f32 v12, v10  }
0x1de: {  	v8 =	vadd.f32 v11, v9  }
0x1df: {  	v7 =	vadd.f32 v7, v10  }
0x1e0: {  	v8 =	vmul.f32 v6, v8  }
0x1e1: {  	v6 =	vmul.f32 v6, v7  }
0x1e2: {  	[tilespmem:s0+$0x20] =	vst v8  }
0x1e3: {  	[tilespmem:s0+$0x30] =	vst v6;
	s0 =	smov.u32 s29  }
0x1e4: {  	v6 =	vmov s23;
	v7 =	vld [tilespmem:s31+$0xFFFFFFE0]  }
0x1e5: {  	v6 =	vand.u32 $0x1F, v6;
	v8 =	vld [tilespmem:s2+$0xFFFFFFC0]  }
0x1e6: {  	v6 =	vor.u32 v5, v6;
	v9 =	vld [tilespmem:s2+$0xFFFFFF80]  }
0x1e7: {  	v6 =	vbroadcast v6, $0x0  }
0x1e8: {  	v10 =	vld [tilespmem:s2+$0x0]  }
0x1e9: {  	v11 =	vunpack.i.u.bf16.f32 v7;
	v7 =	vunpack.i.l.bf16.f32 v7  }
0x1ea: {  	v12 =	vperm.xlane v7, v0;
	v13 =	vunpack.i.l.bf16.f32 v8;
	v14 =	vld [tilespmem:s2+$0x40];
	v15 =	vperm.xlane v11, v3  }
0x1eb: {  	v17 =	vperm.xlane v11, v0;
	v18 =	vperm.xlane v7, v4;
	v16 =	vunpack.i.l.bf16.f32 v9  }
0x1ec: {  	v8 =	vunpack.i.u.bf16.f32 v8;
	v12 =	vmul.f32 v12, v16;
	v16 =	vperm.xlane v7, v3  }
0x1ed: {  	v13 =	vmul.f32 v17, v13;
	v17 =	vperm.xlane v11, v2;
	v6 =	vld.idx.msk [tilespmem:v6+s4+$0x0], $0xffff;
	v19 =	vunpack.i.l.bf16.f32 v10  }
0x1ee: {  	v9 =	vunpack.i.u.bf16.f32 v9;
	v7 =	vperm.xlane v7, v2;
	v16 =	vmul.f32 v16, v19  }
0x1ef: {  	v8 =	vmul.f32 v17, v8;
	v12 =	vadd.f32 v13, v12;
	v13 =	vunpack.i.u.bf16.f32 v14  }
0x1f0: {  	v11 =	vperm.xlane v11, v4;
	v10 =	vunpack.i.u.bf16.f32 v10;
	v14 =	vunpack.i.l.bf16.f32 v14  }
0x1f1: {  	v7 =	vmul.f32 v7, v9;
	v9 =	vmul.f32 v18, v10;
	v10 =	vadd.f32 v16, v12  }
0x1f2: {  	v12 =	vmul.f32 v15, v14;
	v11 =	vmul.f32 v11, v13  }
0x1f3: {  	v7 =	vadd.f32 v8, v7;
	v6 =	vand.u32 $0xFFFFF800, v6  }
0x1f4: {  	v8 =	vadd.f32 v12, v10  }
0x1f5: {  	v7 =	vadd.f32 v9, v7  }
0x1f6: {  	v8 =	vmul.f32 v6, v8  }
0x1f7: {  	v7 =	vadd.f32 v11, v7  }
0x1f8: {  	[tilespmem:s29+$0xFFFFFFC0] =	vst v8  }
0x1f9: {  	v7 =	vmul.f32 v6, v7;
	_ =	sdelay $0x1  }
0x1fa: {  	[tilespmem:s29+$0xFFFFFFD0] =	vst v7  }
0x1fb: {  	v7 =	vld [tilespmem:s31+$0xFFFFFFF0]  }
0x1fc: {  	v8 =	vld [tilespmem:s2+$0x10]  }
0x1fd: {  	v9 =	vld [tilespmem:s2+$0xFFFFFF90]  }
0x1fe: {  	v10 =	vld [tilespmem:s2+$0xFFFFFFD0];
	_ =	sdelay $0x1  }
0x1ff: {  	v11 =	vunpack.i.u.bf16.f32 v7;
	v7 =	vunpack.i.l.bf16.f32 v7  }
0x200: {  	v12 =	vperm.xlane v7, v0;
	v13 =	vperm.xlane v7, v2;
	v14 =	vunpack.i.l.bf16.f32 v8  }
0x201: {  	v16 =	vperm.xlane v11, v0;
	v17 =	vperm.xlane v11, v2;
	v15 =	vunpack.i.l.bf16.f32 v9  }
0x202: {  	v18 =	vperm.xlane v7, v3;
	v12 =	vmul.f32 v12, v15;
	v15 =	vunpack.i.u.bf16.f32 v10;
	v19 =	vld [tilespmem:s2+$0x50]  }
0x203: {  	v9 =	vunpack.i.u.bf16.f32 v9;
	v10 =	vunpack.i.l.bf16.f32 v10;
	v15 =	vmul.f32 v17, v15  }
0x204: {  	v9 =	vmul.f32 v13, v9;
	v10 =	vmul.f32 v16, v10  }
0x205: {  	v8 =	vunpack.i.u.bf16.f32 v8;
	v7 =	vperm.xlane v7, v4;
	v13 =	vmul.f32 v18, v14  }
0x206: {  	v10 =	vadd.f32 v10, v12;
	v9 =	vadd.f32 v15, v9;
	v12 =	vperm.xlane v11, v3  }
0x207: {  	v7 =	vmul.f32 v7, v8;
	v11 =	vperm.xlane v11, v4;
	v8 =	vunpack.i.l.bf16.f32 v19  }
0x208: {  	v10 =	vadd.f32 v13, v10;
	v13 =	vunpack.i.u.bf16.f32 v19;
	v8 =	vmul.f32 v12, v8  }
0x209: {  	v7 =	vadd.f32 v7, v9;
	v9 =	vmul.f32 v11, v13  }
0x20a: {  	v8 =	vadd.f32 v8, v10  }
0x20b: {  	v7 =	vadd.f32 v9, v7  }
0x20c: {  	v8 =	vmul.f32 v6, v8  }
0x20d: {  	v7 =	vmul.f32 v6, v7  }
0x20e: {  	[tilespmem:s29+$0xFFFFFFE0] =	vst v8  }
0x20f: {  	[tilespmem:s29+$0xFFFFFFF0] =	vst v7  }
0x210: {  	v7 =	vld [tilespmem:s31+$0x0]  }
0x211: {  	v8 =	vld [tilespmem:s2+$0xFFFFFFA0]  }
0x212: {  	v9 =	vld [tilespmem:s2+$0xFFFFFFE0];
	_ =	sdelay $0x2  }
0x213: {  	v10 =	vunpack.i.u.bf16.f32 v7;
	v7 =	vunpack.i.l.bf16.f32 v7;
	v11 =	vld [tilespmem:s2+$0x20]  }
0x214: {  	v12 =	vunpack.i.l.bf16.f32 v8;
	v13 =	vperm.xlane v7, v0;
	v14 =	vperm.xlane v7, v2  }
0x215: {  	v8 =	vunpack.i.u.bf16.f32 v8;
	v15 =	vperm.xlane v10, v0;
	v17 =	vperm.xlane v10, v3;
	v16 =	vld [tilespmem:s2+$0x60]  }
0x216: {  	v18 =	vperm.xlane v7, v3;
	v12 =	vmul.f32 v13, v12;
	v13 =	vunpack.i.l.bf16.f32 v9  }
0x217: {  	v9 =	vunpack.i.u.bf16.f32 v9;
	v13 =	vmul.f32 v15, v13;
	v15 =	vperm.xlane v10, v2  }
0x218: {  	v7 =	vperm.xlane v7, v4;
	v8 =	vmul.f32 v14, v8;
	v14 =	vunpack.i.l.bf16.f32 v11  }
0x219: {  	v11 =	vunpack.i.u.bf16.f32 v11;
	v12 =	vadd.f32 v13, v12;
	v13 =	vmul.f32 v18, v14  }
0x21a: {  	v9 =	vmul.f32 v15, v9;
	v7 =	vmul.f32 v7, v11;
	v11 =	vunpack.i.l.bf16.f32 v16  }
0x21b: {  	v12 =	vadd.f32 v13, v12;
	v13 =	vunpack.i.u.bf16.f32 v16;
	v11 =	vmul.f32 v17, v11  }
0x21c: {  	v8 =	vadd.f32 v9, v8;
	v9 =	vperm.xlane v10, v4  }
0x21d: {  	v10 =	vadd.f32 v11, v12  }
0x21e: {  	v7 =	vadd.f32 v7, v8;
	v8 =	vmul.f32 v9, v13  }
0x21f: {  	v9 =	vmul.f32 v6, v10  }
0x220: {  	v7 =	vadd.f32 v8, v7  }
0x221: {  	[tilespmem:s29+$0x0] =	vst v9  }
0x222: {  	v7 =	vmul.f32 v6, v7;
	_ =	sdelay $0x1  }
0x223: {  	[tilespmem:s29+$0x10] =	vst v7  }
0x224: {  	v12 =	vld [tilespmem:s31+$0x10]  }
.Ltmp2:
0x225: {  	v11 =	vld [tilespmem:s2+$0xFFFFFFF0];
	(pc) =	sbr.rel @p0 .LBB2_7-.Ltmp2, $4  }
0x226: {  	v10 =	vld [tilespmem:s2+$0xFFFFFFB0]  }
0x227: {  	v9 =	vld [tilespmem:s2+$0x30]  }
0x228: {  	v7 =	vld [tilespmem:s2+$0x70]  }
0x229: {  	v8 =	vunpack.i.u.bf16.f32 v12;
	v12 =	vunpack.i.l.bf16.f32 v12  }
0x22a: {  	v5 =	vperm.xlane v12, v3;
	v13 =	vperm.xlane v8, v3  }
0x22b: {  	v14 =	vunpack.i.l.bf16.f32 v11;
	v15 =	vperm.xlane v8, v0;
	v16 =	vperm.xlane v8, v2  }
0x22c: {  	v18 =	vperm.xlane v12, v0;
	v19 =	vperm.xlane v12, v4;
	v54 =	vunpack.i.u.bf16.f32 v11  }
0x22d: {  	v55 =	vperm.xlane v12, v2;
	v61 =	vperm.xlane v8, v4;
	v17 =	vunpack.i.l.bf16.f32 v10  }
0x22e: {  	v56 =	vunpack.i.u.bf16.f32 v10;
	v14 =	vmul.f32 v15, v14;
	v57 =	vmul.f32 v18, v17  }
0x22f: {  	v11 =	vmul.f32 v16, v54;
	v10 =	vmul.f32 v55, v56;
	v59 =	vunpack.i.l.bf16.f32 v9  }
0x230: {  	v58 =	vunpack.i.u.bf16.f32 v9;
	v5 =	vmul.f32 v5, v59;
	v14 =	vadd.f32 v14, v57  }
0x231: {  	v60 =	vmul.f32 v19, v58;
	v63 =	vunpack.i.l.bf16.f32 v7;
	v62 =	vadd.f32 v11, v10  }
0x232: {  	v7 =	vunpack.i.u.bf16.f32 v7;
	v10 =	vmul.f32 v13, v63;
	v5 =	vadd.f32 v5, v14  }
0x233: {  	v7 =	vmul.f32 v61, v7;
	v9 =	vadd.f32 v60, v62  }
0x234: {  	v5 =	vadd.f32 v10, v5  }
0x235: {  	v7 =	vadd.f32 v7, v9  }
0x236: {  	v5 =	vmul.f32 v6, v5  }
0x237: {  	v6 =	vmul.f32 v6, v7  }
0x238: {  	s31 =	smin.u32 s28, $0xC4;
	[tilespmem:s0+$0x20] =	vst v5  }
0x239: {  	s30 =	sadd.s32 $0x1920, s30;
	[tilespmem:s0+$0x30] =	vst v6;
	s0 =	sshll.u32 s31, $0x5  }
0x23a: {  	[spmem:s3] =	stream.indirect.scatter.add.f32 [tilespmem:s22], [sflag:$0x6], $0x80, s30, s11, $0xb8;
	[tilespmem:$0x1DB40] =	vst v63  }
0x23b: {  	v5 =	vld [tilespmem:s0+$0x3260];
	_ =	sdelay $0x4  }
0x23c: {  	v5 =	vand.u32 $0x7FF, v5  }
0x23d: {  	[tilespmem:$0x4B20] =	vst v5  }
0x23e: {  	v5 =	vld [tilespmem:s0+$0x3269];
	_ =	sdelay $0x2  }
0x23f: {  	s26 =	sadd.s32 $0x1, s26  }
0x240: {  	p0 =	sne.s32 s26, $0x64  }
.Ltmp3:
0x241: {  	v5 =	vand.u32 $0x7FF, v5;
	(pc) =	sbr.rel @p0 .LBB2_4-.Ltmp3, $4  }
0x242: {  	s0 =	sadd.s32 $0x60, s0;
	[tilespmem:$0x4B29] =	vst v5  }
0x243: {  	[tilespmem:s15], [sflag:$0x2] =	stream.indirect.gather [hbm4b:s1+s11], $0x40, s0, s11, $0xb8;
	[tilespmem:$0x1DB40] =	vst v63  }
0x244: {  	_ = 	snop  }
0x245: {  	[tilespmem:s17], [sflag:$0x4] =	stream.indirect.gather [hbm4b:s5+s11], $0x100, s16, s11, $0xb8;
	[tilespmem:$0x1DB40] =	vst v63  }
0x246: {  	_ =	swait.ge [sflag:s18], $0x640  }
0x247: {  	[sflag:s18] =	ssyncset.done $0x0  }
0x248: {  	[sflag:s18] =	ssyncadd.s32 $0xFFFFF9C0  }
0x249: {  	_ =	swait.ge [sflag:s19], $0x1900  }
0x24a: {  	[sflag:s19] =	ssyncset.done $0x0  }
0x24b: {  	[sflag:s19] =	ssyncadd.s32 $0xFFFFE700  }
0x24c: {  	_ =	swait.ge [sflag:s9], $0xC80  }
0x24d: {  	[sflag:s9] =	ssyncset.done $0x0  }
0x24e: {  	[sflag:s9] =	ssyncadd.s32 $0xFFFFF380  }
0x24f: {  	_ =	swait.ge [sflag:s20], $0x640  }
0x250: {  	[sflag:s20] =	ssyncset.done $0x0  }
0x251: {  	[sflag:s20] =	ssyncadd.s32 $0xFFFFF9C0  }
0x252: {  	_ =	swait.ge [sflag:s21], $0x1900  }
0x253: {  	[sflag:s21] =	ssyncset.done $0x0  }
0x254: {  	s0 =	simm.s32 $0x6;
	[sflag:s21] =	ssyncadd.s32 $0xFFFFE700  }
0x255: {  	_ =	swait.ge [sflag:s0], $0xC80  }
0x256: {  	[sflag:s0] =	ssyncset.done $0x0  }
0x257: {  	s30 =	stileid.u32;
	[sflag:s0] =	ssyncadd.s32 $0xFFFFF380  }
0x258: {  	s0 =	sshll.u32 s30, $0x6;
	[bflag:$0x0] =	sbarrier.arrive $0xFFFF  }
0x259: {  	s2 =	sshrl.u32 s6, $0x3;
	s0 =	sor.u32 $0x1C07, s0;
	s7 =	rddreg [dreg:$0x1d]  }
0x25a: {  	[hbm:s7], [sflag:s0] =	dma.local [spmem:s2], $0x2710  }
0x25b: {  	_ =	swait.ge [sflag:s10], $0x2710  }
0x25c: {  	s24 =	sadd.s32 $0x1, s24;
	s31 =	rddreg [dreg:$0x1e]  }
0x25d: {  	p0 =	sne.s32 s24, s31  }
.Ltmp4:
0x25e: {  	_ = 	snop;
	(pc) =	sbr.rel @p0 .LBB2_1-.Ltmp4, $3  }
0x25f: {  	_ =	sdelay $0x1  }
0x260: {  	[sflag:s10] =	ssyncset.done $0x0  }
0x261: {  	[sflag:s10] =	ssyncadd.s32 $0xFFFFD8F0  }
0x262: {  	_ =	sfence.sel $0x180000  }
0x263: {  	[bflag:$0x0] =	sbarrier.arrive $0xFFFF  }
0x264: {  	_ =	strace $0x9000004A  }
0x265: {  	s0 =	stileid.u32;
	[bflag:$0x2] =	sbarrier.arrive $0xFFFF  }
0x266: {  	p0 =	sne.s32 s0, $0x0;
	s0 =	rddreg [dreg:$0x3]  }
0x267: {  	s0 =	sadd.s32 @!p0 $0x100000, s0  }
0x268: {  	[sflag:s0] =	ssyncadd.tile.s32 @!p0 $0x1;
	_ =	shalt  }
.Lfunc_end2:
_tile_overlayer_lowered:
.L_overlay_start_2:
0x269: {  	(tag) =	ssettag $0x2  }
0x26a: {  	s0 =	rddreg [dreg:$0x0];
	s2 =	stileid.u32  }
0x26b: {  	s1 =	rddreg [dreg:$0x1];
	p0 =	sne.s32 s2, $0x0  }
0x26c: {  	s3 =	rddreg [dreg:$0x2];
	[bflag:$0x3] =	sbarrier.arrive $0xFFFF;
	s2 =	simm.s32 @!p0 $0x1C07  }
0x26d: {  	[timem:s3], [sflag:s2] =	dma.local @!p0 [hbm:s0], s1  }
0x26e: {  	s0 =	simm.s32 @!p0 $0x7  }
0x26f: {  	_ =	swait.ge @!p0 [sflag:s0], s1  }
0x270: {  	s1 =	ssub.s32 @!p0 $0x0, s1;
	[sflag:s0] =	ssyncset.done @!p0 $0x0  }
0x271: {  	[sflag:s0] =	ssyncadd.s32 @!p0 s1  }
0x272: {  	[bflag:$0x3] =	sbarrier.arrive $0xFFFF  }
0x273: {  	_ =	shalt  }

</sc_bundles>
